<compile_context>
chip_gen: v7x
topology: tpu7x:2x2x1
jax: 0.10.2.dev20260603
libtpu: 0.0.44.dev20260713+nightly
codegen_flags: <defaults>
</compile_context>

<pallas_src>
import jax
import jax.numpy as jnp
from jax import lax
from jax.experimental import pallas as pl
from jax.experimental.pallas import tpu as pltpu
from jax.experimental.pallas import tpu_sc as plsc

VOCAB = 100000
EMB = 128
OUT = 2
HID = (EMB + OUT) // 2
SEQ = 200
BATCH = 4096

NC = 2
NS = 16
L = 16
NW = NC * NS
ROWS_PER_W = BATCH // NW
WORDS_PER_W = ROWS_PER_W * SEQ
FULL_CHUNKS = SEQ // L
TAIL = SEQ - FULL_CHUNKS * L
CHUNK_ROWS = 32
NCHUNKS = ROWS_PER_W // CHUNK_ROWS
CHUNK_WORDS = CHUNK_ROWS * SEQ

PROJ_CHUNK = 128
PROJ_CHUNKS_PER_TILE = 26
EMB_WORDS = PROJ_CHUNK * EMB
KV = EMB // L


def _wc_body(w1_ref, w2_ref, wc_ref):
    wc_ref[...] = lax.dot_general(w2_ref[...], w1_ref[...],
                                  (((1,), (0,)), ((), ())),
                                  preferred_element_type=jnp.float32)


def _round_bf16(u):
    return lax.shift_right_logical(
        u + jnp.uint32(0x7FFF)
        + (lax.shift_right_logical(u, jnp.uint32(16)) & jnp.uint32(1)),
        jnp.uint32(16))


def _proj_body(emb_hbm, wc_hbm, p_hbm, ebuf0, ebuf1, pbuf, wcv, sem0, sem1):
    c = lax.axis_index("c")
    s = lax.axis_index("s")
    wid = s * NC + c
    lanes = lax.iota(jnp.int32, L)
    last_mask = lanes == (L - 1)
    pltpu.sync_copy(wc_hbm, wcv)
    w0 = [wcv[pl.ds(k * L, L)] for k in range(KV)]
    w1 = [wcv[pl.ds(EMB + k * L, L)] for k in range(KV)]

    def chunk_start(ci):
        return jnp.minimum((wid + ci * NW) * PROJ_CHUNK, VOCAB - PROJ_CHUNK)

    def copy_op(ci, ebuf, sem):
        st = chunk_start(ci)
        return pltpu.make_async_copy(
            emb_hbm.at[pl.ds(st * EMB, EMB_WORDS)], ebuf, sem)

    def do_chunk(ci, ebuf, sem):
        st = chunk_start(ci)
        copy_op(ci, ebuf, sem).wait()

        @plsc.parallel_loop(0, PROJ_CHUNK, unroll=4)
        def row(r):
            roff = r * EMB
            acc0 = jnp.zeros((L,), jnp.float32)
            acc1 = jnp.zeros((L,), jnp.float32)
            for k in range(KV):
                e = ebuf[pl.ds(roff + k * L, L)]
                acc0 = acc0 + e * w0[k]
                acc1 = acc1 + e * w1[k]
            u0 = plsc.bitcast(plsc.cumsum(acc0), jnp.uint32)
            u1 = plsc.bitcast(plsc.cumsum(acc1), jnp.uint32)
            packed = plsc.bitcast(
                _round_bf16(u0)
                | lax.shift_left(_round_bf16(u1), jnp.uint32(16)), jnp.int32)
            plsc.store_scatter(pbuf, [jnp.full((L,), r, jnp.int32)],
                               packed, mask=last_mask)

        pltpu.sync_copy(pbuf, p_hbm.at[pl.ds(st, PROJ_CHUNK)])

    copy_op(0, ebuf0, sem0).start()

    @pl.loop(0, PROJ_CHUNKS_PER_TILE, step=2)
    def pair(ci):
        copy_op(ci + 1, ebuf1, sem1).start()
        do_chunk(ci, ebuf0, sem0)
        copy_op(ci + 2, ebuf0, sem0).start()
        do_chunk(ci + 1, ebuf1, sem1)

    copy_op(PROJ_CHUNKS_PER_TILE, ebuf0, sem0).wait()


def _unpack_pair(word):
    v0 = plsc.bitcast(lax.shift_left(word, 16), jnp.float32)
    v1 = plsc.bitcast(jnp.bitwise_and(word, jnp.int32(-65536)), jnp.float32)
    return v0, v1


def _pool_body(text_hbm, p_hbm, bias_hbm, out_hbm, text_v, pvals, rowacc0,
               rowacc1, out_v, bias_v):
    c = lax.axis_index("c")
    s = lax.axis_index("s")
    wid = s * NC + c
    wbase = wid * WORDS_PER_W
    tail_mask = lax.iota(jnp.int32, L) < TAIL
    lanes = lax.iota(jnp.int32, L)
    pltpu.sync_copy(bias_hbm, bias_v)
    pltpu.sync_copy(p_hbm, pvals)

    for cb in range(NCHUNKS):
        pltpu.sync_copy(
            text_hbm.at[pl.ds(wbase + cb * CHUNK_WORDS, CHUNK_WORDS)],
            text_v.at[pl.ds(0, CHUNK_WORDS)])
        text_v[pl.ds(CHUNK_WORDS, L)] = jnp.zeros((L,), jnp.int32)

        @plsc.parallel_loop(0, CHUNK_ROWS, unroll=4)
        def row_body(r):
            rbase = r * SEQ
            acc0 = jnp.zeros((L,), jnp.float32)
            acc1 = jnp.zeros((L,), jnp.float32)
            for ck in range(FULL_CHUNKS):
                idx = text_v[pl.ds(rbase + ck * L, L)]
                v0, v1 = _unpack_pair(plsc.load_gather(pvals, [idx]))
                acc0 = acc0 + v0
                acc1 = acc1 + v1
            tidx = text_v[pl.ds(rbase + FULL_CHUNKS * L, L)]
            tv0, tv1 = _unpack_pair(plsc.load_gather(pvals, [tidx]))
            acc0 = acc0 + jnp.where(tail_mask, tv0, 0.0)
            acc1 = acc1 + jnp.where(tail_mask, tv1, 0.0)
            rowacc0[pl.ds(r * L, L)] = acc0
            rowacc1[pl.ds(r * L, L)] = acc1

        @plsc.parallel_loop(0, CHUNK_ROWS // L, unroll=2)
        def grp_body(g, cb=cb):
            base = g * L * L
            tot0 = jnp.zeros((L,), jnp.float32)
            tot1 = jnp.zeros((L,), jnp.float32)
            for l in range(L):
                tot0 = tot0 + plsc.load_gather(rowacc0, [base + lanes * L + l])
                tot1 = tot1 + plsc.load_gather(rowacc1, [base + lanes * L + l])
            rows = cb * CHUNK_ROWS + g * L + lanes
            plsc.store_scatter(
                out_v, [rows, jnp.zeros((L,), jnp.int32)],
                tot0 * (1.0 / SEQ) + bias_v[pl.ds(0, L)])
            plsc.store_scatter(
                out_v, [rows, jnp.full((L,), 1, jnp.int32)],
                tot1 * (1.0 / SEQ) + bias_v[pl.ds(L, L)])

    rowbase = wid * ROWS_PER_W
    pltpu.sync_copy(out_v, out_hbm.at[pl.ds(rowbase, ROWS_PER_W), :])


_SC_MESH = plsc.VectorSubcoreMesh(core_axis_name="c", subcore_axis_name="s",
                                  num_cores=NC, num_subcores=NS)

_proj = pl.kernel(
    _proj_body,
    out_type=jax.ShapeDtypeStruct((VOCAB,), jnp.int32),
    mesh=_SC_MESH,
    compiler_params=pltpu.CompilerParams(needs_layout_passes=False),
    scratch_types=[
        pltpu.VMEM((EMB_WORDS,), jnp.float32),
        pltpu.VMEM((EMB_WORDS,), jnp.float32),
        pltpu.VMEM((PROJ_CHUNK,), jnp.int32),
        pltpu.VMEM((2 * EMB,), jnp.float32),
        pltpu.SemaphoreType.DMA,
        pltpu.SemaphoreType.DMA,
    ],
)

_pool = pl.kernel(
    _pool_body,
    out_type=jax.ShapeDtypeStruct((BATCH, OUT), jnp.float32),
    mesh=_SC_MESH,
    compiler_params=pltpu.CompilerParams(needs_layout_passes=False),
    scratch_types=[
        pltpu.VMEM((CHUNK_WORDS + L,), jnp.int32),
        pltpu.VMEM((VOCAB,), jnp.int32),
        pltpu.VMEM((CHUNK_ROWS * L,), jnp.float32),
        pltpu.VMEM((CHUNK_ROWS * L,), jnp.float32),
        pltpu.VMEM((ROWS_PER_W, OUT), jnp.float32),
        pltpu.VMEM((OUT * L,), jnp.float32),
    ],
)


def kernel(text, emb_table, W1, b1, W2, b2):
    wc = pl.pallas_call(
        _wc_body,
        out_shape=jax.ShapeDtypeStruct((OUT, EMB), jnp.float32),
    )(W1, W2)
    p = _proj(emb_table.reshape(-1), wc.reshape(-1))
    bias = W2 @ b1 + b2
    bias_rep = jnp.broadcast_to(bias[:, None], (OUT, L)).reshape(OUT * L)
    return _pool(text.reshape(-1), p, bias_rep)

# --- scband reference (transcript-rebuilt; emitter-appended) ---
"""Pipeline reference for scband-word-avgmodel-1580547972266 (READ-ONLY COPY).

The authoritative reference and input builder live on the scoring server;
editing this copy changes nothing except your own understanding.
"""

import jax, jax.numpy as jnp
import numpy as np

VOCAB = 100000
EMB = 128
OUT = 2
HID = (EMB + OUT) // 2  # 65, matches int((embedding_dim+output_dim)/2)


def setup_inputs(seed: int = 0) -> dict:
    key = jax.random.key(seed)
    k1, k2, k3, k4, k5, k6 = jax.random.split(key, 6)
    text = jax.random.randint(k1, (4096, 200), 0, VOCAB, dtype=jnp.int64 if jax.config.jax_enable_x64 else jnp.int32)
    emb_table = jax.random.normal(k2, (VOCAB, EMB), dtype=jnp.float32)
    W1 = jax.random.normal(k3, (HID, EMB), dtype=jnp.float32) * (1.0 / np.sqrt(EMB))
    b1 = jax.random.normal(k4, (HID,), dtype=jnp.float32) * 0.01
    W2 = jax.random.normal(k5, (OUT, HID), dtype=jnp.float32) * (1.0 / np.sqrt(HID))
    b2 = jax.random.normal(k6, (OUT,), dtype=jnp.float32) * 0.01
    return {"text": text, "emb_table": emb_table, "W1": W1, "b1": b1, "W2": W2, "b2": b2}


def reference(text, emb_table, W1, b1, W2, b2):
    # embedding lookup (gather)
    embedded = jnp.take(emb_table, text, axis=0)          # [B, S, EMB]
    # F.avg_pool2d over (seq_len, 1) then squeeze -> mean over seq dim
    pooled = jnp.mean(embedded, axis=1)                   # [B, EMB]
    # dropout in eval mode == identity
    h = pooled @ W1.T + b1                                # [B, HID]
    out = h @ W2.T + b2                                   # [B, OUT]
    return out

if __name__ == "__main__":
    import jax
    _d = setup_inputs()
    print(jax.jit(kernel)(*tuple(_d.values())))

</pallas_src>

<mosaic_0001>
#map = affine_map<(d0, d1) -> (0)>
module attributes {stable_mosaic.version = 14 : i64} {
  func.func @_proj_body(%arg0: i32, %arg1: i32, %arg2: memref<12800000xf32, #tpu.memory_space<hbm>>, %arg3: memref<256xf32, #tpu.memory_space<hbm>>, %arg4: memref<100000xi32, #tpu.memory_space<hbm>>, %arg5: memref<16384xf32, #tpu.memory_space<vmem>>, %arg6: memref<16384xf32, #tpu.memory_space<vmem>>, %arg7: memref<128xi32, #tpu.memory_space<vmem>>, %arg8: memref<256xf32, #tpu.memory_space<vmem>>, %arg9: memref<!tpu.dma_semaphore, #tpu.memory_space<semaphore_mem>>, %arg10: memref<!tpu.dma_semaphore, #tpu.memory_space<semaphore_mem>>) attributes {dimension_semantics = [#tpu.dimension_semantics<core_parallel>, #tpu.dimension_semantics<subcore_parallel>], iteration_bounds = array<i64: 2, 16>, scalar_prefetch = 0 : i64, scratch_operands = 6 : i64, tpu.core_type = #tpu.core_type<sc_vector_subcore>, window_params = [{transform_indices = #map}, {transform_indices = #map}, {transform_indices = #map}]} {
    %mul3A = arith.constant 2 : i32
    %mul3A_0 = arith.muli %arg1, %mul3A : i32
    %add3A = arith.addi %mul3A_0, %arg0 : i32
    %iota3A = tpu.iota {dimensions = array<i32: 0>} : vector<16xi32>
    %eq3A = arith.constant 15 : i32
    %eq3A_1 = vector.broadcast %eq3A : i32 to vector<16xi32>
    %eq3A_2 = arith.cmpi eq, %iota3A, %eq3A_1 : vector<16xi32>
    "tpu.region"() ({
      %run_scoped3A = tpu.sem_alloc : memref<!tpu.dma_semaphore, #tpu.memory_space<semaphore_mem>>
      tpu.enqueue_dma source(%arg3 : memref<256xf32, #tpu.memory_space<hbm>>) target(%arg8 : memref<256xf32, #tpu.memory_space<vmem>>) target_semaphore(%run_scoped3A : memref<!tpu.dma_semaphore, #tpu.memory_space<semaphore_mem>>)
      tpu.wait_dma2 semaphore(%run_scoped3A : memref<!tpu.dma_semaphore, #tpu.memory_space<semaphore_mem>>) src(%arg3 : memref<256xf32, #tpu.memory_space<hbm>>) dst(%arg8 : memref<256xf32, #tpu.memory_space<vmem>>)
      tpu.yield
    }) : () -> ()
    %get3A = arith.constant 0 : index
    %get3A_3 = tpu.vector_load %arg8[%get3A] {strides = array<i32>} : memref<256xf32, #tpu.memory_space<vmem>>, vector<16xf32>,
    %get3A_4 = arith.constant 16 : index
    %get3A_5 = tpu.vector_load %arg8[%get3A_4] {strides = array<i32>} : memref<256xf32, #tpu.memory_space<vmem>>, vector<16xf32>,
    %get3A_6 = arith.constant 32 : index
    %get3A_7 = tpu.vector_load %arg8[%get3A_6] {strides = array<i32>} : memref<256xf32, #tpu.memory_space<vmem>>, vector<16xf32>,
    %get3A_8 = arith.constant 48 : index
    %get3A_9 = tpu.vector_load %arg8[%get3A_8] {strides = array<i32>} : memref<256xf32, #tpu.memory_space<vmem>>, vector<16xf32>,
    %get3A_10 = arith.constant 64 : index
    %get3A_11 = tpu.vector_load %arg8[%get3A_10] {strides = array<i32>} : memref<256xf32, #tpu.memory_space<vmem>>, vector<16xf32>,
    %get3A_12 = arith.constant 80 : index
    %get3A_13 = tpu.vector_load %arg8[%get3A_12] {strides = array<i32>} : memref<256xf32, #tpu.memory_space<vmem>>, vector<16xf32>,
    %get3A_14 = arith.constant 96 : index
    %get3A_15 = tpu.vector_load %arg8[%get3A_14] {strides = array<i32>} : memref<256xf32, #tpu.memory_space<vmem>>, vector<16xf32>,
    %get3A_16 = arith.constant 112 : index
    %get3A_17 = tpu.vector_load %arg8[%get3A_16] {strides = array<i32>} : memref<256xf32, #tpu.memory_space<vmem>>, vector<16xf32>,
    %get3A_18 = arith.constant 128 : index
    %get3A_19 = tpu.vector_load %arg8[%get3A_18] {strides = array<i32>} : memref<256xf32, #tpu.memory_space<vmem>>, vector<16xf32>,
    %get3A_20 = arith.constant 144 : index
    %get3A_21 = tpu.vector_load %arg8[%get3A_20] {strides = array<i32>} : memref<256xf32, #tpu.memory_space<vmem>>, vector<16xf32>,
    %get3A_22 = arith.constant 160 : index
    %get3A_23 = tpu.vector_load %arg8[%get3A_22] {strides = array<i32>} : memref<256xf32, #tpu.memory_space<vmem>>, vector<16xf32>,
    %get3A_24 = arith.constant 176 : index
    %get3A_25 = tpu.vector_load %arg8[%get3A_24] {strides = array<i32>} : memref<256xf32, #tpu.memory_space<vmem>>, vector<16xf32>,
    %get3A_26 = arith.constant 192 : index
    %get3A_27 = tpu.vector_load %arg8[%get3A_26] {strides = array<i32>} : memref<256xf32, #tpu.memory_space<vmem>>, vector<16xf32>,
    %get3A_28 = arith.constant 208 : index
    %get3A_29 = tpu.vector_load %arg8[%get3A_28] {strides = array<i32>} : memref<256xf32, #tpu.memory_space<vmem>>, vector<16xf32>,
    %get3A_30 = arith.constant 224 : index
    %get3A_31 = tpu.vector_load %arg8[%get3A_30] {strides = array<i32>} : memref<256xf32, #tpu.memory_space<vmem>>, vector<16xf32>,
    %get3A_32 = arith.constant 240 : index
    %get3A_33 = tpu.vector_load %arg8[%get3A_32] {strides = array<i32>} : memref<256xf32, #tpu.memory_space<vmem>>, vector<16xf32>,
    %add3A_34 = arith.constant 0 : i32
    %add3A_35 = arith.addi %add3A, %add3A_34 : i32
    %mul3A_36 = arith.constant 128 : i32
    %mul3A_37 = arith.muli %add3A_35, %mul3A_36 : i32
    %min3A = arith.constant 99872 : i32
    %min3A_38 = arith.minsi %mul3A_37, %min3A : i32
    %mul3A_39 = arith.constant 128 : i32
    %mul3A_40 = arith.muli %min3A_38, %mul3A_39 : i32
    %dma_start3A = tpu.memref_slice %arg2[%mul3A_40] : memref<12800000xf32, #tpu.memory_space<hbm>> -> memref<16384xf32, #tpu.memory_space<hbm>>
    %dma_start3A_41 = tpu.memref_slice %arg2[%mul3A_40] : memref<12800000xf32, #tpu.memory_space<hbm>> -> memref<16384xf32, #tpu.memory_space<hbm>>
    tpu.enqueue_dma source(%dma_start3A_41 : memref<16384xf32, #tpu.memory_space<hbm>>) target(%arg5 : memref<16384xf32, #tpu.memory_space<vmem>>) target_semaphore(%arg9 : memref<!tpu.dma_semaphore, #tpu.memory_space<semaphore_mem>>)
    %scan3A = arith.constant 0 : i32
    %scan3A_42 = arith.constant 13 : i32
    %scan3A_43 = arith.addi %scan3A, %scan3A_42 : i32
    %scan3A_44 = arith.constant 1 : i32
    scf.for %scan3A_55 = %scan3A to %scan3A_43 step %scan3A_44  : i32 {
      %mul3A_56 = arith.constant 2 : i32
      %mul3A_57 = arith.muli %scan3A_55, %mul3A_56 : i32
      %add3A_58 = arith.constant 0 : i32
      %add3A_59 = arith.addi %add3A_58, %mul3A_57 : i32
      %add3A_60 = arith.constant 1 : i32
      %add3A_61 = arith.addi %add3A_59, %add3A_60 : i32
      %mul3A_62 = arith.constant 32 : i32
      %mul3A_63 = arith.muli %add3A_61, %mul3A_62 : i32
      %add3A_64 = arith.addi %add3A, %mul3A_63 : i32
      %mul3A_65 = arith.constant 128 : i32
      %mul3A_66 = arith.muli %add3A_64, %mul3A_65 : i32
      %min3A_67 = arith.constant 99872 : i32
      %min3A_68 = arith.minsi %mul3A_66, %min3A_67 : i32
      %mul3A_69 = arith.constant 128 : i32
      %mul3A_70 = arith.muli %min3A_68, %mul3A_69 : i32
      %dma_start3A_71 = tpu.memref_slice %arg2[%mul3A_70] : memref<12800000xf32, #tpu.memory_space<hbm>> -> memref<16384xf32, #tpu.memory_space<hbm>>
      %dma_start3A_72 = tpu.memref_slice %arg2[%mul3A_70] : memref<12800000xf32, #tpu.memory_space<hbm>> -> memref<16384xf32, #tpu.memory_space<hbm>>
      tpu.enqueue_dma source(%dma_start3A_72 : memref<16384xf32, #tpu.memory_space<hbm>>) target(%arg6 : memref<16384xf32, #tpu.memory_space<vmem>>) target_semaphore(%arg10 : memref<!tpu.dma_semaphore, #tpu.memory_space<semaphore_mem>>)
      %mul3A_73 = arith.constant 32 : i32
      %mul3A_74 = arith.muli %add3A_59, %mul3A_73 : i32
      %add3A_75 = arith.addi %add3A, %mul3A_74 : i32
      %mul3A_76 = arith.constant 128 : i32
      %mul3A_77 = arith.muli %add3A_75, %mul3A_76 : i32
      %min3A_78 = arith.constant 99872 : i32
      %min3A_79 = arith.minsi %mul3A_77, %min3A_78 : i32
      %mul3A_80 = arith.constant 32 : i32
      %mul3A_81 = arith.muli %add3A_59, %mul3A_80 : i32
      %add3A_82 = arith.addi %add3A, %mul3A_81 : i32
      %mul3A_83 = arith.constant 128 : i32
      %mul3A_84 = arith.muli %add3A_82, %mul3A_83 : i32
      %min3A_85 = arith.constant 99872 : i32
      %min3A_86 = arith.minsi %mul3A_84, %min3A_85 : i32
      %mul3A_87 = arith.constant 128 : i32
      %mul3A_88 = arith.muli %min3A_86, %mul3A_87 : i32
      %dma_wait3A_89 = tpu.memref_slice %arg2[%mul3A_88] : memref<12800000xf32, #tpu.memory_space<hbm>> -> memref<16384xf32, #tpu.memory_space<hbm>>
      %dma_wait3A_90 = tpu.memref_slice %arg2[%mul3A_88] : memref<12800000xf32, #tpu.memory_space<hbm>> -> memref<16384xf32, #tpu.memory_space<hbm>>
      tpu.wait_dma2 semaphore(%arg9 : memref<!tpu.dma_semaphore, #tpu.memory_space<semaphore_mem>>) src(%dma_wait3A_90 : memref<16384xf32, #tpu.memory_space<hbm>>) dst(%arg5 : memref<16384xf32, #tpu.memory_space<vmem>>)
      %parallel_loop3A = arith.constant 0 : i32
      %parallel_loop3A_91 = arith.constant 128 : i32
      %parallel_loop3A_92 = arith.constant 1 : i32
      scf.for %parallel_loop3A_129 = %parallel_loop3A to %parallel_loop3A_91 step %parallel_loop3A_92  : i32 {
        %parallel_loop3A_130 = arith.constant 128 : i32
        %parallel_loop3A_131 = arith.muli %parallel_loop3A_129, %parallel_loop3A_130 : i32
        %parallel_loop3A_132 = arith.constant 0.000000e+00 : f32
        %parallel_loop3A_133 = vector.broadcast %parallel_loop3A_132 : f32 to vector<16xf32>
        %parallel_loop3A_134 = arith.constant 0.000000e+00 : f32
        %parallel_loop3A_135 = vector.broadcast %parallel_loop3A_134 : f32 to vector<16xf32>
        %parallel_loop3A_136 = arith.constant 0 : i32
        %parallel_loop3A_137 = arith.addi %parallel_loop3A_131, %parallel_loop3A_136 : i32
        %parallel_loop3A_138 = arith.index_cast %parallel_loop3A_137 : i32 to index
        %parallel_loop3A_139 = tpu.vector_load %arg5[%parallel_loop3A_138] {strides = array<i32>} : memref<16384xf32, #tpu.memory_space<vmem>>, vector<16xf32>,
        %parallel_loop3A_140 = arith.mulf %parallel_loop3A_139, %get3A_3 : vector<16xf32>
        %parallel_loop3A_141 = arith.addf %parallel_loop3A_133, %parallel_loop3A_140 : vector<16xf32>
        %parallel_loop3A_142 = arith.mulf %parallel_loop3A_139, %get3A_19 : vector<16xf32>
        %parallel_loop3A_143 = arith.addf %parallel_loop3A_135, %parallel_loop3A_142 : vector<16xf32>
        %parallel_loop3A_144 = arith.constant 16 : i32
        %parallel_loop3A_145 = arith.addi %parallel_loop3A_131, %parallel_loop3A_144 : i32
        %parallel_loop3A_146 = arith.index_cast %parallel_loop3A_145 : i32 to index
        %parallel_loop3A_147 = tpu.vector_load %arg5[%parallel_loop3A_146] {strides = array<i32>} : memref<16384xf32, #tpu.memory_space<vmem>>, vector<16xf32>,
        %parallel_loop3A_148 = arith.mulf %parallel_loop3A_147, %get3A_5 : vector<16xf32>
        %parallel_loop3A_149 = arith.addf %parallel_loop3A_141, %parallel_loop3A_148 : vector<16xf32>
        %parallel_loop3A_150 = arith.mulf %parallel_loop3A_147, %get3A_21 : vector<16xf32>
        %parallel_loop3A_151 = arith.addf %parallel_loop3A_143, %parallel_loop3A_150 : vector<16xf32>
        %parallel_loop3A_152 = arith.constant 32 : i32
        %parallel_loop3A_153 = arith.addi %parallel_loop3A_131, %parallel_loop3A_152 : i32
        %parallel_loop3A_154 = arith.index_cast %parallel_loop3A_153 : i32 to index
        %parallel_loop3A_155 = tpu.vector_load %arg5[%parallel_loop3A_154] {strides = array<i32>} : memref<16384xf32, #tpu.memory_space<vmem>>, vector<16xf32>,
        %parallel_loop3A_156 = arith.mulf %parallel_loop3A_155, %get3A_7 : vector<16xf32>
        %parallel_loop3A_157 = arith.addf %parallel_loop3A_149, %parallel_loop3A_156 : vector<16xf32>
        %parallel_loop3A_158 = arith.mulf %parallel_loop3A_155, %get3A_23 : vector<16xf32>
        %parallel_loop3A_159 = arith.addf %parallel_loop3A_151, %parallel_loop3A_158 : vector<16xf32>
        %parallel_loop3A_160 = arith.constant 48 : i32
        %parallel_loop3A_161 = arith.addi %parallel_loop3A_131, %parallel_loop3A_160 : i32
        %parallel_loop3A_162 = arith.index_cast %parallel_loop3A_161 : i32 to index
        %parallel_loop3A_163 = tpu.vector_load %arg5[%parallel_loop3A_162] {strides = array<i32>} : memref<16384xf32, #tpu.memory_space<vmem>>, vector<16xf32>,
        %parallel_loop3A_164 = arith.mulf %parallel_loop3A_163, %get3A_9 : vector<16xf32>
        %parallel_loop3A_165 = arith.addf %parallel_loop3A_157, %parallel_loop3A_164 : vector<16xf32>
        %parallel_loop3A_166 = arith.mulf %parallel_loop3A_163, %get3A_25 : vector<16xf32>
        %parallel_loop3A_167 = arith.addf %parallel_loop3A_159, %parallel_loop3A_166 : vector<16xf32>
        %parallel_loop3A_168 = arith.constant 64 : i32
        %parallel_loop3A_169 = arith.addi %parallel_loop3A_131, %parallel_loop3A_168 : i32
        %parallel_loop3A_170 = arith.index_cast %parallel_loop3A_169 : i32 to index
        %parallel_loop3A_171 = tpu.vector_load %arg5[%parallel_loop3A_170] {strides = array<i32>} : memref<16384xf32, #tpu.memory_space<vmem>>, vector<16xf32>,
        %parallel_loop3A_172 = arith.mulf %parallel_loop3A_171, %get3A_11 : vector<16xf32>
        %parallel_loop3A_173 = arith.addf %parallel_loop3A_165, %parallel_loop3A_172 : vector<16xf32>
        %parallel_loop3A_174 = arith.mulf %parallel_loop3A_171, %get3A_27 : vector<16xf32>
        %parallel_loop3A_175 = arith.addf %parallel_loop3A_167, %parallel_loop3A_174 : vector<16xf32>
        %parallel_loop3A_176 = arith.constant 80 : i32
        %parallel_loop3A_177 = arith.addi %parallel_loop3A_131, %parallel_loop3A_176 : i32
        %parallel_loop3A_178 = arith.index_cast %parallel_loop3A_177 : i32 to index
        %parallel_loop3A_179 = tpu.vector_load %arg5[%parallel_loop3A_178] {strides = array<i32>} : memref<16384xf32, #tpu.memory_space<vmem>>, vector<16xf32>,
        %parallel_loop3A_180 = arith.mulf %parallel_loop3A_179, %get3A_13 : vector<16xf32>
        %parallel_loop3A_181 = arith.addf %parallel_loop3A_173, %parallel_loop3A_180 : vector<16xf32>
        %parallel_loop3A_182 = arith.mulf %parallel_loop3A_179, %get3A_29 : vector<16xf32>
        %parallel_loop3A_183 = arith.addf %parallel_loop3A_175, %parallel_loop3A_182 : vector<16xf32>
        %parallel_loop3A_184 = arith.constant 96 : i32
        %parallel_loop3A_185 = arith.addi %parallel_loop3A_131, %parallel_loop3A_184 : i32
        %parallel_loop3A_186 = arith.index_cast %parallel_loop3A_185 : i32 to index
        %parallel_loop3A_187 = tpu.vector_load %arg5[%parallel_loop3A_186] {strides = array<i32>} : memref<16384xf32, #tpu.memory_space<vmem>>, vector<16xf32>,
        %parallel_loop3A_188 = arith.mulf %parallel_loop3A_187, %get3A_15 : vector<16xf32>
        %parallel_loop3A_189 = arith.addf %parallel_loop3A_181, %parallel_loop3A_188 : vector<16xf32>
        %parallel_loop3A_190 = arith.mulf %parallel_loop3A_187, %get3A_31 : vector<16xf32>
        %parallel_loop3A_191 = arith.addf %parallel_loop3A_183, %parallel_loop3A_190 : vector<16xf32>
        %parallel_loop3A_192 = arith.constant 112 : i32
        %parallel_loop3A_193 = arith.addi %parallel_loop3A_131, %parallel_loop3A_192 : i32
        %parallel_loop3A_194 = arith.index_cast %parallel_loop3A_193 : i32 to index
        %parallel_loop3A_195 = tpu.vector_load %arg5[%parallel_loop3A_194] {strides = array<i32>} : memref<16384xf32, #tpu.memory_space<vmem>>, vector<16xf32>,
        %parallel_loop3A_196 = arith.mulf %parallel_loop3A_195, %get3A_17 : vector<16xf32>
        %parallel_loop3A_197 = arith.addf %parallel_loop3A_189, %parallel_loop3A_196 : vector<16xf32>
        %parallel_loop3A_198 = arith.mulf %parallel_loop3A_195, %get3A_33 : vector<16xf32>
        %parallel_loop3A_199 = arith.addf %parallel_loop3A_191, %parallel_loop3A_198 : vector<16xf32>
        %parallel_loop3A_200 = arith.constant true
        %parallel_loop3A_201 = vector.broadcast %parallel_loop3A_200 : i1 to vector<16xi1>
        %parallel_loop3A_202 = tpu.scan <sum>, %parallel_loop3A_197 masked %parallel_loop3A_201 : vector<16xf32>, vector<16xi1> -> vector<16xf32>
        %parallel_loop3A_203 = vector.bitcast %parallel_loop3A_202 : vector<16xf32> to vector<16xi32>
        %parallel_loop3A_204 = arith.constant true
        %parallel_loop3A_205 = vector.broadcast %parallel_loop3A_204 : i1 to vector<16xi1>
        %parallel_loop3A_206 = tpu.scan <sum>, %parallel_loop3A_199 masked %parallel_loop3A_205 : vector<16xf32>, vector<16xi1> -> vector<16xf32>
        %parallel_loop3A_207 = vector.bitcast %parallel_loop3A_206 : vector<16xf32> to vector<16xi32>
        %parallel_loop3A_208 = arith.constant 32767 : i32
        %parallel_loop3A_209 = vector.broadcast %parallel_loop3A_208 : i32 to vector<16xi32>
        %parallel_loop3A_210 = arith.addi %parallel_loop3A_203, %parallel_loop3A_209 : vector<16xi32>
        %parallel_loop3A_211 = arith.constant 16 : i32
        %parallel_loop3A_212 = vector.broadcast %parallel_loop3A_211 : i32 to vector<16xi32>
        %parallel_loop3A_213 = arith.shrui %parallel_loop3A_203, %parallel_loop3A_212 : vector<16xi32>
        %parallel_loop3A_214 = arith.constant 1 : i32
        %parallel_loop3A_215 = vector.broadcast %parallel_loop3A_214 : i32 to vector<16xi32>
        %parallel_loop3A_216 = arith.andi %parallel_loop3A_213, %parallel_loop3A_215 : vector<16xi32>
        %parallel_loop3A_217 = arith.addi %parallel_loop3A_210, %parallel_loop3A_216 : vector<16xi32>
        %parallel_loop3A_218 = arith.constant 16 : i32
        %parallel_loop3A_219 = vector.broadcast %parallel_loop3A_218 : i32 to vector<16xi32>
        %parallel_loop3A_220 = arith.shrui %parallel_loop3A_217, %parallel_loop3A_219 : vector<16xi32>
        %parallel_loop3A_221 = arith.constant 32767 : i32
        %parallel_loop3A_222 = vector.broadcast %parallel_loop3A_221 : i32 to vector<16xi32>
        %parallel_loop3A_223 = arith.addi %parallel_loop3A_207, %parallel_loop3A_222 : vector<16xi32>
        %parallel_loop3A_224 = arith.constant 16 : i32
        %parallel_loop3A_225 = vector.broadcast %parallel_loop3A_224 : i32 to vector<16xi32>
        %parallel_loop3A_226 = arith.shrui %parallel_loop3A_207, %parallel_loop3A_225 : vector<16xi32>
        %parallel_loop3A_227 = arith.constant 1 : i32
        %parallel_loop3A_228 = vector.broadcast %parallel_loop3A_227 : i32 to vector<16xi32>
        %parallel_loop3A_229 = arith.andi %parallel_loop3A_226, %parallel_loop3A_228 : vector<16xi32>
        %parallel_loop3A_230 = arith.addi %parallel_loop3A_223, %parallel_loop3A_229 : vector<16xi32>
        %parallel_loop3A_231 = arith.constant 16 : i32
        %parallel_loop3A_232 = vector.broadcast %parallel_loop3A_231 : i32 to vector<16xi32>
        %parallel_loop3A_233 = arith.shrui %parallel_loop3A_230, %parallel_loop3A_232 : vector<16xi32>
        %parallel_loop3A_234 = arith.constant 16 : i32
        %parallel_loop3A_235 = vector.broadcast %parallel_loop3A_234 : i32 to vector<16xi32>
        %parallel_loop3A_236 = arith.shli %parallel_loop3A_233, %parallel_loop3A_235 : vector<16xi32>
        %parallel_loop3A_237 = arith.ori %parallel_loop3A_220, %parallel_loop3A_236 : vector<16xi32>
        %parallel_loop3A_238 = vector.bitcast %parallel_loop3A_237 : vector<16xi32> to vector<16xi32>
        %parallel_loop3A_239 = vector.broadcast %parallel_loop3A_129 : i32 to vector<16xi32>
        tpu.vector_store_idx %arg7[%parallel_loop3A_239], %parallel_loop3A_238 masked %eq3A_2 : memref<128xi32, #tpu.memory_space<vmem>>[vector<16xi32>], vector<16xi32>, vector<16xi1>
      } {sc.loop_unroll_factor = 4 : i64, sc.parallel_access}
      "tpu.region"() ({
        %run_scoped3A = tpu.sem_alloc : memref<!tpu.dma_semaphore, #tpu.memory_space<semaphore_mem>>
        %dma_start3A_129 = tpu.memref_slice %arg4[%min3A_79] : memref<100000xi32, #tpu.memory_space<hbm>> -> memref<128xi32, #tpu.memory_space<hbm>>
        %dma_start3A_130 = tpu.memref_slice %arg4[%min3A_79] : memref<100000xi32, #tpu.memory_space<hbm>> -> memref<128xi32, #tpu.memory_space<hbm>>
        tpu.enqueue_dma source(%arg7 : memref<128xi32, #tpu.memory_space<vmem>>) target(%dma_start3A_130 : memref<128xi32, #tpu.memory_space<hbm>>) target_semaphore(%run_scoped3A : memref<!tpu.dma_semaphore, #tpu.memory_space<semaphore_mem>>)
        %dma_wait3A_131 = tpu.memref_slice %arg4[%min3A_79] : memref<100000xi32, #tpu.memory_space<hbm>> -> memref<128xi32, #tpu.memory_space<hbm>>
        %dma_wait3A_132 = tpu.memref_slice %arg4[%min3A_79] : memref<100000xi32, #tpu.memory_space<hbm>> -> memref<128xi32, #tpu.memory_space<hbm>>
        tpu.wait_dma2 semaphore(%run_scoped3A : memref<!tpu.dma_semaphore, #tpu.memory_space<semaphore_mem>>) src(%arg7 : memref<128xi32, #tpu.memory_space<vmem>>) dst(%dma_wait3A_132 : memref<128xi32, #tpu.memory_space<hbm>>)
        tpu.yield
      }) : () -> ()
      %add3A_93 = arith.constant 2 : i32
      %add3A_94 = arith.addi %add3A_59, %add3A_93 : i32
      %mul3A_95 = arith.constant 32 : i32
      %mul3A_96 = arith.muli %add3A_94, %mul3A_95 : i32
      %add3A_97 = arith.addi %add3A, %mul3A_96 : i32
      %mul3A_98 = arith.constant 128 : i32
      %mul3A_99 = arith.muli %add3A_97, %mul3A_98 : i32
      %min3A_100 = arith.constant 99872 : i32
      %min3A_101 = arith.minsi %mul3A_99, %min3A_100 : i32
      %mul3A_102 = arith.constant 128 : i32
      %mul3A_103 = arith.muli %min3A_101, %mul3A_102 : i32
      %dma_start3A_104 = tpu.memref_slice %arg2[%mul3A_103] : memref<12800000xf32, #tpu.memory_space<hbm>> -> memref<16384xf32, #tpu.memory_space<hbm>>
      %dma_start3A_105 = tpu.memref_slice %arg2[%mul3A_103] : memref<12800000xf32, #tpu.memory_space<hbm>> -> memref<16384xf32, #tpu.memory_space<hbm>>
      tpu.enqueue_dma source(%dma_start3A_105 : memref<16384xf32, #tpu.memory_space<hbm>>) target(%arg5 : memref<16384xf32, #tpu.memory_space<vmem>>) target_semaphore(%arg9 : memref<!tpu.dma_semaphore, #tpu.memory_space<semaphore_mem>>)
      %add3A_106 = arith.constant 1 : i32
      %add3A_107 = arith.addi %add3A_59, %add3A_106 : i32
      %mul3A_108 = arith.constant 32 : i32
      %mul3A_109 = arith.muli %add3A_107, %mul3A_108 : i32
      %add3A_110 = arith.addi %add3A, %mul3A_109 : i32
      %mul3A_111 = arith.constant 128 : i32
      %mul3A_112 = arith.muli %add3A_110, %mul3A_111 : i32
      %min3A_113 = arith.constant 99872 : i32
      %min3A_114 = arith.minsi %mul3A_112, %min3A_113 : i32
      %mul3A_115 = arith.constant 32 : i32
      %mul3A_116 = arith.muli %add3A_107, %mul3A_115 : i32
      %add3A_117 = arith.addi %add3A, %mul3A_116 : i32
      %mul3A_118 = arith.constant 128 : i32
      %mul3A_119 = arith.muli %add3A_117, %mul3A_118 : i32
      %min3A_120 = arith.constant 99872 : i32
      %min3A_121 = arith.minsi %mul3A_119, %min3A_120 : i32
      %mul3A_122 = arith.constant 128 : i32
      %mul3A_123 = arith.muli %min3A_121, %mul3A_122 : i32
      %dma_wait3A_124 = tpu.memref_slice %arg2[%mul3A_123] : memref<12800000xf32, #tpu.memory_space<hbm>> -> memref<16384xf32, #tpu.memory_space<hbm>>
      %dma_wait3A_125 = tpu.memref_slice %arg2[%mul3A_123] : memref<12800000xf32, #tpu.memory_space<hbm>> -> memref<16384xf32, #tpu.memory_space<hbm>>
      tpu.wait_dma2 semaphore(%arg10 : memref<!tpu.dma_semaphore, #tpu.memory_space<semaphore_mem>>) src(%dma_wait3A_125 : memref<16384xf32, #tpu.memory_space<hbm>>) dst(%arg6 : memref<16384xf32, #tpu.memory_space<vmem>>)
      %parallel_loop3A_126 = arith.constant 0 : i32
      %parallel_loop3A_127 = arith.constant 128 : i32
      %parallel_loop3A_128 = arith.constant 1 : i32
      scf.for %parallel_loop3A_129 = %parallel_loop3A_126 to %parallel_loop3A_127 step %parallel_loop3A_128  : i32 {
        %parallel_loop3A_130 = arith.constant 128 : i32
        %parallel_loop3A_131 = arith.muli %parallel_loop3A_129, %parallel_loop3A_130 : i32
        %parallel_loop3A_132 = arith.constant 0.000000e+00 : f32
        %parallel_loop3A_133 = vector.broadcast %parallel_loop3A_132 : f32 to vector<16xf32>
        %parallel_loop3A_134 = arith.constant 0.000000e+00 : f32
        %parallel_loop3A_135 = vector.broadcast %parallel_loop3A_134 : f32 to vector<16xf32>
        %parallel_loop3A_136 = arith.constant 0 : i32
        %parallel_loop3A_137 = arith.addi %parallel_loop3A_131, %parallel_loop3A_136 : i32
        %parallel_loop3A_138 = arith.index_cast %parallel_loop3A_137 : i32 to index
        %parallel_loop3A_139 = tpu.vector_load %arg6[%parallel_loop3A_138] {strides = array<i32>} : memref<16384xf32, #tpu.memory_space<vmem>>, vector<16xf32>,
        %parallel_loop3A_140 = arith.mulf %parallel_loop3A_139, %get3A_3 : vector<16xf32>
        %parallel_loop3A_141 = arith.addf %parallel_loop3A_133, %parallel_loop3A_140 : vector<16xf32>
        %parallel_loop3A_142 = arith.mulf %parallel_loop3A_139, %get3A_19 : vector<16xf32>
        %parallel_loop3A_143 = arith.addf %parallel_loop3A_135, %parallel_loop3A_142 : vector<16xf32>
        %parallel_loop3A_144 = arith.constant 16 : i32
        %parallel_loop3A_145 = arith.addi %parallel_loop3A_131, %parallel_loop3A_144 : i32
        %parallel_loop3A_146 = arith.index_cast %parallel_loop3A_145 : i32 to index
        %parallel_loop3A_147 = tpu.vector_load %arg6[%parallel_loop3A_146] {strides = array<i32>} : memref<16384xf32, #tpu.memory_space<vmem>>, vector<16xf32>,
        %parallel_loop3A_148 = arith.mulf %parallel_loop3A_147, %get3A_5 : vector<16xf32>
        %parallel_loop3A_149 = arith.addf %parallel_loop3A_141, %parallel_loop3A_148 : vector<16xf32>
        %parallel_loop3A_150 = arith.mulf %parallel_loop3A_147, %get3A_21 : vector<16xf32>
        %parallel_loop3A_151 = arith.addf %parallel_loop3A_143, %parallel_loop3A_150 : vector<16xf32>
        %parallel_loop3A_152 = arith.constant 32 : i32
        %parallel_loop3A_153 = arith.addi %parallel_loop3A_131, %parallel_loop3A_152 : i32
        %parallel_loop3A_154 = arith.index_cast %parallel_loop3A_153 : i32 to index
        %parallel_loop3A_155 = tpu.vector_load %arg6[%parallel_loop3A_154] {strides = array<i32>} : memref<16384xf32, #tpu.memory_space<vmem>>, vector<16xf32>,
        %parallel_loop3A_156 = arith.mulf %parallel_loop3A_155, %get3A_7 : vector<16xf32>
        %parallel_loop3A_157 = arith.addf %parallel_loop3A_149, %parallel_loop3A_156 : vector<16xf32>
        %parallel_loop3A_158 = arith.mulf %parallel_loop3A_155, %get3A_23 : vector<16xf32>
        %parallel_loop3A_159 = arith.addf %parallel_loop3A_151, %parallel_loop3A_158 : vector<16xf32>
        %parallel_loop3A_160 = arith.constant 48 : i32
        %parallel_loop3A_161 = arith.addi %parallel_loop3A_131, %parallel_loop3A_160 : i32
        %parallel_loop3A_162 = arith.index_cast %parallel_loop3A_161 : i32 to index
        %parallel_loop3A_163 = tpu.vector_load %arg6[%parallel_loop3A_162] {strides = array<i32>} : memref<16384xf32, #tpu.memory_space<vmem>>, vector<16xf32>,
        %parallel_loop3A_164 = arith.mulf %parallel_loop3A_163, %get3A_9 : vector<16xf32>
        %parallel_loop3A_165 = arith.addf %parallel_loop3A_157, %parallel_loop3A_164 : vector<16xf32>
        %parallel_loop3A_166 = arith.mulf %parallel_loop3A_163, %get3A_25 : vector<16xf32>
        %parallel_loop3A_167 = arith.addf %parallel_loop3A_159, %parallel_loop3A_166 : vector<16xf32>
        %parallel_loop3A_168 = arith.constant 64 : i32
        %parallel_loop3A_169 = arith.addi %parallel_loop3A_131, %parallel_loop3A_168 : i32
        %parallel_loop3A_170 = arith.index_cast %parallel_loop3A_169 : i32 to index
        %parallel_loop3A_171 = tpu.vector_load %arg6[%parallel_loop3A_170] {strides = array<i32>} : memref<16384xf32, #tpu.memory_space<vmem>>, vector<16xf32>,
        %parallel_loop3A_172 = arith.mulf %parallel_loop3A_171, %get3A_11 : vector<16xf32>
        %parallel_loop3A_173 = arith.addf %parallel_loop3A_165, %parallel_loop3A_172 : vector<16xf32>
        %parallel_loop3A_174 = arith.mulf %parallel_loop3A_171, %get3A_27 : vector<16xf32>
        %parallel_loop3A_175 = arith.addf %parallel_loop3A_167, %parallel_loop3A_174 : vector<16xf32>
        %parallel_loop3A_176 = arith.constant 80 : i32
        %parallel_loop3A_177 = arith.addi %parallel_loop3A_131, %parallel_loop3A_176 : i32
        %parallel_loop3A_178 = arith.index_cast %parallel_loop3A_177 : i32 to index
        %parallel_loop3A_179 = tpu.vector_load %arg6[%parallel_loop3A_178] {strides = array<i32>} : memref<16384xf32, #tpu.memory_space<vmem>>, vector<16xf32>,
        %parallel_loop3A_180 = arith.mulf %parallel_loop3A_179, %get3A_13 : vector<16xf32>
        %parallel_loop3A_181 = arith.addf %parallel_loop3A_173, %parallel_loop3A_180 : vector<16xf32>
        %parallel_loop3A_182 = arith.mulf %parallel_loop3A_179, %get3A_29 : vector<16xf32>
        %parallel_loop3A_183 = arith.addf %parallel_loop3A_175, %parallel_loop3A_182 : vector<16xf32>
        %parallel_loop3A_184 = arith.constant 96 : i32
        %parallel_loop3A_185 = arith.addi %parallel_loop3A_131, %parallel_loop3A_184 : i32
        %parallel_loop3A_186 = arith.index_cast %parallel_loop3A_185 : i32 to index
        %parallel_loop3A_187 = tpu.vector_load %arg6[%parallel_loop3A_186] {strides = array<i32>} : memref<16384xf32, #tpu.memory_space<vmem>>, vector<16xf32>,
        %parallel_loop3A_188 = arith.mulf %parallel_loop3A_187, %get3A_15 : vector<16xf32>
        %parallel_loop3A_189 = arith.addf %parallel_loop3A_181, %parallel_loop3A_188 : vector<16xf32>
        %parallel_loop3A_190 = arith.mulf %parallel_loop3A_187, %get3A_31 : vector<16xf32>
        %parallel_loop3A_191 = arith.addf %parallel_loop3A_183, %parallel_loop3A_190 : vector<16xf32>
        %parallel_loop3A_192 = arith.constant 112 : i32
        %parallel_loop3A_193 = arith.addi %parallel_loop3A_131, %parallel_loop3A_192 : i32
        %parallel_loop3A_194 = arith.index_cast %parallel_loop3A_193 : i32 to index
        %parallel_loop3A_195 = tpu.vector_load %arg6[%parallel_loop3A_194] {strides = array<i32>} : memref<16384xf32, #tpu.memory_space<vmem>>, vector<16xf32>,
        %parallel_loop3A_196 = arith.mulf %parallel_loop3A_195, %get3A_17 : vector<16xf32>
        %parallel_loop3A_197 = arith.addf %parallel_loop3A_189, %parallel_loop3A_196 : vector<16xf32>
        %parallel_loop3A_198 = arith.mulf %parallel_loop3A_195, %get3A_33 : vector<16xf32>
        %parallel_loop3A_199 = arith.addf %parallel_loop3A_191, %parallel_loop3A_198 : vector<16xf32>
        %parallel_loop3A_200 = arith.constant true
        %parallel_loop3A_201 = vector.broadcast %parallel_loop3A_200 : i1 to vector<16xi1>
        %parallel_loop3A_202 = tpu.scan <sum>, %parallel_loop3A_197 masked %parallel_loop3A_201 : vector<16xf32>, vector<16xi1> -> vector<16xf32>
        %parallel_loop3A_203 = vector.bitcast %parallel_loop3A_202 : vector<16xf32> to vector<16xi32>
        %parallel_loop3A_204 = arith.constant true
        %parallel_loop3A_205 = vector.broadcast %parallel_loop3A_204 : i1 to vector<16xi1>
        %parallel_loop3A_206 = tpu.scan <sum>, %parallel_loop3A_199 masked %parallel_loop3A_205 : vector<16xf32>, vector<16xi1> -> vector<16xf32>
        %parallel_loop3A_207 = vector.bitcast %parallel_loop3A_206 : vector<16xf32> to vector<16xi32>
        %parallel_loop3A_208 = arith.constant 32767 : i32
        %parallel_loop3A_209 = vector.broadcast %parallel_loop3A_208 : i32 to vector<16xi32>
        %parallel_loop3A_210 = arith.addi %parallel_loop3A_203, %parallel_loop3A_209 : vector<16xi32>
        %parallel_loop3A_211 = arith.constant 16 : i32
        %parallel_loop3A_212 = vector.broadcast %parallel_loop3A_211 : i32 to vector<16xi32>
        %parallel_loop3A_213 = arith.shrui %parallel_loop3A_203, %parallel_loop3A_212 : vector<16xi32>
        %parallel_loop3A_214 = arith.constant 1 : i32
        %parallel_loop3A_215 = vector.broadcast %parallel_loop3A_214 : i32 to vector<16xi32>
        %parallel_loop3A_216 = arith.andi %parallel_loop3A_213, %parallel_loop3A_215 : vector<16xi32>
        %parallel_loop3A_217 = arith.addi %parallel_loop3A_210, %parallel_loop3A_216 : vector<16xi32>
        %parallel_loop3A_218 = arith.constant 16 : i32
        %parallel_loop3A_219 = vector.broadcast %parallel_loop3A_218 : i32 to vector<16xi32>
        %parallel_loop3A_220 = arith.shrui %parallel_loop3A_217, %parallel_loop3A_219 : vector<16xi32>
        %parallel_loop3A_221 = arith.constant 32767 : i32
        %parallel_loop3A_222 = vector.broadcast %parallel_loop3A_221 : i32 to vector<16xi32>
        %parallel_loop3A_223 = arith.addi %parallel_loop3A_207, %parallel_loop3A_222 : vector<16xi32>
        %parallel_loop3A_224 = arith.constant 16 : i32
        %parallel_loop3A_225 = vector.broadcast %parallel_loop3A_224 : i32 to vector<16xi32>
        %parallel_loop3A_226 = arith.shrui %parallel_loop3A_207, %parallel_loop3A_225 : vector<16xi32>
        %parallel_loop3A_227 = arith.constant 1 : i32
        %parallel_loop3A_228 = vector.broadcast %parallel_loop3A_227 : i32 to vector<16xi32>
        %parallel_loop3A_229 = arith.andi %parallel_loop3A_226, %parallel_loop3A_228 : vector<16xi32>
        %parallel_loop3A_230 = arith.addi %parallel_loop3A_223, %parallel_loop3A_229 : vector<16xi32>
        %parallel_loop3A_231 = arith.constant 16 : i32
        %parallel_loop3A_232 = vector.broadcast %parallel_loop3A_231 : i32 to vector<16xi32>
        %parallel_loop3A_233 = arith.shrui %parallel_loop3A_230, %parallel_loop3A_232 : vector<16xi32>
        %parallel_loop3A_234 = arith.constant 16 : i32
        %parallel_loop3A_235 = vector.broadcast %parallel_loop3A_234 : i32 to vector<16xi32>
        %parallel_loop3A_236 = arith.shli %parallel_loop3A_233, %parallel_loop3A_235 : vector<16xi32>
        %parallel_loop3A_237 = arith.ori %parallel_loop3A_220, %parallel_loop3A_236 : vector<16xi32>
        %parallel_loop3A_238 = vector.bitcast %parallel_loop3A_237 : vector<16xi32> to vector<16xi32>
        %parallel_loop3A_239 = vector.broadcast %parallel_loop3A_129 : i32 to vector<16xi32>
        tpu.vector_store_idx %arg7[%parallel_loop3A_239], %parallel_loop3A_238 masked %eq3A_2 : memref<128xi32, #tpu.memory_space<vmem>>[vector<16xi32>], vector<16xi32>, vector<16xi1>
      } {sc.loop_unroll_factor = 4 : i64, sc.parallel_access}
      "tpu.region"() ({
        %run_scoped3A = tpu.sem_alloc : memref<!tpu.dma_semaphore, #tpu.memory_space<semaphore_mem>>
        %dma_start3A_129 = tpu.memref_slice %arg4[%min3A_114] : memref<100000xi32, #tpu.memory_space<hbm>> -> memref<128xi32, #tpu.memory_space<hbm>>
        %dma_start3A_130 = tpu.memref_slice %arg4[%min3A_114] : memref<100000xi32, #tpu.memory_space<hbm>> -> memref<128xi32, #tpu.memory_space<hbm>>
        tpu.enqueue_dma source(%arg7 : memref<128xi32, #tpu.memory_space<vmem>>) target(%dma_start3A_130 : memref<128xi32, #tpu.memory_space<hbm>>) target_semaphore(%run_scoped3A : memref<!tpu.dma_semaphore, #tpu.memory_space<semaphore_mem>>)
        %dma_wait3A_131 = tpu.memref_slice %arg4[%min3A_114] : memref<100000xi32, #tpu.memory_space<hbm>> -> memref<128xi32, #tpu.memory_space<hbm>>
        %dma_wait3A_132 = tpu.memref_slice %arg4[%min3A_114] : memref<100000xi32, #tpu.memory_space<hbm>> -> memref<128xi32, #tpu.memory_space<hbm>>
        tpu.wait_dma2 semaphore(%run_scoped3A : memref<!tpu.dma_semaphore, #tpu.memory_space<semaphore_mem>>) src(%arg7 : memref<128xi32, #tpu.memory_space<vmem>>) dst(%dma_wait3A_132 : memref<128xi32, #tpu.memory_space<hbm>>)
        tpu.yield
      }) : () -> ()
    }
    %scan3A_45 = arith.constant 13 : i32
    %add3A_46 = arith.constant 832 : i32
    %add3A_47 = arith.addi %add3A, %add3A_46 : i32
    %mul3A_48 = arith.constant 128 : i32
    %mul3A_49 = arith.muli %add3A_47, %mul3A_48 : i32
    %min3A_50 = arith.constant 99872 : i32
    %min3A_51 = arith.minsi %mul3A_49, %min3A_50 : i32
    %mul3A_52 = arith.constant 128 : i32
    %mul3A_53 = arith.muli %min3A_51, %mul3A_52 : i32
    %dma_wait3A = tpu.memref_slice %arg2[%mul3A_53] : memref<12800000xf32, #tpu.memory_space<hbm>> -> memref<16384xf32, #tpu.memory_space<hbm>>
    %dma_wait3A_54 = tpu.memref_slice %arg2[%mul3A_53] : memref<12800000xf32, #tpu.memory_space<hbm>> -> memref<16384xf32, #tpu.memory_space<hbm>>
    tpu.wait_dma2 semaphore(%arg9 : memref<!tpu.dma_semaphore, #tpu.memory_space<semaphore_mem>>) src(%dma_wait3A_54 : memref<16384xf32, #tpu.memory_space<hbm>>) dst(%arg5 : memref<16384xf32, #tpu.memory_space<vmem>>)
    return
  }
}

#map = affine_map<(d0, d1) -> (0)>
#map1 = affine_map<(d0, d1) -> (0, 0)>
module attributes {stable_mosaic.version = 14 : i64} {
  func.func @_pool_body(%arg0: i32, %arg1: i32, %arg2: memref<819200xi32, #tpu.memory_space<hbm>>, %arg3: memref<100000xi32, #tpu.memory_space<hbm>>, %arg4: memref<32xf32, #tpu.memory_space<hbm>>, %arg5: memref<4096x2xf32, #tpu.memory_space<hbm>>, %arg6: memref<6416xi32, #tpu.memory_space<vmem>>, %arg7: memref<100000xi32, #tpu.memory_space<vmem>>, %arg8: memref<512xf32, #tpu.memory_space<vmem>>, %arg9: memref<512xf32, #tpu.memory_space<vmem>>, %arg10: memref<128x2xf32, #tpu.memory_space<vmem>>, %arg11: memref<32xf32, #tpu.memory_space<vmem>>) attributes {dimension_semantics = [#tpu.dimension_semantics<core_parallel>, #tpu.dimension_semantics<subcore_parallel>], iteration_bounds = array<i64: 2, 16>, scalar_prefetch = 0 : i64, scratch_operands = 6 : i64, tpu.core_type = #tpu.core_type<sc_vector_subcore>, window_params = [{transform_indices = #map}, {transform_indices = #map}, {transform_indices = #map}, {transform_indices = #map1}]} {
    %mul3A = arith.constant 2 : i32
    %mul3A_0 = arith.muli %arg1, %mul3A : i32
    %add3A = arith.addi %mul3A_0, %arg0 : i32
    %mul3A_1 = arith.constant 25600 : i32
    %mul3A_2 = arith.muli %add3A, %mul3A_1 : i32
    %iota3A = tpu.iota {dimensions = array<i32: 0>} : vector<16xi32>
    %lt3A = arith.constant 8 : i32
    %lt3A_3 = vector.broadcast %lt3A : i32 to vector<16xi32>
    %lt3A_4 = arith.cmpi slt, %iota3A, %lt3A_3 : vector<16xi32>
    %iota3A_5 = tpu.iota {dimensions = array<i32: 0>} : vector<16xi32>
    "tpu.region"() ({
      %run_scoped3A = tpu.sem_alloc : memref<!tpu.dma_semaphore, #tpu.memory_space<semaphore_mem>>
      tpu.enqueue_dma source(%arg4 : memref<32xf32, #tpu.memory_space<hbm>>) target(%arg11 : memref<32xf32, #tpu.memory_space<vmem>>) target_semaphore(%run_scoped3A : memref<!tpu.dma_semaphore, #tpu.memory_space<semaphore_mem>>)
      tpu.wait_dma2 semaphore(%run_scoped3A : memref<!tpu.dma_semaphore, #tpu.memory_space<semaphore_mem>>) src(%arg4 : memref<32xf32, #tpu.memory_space<hbm>>) dst(%arg11 : memref<32xf32, #tpu.memory_space<vmem>>)
      tpu.yield
    }) : () -> ()
    "tpu.region"() ({
      %run_scoped3A = tpu.sem_alloc : memref<!tpu.dma_semaphore, #tpu.memory_space<semaphore_mem>>
      tpu.enqueue_dma source(%arg3 : memref<100000xi32, #tpu.memory_space<hbm>>) target(%arg7 : memref<100000xi32, #tpu.memory_space<vmem>>) target_semaphore(%run_scoped3A : memref<!tpu.dma_semaphore, #tpu.memory_space<semaphore_mem>>)
      tpu.wait_dma2 semaphore(%run_scoped3A : memref<!tpu.dma_semaphore, #tpu.memory_space<semaphore_mem>>) src(%arg3 : memref<100000xi32, #tpu.memory_space<hbm>>) dst(%arg7 : memref<100000xi32, #tpu.memory_space<vmem>>)
      tpu.yield
    }) : () -> ()
    %add3A_6 = arith.constant 0 : i32
    %add3A_7 = arith.addi %mul3A_2, %add3A_6 : i32
    "tpu.region"() ({
      %run_scoped3A = tpu.sem_alloc : memref<!tpu.dma_semaphore, #tpu.memory_space<semaphore_mem>>
      %dma_start3A = arith.constant 0 : i32
      %dma_start3A_53 = tpu.memref_slice %arg6[%dma_start3A] : memref<6416xi32, #tpu.memory_space<vmem>> -> memref<6400xi32, #tpu.memory_space<vmem>>
      %dma_start3A_54 = tpu.memref_slice %arg2[%add3A_7] : memref<819200xi32, #tpu.memory_space<hbm>> -> memref<6400xi32, #tpu.memory_space<hbm>>
      %dma_start3A_55 = arith.constant 0 : i32
      %dma_start3A_56 = tpu.memref_slice %arg6[%dma_start3A_55] : memref<6416xi32, #tpu.memory_space<vmem>> -> memref<6400xi32, #tpu.memory_space<vmem>>
      %dma_start3A_57 = tpu.memref_slice %arg2[%add3A_7] : memref<819200xi32, #tpu.memory_space<hbm>> -> memref<6400xi32, #tpu.memory_space<hbm>>
      tpu.enqueue_dma source(%dma_start3A_57 : memref<6400xi32, #tpu.memory_space<hbm>>) target(%dma_start3A_56 : memref<6400xi32, #tpu.memory_space<vmem>>) target_semaphore(%run_scoped3A : memref<!tpu.dma_semaphore, #tpu.memory_space<semaphore_mem>>)
      %dma_wait3A = arith.constant 0 : i32
      %dma_wait3A_58 = tpu.memref_slice %arg6[%dma_wait3A] : memref<6416xi32, #tpu.memory_space<vmem>> -> memref<6400xi32, #tpu.memory_space<vmem>>
      %dma_wait3A_59 = tpu.memref_slice %arg2[%add3A_7] : memref<819200xi32, #tpu.memory_space<hbm>> -> memref<6400xi32, #tpu.memory_space<hbm>>
      %dma_wait3A_60 = arith.constant 0 : i32
      %dma_wait3A_61 = tpu.memref_slice %arg6[%dma_wait3A_60] : memref<6416xi32, #tpu.memory_space<vmem>> -> memref<6400xi32, #tpu.memory_space<vmem>>
      %dma_wait3A_62 = tpu.memref_slice %arg2[%add3A_7] : memref<819200xi32, #tpu.memory_space<hbm>> -> memref<6400xi32, #tpu.memory_space<hbm>>
      tpu.wait_dma2 semaphore(%run_scoped3A : memref<!tpu.dma_semaphore, #tpu.memory_space<semaphore_mem>>) src(%dma_wait3A_62 : memref<6400xi32, #tpu.memory_space<hbm>>) dst(%dma_wait3A_61 : memref<6400xi32, #tpu.memory_space<vmem>>)
      tpu.yield
    }) : () -> ()
    %broadcast_in_dim3A = arith.constant 0 : i32
    %broadcast_in_dim3A_8 = vector.broadcast %broadcast_in_dim3A : i32 to vector<16xi32>
    %swap3A = arith.constant 6400 : index
    %swap3A_9 = tpu.vector_load %arg6[%swap3A] {strides = array<i32>} : memref<6416xi32, #tpu.memory_space<vmem>>, vector<16xi32>,
    tpu.vector_store %arg6[%swap3A], %broadcast_in_dim3A_8 {strides = array<i32>} : memref<6416xi32, #tpu.memory_space<vmem>>, vector<16xi32>,
    %parallel_loop3A = arith.constant 0 : i32
    %parallel_loop3A_10 = arith.constant 32 : i32
    %parallel_loop3A_11 = arith.constant 1 : i32
    scf.for %parallel_loop3A_53 = %parallel_loop3A to %parallel_loop3A_10 step %parallel_loop3A_11  : i32 {
      %parallel_loop3A_54 = arith.constant 200 : i32
      %parallel_loop3A_55 = arith.muli %parallel_loop3A_53, %parallel_loop3A_54 : i32
      %parallel_loop3A_56 = arith.constant 0.000000e+00 : f32
      %parallel_loop3A_57 = vector.broadcast %parallel_loop3A_56 : f32 to vector<16xf32>
      %parallel_loop3A_58 = arith.constant 0.000000e+00 : f32
      %parallel_loop3A_59 = vector.broadcast %parallel_loop3A_58 : f32 to vector<16xf32>
      %parallel_loop3A_60 = arith.constant 0 : i32
      %parallel_loop3A_61 = arith.addi %parallel_loop3A_55, %parallel_loop3A_60 : i32
      %parallel_loop3A_62 = arith.index_cast %parallel_loop3A_61 : i32 to index
      %parallel_loop3A_63 = tpu.vector_load %arg6[%parallel_loop3A_62] {strides = array<i32>} : memref<6416xi32, #tpu.memory_space<vmem>>, vector<16xi32>,
      %parallel_loop3A_64 = tpu.vector_load_idx %arg7[%parallel_loop3A_63] : memref<100000xi32, #tpu.memory_space<vmem>>[vector<16xi32>], vector<16xi32>,
      %parallel_loop3A_65 = arith.constant 16 : i32
      %parallel_loop3A_66 = vector.broadcast %parallel_loop3A_65 : i32 to vector<16xi32>
      %parallel_loop3A_67 = arith.shli %parallel_loop3A_64, %parallel_loop3A_66 : vector<16xi32>
      %parallel_loop3A_68 = vector.bitcast %parallel_loop3A_67 : vector<16xi32> to vector<16xf32>
      %parallel_loop3A_69 = arith.constant -65536 : i32
      %parallel_loop3A_70 = vector.broadcast %parallel_loop3A_69 : i32 to vector<16xi32>
      %parallel_loop3A_71 = arith.andi %parallel_loop3A_64, %parallel_loop3A_70 : vector<16xi32>
      %parallel_loop3A_72 = vector.bitcast %parallel_loop3A_71 : vector<16xi32> to vector<16xf32>
      %parallel_loop3A_73 = arith.addf %parallel_loop3A_57, %parallel_loop3A_68 : vector<16xf32>
      %parallel_loop3A_74 = arith.addf %parallel_loop3A_59, %parallel_loop3A_72 : vector<16xf32>
      %parallel_loop3A_75 = arith.constant 16 : i32
      %parallel_loop3A_76 = arith.addi %parallel_loop3A_55, %parallel_loop3A_75 : i32
      %parallel_loop3A_77 = arith.index_cast %parallel_loop3A_76 : i32 to index
      %parallel_loop3A_78 = tpu.vector_load %arg6[%parallel_loop3A_77] {strides = array<i32>} : memref<6416xi32, #tpu.memory_space<vmem>>, vector<16xi32>,
      %parallel_loop3A_79 = tpu.vector_load_idx %arg7[%parallel_loop3A_78] : memref<100000xi32, #tpu.memory_space<vmem>>[vector<16xi32>], vector<16xi32>,
      %parallel_loop3A_80 = arith.constant 16 : i32
      %parallel_loop3A_81 = vector.broadcast %parallel_loop3A_80 : i32 to vector<16xi32>
      %parallel_loop3A_82 = arith.shli %parallel_loop3A_79, %parallel_loop3A_81 : vector<16xi32>
      %parallel_loop3A_83 = vector.bitcast %parallel_loop3A_82 : vector<16xi32> to vector<16xf32>
      %parallel_loop3A_84 = arith.constant -65536 : i32
      %parallel_loop3A_85 = vector.broadcast %parallel_loop3A_84 : i32 to vector<16xi32>
      %parallel_loop3A_86 = arith.andi %parallel_loop3A_79, %parallel_loop3A_85 : vector<16xi32>
      %parallel_loop3A_87 = vector.bitcast %parallel_loop3A_86 : vector<16xi32> to vector<16xf32>
      %parallel_loop3A_88 = arith.addf %parallel_loop3A_73, %parallel_loop3A_83 : vector<16xf32>
      %parallel_loop3A_89 = arith.addf %parallel_loop3A_74, %parallel_loop3A_87 : vector<16xf32>
      %parallel_loop3A_90 = arith.constant 32 : i32
      %parallel_loop3A_91 = arith.addi %parallel_loop3A_55, %parallel_loop3A_90 : i32
      %parallel_loop3A_92 = arith.index_cast %parallel_loop3A_91 : i32 to index
      %parallel_loop3A_93 = tpu.vector_load %arg6[%parallel_loop3A_92] {strides = array<i32>} : memref<6416xi32, #tpu.memory_space<vmem>>, vector<16xi32>,
      %parallel_loop3A_94 = tpu.vector_load_idx %arg7[%parallel_loop3A_93] : memref<100000xi32, #tpu.memory_space<vmem>>[vector<16xi32>], vector<16xi32>,
      %parallel_loop3A_95 = arith.constant 16 : i32
      %parallel_loop3A_96 = vector.broadcast %parallel_loop3A_95 : i32 to vector<16xi32>
      %parallel_loop3A_97 = arith.shli %parallel_loop3A_94, %parallel_loop3A_96 : vector<16xi32>
      %parallel_loop3A_98 = vector.bitcast %parallel_loop3A_97 : vector<16xi32> to vector<16xf32>
      %parallel_loop3A_99 = arith.constant -65536 : i32
      %parallel_loop3A_100 = vector.broadcast %parallel_loop3A_99 : i32 to vector<16xi32>
      %parallel_loop3A_101 = arith.andi %parallel_loop3A_94, %parallel_loop3A_100 : vector<16xi32>
      %parallel_loop3A_102 = vector.bitcast %parallel_loop3A_101 : vector<16xi32> to vector<16xf32>
      %parallel_loop3A_103 = arith.addf %parallel_loop3A_88, %parallel_loop3A_98 : vector<16xf32>
      %parallel_loop3A_104 = arith.addf %parallel_loop3A_89, %parallel_loop3A_102 : vector<16xf32>
      %parallel_loop3A_105 = arith.constant 48 : i32
      %parallel_loop3A_106 = arith.addi %parallel_loop3A_55, %parallel_loop3A_105 : i32
      %parallel_loop3A_107 = arith.index_cast %parallel_loop3A_106 : i32 to index
      %parallel_loop3A_108 = tpu.vector_load %arg6[%parallel_loop3A_107] {strides = array<i32>} : memref<6416xi32, #tpu.memory_space<vmem>>, vector<16xi32>,
      %parallel_loop3A_109 = tpu.vector_load_idx %arg7[%parallel_loop3A_108] : memref<100000xi32, #tpu.memory_space<vmem>>[vector<16xi32>], vector<16xi32>,
      %parallel_loop3A_110 = arith.constant 16 : i32
      %parallel_loop3A_111 = vector.broadcast %parallel_loop3A_110 : i32 to vector<16xi32>
      %parallel_loop3A_112 = arith.shli %parallel_loop3A_109, %parallel_loop3A_111 : vector<16xi32>
      %parallel_loop3A_113 = vector.bitcast %parallel_loop3A_112 : vector<16xi32> to vector<16xf32>
      %parallel_loop3A_114 = arith.constant -65536 : i32
      %parallel_loop3A_115 = vector.broadcast %parallel_loop3A_114 : i32 to vector<16xi32>
      %parallel_loop3A_116 = arith.andi %parallel_loop3A_109, %parallel_loop3A_115 : vector<16xi32>
      %parallel_loop3A_117 = vector.bitcast %parallel_loop3A_116 : vector<16xi32> to vector<16xf32>
      %parallel_loop3A_118 = arith.addf %parallel_loop3A_103, %parallel_loop3A_113 : vector<16xf32>
      %parallel_loop3A_119 = arith.addf %parallel_loop3A_104, %parallel_loop3A_117 : vector<16xf32>
      %parallel_loop3A_120 = arith.constant 64 : i32
      %parallel_loop3A_121 = arith.addi %parallel_loop3A_55, %parallel_loop3A_120 : i32
      %parallel_loop3A_122 = arith.index_cast %parallel_loop3A_121 : i32 to index
      %parallel_loop3A_123 = tpu.vector_load %arg6[%parallel_loop3A_122] {strides = array<i32>} : memref<6416xi32, #tpu.memory_space<vmem>>, vector<16xi32>,
      %parallel_loop3A_124 = tpu.vector_load_idx %arg7[%parallel_loop3A_123] : memref<100000xi32, #tpu.memory_space<vmem>>[vector<16xi32>], vector<16xi32>,
      %parallel_loop3A_125 = arith.constant 16 : i32
      %parallel_loop3A_126 = vector.broadcast %parallel_loop3A_125 : i32 to vector<16xi32>
      %parallel_loop3A_127 = arith.shli %parallel_loop3A_124, %parallel_loop3A_126 : vector<16xi32>
      %parallel_loop3A_128 = vector.bitcast %parallel_loop3A_127 : vector<16xi32> to vector<16xf32>
      %parallel_loop3A_129 = arith.constant -65536 : i32
      %parallel_loop3A_130 = vector.broadcast %parallel_loop3A_129 : i32 to vector<16xi32>
      %parallel_loop3A_131 = arith.andi %parallel_loop3A_124, %parallel_loop3A_130 : vector<16xi32>
      %parallel_loop3A_132 = vector.bitcast %parallel_loop3A_131 : vector<16xi32> to vector<16xf32>
      %parallel_loop3A_133 = arith.addf %parallel_loop3A_118, %parallel_loop3A_128 : vector<16xf32>
      %parallel_loop3A_134 = arith.addf %parallel_loop3A_119, %parallel_loop3A_132 : vector<16xf32>
      %parallel_loop3A_135 = arith.constant 80 : i32
      %parallel_loop3A_136 = arith.addi %parallel_loop3A_55, %parallel_loop3A_135 : i32
      %parallel_loop3A_137 = arith.index_cast %parallel_loop3A_136 : i32 to index
      %parallel_loop3A_138 = tpu.vector_load %arg6[%parallel_loop3A_137] {strides = array<i32>} : memref<6416xi32, #tpu.memory_space<vmem>>, vector<16xi32>,
      %parallel_loop3A_139 = tpu.vector_load_idx %arg7[%parallel_loop3A_138] : memref<100000xi32, #tpu.memory_space<vmem>>[vector<16xi32>], vector<16xi32>,
      %parallel_loop3A_140 = arith.constant 16 : i32
      %parallel_loop3A_141 = vector.broadcast %parallel_loop3A_140 : i32 to vector<16xi32>
      %parallel_loop3A_142 = arith.shli %parallel_loop3A_139, %parallel_loop3A_141 : vector<16xi32>
      %parallel_loop3A_143 = vector.bitcast %parallel_loop3A_142 : vector<16xi32> to vector<16xf32>
      %parallel_loop3A_144 = arith.constant -65536 : i32
      %parallel_loop3A_145 = vector.broadcast %parallel_loop3A_144 : i32 to vector<16xi32>
      %parallel_loop3A_146 = arith.andi %parallel_loop3A_139, %parallel_loop3A_145 : vector<16xi32>
      %parallel_loop3A_147 = vector.bitcast %parallel_loop3A_146 : vector<16xi32> to vector<16xf32>
      %parallel_loop3A_148 = arith.addf %parallel_loop3A_133, %parallel_loop3A_143 : vector<16xf32>
      %parallel_loop3A_149 = arith.addf %parallel_loop3A_134, %parallel_loop3A_147 : vector<16xf32>
      %parallel_loop3A_150 = arith.constant 96 : i32
      %parallel_loop3A_151 = arith.addi %parallel_loop3A_55, %parallel_loop3A_150 : i32
      %parallel_loop3A_152 = arith.index_cast %parallel_loop3A_151 : i32 to index
      %parallel_loop3A_153 = tpu.vector_load %arg6[%parallel_loop3A_152] {strides = array<i32>} : memref<6416xi32, #tpu.memory_space<vmem>>, vector<16xi32>,
      %parallel_loop3A_154 = tpu.vector_load_idx %arg7[%parallel_loop3A_153] : memref<100000xi32, #tpu.memory_space<vmem>>[vector<16xi32>], vector<16xi32>,
      %parallel_loop3A_155 = arith.constant 16 : i32
      %parallel_loop3A_156 = vector.broadcast %parallel_loop3A_155 : i32 to vector<16xi32>
      %parallel_loop3A_157 = arith.shli %parallel_loop3A_154, %parallel_loop3A_156 : vector<16xi32>
      %parallel_loop3A_158 = vector.bitcast %parallel_loop3A_157 : vector<16xi32> to vector<16xf32>
      %parallel_loop3A_159 = arith.constant -65536 : i32
      %parallel_loop3A_160 = vector.broadcast %parallel_loop3A_159 : i32 to vector<16xi32>
      %parallel_loop3A_161 = arith.andi %parallel_loop3A_154, %parallel_loop3A_160 : vector<16xi32>
      %parallel_loop3A_162 = vector.bitcast %parallel_loop3A_161 : vector<16xi32> to vector<16xf32>
      %parallel_loop3A_163 = arith.addf %parallel_loop3A_148, %parallel_loop3A_158 : vector<16xf32>
      %parallel_loop3A_164 = arith.addf %parallel_loop3A_149, %parallel_loop3A_162 : vector<16xf32>
      %parallel_loop3A_165 = arith.constant 112 : i32
      %parallel_loop3A_166 = arith.addi %parallel_loop3A_55, %parallel_loop3A_165 : i32
      %parallel_loop3A_167 = arith.index_cast %parallel_loop3A_166 : i32 to index
      %parallel_loop3A_168 = tpu.vector_load %arg6[%parallel_loop3A_167] {strides = array<i32>} : memref<6416xi32, #tpu.memory_space<vmem>>, vector<16xi32>,
      %parallel_loop3A_169 = tpu.vector_load_idx %arg7[%parallel_loop3A_168] : memref<100000xi32, #tpu.memory_space<vmem>>[vector<16xi32>], vector<16xi32>,
      %parallel_loop3A_170 = arith.constant 16 : i32
      %parallel_loop3A_171 = vector.broadcast %parallel_loop3A_170 : i32 to vector<16xi32>
      %parallel_loop3A_172 = arith.shli %parallel_loop3A_169, %parallel_loop3A_171 : vector<16xi32>
      %parallel_loop3A_173 = vector.bitcast %parallel_loop3A_172 : vector<16xi32> to vector<16xf32>
      %parallel_loop3A_174 = arith.constant -65536 : i32
      %parallel_loop3A_175 = vector.broadcast %parallel_loop3A_174 : i32 to vector<16xi32>
      %parallel_loop3A_176 = arith.andi %parallel_loop3A_169, %parallel_loop3A_175 : vector<16xi32>
      %parallel_loop3A_177 = vector.bitcast %parallel_loop3A_176 : vector<16xi32> to vector<16xf32>
      %parallel_loop3A_178 = arith.addf %parallel_loop3A_163, %parallel_loop3A_173 : vector<16xf32>
      %parallel_loop3A_179 = arith.addf %parallel_loop3A_164, %parallel_loop3A_177 : vector<16xf32>
      %parallel_loop3A_180 = arith.constant 128 : i32
      %parallel_loop3A_181 = arith.addi %parallel_loop3A_55, %parallel_loop3A_180 : i32
      %parallel_loop3A_182 = arith.index_cast %parallel_loop3A_181 : i32 to index
      %parallel_loop3A_183 = tpu.vector_load %arg6[%parallel_loop3A_182] {strides = array<i32>} : memref<6416xi32, #tpu.memory_space<vmem>>, vector<16xi32>,
      %parallel_loop3A_184 = tpu.vector_load_idx %arg7[%parallel_loop3A_183] : memref<100000xi32, #tpu.memory_space<vmem>>[vector<16xi32>], vector<16xi32>,
      %parallel_loop3A_185 = arith.constant 16 : i32
      %parallel_loop3A_186 = vector.broadcast %parallel_loop3A_185 : i32 to vector<16xi32>
      %parallel_loop3A_187 = arith.shli %parallel_loop3A_184, %parallel_loop3A_186 : vector<16xi32>
      %parallel_loop3A_188 = vector.bitcast %parallel_loop3A_187 : vector<16xi32> to vector<16xf32>
      %parallel_loop3A_189 = arith.constant -65536 : i32
      %parallel_loop3A_190 = vector.broadcast %parallel_loop3A_189 : i32 to vector<16xi32>
      %parallel_loop3A_191 = arith.andi %parallel_loop3A_184, %parallel_loop3A_190 : vector<16xi32>
      %parallel_loop3A_192 = vector.bitcast %parallel_loop3A_191 : vector<16xi32> to vector<16xf32>
      %parallel_loop3A_193 = arith.addf %parallel_loop3A_178, %parallel_loop3A_188 : vector<16xf32>
      %parallel_loop3A_194 = arith.addf %parallel_loop3A_179, %parallel_loop3A_192 : vector<16xf32>
      %parallel_loop3A_195 = arith.constant 144 : i32
      %parallel_loop3A_196 = arith.addi %parallel_loop3A_55, %parallel_loop3A_195 : i32
      %parallel_loop3A_197 = arith.index_cast %parallel_loop3A_196 : i32 to index
      %parallel_loop3A_198 = tpu.vector_load %arg6[%parallel_loop3A_197] {strides = array<i32>} : memref<6416xi32, #tpu.memory_space<vmem>>, vector<16xi32>,
      %parallel_loop3A_199 = tpu.vector_load_idx %arg7[%parallel_loop3A_198] : memref<100000xi32, #tpu.memory_space<vmem>>[vector<16xi32>], vector<16xi32>,
      %parallel_loop3A_200 = arith.constant 16 : i32
      %parallel_loop3A_201 = vector.broadcast %parallel_loop3A_200 : i32 to vector<16xi32>
      %parallel_loop3A_202 = arith.shli %parallel_loop3A_199, %parallel_loop3A_201 : vector<16xi32>
      %parallel_loop3A_203 = vector.bitcast %parallel_loop3A_202 : vector<16xi32> to vector<16xf32>
      %parallel_loop3A_204 = arith.constant -65536 : i32
      %parallel_loop3A_205 = vector.broadcast %parallel_loop3A_204 : i32 to vector<16xi32>
      %parallel_loop3A_206 = arith.andi %parallel_loop3A_199, %parallel_loop3A_205 : vector<16xi32>
      %parallel_loop3A_207 = vector.bitcast %parallel_loop3A_206 : vector<16xi32> to vector<16xf32>
      %parallel_loop3A_208 = arith.addf %parallel_loop3A_193, %parallel_loop3A_203 : vector<16xf32>
      %parallel_loop3A_209 = arith.addf %parallel_loop3A_194, %parallel_loop3A_207 : vector<16xf32>
      %parallel_loop3A_210 = arith.constant 160 : i32
      %parallel_loop3A_211 = arith.addi %parallel_loop3A_55, %parallel_loop3A_210 : i32
      %parallel_loop3A_212 = arith.index_cast %parallel_loop3A_211 : i32 to index
      %parallel_loop3A_213 = tpu.vector_load %arg6[%parallel_loop3A_212] {strides = array<i32>} : memref<6416xi32, #tpu.memory_space<vmem>>, vector<16xi32>,
      %parallel_loop3A_214 = tpu.vector_load_idx %arg7[%parallel_loop3A_213] : memref<100000xi32, #tpu.memory_space<vmem>>[vector<16xi32>], vector<16xi32>,
      %parallel_loop3A_215 = arith.constant 16 : i32
      %parallel_loop3A_216 = vector.broadcast %parallel_loop3A_215 : i32 to vector<16xi32>
      %parallel_loop3A_217 = arith.shli %parallel_loop3A_214, %parallel_loop3A_216 : vector<16xi32>
      %parallel_loop3A_218 = vector.bitcast %parallel_loop3A_217 : vector<16xi32> to vector<16xf32>
      %parallel_loop3A_219 = arith.constant -65536 : i32
      %parallel_loop3A_220 = vector.broadcast %parallel_loop3A_219 : i32 to vector<16xi32>
      %parallel_loop3A_221 = arith.andi %parallel_loop3A_214, %parallel_loop3A_220 : vector<16xi32>
      %parallel_loop3A_222 = vector.bitcast %parallel_loop3A_221 : vector<16xi32> to vector<16xf32>
      %parallel_loop3A_223 = arith.addf %parallel_loop3A_208, %parallel_loop3A_218 : vector<16xf32>
      %parallel_loop3A_224 = arith.addf %parallel_loop3A_209, %parallel_loop3A_222 : vector<16xf32>
      %parallel_loop3A_225 = arith.constant 176 : i32
      %parallel_loop3A_226 = arith.addi %parallel_loop3A_55, %parallel_loop3A_225 : i32
      %parallel_loop3A_227 = arith.index_cast %parallel_loop3A_226 : i32 to index
      %parallel_loop3A_228 = tpu.vector_load %arg6[%parallel_loop3A_227] {strides = array<i32>} : memref<6416xi32, #tpu.memory_space<vmem>>, vector<16xi32>,
      %parallel_loop3A_229 = tpu.vector_load_idx %arg7[%parallel_loop3A_228] : memref<100000xi32, #tpu.memory_space<vmem>>[vector<16xi32>], vector<16xi32>,
      %parallel_loop3A_230 = arith.constant 16 : i32
      %parallel_loop3A_231 = vector.broadcast %parallel_loop3A_230 : i32 to vector<16xi32>
      %parallel_loop3A_232 = arith.shli %parallel_loop3A_229, %parallel_loop3A_231 : vector<16xi32>
      %parallel_loop3A_233 = vector.bitcast %parallel_loop3A_232 : vector<16xi32> to vector<16xf32>
      %parallel_loop3A_234 = arith.constant -65536 : i32
      %parallel_loop3A_235 = vector.broadcast %parallel_loop3A_234 : i32 to vector<16xi32>
      %parallel_loop3A_236 = arith.andi %parallel_loop3A_229, %parallel_loop3A_235 : vector<16xi32>
      %parallel_loop3A_237 = vector.bitcast %parallel_loop3A_236 : vector<16xi32> to vector<16xf32>
      %parallel_loop3A_238 = arith.addf %parallel_loop3A_223, %parallel_loop3A_233 : vector<16xf32>
      %parallel_loop3A_239 = arith.addf %parallel_loop3A_224, %parallel_loop3A_237 : vector<16xf32>
      %parallel_loop3A_240 = arith.constant 192 : i32
      %parallel_loop3A_241 = arith.addi %parallel_loop3A_55, %parallel_loop3A_240 : i32
      %parallel_loop3A_242 = arith.index_cast %parallel_loop3A_241 : i32 to index
      %parallel_loop3A_243 = tpu.vector_load %arg6[%parallel_loop3A_242] {strides = array<i32>} : memref<6416xi32, #tpu.memory_space<vmem>>, vector<16xi32>,
      %parallel_loop3A_244 = tpu.vector_load_idx %arg7[%parallel_loop3A_243] : memref<100000xi32, #tpu.memory_space<vmem>>[vector<16xi32>], vector<16xi32>,
      %parallel_loop3A_245 = arith.constant 16 : i32
      %parallel_loop3A_246 = vector.broadcast %parallel_loop3A_245 : i32 to vector<16xi32>
      %parallel_loop3A_247 = arith.shli %parallel_loop3A_244, %parallel_loop3A_246 : vector<16xi32>
      %parallel_loop3A_248 = vector.bitcast %parallel_loop3A_247 : vector<16xi32> to vector<16xf32>
      %parallel_loop3A_249 = arith.constant -65536 : i32
      %parallel_loop3A_250 = vector.broadcast %parallel_loop3A_249 : i32 to vector<16xi32>
      %parallel_loop3A_251 = arith.andi %parallel_loop3A_244, %parallel_loop3A_250 : vector<16xi32>
      %parallel_loop3A_252 = vector.bitcast %parallel_loop3A_251 : vector<16xi32> to vector<16xf32>
      %parallel_loop3A_253 = arith.constant 0.000000e+00 : f32
      %parallel_loop3A_254 = vector.broadcast %parallel_loop3A_253 : f32 to vector<16xf32>
      %parallel_loop3A_255 = arith.select %lt3A_4, %parallel_loop3A_248, %parallel_loop3A_254 : vector<16xi1>, vector<16xf32>
      %parallel_loop3A_256 = arith.addf %parallel_loop3A_238, %parallel_loop3A_255 : vector<16xf32>
      %parallel_loop3A_257 = arith.constant 0.000000e+00 : f32
      %parallel_loop3A_258 = vector.broadcast %parallel_loop3A_257 : f32 to vector<16xf32>
      %parallel_loop3A_259 = arith.select %lt3A_4, %parallel_loop3A_252, %parallel_loop3A_258 : vector<16xi1>, vector<16xf32>
      %parallel_loop3A_260 = arith.addf %parallel_loop3A_239, %parallel_loop3A_259 : vector<16xf32>
      %parallel_loop3A_261 = arith.constant 16 : i32
      %parallel_loop3A_262 = arith.muli %parallel_loop3A_53, %parallel_loop3A_261 : i32
      %parallel_loop3A_263 = arith.index_cast %parallel_loop3A_262 : i32 to index
      %parallel_loop3A_264 = tpu.vector_load %arg8[%parallel_loop3A_263] {strides = array<i32>} : memref<512xf32, #tpu.memory_space<vmem>>, vector<16xf32>,
      tpu.vector_store %arg8[%parallel_loop3A_263], %parallel_loop3A_256 {strides = array<i32>} : memref<512xf32, #tpu.memory_space<vmem>>, vector<16xf32>,
      %parallel_loop3A_265 = arith.constant 16 : i32
      %parallel_loop3A_266 = arith.muli %parallel_loop3A_53, %parallel_loop3A_265 : i32
      %parallel_loop3A_267 = arith.index_cast %parallel_loop3A_266 : i32 to index
      %parallel_loop3A_268 = tpu.vector_load %arg9[%parallel_loop3A_267] {strides = array<i32>} : memref<512xf32, #tpu.memory_space<vmem>>, vector<16xf32>,
      tpu.vector_store %arg9[%parallel_loop3A_267], %parallel_loop3A_260 {strides = array<i32>} : memref<512xf32, #tpu.memory_space<vmem>>, vector<16xf32>,
    } {sc.loop_unroll_factor = 4 : i64, sc.parallel_access}
    %parallel_loop3A_12 = arith.constant 0 : i32
    %parallel_loop3A_13 = arith.constant 2 : i32
    %parallel_loop3A_14 = arith.constant 1 : i32
    scf.for %parallel_loop3A_53 = %parallel_loop3A_12 to %parallel_loop3A_13 step %parallel_loop3A_14  : i32 {
      %parallel_loop3A_54 = arith.constant 16 : i32
      %parallel_loop3A_55 = arith.muli %parallel_loop3A_53, %parallel_loop3A_54 : i32
      %parallel_loop3A_56 = arith.constant 16 : i32
      %parallel_loop3A_57 = arith.muli %parallel_loop3A_55, %parallel_loop3A_56 : i32
      %parallel_loop3A_58 = arith.constant 0.000000e+00 : f32
      %parallel_loop3A_59 = vector.broadcast %parallel_loop3A_58 : f32 to vector<16xf32>
      %parallel_loop3A_60 = arith.constant 0.000000e+00 : f32
      %parallel_loop3A_61 = vector.broadcast %parallel_loop3A_60 : f32 to vector<16xf32>
      %parallel_loop3A_62 = arith.constant 16 : i32
      %parallel_loop3A_63 = vector.broadcast %parallel_loop3A_62 : i32 to vector<16xi32>
      %parallel_loop3A_64 = arith.muli %iota3A_5, %parallel_loop3A_63 : vector<16xi32>
      %parallel_loop3A_65 = vector.broadcast %parallel_loop3A_57 : i32 to vector<16xi32>
      %parallel_loop3A_66 = arith.addi %parallel_loop3A_65, %parallel_loop3A_64 : vector<16xi32>
      %parallel_loop3A_67 = arith.constant 0 : i32
      %parallel_loop3A_68 = vector.broadcast %parallel_loop3A_67 : i32 to vector<16xi32>
      %parallel_loop3A_69 = arith.addi %parallel_loop3A_66, %parallel_loop3A_68 : vector<16xi32>
      %parallel_loop3A_70 = tpu.vector_load_idx %arg8[%parallel_loop3A_69] : memref<512xf32, #tpu.memory_space<vmem>>[vector<16xi32>], vector<16xf32>,
      %parallel_loop3A_71 = arith.addf %parallel_loop3A_59, %parallel_loop3A_70 : vector<16xf32>
      %parallel_loop3A_72 = arith.constant 16 : i32
      %parallel_loop3A_73 = vector.broadcast %parallel_loop3A_72 : i32 to vector<16xi32>
      %parallel_loop3A_74 = arith.muli %iota3A_5, %parallel_loop3A_73 : vector<16xi32>
      %parallel_loop3A_75 = vector.broadcast %parallel_loop3A_57 : i32 to vector<16xi32>
      %parallel_loop3A_76 = arith.addi %parallel_loop3A_75, %parallel_loop3A_74 : vector<16xi32>
      %parallel_loop3A_77 = arith.constant 0 : i32
      %parallel_loop3A_78 = vector.broadcast %parallel_loop3A_77 : i32 to vector<16xi32>
      %parallel_loop3A_79 = arith.addi %parallel_loop3A_76, %parallel_loop3A_78 : vector<16xi32>
      %parallel_loop3A_80 = tpu.vector_load_idx %arg9[%parallel_loop3A_79] : memref<512xf32, #tpu.memory_space<vmem>>[vector<16xi32>], vector<16xf32>,
      %parallel_loop3A_81 = arith.addf %parallel_loop3A_61, %parallel_loop3A_80 : vector<16xf32>
      %parallel_loop3A_82 = arith.constant 16 : i32
      %parallel_loop3A_83 = vector.broadcast %parallel_loop3A_82 : i32 to vector<16xi32>
      %parallel_loop3A_84 = arith.muli %iota3A_5, %parallel_loop3A_83 : vector<16xi32>
      %parallel_loop3A_85 = vector.broadcast %parallel_loop3A_57 : i32 to vector<16xi32>
      %parallel_loop3A_86 = arith.addi %parallel_loop3A_85, %parallel_loop3A_84 : vector<16xi32>
      %parallel_loop3A_87 = arith.constant 1 : i32
      %parallel_loop3A_88 = vector.broadcast %parallel_loop3A_87 : i32 to vector<16xi32>
      %parallel_loop3A_89 = arith.addi %parallel_loop3A_86, %parallel_loop3A_88 : vector<16xi32>
      %parallel_loop3A_90 = tpu.vector_load_idx %arg8[%parallel_loop3A_89] : memref<512xf32, #tpu.memory_space<vmem>>[vector<16xi32>], vector<16xf32>,
      %parallel_loop3A_91 = arith.addf %parallel_loop3A_71, %parallel_loop3A_90 : vector<16xf32>
      %parallel_loop3A_92 = arith.constant 16 : i32
      %parallel_loop3A_93 = vector.broadcast %parallel_loop3A_92 : i32 to vector<16xi32>
      %parallel_loop3A_94 = arith.muli %iota3A_5, %parallel_loop3A_93 : vector<16xi32>
      %parallel_loop3A_95 = vector.broadcast %parallel_loop3A_57 : i32 to vector<16xi32>
      %parallel_loop3A_96 = arith.addi %parallel_loop3A_95, %parallel_loop3A_94 : vector<16xi32>
      %parallel_loop3A_97 = arith.constant 1 : i32
      %parallel_loop3A_98 = vector.broadcast %parallel_loop3A_97 : i32 to vector<16xi32>
      %parallel_loop3A_99 = arith.addi %parallel_loop3A_96, %parallel_loop3A_98 : vector<16xi32>
      %parallel_loop3A_100 = tpu.vector_load_idx %arg9[%parallel_loop3A_99] : memref<512xf32, #tpu.memory_space<vmem>>[vector<16xi32>], vector<16xf32>,
      %parallel_loop3A_101 = arith.addf %parallel_loop3A_81, %parallel_loop3A_100 : vector<16xf32>
      %parallel_loop3A_102 = arith.constant 16 : i32
      %parallel_loop3A_103 = vector.broadcast %parallel_loop3A_102 : i32 to vector<16xi32>
      %parallel_loop3A_104 = arith.muli %iota3A_5, %parallel_loop3A_103 : vector<16xi32>
      %parallel_loop3A_105 = vector.broadcast %parallel_loop3A_57 : i32 to vector<16xi32>
      %parallel_loop3A_106 = arith.addi %parallel_loop3A_105, %parallel_loop3A_104 : vector<16xi32>
      %parallel_loop3A_107 = arith.constant 2 : i32
      %parallel_loop3A_108 = vector.broadcast %parallel_loop3A_107 : i32 to vector<16xi32>
      %parallel_loop3A_109 = arith.addi %parallel_loop3A_106, %parallel_loop3A_108 : vector<16xi32>
      %parallel_loop3A_110 = tpu.vector_load_idx %arg8[%parallel_loop3A_109] : memref<512xf32, #tpu.memory_space<vmem>>[vector<16xi32>], vector<16xf32>,
      %parallel_loop3A_111 = arith.addf %parallel_loop3A_91, %parallel_loop3A_110 : vector<16xf32>
      %parallel_loop3A_112 = arith.constant 16 : i32
      %parallel_loop3A_113 = vector.broadcast %parallel_loop3A_112 : i32 to vector<16xi32>
      %parallel_loop3A_114 = arith.muli %iota3A_5, %parallel_loop3A_113 : vector<16xi32>
      %parallel_loop3A_115 = vector.broadcast %parallel_loop3A_57 : i32 to vector<16xi32>
      %parallel_loop3A_116 = arith.addi %parallel_loop3A_115, %parallel_loop3A_114 : vector<16xi32>
      %parallel_loop3A_117 = arith.constant 2 : i32
      %parallel_loop3A_118 = vector.broadcast %parallel_loop3A_117 : i32 to vector<16xi32>
      %parallel_loop3A_119 = arith.addi %parallel_loop3A_116, %parallel_loop3A_118 : vector<16xi32>
      %parallel_loop3A_120 = tpu.vector_load_idx %arg9[%parallel_loop3A_119] : memref<512xf32, #tpu.memory_space<vmem>>[vector<16xi32>], vector<16xf32>,
      %parallel_loop3A_121 = arith.addf %parallel_loop3A_101, %parallel_loop3A_120 : vector<16xf32>
      %parallel_loop3A_122 = arith.constant 16 : i32
      %parallel_loop3A_123 = vector.broadcast %parallel_loop3A_122 : i32 to vector<16xi32>
      %parallel_loop3A_124 = arith.muli %iota3A_5, %parallel_loop3A_123 : vector<16xi32>
      %parallel_loop3A_125 = vector.broadcast %parallel_loop3A_57 : i32 to vector<16xi32>
      %parallel_loop3A_126 = arith.addi %parallel_loop3A_125, %parallel_loop3A_124 : vector<16xi32>
      %parallel_loop3A_127 = arith.constant 3 : i32
      %parallel_loop3A_128 = vector.broadcast %parallel_loop3A_127 : i32 to vector<16xi32>
      %parallel_loop3A_129 = arith.addi %parallel_loop3A_126, %parallel_loop3A_128 : vector<16xi32>
      %parallel_loop3A_130 = tpu.vector_load_idx %arg8[%parallel_loop3A_129] : memref<512xf32, #tpu.memory_space<vmem>>[vector<16xi32>], vector<16xf32>,
      %parallel_loop3A_131 = arith.addf %parallel_loop3A_111, %parallel_loop3A_130 : vector<16xf32>
      %parallel_loop3A_132 = arith.constant 16 : i32
      %parallel_loop3A_133 = vector.broadcast %parallel_loop3A_132 : i32 to vector<16xi32>
      %parallel_loop3A_134 = arith.muli %iota3A_5, %parallel_loop3A_133 : vector<16xi32>
      %parallel_loop3A_135 = vector.broadcast %parallel_loop3A_57 : i32 to vector<16xi32>
      %parallel_loop3A_136 = arith.addi %parallel_loop3A_135, %parallel_loop3A_134 : vector<16xi32>
      %parallel_loop3A_137 = arith.constant 3 : i32
      %parallel_loop3A_138 = vector.broadcast %parallel_loop3A_137 : i32 to vector<16xi32>
      %parallel_loop3A_139 = arith.addi %parallel_loop3A_136, %parallel_loop3A_138 : vector<16xi32>
      %parallel_loop3A_140 = tpu.vector_load_idx %arg9[%parallel_loop3A_139] : memref<512xf32, #tpu.memory_space<vmem>>[vector<16xi32>], vector<16xf32>,
      %parallel_loop3A_141 = arith.addf %parallel_loop3A_121, %parallel_loop3A_140 : vector<16xf32>
      %parallel_loop3A_142 = arith.constant 16 : i32
      %parallel_loop3A_143 = vector.broadcast %parallel_loop3A_142 : i32 to vector<16xi32>
      %parallel_loop3A_144 = arith.muli %iota3A_5, %parallel_loop3A_143 : vector<16xi32>
      %parallel_loop3A_145 = vector.broadcast %parallel_loop3A_57 : i32 to vector<16xi32>
      %parallel_loop3A_146 = arith.addi %parallel_loop3A_145, %parallel_loop3A_144 : vector<16xi32>
      %parallel_loop3A_147 = arith.constant 4 : i32
      %parallel_loop3A_148 = vector.broadcast %parallel_loop3A_147 : i32 to vector<16xi32>
      %parallel_loop3A_149 = arith.addi %parallel_loop3A_146, %parallel_loop3A_148 : vector<16xi32>
      %parallel_loop3A_150 = tpu.vector_load_idx %arg8[%parallel_loop3A_149] : memref<512xf32, #tpu.memory_space<vmem>>[vector<16xi32>], vector<16xf32>,
      %parallel_loop3A_151 = arith.addf %parallel_loop3A_131, %parallel_loop3A_150 : vector<16xf32>
      %parallel_loop3A_152 = arith.constant 16 : i32
      %parallel_loop3A_153 = vector.broadcast %parallel_loop3A_152 : i32 to vector<16xi32>
      %parallel_loop3A_154 = arith.muli %iota3A_5, %parallel_loop3A_153 : vector<16xi32>
      %parallel_loop3A_155 = vector.broadcast %parallel_loop3A_57 : i32 to vector<16xi32>
      %parallel_loop3A_156 = arith.addi %parallel_loop3A_155, %parallel_loop3A_154 : vector<16xi32>
      %parallel_loop3A_157 = arith.constant 4 : i32
      %parallel_loop3A_158 = vector.broadcast %parallel_loop3A_157 : i32 to vector<16xi32>
      %parallel_loop3A_159 = arith.addi %parallel_loop3A_156, %parallel_loop3A_158 : vector<16xi32>
      %parallel_loop3A_160 = tpu.vector_load_idx %arg9[%parallel_loop3A_159] : memref<512xf32, #tpu.memory_space<vmem>>[vector<16xi32>], vector<16xf32>,
      %parallel_loop3A_161 = arith.addf %parallel_loop3A_141, %parallel_loop3A_160 : vector<16xf32>
      %parallel_loop3A_162 = arith.constant 16 : i32
      %parallel_loop3A_163 = vector.broadcast %parallel_loop3A_162 : i32 to vector<16xi32>
      %parallel_loop3A_164 = arith.muli %iota3A_5, %parallel_loop3A_163 : vector<16xi32>
      %parallel_loop3A_165 = vector.broadcast %parallel_loop3A_57 : i32 to vector<16xi32>
      %parallel_loop3A_166 = arith.addi %parallel_loop3A_165, %parallel_loop3A_164 : vector<16xi32>
      %parallel_loop3A_167 = arith.constant 5 : i32
      %parallel_loop3A_168 = vector.broadcast %parallel_loop3A_167 : i32 to vector<16xi32>
      %parallel_loop3A_169 = arith.addi %parallel_loop3A_166, %parallel_loop3A_168 : vector<16xi32>
      %parallel_loop3A_170 = tpu.vector_load_idx %arg8[%parallel_loop3A_169] : memref<512xf32, #tpu.memory_space<vmem>>[vector<16xi32>], vector<16xf32>,
      %parallel_loop3A_171 = arith.addf %parallel_loop3A_151, %parallel_loop3A_170 : vector<16xf32>
      %parallel_loop3A_172 = arith.constant 16 : i32
      %parallel_loop3A_173 = vector.broadcast %parallel_loop3A_172 : i32 to vector<16xi32>
      %parallel_loop3A_174 = arith.muli %iota3A_5, %parallel_loop3A_173 : vector<16xi32>
      %parallel_loop3A_175 = vector.broadcast %parallel_loop3A_57 : i32 to vector<16xi32>
      %parallel_loop3A_176 = arith.addi %parallel_loop3A_175, %parallel_loop3A_174 : vector<16xi32>
      %parallel_loop3A_177 = arith.constant 5 : i32
      %parallel_loop3A_178 = vector.broadcast %parallel_loop3A_177 : i32 to vector<16xi32>
      %parallel_loop3A_179 = arith.addi %parallel_loop3A_176, %parallel_loop3A_178 : vector<16xi32>
      %parallel_loop3A_180 = tpu.vector_load_idx %arg9[%parallel_loop3A_179] : memref<512xf32, #tpu.memory_space<vmem>>[vector<16xi32>], vector<16xf32>,
      %parallel_loop3A_181 = arith.addf %parallel_loop3A_161, %parallel_loop3A_180 : vector<16xf32>
      %parallel_loop3A_182 = arith.constant 16 : i32
      %parallel_loop3A_183 = vector.broadcast %parallel_loop3A_182 : i32 to vector<16xi32>
      %parallel_loop3A_184 = arith.muli %iota3A_5, %parallel_loop3A_183 : vector<16xi32>
      %parallel_loop3A_185 = vector.broadcast %parallel_loop3A_57 : i32 to vector<16xi32>
      %parallel_loop3A_186 = arith.addi %parallel_loop3A_185, %parallel_loop3A_184 : vector<16xi32>
      %parallel_loop3A_187 = arith.constant 6 : i32
      %parallel_loop3A_188 = vector.broadcast %parallel_loop3A_187 : i32 to vector<16xi32>
      %parallel_loop3A_189 = arith.addi %parallel_loop3A_186, %parallel_loop3A_188 : vector<16xi32>
      %parallel_loop3A_190 = tpu.vector_load_idx %arg8[%parallel_loop3A_189] : memref<512xf32, #tpu.memory_space<vmem>>[vector<16xi32>], vector<16xf32>,
      %parallel_loop3A_191 = arith.addf %parallel_loop3A_171, %parallel_loop3A_190 : vector<16xf32>
      %parallel_loop3A_192 = arith.constant 16 : i32
      %parallel_loop3A_193 = vector.broadcast %parallel_loop3A_192 : i32 to vector<16xi32>
      %parallel_loop3A_194 = arith.muli %iota3A_5, %parallel_loop3A_193 : vector<16xi32>
      %parallel_loop3A_195 = vector.broadcast %parallel_loop3A_57 : i32 to vector<16xi32>
      %parallel_loop3A_196 = arith.addi %parallel_loop3A_195, %parallel_loop3A_194 : vector<16xi32>
      %parallel_loop3A_197 = arith.constant 6 : i32
      %parallel_loop3A_198 = vector.broadcast %parallel_loop3A_197 : i32 to vector<16xi32>
      %parallel_loop3A_199 = arith.addi %parallel_loop3A_196, %parallel_loop3A_198 : vector<16xi32>
      %parallel_loop3A_200 = tpu.vector_load_idx %arg9[%parallel_loop3A_199] : memref<512xf32, #tpu.memory_space<vmem>>[vector<16xi32>], vector<16xf32>,
      %parallel_loop3A_201 = arith.addf %parallel_loop3A_181, %parallel_loop3A_200 : vector<16xf32>
      %parallel_loop3A_202 = arith.constant 16 : i32
      %parallel_loop3A_203 = vector.broadcast %parallel_loop3A_202 : i32 to vector<16xi32>
      %parallel_loop3A_204 = arith.muli %iota3A_5, %parallel_loop3A_203 : vector<16xi32>
      %parallel_loop3A_205 = vector.broadcast %parallel_loop3A_57 : i32 to vector<16xi32>
      %parallel_loop3A_206 = arith.addi %parallel_loop3A_205, %parallel_loop3A_204 : vector<16xi32>
      %parallel_loop3A_207 = arith.constant 7 : i32
      %parallel_loop3A_208 = vector.broadcast %parallel_loop3A_207 : i32 to vector<16xi32>
      %parallel_loop3A_209 = arith.addi %parallel_loop3A_206, %parallel_loop3A_208 : vector<16xi32>
      %parallel_loop3A_210 = tpu.vector_load_idx %arg8[%parallel_loop3A_209] : memref<512xf32, #tpu.memory_space<vmem>>[vector<16xi32>], vector<16xf32>,
      %parallel_loop3A_211 = arith.addf %parallel_loop3A_191, %parallel_loop3A_210 : vector<16xf32>
      %parallel_loop3A_212 = arith.constant 16 : i32
      %parallel_loop3A_213 = vector.broadcast %parallel_loop3A_212 : i32 to vector<16xi32>
      %parallel_loop3A_214 = arith.muli %iota3A_5, %parallel_loop3A_213 : vector<16xi32>
      %parallel_loop3A_215 = vector.broadcast %parallel_loop3A_57 : i32 to vector<16xi32>
      %parallel_loop3A_216 = arith.addi %parallel_loop3A_215, %parallel_loop3A_214 : vector<16xi32>
      %parallel_loop3A_217 = arith.constant 7 : i32
      %parallel_loop3A_218 = vector.broadcast %parallel_loop3A_217 : i32 to vector<16xi32>
      %parallel_loop3A_219 = arith.addi %parallel_loop3A_216, %parallel_loop3A_218 : vector<16xi32>
      %parallel_loop3A_220 = tpu.vector_load_idx %arg9[%parallel_loop3A_219] : memref<512xf32, #tpu.memory_space<vmem>>[vector<16xi32>], vector<16xf32>,
      %parallel_loop3A_221 = arith.addf %parallel_loop3A_201, %parallel_loop3A_220 : vector<16xf32>
      %parallel_loop3A_222 = arith.constant 16 : i32
      %parallel_loop3A_223 = vector.broadcast %parallel_loop3A_222 : i32 to vector<16xi32>
      %parallel_loop3A_224 = arith.muli %iota3A_5, %parallel_loop3A_223 : vector<16xi32>
      %parallel_loop3A_225 = vector.broadcast %parallel_loop3A_57 : i32 to vector<16xi32>
      %parallel_loop3A_226 = arith.addi %parallel_loop3A_225, %parallel_loop3A_224 : vector<16xi32>
      %parallel_loop3A_227 = arith.constant 8 : i32
      %parallel_loop3A_228 = vector.broadcast %parallel_loop3A_227 : i32 to vector<16xi32>
      %parallel_loop3A_229 = arith.addi %parallel_loop3A_226, %parallel_loop3A_228 : vector<16xi32>
      %parallel_loop3A_230 = tpu.vector_load_idx %arg8[%parallel_loop3A_229] : memref<512xf32, #tpu.memory_space<vmem>>[vector<16xi32>], vector<16xf32>,
      %parallel_loop3A_231 = arith.addf %parallel_loop3A_211, %parallel_loop3A_230 : vector<16xf32>
      %parallel_loop3A_232 = arith.constant 16 : i32
      %parallel_loop3A_233 = vector.broadcast %parallel_loop3A_232 : i32 to vector<16xi32>
      %parallel_loop3A_234 = arith.muli %iota3A_5, %parallel_loop3A_233 : vector<16xi32>
      %parallel_loop3A_235 = vector.broadcast %parallel_loop3A_57 : i32 to vector<16xi32>
      %parallel_loop3A_236 = arith.addi %parallel_loop3A_235, %parallel_loop3A_234 : vector<16xi32>
      %parallel_loop3A_237 = arith.constant 8 : i32
      %parallel_loop3A_238 = vector.broadcast %parallel_loop3A_237 : i32 to vector<16xi32>
      %parallel_loop3A_239 = arith.addi %parallel_loop3A_236, %parallel_loop3A_238 : vector<16xi32>
      %parallel_loop3A_240 = tpu.vector_load_idx %arg9[%parallel_loop3A_239] : memref<512xf32, #tpu.memory_space<vmem>>[vector<16xi32>], vector<16xf32>,
      %parallel_loop3A_241 = arith.addf %parallel_loop3A_221, %parallel_loop3A_240 : vector<16xf32>
      %parallel_loop3A_242 = arith.constant 16 : i32
      %parallel_loop3A_243 = vector.broadcast %parallel_loop3A_242 : i32 to vector<16xi32>
      %parallel_loop3A_244 = arith.muli %iota3A_5, %parallel_loop3A_243 : vector<16xi32>
      %parallel_loop3A_245 = vector.broadcast %parallel_loop3A_57 : i32 to vector<16xi32>
      %parallel_loop3A_246 = arith.addi %parallel_loop3A_245, %parallel_loop3A_244 : vector<16xi32>
      %parallel_loop3A_247 = arith.constant 9 : i32
      %parallel_loop3A_248 = vector.broadcast %parallel_loop3A_247 : i32 to vector<16xi32>
      %parallel_loop3A_249 = arith.addi %parallel_loop3A_246, %parallel_loop3A_248 : vector<16xi32>
      %parallel_loop3A_250 = tpu.vector_load_idx %arg8[%parallel_loop3A_249] : memref<512xf32, #tpu.memory_space<vmem>>[vector<16xi32>], vector<16xf32>,
      %parallel_loop3A_251 = arith.addf %parallel_loop3A_231, %parallel_loop3A_250 : vector<16xf32>
      %parallel_loop3A_252 = arith.constant 16 : i32
      %parallel_loop3A_253 = vector.broadcast %parallel_loop3A_252 : i32 to vector<16xi32>
      %parallel_loop3A_254 = arith.muli %iota3A_5, %parallel_loop3A_253 : vector<16xi32>
      %parallel_loop3A_255 = vector.broadcast %parallel_loop3A_57 : i32 to vector<16xi32>
      %parallel_loop3A_256 = arith.addi %parallel_loop3A_255, %parallel_loop3A_254 : vector<16xi32>
      %parallel_loop3A_257 = arith.constant 9 : i32
      %parallel_loop3A_258 = vector.broadcast %parallel_loop3A_257 : i32 to vector<16xi32>
      %parallel_loop3A_259 = arith.addi %parallel_loop3A_256, %parallel_loop3A_258 : vector<16xi32>
      %parallel_loop3A_260 = tpu.vector_load_idx %arg9[%parallel_loop3A_259] : memref<512xf32, #tpu.memory_space<vmem>>[vector<16xi32>], vector<16xf32>,
      %parallel_loop3A_261 = arith.addf %parallel_loop3A_241, %parallel_loop3A_260 : vector<16xf32>
      %parallel_loop3A_262 = arith.constant 16 : i32
      %parallel_loop3A_263 = vector.broadcast %parallel_loop3A_262 : i32 to vector<16xi32>
      %parallel_loop3A_264 = arith.muli %iota3A_5, %parallel_loop3A_263 : vector<16xi32>
      %parallel_loop3A_265 = vector.broadcast %parallel_loop3A_57 : i32 to vector<16xi32>
      %parallel_loop3A_266 = arith.addi %parallel_loop3A_265, %parallel_loop3A_264 : vector<16xi32>
      %parallel_loop3A_267 = arith.constant 10 : i32
      %parallel_loop3A_268 = vector.broadcast %parallel_loop3A_267 : i32 to vector<16xi32>
      %parallel_loop3A_269 = arith.addi %parallel_loop3A_266, %parallel_loop3A_268 : vector<16xi32>
      %parallel_loop3A_270 = tpu.vector_load_idx %arg8[%parallel_loop3A_269] : memref<512xf32, #tpu.memory_space<vmem>>[vector<16xi32>], vector<16xf32>,
      %parallel_loop3A_271 = arith.addf %parallel_loop3A_251, %parallel_loop3A_270 : vector<16xf32>
      %parallel_loop3A_272 = arith.constant 16 : i32
      %parallel_loop3A_273 = vector.broadcast %parallel_loop3A_272 : i32 to vector<16xi32>
      %parallel_loop3A_274 = arith.muli %iota3A_5, %parallel_loop3A_273 : vector<16xi32>
      %parallel_loop3A_275 = vector.broadcast %parallel_loop3A_57 : i32 to vector<16xi32>
      %parallel_loop3A_276 = arith.addi %parallel_loop3A_275, %parallel_loop3A_274 : vector<16xi32>
      %parallel_loop3A_277 = arith.constant 10 : i32
      %parallel_loop3A_278 = vector.broadcast %parallel_loop3A_277 : i32 to vector<16xi32>
      %parallel_loop3A_279 = arith.addi %parallel_loop3A_276, %parallel_loop3A_278 : vector<16xi32>
      %parallel_loop3A_280 = tpu.vector_load_idx %arg9[%parallel_loop3A_279] : memref<512xf32, #tpu.memory_space<vmem>>[vector<16xi32>], vector<16xf32>,
      %parallel_loop3A_281 = arith.addf %parallel_loop3A_261, %parallel_loop3A_280 : vector<16xf32>
      %parallel_loop3A_282 = arith.constant 16 : i32
      %parallel_loop3A_283 = vector.broadcast %parallel_loop3A_282 : i32 to vector<16xi32>
      %parallel_loop3A_284 = arith.muli %iota3A_5, %parallel_loop3A_283 : vector<16xi32>
      %parallel_loop3A_285 = vector.broadcast %parallel_loop3A_57 : i32 to vector<16xi32>
      %parallel_loop3A_286 = arith.addi %parallel_loop3A_285, %parallel_loop3A_284 : vector<16xi32>
      %parallel_loop3A_287 = arith.constant 11 : i32
      %parallel_loop3A_288 = vector.broadcast %parallel_loop3A_287 : i32 to vector<16xi32>
      %parallel_loop3A_289 = arith.addi %parallel_loop3A_286, %parallel_loop3A_288 : vector<16xi32>
      %parallel_loop3A_290 = tpu.vector_load_idx %arg8[%parallel_loop3A_289] : memref<512xf32, #tpu.memory_space<vmem>>[vector<16xi32>], vector<16xf32>,
      %parallel_loop3A_291 = arith.addf %parallel_loop3A_271, %parallel_loop3A_290 : vector<16xf32>
      %parallel_loop3A_292 = arith.constant 16 : i32
      %parallel_loop3A_293 = vector.broadcast %parallel_loop3A_292 : i32 to vector<16xi32>
      %parallel_loop3A_294 = arith.muli %iota3A_5, %parallel_loop3A_293 : vector<16xi32>
      %parallel_loop3A_295 = vector.broadcast %parallel_loop3A_57 : i32 to vector<16xi32>
      %parallel_loop3A_296 = arith.addi %parallel_loop3A_295, %parallel_loop3A_294 : vector<16xi32>
      %parallel_loop3A_297 = arith.constant 11 : i32
      %parallel_loop3A_298 = vector.broadcast %parallel_loop3A_297 : i32 to vector<16xi32>
      %parallel_loop3A_299 = arith.addi %parallel_loop3A_296, %parallel_loop3A_298 : vector<16xi32>
      %parallel_loop3A_300 = tpu.vector_load_idx %arg9[%parallel_loop3A_299] : memref<512xf32, #tpu.memory_space<vmem>>[vector<16xi32>], vector<16xf32>,
      %parallel_loop3A_301 = arith.addf %parallel_loop3A_281, %parallel_loop3A_300 : vector<16xf32>
      %parallel_loop3A_302 = arith.constant 16 : i32
      %parallel_loop3A_303 = vector.broadcast %parallel_loop3A_302 : i32 to vector<16xi32>
      %parallel_loop3A_304 = arith.muli %iota3A_5, %parallel_loop3A_303 : vector<16xi32>
      %parallel_loop3A_305 = vector.broadcast %parallel_loop3A_57 : i32 to vector<16xi32>
      %parallel_loop3A_306 = arith.addi %parallel_loop3A_305, %parallel_loop3A_304 : vector<16xi32>
      %parallel_loop3A_307 = arith.constant 12 : i32
      %parallel_loop3A_308 = vector.broadcast %parallel_loop3A_307 : i32 to vector<16xi32>
      %parallel_loop3A_309 = arith.addi %parallel_loop3A_306, %parallel_loop3A_308 : vector<16xi32>
      %parallel_loop3A_310 = tpu.vector_load_idx %arg8[%parallel_loop3A_309] : memref<512xf32, #tpu.memory_space<vmem>>[vector<16xi32>], vector<16xf32>,
      %parallel_loop3A_311 = arith.addf %parallel_loop3A_291, %parallel_loop3A_310 : vector<16xf32>
      %parallel_loop3A_312 = arith.constant 16 : i32
      %parallel_loop3A_313 = vector.broadcast %parallel_loop3A_312 : i32 to vector<16xi32>
      %parallel_loop3A_314 = arith.muli %iota3A_5, %parallel_loop3A_313 : vector<16xi32>
      %parallel_loop3A_315 = vector.broadcast %parallel_loop3A_57 : i32 to vector<16xi32>
      %parallel_loop3A_316 = arith.addi %parallel_loop3A_315, %parallel_loop3A_314 : vector<16xi32>
      %parallel_loop3A_317 = arith.constant 12 : i32
      %parallel_loop3A_318 = vector.broadcast %parallel_loop3A_317 : i32 to vector<16xi32>
      %parallel_loop3A_319 = arith.addi %parallel_loop3A_316, %parallel_loop3A_318 : vector<16xi32>
      %parallel_loop3A_320 = tpu.vector_load_idx %arg9[%parallel_loop3A_319] : memref<512xf32, #tpu.memory_space<vmem>>[vector<16xi32>], vector<16xf32>,
      %parallel_loop3A_321 = arith.addf %parallel_loop3A_301, %parallel_loop3A_320 : vector<16xf32>
      %parallel_loop3A_322 = arith.constant 16 : i32
      %parallel_loop3A_323 = vector.broadcast %parallel_loop3A_322 : i32 to vector<16xi32>
      %parallel_loop3A_324 = arith.muli %iota3A_5, %parallel_loop3A_323 : vector<16xi32>
      %parallel_loop3A_325 = vector.broadcast %parallel_loop3A_57 : i32 to vector<16xi32>
      %parallel_loop3A_326 = arith.addi %parallel_loop3A_325, %parallel_loop3A_324 : vector<16xi32>
      %parallel_loop3A_327 = arith.constant 13 : i32
      %parallel_loop3A_328 = vector.broadcast %parallel_loop3A_327 : i32 to vector<16xi32>
      %parallel_loop3A_329 = arith.addi %parallel_loop3A_326, %parallel_loop3A_328 : vector<16xi32>
      %parallel_loop3A_330 = tpu.vector_load_idx %arg8[%parallel_loop3A_329] : memref<512xf32, #tpu.memory_space<vmem>>[vector<16xi32>], vector<16xf32>,
      %parallel_loop3A_331 = arith.addf %parallel_loop3A_311, %parallel_loop3A_330 : vector<16xf32>
      %parallel_loop3A_332 = arith.constant 16 : i32
      %parallel_loop3A_333 = vector.broadcast %parallel_loop3A_332 : i32 to vector<16xi32>
      %parallel_loop3A_334 = arith.muli %iota3A_5, %parallel_loop3A_333 : vector<16xi32>
      %parallel_loop3A_335 = vector.broadcast %parallel_loop3A_57 : i32 to vector<16xi32>
      %parallel_loop3A_336 = arith.addi %parallel_loop3A_335, %parallel_loop3A_334 : vector<16xi32>
      %parallel_loop3A_337 = arith.constant 13 : i32
      %parallel_loop3A_338 = vector.broadcast %parallel_loop3A_337 : i32 to vector<16xi32>
      %parallel_loop3A_339 = arith.addi %parallel_loop3A_336, %parallel_loop3A_338 : vector<16xi32>
      %parallel_loop3A_340 = tpu.vector_load_idx %arg9[%parallel_loop3A_339] : memref<512xf32, #tpu.memory_space<vmem>>[vector<16xi32>], vector<16xf32>,
      %parallel_loop3A_341 = arith.addf %parallel_loop3A_321, %parallel_loop3A_340 : vector<16xf32>
      %parallel_loop3A_342 = arith.constant 16 : i32
      %parallel_loop3A_343 = vector.broadcast %parallel_loop3A_342 : i32 to vector<16xi32>
      %parallel_loop3A_344 = arith.muli %iota3A_5, %parallel_loop3A_343 : vector<16xi32>
      %parallel_loop3A_345 = vector.broadcast %parallel_loop3A_57 : i32 to vector<16xi32>
      %parallel_loop3A_346 = arith.addi %parallel_loop3A_345, %parallel_loop3A_344 : vector<16xi32>
      %parallel_loop3A_347 = arith.constant 14 : i32
      %parallel_loop3A_348 = vector.broadcast %parallel_loop3A_347 : i32 to vector<16xi32>
      %parallel_loop3A_349 = arith.addi %parallel_loop3A_346, %parallel_loop3A_348 : vector<16xi32>
      %parallel_loop3A_350 = tpu.vector_load_idx %arg8[%parallel_loop3A_349] : memref<512xf32, #tpu.memory_space<vmem>>[vector<16xi32>], vector<16xf32>,
      %parallel_loop3A_351 = arith.addf %parallel_loop3A_331, %parallel_loop3A_350 : vector<16xf32>
      %parallel_loop3A_352 = arith.constant 16 : i32
      %parallel_loop3A_353 = vector.broadcast %parallel_loop3A_352 : i32 to vector<16xi32>
      %parallel_loop3A_354 = arith.muli %iota3A_5, %parallel_loop3A_353 : vector<16xi32>
      %parallel_loop3A_355 = vector.broadcast %parallel_loop3A_57 : i32 to vector<16xi32>
      %parallel_loop3A_356 = arith.addi %parallel_loop3A_355, %parallel_loop3A_354 : vector<16xi32>
      %parallel_loop3A_357 = arith.constant 14 : i32
      %parallel_loop3A_358 = vector.broadcast %parallel_loop3A_357 : i32 to vector<16xi32>
      %parallel_loop3A_359 = arith.addi %parallel_loop3A_356, %parallel_loop3A_358 : vector<16xi32>
      %parallel_loop3A_360 = tpu.vector_load_idx %arg9[%parallel_loop3A_359] : memref<512xf32, #tpu.memory_space<vmem>>[vector<16xi32>], vector<16xf32>,
      %parallel_loop3A_361 = arith.addf %parallel_loop3A_341, %parallel_loop3A_360 : vector<16xf32>
      %parallel_loop3A_362 = arith.constant 16 : i32
      %parallel_loop3A_363 = vector.broadcast %parallel_loop3A_362 : i32 to vector<16xi32>
      %parallel_loop3A_364 = arith.muli %iota3A_5, %parallel_loop3A_363 : vector<16xi32>
      %parallel_loop3A_365 = vector.broadcast %parallel_loop3A_57 : i32 to vector<16xi32>
      %parallel_loop3A_366 = arith.addi %parallel_loop3A_365, %parallel_loop3A_364 : vector<16xi32>
      %parallel_loop3A_367 = arith.constant 15 : i32
      %parallel_loop3A_368 = vector.broadcast %parallel_loop3A_367 : i32 to vector<16xi32>
      %parallel_loop3A_369 = arith.addi %parallel_loop3A_366, %parallel_loop3A_368 : vector<16xi32>
      %parallel_loop3A_370 = tpu.vector_load_idx %arg8[%parallel_loop3A_369] : memref<512xf32, #tpu.memory_space<vmem>>[vector<16xi32>], vector<16xf32>,
      %parallel_loop3A_371 = arith.addf %parallel_loop3A_351, %parallel_loop3A_370 : vector<16xf32>
      %parallel_loop3A_372 = arith.constant 16 : i32
      %parallel_loop3A_373 = vector.broadcast %parallel_loop3A_372 : i32 to vector<16xi32>
      %parallel_loop3A_374 = arith.muli %iota3A_5, %parallel_loop3A_373 : vector<16xi32>
      %parallel_loop3A_375 = vector.broadcast %parallel_loop3A_57 : i32 to vector<16xi32>
      %parallel_loop3A_376 = arith.addi %parallel_loop3A_375, %parallel_loop3A_374 : vector<16xi32>
      %parallel_loop3A_377 = arith.constant 15 : i32
      %parallel_loop3A_378 = vector.broadcast %parallel_loop3A_377 : i32 to vector<16xi32>
      %parallel_loop3A_379 = arith.addi %parallel_loop3A_376, %parallel_loop3A_378 : vector<16xi32>
      %parallel_loop3A_380 = tpu.vector_load_idx %arg9[%parallel_loop3A_379] : memref<512xf32, #tpu.memory_space<vmem>>[vector<16xi32>], vector<16xf32>,
      %parallel_loop3A_381 = arith.addf %parallel_loop3A_361, %parallel_loop3A_380 : vector<16xf32>
      %parallel_loop3A_382 = arith.constant 16 : i32
      %parallel_loop3A_383 = arith.muli %parallel_loop3A_53, %parallel_loop3A_382 : i32
      %parallel_loop3A_384 = arith.constant 0 : i32
      %parallel_loop3A_385 = arith.addi %parallel_loop3A_384, %parallel_loop3A_383 : i32
      %parallel_loop3A_386 = vector.broadcast %parallel_loop3A_385 : i32 to vector<16xi32>
      %parallel_loop3A_387 = arith.addi %parallel_loop3A_386, %iota3A_5 : vector<16xi32>
      %parallel_loop3A_388 = arith.constant 0 : i32
      %parallel_loop3A_389 = vector.broadcast %parallel_loop3A_388 : i32 to vector<16xi32>
      %parallel_loop3A_390 = arith.constant 5.000000e-03 : f32
      %parallel_loop3A_391 = vector.broadcast %parallel_loop3A_390 : f32 to vector<16xf32>
      %parallel_loop3A_392 = arith.mulf %parallel_loop3A_371, %parallel_loop3A_391 : vector<16xf32>
      %parallel_loop3A_393 = arith.constant 0 : index
      %parallel_loop3A_394 = tpu.vector_load %arg11[%parallel_loop3A_393] {strides = array<i32>} : memref<32xf32, #tpu.memory_space<vmem>>, vector<16xf32>,
      %parallel_loop3A_395 = arith.addf %parallel_loop3A_392, %parallel_loop3A_394 : vector<16xf32>
      tpu.vector_store_idx %arg10[%parallel_loop3A_387, %parallel_loop3A_389], %parallel_loop3A_395 : memref<128x2xf32, #tpu.memory_space<vmem>>[vector<16xi32>, vector<16xi32>], vector<16xf32>,
      %parallel_loop3A_396 = arith.constant 1 : i32
      %parallel_loop3A_397 = vector.broadcast %parallel_loop3A_396 : i32 to vector<16xi32>
      %parallel_loop3A_398 = arith.constant 5.000000e-03 : f32
      %parallel_loop3A_399 = vector.broadcast %parallel_loop3A_398 : f32 to vector<16xf32>
      %parallel_loop3A_400 = arith.mulf %parallel_loop3A_381, %parallel_loop3A_399 : vector<16xf32>
      %parallel_loop3A_401 = arith.constant 16 : index
      %parallel_loop3A_402 = tpu.vector_load %arg11[%parallel_loop3A_401] {strides = array<i32>} : memref<32xf32, #tpu.memory_space<vmem>>, vector<16xf32>,
      %parallel_loop3A_403 = arith.addf %parallel_loop3A_400, %parallel_loop3A_402 : vector<16xf32>
      tpu.vector_store_idx %arg10[%parallel_loop3A_387, %parallel_loop3A_397], %parallel_loop3A_403 : memref<128x2xf32, #tpu.memory_space<vmem>>[vector<16xi32>, vector<16xi32>], vector<16xf32>,
    } {sc.loop_unroll_factor = 2 : i64, sc.parallel_access}
    %add3A_15 = arith.constant 6400 : i32
    %add3A_16 = arith.addi %mul3A_2, %add3A_15 : i32
    "tpu.region"() ({
      %run_scoped3A = tpu.sem_alloc : memref<!tpu.dma_semaphore, #tpu.memory_space<semaphore_mem>>
      %dma_start3A = arith.constant 0 : i32
      %dma_start3A_53 = tpu.memref_slice %arg6[%dma_start3A] : memref<6416xi32, #tpu.memory_space<vmem>> -> memref<6400xi32, #tpu.memory_space<vmem>>
      %dma_start3A_54 = tpu.memref_slice %arg2[%add3A_16] : memref<819200xi32, #tpu.memory_space<hbm>> -> memref<6400xi32, #tpu.memory_space<hbm>>
      %dma_start3A_55 = arith.constant 0 : i32
      %dma_start3A_56 = tpu.memref_slice %arg6[%dma_start3A_55] : memref<6416xi32, #tpu.memory_space<vmem>> -> memref<6400xi32, #tpu.memory_space<vmem>>
      %dma_start3A_57 = tpu.memref_slice %arg2[%add3A_16] : memref<819200xi32, #tpu.memory_space<hbm>> -> memref<6400xi32, #tpu.memory_space<hbm>>
      tpu.enqueue_dma source(%dma_start3A_57 : memref<6400xi32, #tpu.memory_space<hbm>>) target(%dma_start3A_56 : memref<6400xi32, #tpu.memory_space<vmem>>) target_semaphore(%run_scoped3A : memref<!tpu.dma_semaphore, #tpu.memory_space<semaphore_mem>>)
      %dma_wait3A = arith.constant 0 : i32
      %dma_wait3A_58 = tpu.memref_slice %arg6[%dma_wait3A] : memref<6416xi32, #tpu.memory_space<vmem>> -> memref<6400xi32, #tpu.memory_space<vmem>>
      %dma_wait3A_59 = tpu.memref_slice %arg2[%add3A_16] : memref<819200xi32, #tpu.memory_space<hbm>> -> memref<6400xi32, #tpu.memory_space<hbm>>
      %dma_wait3A_60 = arith.constant 0 : i32
      %dma_wait3A_61 = tpu.memref_slice %arg6[%dma_wait3A_60] : memref<6416xi32, #tpu.memory_space<vmem>> -> memref<6400xi32, #tpu.memory_space<vmem>>
      %dma_wait3A_62 = tpu.memref_slice %arg2[%add3A_16] : memref<819200xi32, #tpu.memory_space<hbm>> -> memref<6400xi32, #tpu.memory_space<hbm>>
      tpu.wait_dma2 semaphore(%run_scoped3A : memref<!tpu.dma_semaphore, #tpu.memory_space<semaphore_mem>>) src(%dma_wait3A_62 : memref<6400xi32, #tpu.memory_space<hbm>>) dst(%dma_wait3A_61 : memref<6400xi32, #tpu.memory_space<vmem>>)
      tpu.yield
    }) : () -> ()
    %broadcast_in_dim3A_17 = arith.constant 0 : i32
    %broadcast_in_dim3A_18 = vector.broadcast %broadcast_in_dim3A_17 : i32 to vector<16xi32>
    %swap3A_19 = arith.constant 6400 : index
    %swap3A_20 = tpu.vector_load %arg6[%swap3A_19] {strides = array<i32>} : memref<6416xi32, #tpu.memory_space<vmem>>, vector<16xi32>,
    tpu.vector_store %arg6[%swap3A_19], %broadcast_in_dim3A_18 {strides = array<i32>} : memref<6416xi32, #tpu.memory_space<vmem>>, vector<16xi32>,
    %parallel_loop3A_21 = arith.constant 0 : i32
    %parallel_loop3A_22 = arith.constant 32 : i32
    %parallel_loop3A_23 = arith.constant 1 : i32
    scf.for %parallel_loop3A_53 = %parallel_loop3A_21 to %parallel_loop3A_22 step %parallel_loop3A_23  : i32 {
      %parallel_loop3A_54 = arith.constant 200 : i32
      %parallel_loop3A_55 = arith.muli %parallel_loop3A_53, %parallel_loop3A_54 : i32
      %parallel_loop3A_56 = arith.constant 0.000000e+00 : f32
      %parallel_loop3A_57 = vector.broadcast %parallel_loop3A_56 : f32 to vector<16xf32>
      %parallel_loop3A_58 = arith.constant 0.000000e+00 : f32
      %parallel_loop3A_59 = vector.broadcast %parallel_loop3A_58 : f32 to vector<16xf32>
      %parallel_loop3A_60 = arith.constant 0 : i32
      %parallel_loop3A_61 = arith.addi %parallel_loop3A_55, %parallel_loop3A_60 : i32
      %parallel_loop3A_62 = arith.index_cast %parallel_loop3A_61 : i32 to index
      %parallel_loop3A_63 = tpu.vector_load %arg6[%parallel_loop3A_62] {strides = array<i32>} : memref<6416xi32, #tpu.memory_space<vmem>>, vector<16xi32>,
      %parallel_loop3A_64 = tpu.vector_load_idx %arg7[%parallel_loop3A_63] : memref<100000xi32, #tpu.memory_space<vmem>>[vector<16xi32>], vector<16xi32>,
      %parallel_loop3A_65 = arith.constant 16 : i32
      %parallel_loop3A_66 = vector.broadcast %parallel_loop3A_65 : i32 to vector<16xi32>
      %parallel_loop3A_67 = arith.shli %parallel_loop3A_64, %parallel_loop3A_66 : vector<16xi32>
      %parallel_loop3A_68 = vector.bitcast %parallel_loop3A_67 : vector<16xi32> to vector<16xf32>
      %parallel_loop3A_69 = arith.constant -65536 : i32
      %parallel_loop3A_70 = vector.broadcast %parallel_loop3A_69 : i32 to vector<16xi32>
      %parallel_loop3A_71 = arith.andi %parallel_loop3A_64, %parallel_loop3A_70 : vector<16xi32>
      %parallel_loop3A_72 = vector.bitcast %parallel_loop3A_71 : vector<16xi32> to vector<16xf32>
      %parallel_loop3A_73 = arith.addf %parallel_loop3A_57, %parallel_loop3A_68 : vector<16xf32>
      %parallel_loop3A_74 = arith.addf %parallel_loop3A_59, %parallel_loop3A_72 : vector<16xf32>
      %parallel_loop3A_75 = arith.constant 16 : i32
      %parallel_loop3A_76 = arith.addi %parallel_loop3A_55, %parallel_loop3A_75 : i32
      %parallel_loop3A_77 = arith.index_cast %parallel_loop3A_76 : i32 to index
      %parallel_loop3A_78 = tpu.vector_load %arg6[%parallel_loop3A_77] {strides = array<i32>} : memref<6416xi32, #tpu.memory_space<vmem>>, vector<16xi32>,
      %parallel_loop3A_79 = tpu.vector_load_idx %arg7[%parallel_loop3A_78] : memref<100000xi32, #tpu.memory_space<vmem>>[vector<16xi32>], vector<16xi32>,
      %parallel_loop3A_80 = arith.constant 16 : i32
      %parallel_loop3A_81 = vector.broadcast %parallel_loop3A_80 : i32 to vector<16xi32>
      %parallel_loop3A_82 = arith.shli %parallel_loop3A_79, %parallel_loop3A_81 : vector<16xi32>
      %parallel_loop3A_83 = vector.bitcast %parallel_loop3A_82 : vector<16xi32> to vector<16xf32>
      %parallel_loop3A_84 = arith.constant -65536 : i32
      %parallel_loop3A_85 = vector.broadcast %parallel_loop3A_84 : i32 to vector<16xi32>
      %parallel_loop3A_86 = arith.andi %parallel_loop3A_79, %parallel_loop3A_85 : vector<16xi32>
      %parallel_loop3A_87 = vector.bitcast %parallel_loop3A_86 : vector<16xi32> to vector<16xf32>
      %parallel_loop3A_88 = arith.addf %parallel_loop3A_73, %parallel_loop3A_83 : vector<16xf32>
      %parallel_loop3A_89 = arith.addf %parallel_loop3A_74, %parallel_loop3A_87 : vector<16xf32>
      %parallel_loop3A_90 = arith.constant 32 : i32
      %parallel_loop3A_91 = arith.addi %parallel_loop3A_55, %parallel_loop3A_90 : i32
      %parallel_loop3A_92 = arith.index_cast %parallel_loop3A_91 : i32 to index
      %parallel_loop3A_93 = tpu.vector_load %arg6[%parallel_loop3A_92] {strides = array<i32>} : memref<6416xi32, #tpu.memory_space<vmem>>, vector<16xi32>,
      %parallel_loop3A_94 = tpu.vector_load_idx %arg7[%parallel_loop3A_93] : memref<100000xi32, #tpu.memory_space<vmem>>[vector<16xi32>], vector<16xi32>,
      %parallel_loop3A_95 = arith.constant 16 : i32
      %parallel_loop3A_96 = vector.broadcast %parallel_loop3A_95 : i32 to vector<16xi32>
      %parallel_loop3A_97 = arith.shli %parallel_loop3A_94, %parallel_loop3A_96 : vector<16xi32>
      %parallel_loop3A_98 = vector.bitcast %parallel_loop3A_97 : vector<16xi32> to vector<16xf32>
      %parallel_loop3A_99 = arith.constant -65536 : i32
      %parallel_loop3A_100 = vector.broadcast %parallel_loop3A_99 : i32 to vector<16xi32>
      %parallel_loop3A_101 = arith.andi %parallel_loop3A_94, %parallel_loop3A_100 : vector<16xi32>
      %parallel_loop3A_102 = vector.bitcast %parallel_loop3A_101 : vector<16xi32> to vector<16xf32>
      %parallel_loop3A_103 = arith.addf %parallel_loop3A_88, %parallel_loop3A_98 : vector<16xf32>
      %parallel_loop3A_104 = arith.addf %parallel_loop3A_89, %parallel_loop3A_102 : vector<16xf32>
      %parallel_loop3A_105 = arith.constant 48 : i32
      %parallel_loop3A_106 = arith.addi %parallel_loop3A_55, %parallel_loop3A_105 : i32
      %parallel_loop3A_107 = arith.index_cast %parallel_loop3A_106 : i32 to index
      %parallel_loop3A_108 = tpu.vector_load %arg6[%parallel_loop3A_107] {strides = array<i32>} : memref<6416xi32, #tpu.memory_space<vmem>>, vector<16xi32>,
      %parallel_loop3A_109 = tpu.vector_load_idx %arg7[%parallel_loop3A_108] : memref<100000xi32, #tpu.memory_space<vmem>>[vector<16xi32>], vector<16xi32>,
      %parallel_loop3A_110 = arith.constant 16 : i32
      %parallel_loop3A_111 = vector.broadcast %parallel_loop3A_110 : i32 to vector<16xi32>
      %parallel_loop3A_112 = arith.shli %parallel_loop3A_109, %parallel_loop3A_111 : vector<16xi32>
      %parallel_loop3A_113 = vector.bitcast %parallel_loop3A_112 : vector<16xi32> to vector<16xf32>
      %parallel_loop3A_114 = arith.constant -65536 : i32
      %parallel_loop3A_115 = vector.broadcast %parallel_loop3A_114 : i32 to vector<16xi32>
      %parallel_loop3A_116 = arith.andi %parallel_loop3A_109, %parallel_loop3A_115 : vector<16xi32>
      %parallel_loop3A_117 = vector.bitcast %parallel_loop3A_116 : vector<16xi32> to vector<16xf32>
      %parallel_loop3A_118 = arith.addf %parallel_loop3A_103, %parallel_loop3A_113 : vector<16xf32>
      %parallel_loop3A_119 = arith.addf %parallel_loop3A_104, %parallel_loop3A_117 : vector<16xf32>
      %parallel_loop3A_120 = arith.constant 64 : i32
      %parallel_loop3A_121 = arith.addi %parallel_loop3A_55, %parallel_loop3A_120 : i32
      %parallel_loop3A_122 = arith.index_cast %parallel_loop3A_121 : i32 to index
      %parallel_loop3A_123 = tpu.vector_load %arg6[%parallel_loop3A_122] {strides = array<i32>} : memref<6416xi32, #tpu.memory_space<vmem>>, vector<16xi32>,
      %parallel_loop3A_124 = tpu.vector_load_idx %arg7[%parallel_loop3A_123] : memref<100000xi32, #tpu.memory_space<vmem>>[vector<16xi32>], vector<16xi32>,
      %parallel_loop3A_125 = arith.constant 16 : i32
      %parallel_loop3A_126 = vector.broadcast %parallel_loop3A_125 : i32 to vector<16xi32>
      %parallel_loop3A_127 = arith.shli %parallel_loop3A_124, %parallel_loop3A_126 : vector<16xi32>
      %parallel_loop3A_128 = vector.bitcast %parallel_loop3A_127 : vector<16xi32> to vector<16xf32>
      %parallel_loop3A_129 = arith.constant -65536 : i32
      %parallel_loop3A_130 = vector.broadcast %parallel_loop3A_129 : i32 to vector<16xi32>
      %parallel_loop3A_131 = arith.andi %parallel_loop3A_124, %parallel_loop3A_130 : vector<16xi32>
      %parallel_loop3A_132 = vector.bitcast %parallel_loop3A_131 : vector<16xi32> to vector<16xf32>
      %parallel_loop3A_133 = arith.addf %parallel_loop3A_118, %parallel_loop3A_128 : vector<16xf32>
      %parallel_loop3A_134 = arith.addf %parallel_loop3A_119, %parallel_loop3A_132 : vector<16xf32>
      %parallel_loop3A_135 = arith.constant 80 : i32
      %parallel_loop3A_136 = arith.addi %parallel_loop3A_55, %parallel_loop3A_135 : i32
      %parallel_loop3A_137 = arith.index_cast %parallel_loop3A_136 : i32 to index
      %parallel_loop3A_138 = tpu.vector_load %arg6[%parallel_loop3A_137] {strides = array<i32>} : memref<6416xi32, #tpu.memory_space<vmem>>, vector<16xi32>,
      %parallel_loop3A_139 = tpu.vector_load_idx %arg7[%parallel_loop3A_138] : memref<100000xi32, #tpu.memory_space<vmem>>[vector<16xi32>], vector<16xi32>,
      %parallel_loop3A_140 = arith.constant 16 : i32
      %parallel_loop3A_141 = vector.broadcast %parallel_loop3A_140 : i32 to vector<16xi32>
      %parallel_loop3A_142 = arith.shli %parallel_loop3A_139, %parallel_loop3A_141 : vector<16xi32>
      %parallel_loop3A_143 = vector.bitcast %parallel_loop3A_142 : vector<16xi32> to vector<16xf32>
      %parallel_loop3A_144 = arith.constant -65536 : i32
      %parallel_loop3A_145 = vector.broadcast %parallel_loop3A_144 : i32 to vector<16xi32>
      %parallel_loop3A_146 = arith.andi %parallel_loop3A_139, %parallel_loop3A_145 : vector<16xi32>
      %parallel_loop3A_147 = vector.bitcast %parallel_loop3A_146 : vector<16xi32> to vector<16xf32>
      %parallel_loop3A_148 = arith.addf %parallel_loop3A_133, %parallel_loop3A_143 : vector<16xf32>
      %parallel_loop3A_149 = arith.addf %parallel_loop3A_134, %parallel_loop3A_147 : vector<16xf32>
      %parallel_loop3A_150 = arith.constant 96 : i32
      %parallel_loop3A_151 = arith.addi %parallel_loop3A_55, %parallel_loop3A_150 : i32
      %parallel_loop3A_152 = arith.index_cast %parallel_loop3A_151 : i32 to index
      %parallel_loop3A_153 = tpu.vector_load %arg6[%parallel_loop3A_152] {strides = array<i32>} : memref<6416xi32, #tpu.memory_space<vmem>>, vector<16xi32>,
      %parallel_loop3A_154 = tpu.vector_load_idx %arg7[%parallel_loop3A_153] : memref<100000xi32, #tpu.memory_space<vmem>>[vector<16xi32>], vector<16xi32>,
      %parallel_loop3A_155 = arith.constant 16 : i32
      %parallel_loop3A_156 = vector.broadcast %parallel_loop3A_155 : i32 to vector<16xi32>
      %parallel_loop3A_157 = arith.shli %parallel_loop3A_154, %parallel_loop3A_156 : vector<16xi32>
      %parallel_loop3A_158 = vector.bitcast %parallel_loop3A_157 : vector<16xi32> to vector<16xf32>
      %parallel_loop3A_159 = arith.constant -65536 : i32
      %parallel_loop3A_160 = vector.broadcast %parallel_loop3A_159 : i32 to vector<16xi32>
      %parallel_loop3A_161 = arith.andi %parallel_loop3A_154, %parallel_loop3A_160 : vector<16xi32>
      %parallel_loop3A_162 = vector.bitcast %parallel_loop3A_161 : vector<16xi32> to vector<16xf32>
      %parallel_loop3A_163 = arith.addf %parallel_loop3A_148, %parallel_loop3A_158 : vector<16xf32>
      %parallel_loop3A_164 = arith.addf %parallel_loop3A_149, %parallel_loop3A_162 : vector<16xf32>
      %parallel_loop3A_165 = arith.constant 112 : i32
      %parallel_loop3A_166 = arith.addi %parallel_loop3A_55, %parallel_loop3A_165 : i32
      %parallel_loop3A_167 = arith.index_cast %parallel_loop3A_166 : i32 to index
      %parallel_loop3A_168 = tpu.vector_load %arg6[%parallel_loop3A_167] {strides = array<i32>} : memref<6416xi32, #tpu.memory_space<vmem>>, vector<16xi32>,
      %parallel_loop3A_169 = tpu.vector_load_idx %arg7[%parallel_loop3A_168] : memref<100000xi32, #tpu.memory_space<vmem>>[vector<16xi32>], vector<16xi32>,
      %parallel_loop3A_170 = arith.constant 16 : i32
      %parallel_loop3A_171 = vector.broadcast %parallel_loop3A_170 : i32 to vector<16xi32>
      %parallel_loop3A_172 = arith.shli %parallel_loop3A_169, %parallel_loop3A_171 : vector<16xi32>
      %parallel_loop3A_173 = vector.bitcast %parallel_loop3A_172 : vector<16xi32> to vector<16xf32>
      %parallel_loop3A_174 = arith.constant -65536 : i32
      %parallel_loop3A_175 = vector.broadcast %parallel_loop3A_174 : i32 to vector<16xi32>
      %parallel_loop3A_176 = arith.andi %parallel_loop3A_169, %parallel_loop3A_175 : vector<16xi32>
      %parallel_loop3A_177 = vector.bitcast %parallel_loop3A_176 : vector<16xi32> to vector<16xf32>
      %parallel_loop3A_178 = arith.addf %parallel_loop3A_163, %parallel_loop3A_173 : vector<16xf32>
      %parallel_loop3A_179 = arith.addf %parallel_loop3A_164, %parallel_loop3A_177 : vector<16xf32>
      %parallel_loop3A_180 = arith.constant 128 : i32
      %parallel_loop3A_181 = arith.addi %parallel_loop3A_55, %parallel_loop3A_180 : i32
      %parallel_loop3A_182 = arith.index_cast %parallel_loop3A_181 : i32 to index
      %parallel_loop3A_183 = tpu.vector_load %arg6[%parallel_loop3A_182] {strides = array<i32>} : memref<6416xi32, #tpu.memory_space<vmem>>, vector<16xi32>,
      %parallel_loop3A_184 = tpu.vector_load_idx %arg7[%parallel_loop3A_183] : memref<100000xi32, #tpu.memory_space<vmem>>[vector<16xi32>], vector<16xi32>,
      %parallel_loop3A_185 = arith.constant 16 : i32
      %parallel_loop3A_186 = vector.broadcast %parallel_loop3A_185 : i32 to vector<16xi32>
      %parallel_loop3A_187 = arith.shli %parallel_loop3A_184, %parallel_loop3A_186 : vector<16xi32>
      %parallel_loop3A_188 = vector.bitcast %parallel_loop3A_187 : vector<16xi32> to vector<16xf32>
      %parallel_loop3A_189 = arith.constant -65536 : i32
      %parallel_loop3A_190 = vector.broadcast %parallel_loop3A_189 : i32 to vector<16xi32>
      %parallel_loop3A_191 = arith.andi %parallel_loop3A_184, %parallel_loop3A_190 : vector<16xi32>
      %parallel_loop3A_192 = vector.bitcast %parallel_loop3A_191 : vector<16xi32> to vector<16xf32>
      %parallel_loop3A_193 = arith.addf %parallel_loop3A_178, %parallel_loop3A_188 : vector<16xf32>
      %parallel_loop3A_194 = arith.addf %parallel_loop3A_179, %parallel_loop3A_192 : vector<16xf32>
      %parallel_loop3A_195 = arith.constant 144 : i32
      %parallel_loop3A_196 = arith.addi %parallel_loop3A_55, %parallel_loop3A_195 : i32
      %parallel_loop3A_197 = arith.index_cast %parallel_loop3A_196 : i32 to index
      %parallel_loop3A_198 = tpu.vector_load %arg6[%parallel_loop3A_197] {strides = array<i32>} : memref<6416xi32, #tpu.memory_space<vmem>>, vector<16xi32>,
      %parallel_loop3A_199 = tpu.vector_load_idx %arg7[%parallel_loop3A_198] : memref<100000xi32, #tpu.memory_space<vmem>>[vector<16xi32>], vector<16xi32>,
      %parallel_loop3A_200 = arith.constant 16 : i32
      %parallel_loop3A_201 = vector.broadcast %parallel_loop3A_200 : i32 to vector<16xi32>
      %parallel_loop3A_202 = arith.shli %parallel_loop3A_199, %parallel_loop3A_201 : vector<16xi32>
      %parallel_loop3A_203 = vector.bitcast %parallel_loop3A_202 : vector<16xi32> to vector<16xf32>
      %parallel_loop3A_204 = arith.constant -65536 : i32
      %parallel_loop3A_205 = vector.broadcast %parallel_loop3A_204 : i32 to vector<16xi32>
      %parallel_loop3A_206 = arith.andi %parallel_loop3A_199, %parallel_loop3A_205 : vector<16xi32>
      %parallel_loop3A_207 = vector.bitcast %parallel_loop3A_206 : vector<16xi32> to vector<16xf32>
      %parallel_loop3A_208 = arith.addf %parallel_loop3A_193, %parallel_loop3A_203 : vector<16xf32>
      %parallel_loop3A_209 = arith.addf %parallel_loop3A_194, %parallel_loop3A_207 : vector<16xf32>
      %parallel_loop3A_210 = arith.constant 160 : i32
      %parallel_loop3A_211 = arith.addi %parallel_loop3A_55, %parallel_loop3A_210 : i32
      %parallel_loop3A_212 = arith.index_cast %parallel_loop3A_211 : i32 to index
      %parallel_loop3A_213 = tpu.vector_load %arg6[%parallel_loop3A_212] {strides = array<i32>} : memref<6416xi32, #tpu.memory_space<vmem>>, vector<16xi32>,
      %parallel_loop3A_214 = tpu.vector_load_idx %arg7[%parallel_loop3A_213] : memref<100000xi32, #tpu.memory_space<vmem>>[vector<16xi32>], vector<16xi32>,
      %parallel_loop3A_215 = arith.constant 16 : i32
      %parallel_loop3A_216 = vector.broadcast %parallel_loop3A_215 : i32 to vector<16xi32>
      %parallel_loop3A_217 = arith.shli %parallel_loop3A_214, %parallel_loop3A_216 : vector<16xi32>
      %parallel_loop3A_218 = vector.bitcast %parallel_loop3A_217 : vector<16xi32> to vector<16xf32>
      %parallel_loop3A_219 = arith.constant -65536 : i32
      %parallel_loop3A_220 = vector.broadcast %parallel_loop3A_219 : i32 to vector<16xi32>
      %parallel_loop3A_221 = arith.andi %parallel_loop3A_214, %parallel_loop3A_220 : vector<16xi32>
      %parallel_loop3A_222 = vector.bitcast %parallel_loop3A_221 : vector<16xi32> to vector<16xf32>
      %parallel_loop3A_223 = arith.addf %parallel_loop3A_208, %parallel_loop3A_218 : vector<16xf32>
      %parallel_loop3A_224 = arith.addf %parallel_loop3A_209, %parallel_loop3A_222 : vector<16xf32>
      %parallel_loop3A_225 = arith.constant 176 : i32
      %parallel_loop3A_226 = arith.addi %parallel_loop3A_55, %parallel_loop3A_225 : i32
      %parallel_loop3A_227 = arith.index_cast %parallel_loop3A_226 : i32 to index
      %parallel_loop3A_228 = tpu.vector_load %arg6[%parallel_loop3A_227] {strides = array<i32>} : memref<6416xi32, #tpu.memory_space<vmem>>, vector<16xi32>,
      %parallel_loop3A_229 = tpu.vector_load_idx %arg7[%parallel_loop3A_228] : memref<100000xi32, #tpu.memory_space<vmem>>[vector<16xi32>], vector<16xi32>,
      %parallel_loop3A_230 = arith.constant 16 : i32
      %parallel_loop3A_231 = vector.broadcast %parallel_loop3A_230 : i32 to vector<16xi32>
      %parallel_loop3A_232 = arith.shli %parallel_loop3A_229, %parallel_loop3A_231 : vector<16xi32>
      %parallel_loop3A_233 = vector.bitcast %parallel_loop3A_232 : vector<16xi32> to vector<16xf32>
      %parallel_loop3A_234 = arith.constant -65536 : i32
      %parallel_loop3A_235 = vector.broadcast %parallel_loop3A_234 : i32 to vector<16xi32>
      %parallel_loop3A_236 = arith.andi %parallel_loop3A_229, %parallel_loop3A_235 : vector<16xi32>
      %parallel_loop3A_237 = vector.bitcast %parallel_loop3A_236 : vector<16xi32> to vector<16xf32>
      %parallel_loop3A_238 = arith.addf %parallel_loop3A_223, %parallel_loop3A_233 : vector<16xf32>
      %parallel_loop3A_239 = arith.addf %parallel_loop3A_224, %parallel_loop3A_237 : vector<16xf32>
      %parallel_loop3A_240 = arith.constant 192 : i32
      %parallel_loop3A_241 = arith.addi %parallel_loop3A_55, %parallel_loop3A_240 : i32
      %parallel_loop3A_242 = arith.index_cast %parallel_loop3A_241 : i32 to index
      %parallel_loop3A_243 = tpu.vector_load %arg6[%parallel_loop3A_242] {strides = array<i32>} : memref<6416xi32, #tpu.memory_space<vmem>>, vector<16xi32>,
      %parallel_loop3A_244 = tpu.vector_load_idx %arg7[%parallel_loop3A_243] : memref<100000xi32, #tpu.memory_space<vmem>>[vector<16xi32>], vector<16xi32>,
      %parallel_loop3A_245 = arith.constant 16 : i32
      %parallel_loop3A_246 = vector.broadcast %parallel_loop3A_245 : i32 to vector<16xi32>
      %parallel_loop3A_247 = arith.shli %parallel_loop3A_244, %parallel_loop3A_246 : vector<16xi32>
      %parallel_loop3A_248 = vector.bitcast %parallel_loop3A_247 : vector<16xi32> to vector<16xf32>
      %parallel_loop3A_249 = arith.constant -65536 : i32
      %parallel_loop3A_250 = vector.broadcast %parallel_loop3A_249 : i32 to vector<16xi32>
      %parallel_loop3A_251 = arith.andi %parallel_loop3A_244, %parallel_loop3A_250 : vector<16xi32>
      %parallel_loop3A_252 = vector.bitcast %parallel_loop3A_251 : vector<16xi32> to vector<16xf32>
      %parallel_loop3A_253 = arith.constant 0.000000e+00 : f32
      %parallel_loop3A_254 = vector.broadcast %parallel_loop3A_253 : f32 to vector<16xf32>
      %parallel_loop3A_255 = arith.select %lt3A_4, %parallel_loop3A_248, %parallel_loop3A_254 : vector<16xi1>, vector<16xf32>
      %parallel_loop3A_256 = arith.addf %parallel_loop3A_238, %parallel_loop3A_255 : vector<16xf32>
      %parallel_loop3A_257 = arith.constant 0.000000e+00 : f32
      %parallel_loop3A_258 = vector.broadcast %parallel_loop3A_257 : f32 to vector<16xf32>
      %parallel_loop3A_259 = arith.select %lt3A_4, %parallel_loop3A_252, %parallel_loop3A_258 : vector<16xi1>, vector<16xf32>
      %parallel_loop3A_260 = arith.addf %parallel_loop3A_239, %parallel_loop3A_259 : vector<16xf32>
      %parallel_loop3A_261 = arith.constant 16 : i32
      %parallel_loop3A_262 = arith.muli %parallel_loop3A_53, %parallel_loop3A_261 : i32
      %parallel_loop3A_263 = arith.index_cast %parallel_loop3A_262 : i32 to index
      %parallel_loop3A_264 = tpu.vector_load %arg8[%parallel_loop3A_263] {strides = array<i32>} : memref<512xf32, #tpu.memory_space<vmem>>, vector<16xf32>,
      tpu.vector_store %arg8[%parallel_loop3A_263], %parallel_loop3A_256 {strides = array<i32>} : memref<512xf32, #tpu.memory_space<vmem>>, vector<16xf32>,
      %parallel_loop3A_265 = arith.constant 16 : i32
      %parallel_loop3A_266 = arith.muli %parallel_loop3A_53, %parallel_loop3A_265 : i32
      %parallel_loop3A_267 = arith.index_cast %parallel_loop3A_266 : i32 to index
      %parallel_loop3A_268 = tpu.vector_load %arg9[%parallel_loop3A_267] {strides = array<i32>} : memref<512xf32, #tpu.memory_space<vmem>>, vector<16xf32>,
      tpu.vector_store %arg9[%parallel_loop3A_267], %parallel_loop3A_260 {strides = array<i32>} : memref<512xf32, #tpu.memory_space<vmem>>, vector<16xf32>,
    } {sc.loop_unroll_factor = 4 : i64, sc.parallel_access}
    %parallel_loop3A_24 = arith.constant 0 : i32
    %parallel_loop3A_25 = arith.constant 2 : i32
    %parallel_loop3A_26 = arith.constant 1 : i32
    scf.for %parallel_loop3A_53 = %parallel_loop3A_24 to %parallel_loop3A_25 step %parallel_loop3A_26  : i32 {
      %parallel_loop3A_54 = arith.constant 16 : i32
      %parallel_loop3A_55 = arith.muli %parallel_loop3A_53, %parallel_loop3A_54 : i32
      %parallel_loop3A_56 = arith.constant 16 : i32
      %parallel_loop3A_57 = arith.muli %parallel_loop3A_55, %parallel_loop3A_56 : i32
      %parallel_loop3A_58 = arith.constant 0.000000e+00 : f32
      %parallel_loop3A_59 = vector.broadcast %parallel_loop3A_58 : f32 to vector<16xf32>
      %parallel_loop3A_60 = arith.constant 0.000000e+00 : f32
      %parallel_loop3A_61 = vector.broadcast %parallel_loop3A_60 : f32 to vector<16xf32>
      %parallel_loop3A_62 = arith.constant 16 : i32
      %parallel_loop3A_63 = vector.broadcast %parallel_loop3A_62 : i32 to vector<16xi32>
      %parallel_loop3A_64 = arith.muli %iota3A_5, %parallel_loop3A_63 : vector<16xi32>
      %parallel_loop3A_65 = vector.broadcast %parallel_loop3A_57 : i32 to vector<16xi32>
      %parallel_loop3A_66 = arith.addi %parallel_loop3A_65, %parallel_loop3A_64 : vector<16xi32>
      %parallel_loop3A_67 = arith.constant 0 : i32
      %parallel_loop3A_68 = vector.broadcast %parallel_loop3A_67 : i32 to vector<16xi32>
      %parallel_loop3A_69 = arith.addi %parallel_loop3A_66, %parallel_loop3A_68 : vector<16xi32>
      %parallel_loop3A_70 = tpu.vector_load_idx %arg8[%parallel_loop3A_69] : memref<512xf32, #tpu.memory_space<vmem>>[vector<16xi32>], vector<16xf32>,
      %parallel_loop3A_71 = arith.addf %parallel_loop3A_59, %parallel_loop3A_70 : vector<16xf32>
      %parallel_loop3A_72 = arith.constant 16 : i32
      %parallel_loop3A_73 = vector.broadcast %parallel_loop3A_72 : i32 to vector<16xi32>
      %parallel_loop3A_74 = arith.muli %iota3A_5, %parallel_loop3A_73 : vector<16xi32>
      %parallel_loop3A_75 = vector.broadcast %parallel_loop3A_57 : i32 to vector<16xi32>
      %parallel_loop3A_76 = arith.addi %parallel_loop3A_75, %parallel_loop3A_74 : vector<16xi32>
      %parallel_loop3A_77 = arith.constant 0 : i32
      %parallel_loop3A_78 = vector.broadcast %parallel_loop3A_77 : i32 to vector<16xi32>
      %parallel_loop3A_79 = arith.addi %parallel_loop3A_76, %parallel_loop3A_78 : vector<16xi32>
      %parallel_loop3A_80 = tpu.vector_load_idx %arg9[%parallel_loop3A_79] : memref<512xf32, #tpu.memory_space<vmem>>[vector<16xi32>], vector<16xf32>,
      %parallel_loop3A_81 = arith.addf %parallel_loop3A_61, %parallel_loop3A_80 : vector<16xf32>
      %parallel_loop3A_82 = arith.constant 16 : i32
      %parallel_loop3A_83 = vector.broadcast %parallel_loop3A_82 : i32 to vector<16xi32>
      %parallel_loop3A_84 = arith.muli %iota3A_5, %parallel_loop3A_83 : vector<16xi32>
      %parallel_loop3A_85 = vector.broadcast %parallel_loop3A_57 : i32 to vector<16xi32>
      %parallel_loop3A_86 = arith.addi %parallel_loop3A_85, %parallel_loop3A_84 : vector<16xi32>
      %parallel_loop3A_87 = arith.constant 1 : i32
      %parallel_loop3A_88 = vector.broadcast %parallel_loop3A_87 : i32 to vector<16xi32>
      %parallel_loop3A_89 = arith.addi %parallel_loop3A_86, %parallel_loop3A_88 : vector<16xi32>
      %parallel_loop3A_90 = tpu.vector_load_idx %arg8[%parallel_loop3A_89] : memref<512xf32, #tpu.memory_space<vmem>>[vector<16xi32>], vector<16xf32>,
      %parallel_loop3A_91 = arith.addf %parallel_loop3A_71, %parallel_loop3A_90 : vector<16xf32>
      %parallel_loop3A_92 = arith.constant 16 : i32
      %parallel_loop3A_93 = vector.broadcast %parallel_loop3A_92 : i32 to vector<16xi32>
      %parallel_loop3A_94 = arith.muli %iota3A_5, %parallel_loop3A_93 : vector<16xi32>
      %parallel_loop3A_95 = vector.broadcast %parallel_loop3A_57 : i32 to vector<16xi32>
      %parallel_loop3A_96 = arith.addi %parallel_loop3A_95, %parallel_loop3A_94 : vector<16xi32>
      %parallel_loop3A_97 = arith.constant 1 : i32
      %parallel_loop3A_98 = vector.broadcast %parallel_loop3A_97 : i32 to vector<16xi32>
      %parallel_loop3A_99 = arith.addi %parallel_loop3A_96, %parallel_loop3A_98 : vector<16xi32>
      %parallel_loop3A_100 = tpu.vector_load_idx %arg9[%parallel_loop3A_99] : memref<512xf32, #tpu.memory_space<vmem>>[vector<16xi32>], vector<16xf32>,
      %parallel_loop3A_101 = arith.addf %parallel_loop3A_81, %parallel_loop3A_100 : vector<16xf32>
      %parallel_loop3A_102 = arith.constant 16 : i32
      %parallel_loop3A_103 = vector.broadcast %parallel_loop3A_102 : i32 to vector<16xi32>
      %parallel_loop3A_104 = arith.muli %iota3A_5, %parallel_loop3A_103 : vector<16xi32>
      %parallel_loop3A_105 = vector.broadcast %parallel_loop3A_57 : i32 to vector<16xi32>
      %parallel_loop3A_106 = arith.addi %parallel_loop3A_105, %parallel_loop3A_104 : vector<16xi32>
      %parallel_loop3A_107 = arith.constant 2 : i32
      %parallel_loop3A_108 = vector.broadcast %parallel_loop3A_107 : i32 to vector<16xi32>
      %parallel_loop3A_109 = arith.addi %parallel_loop3A_106, %parallel_loop3A_108 : vector<16xi32>
      %parallel_loop3A_110 = tpu.vector_load_idx %arg8[%parallel_loop3A_109] : memref<512xf32, #tpu.memory_space<vmem>>[vector<16xi32>], vector<16xf32>,
      %parallel_loop3A_111 = arith.addf %parallel_loop3A_91, %parallel_loop3A_110 : vector<16xf32>
      %parallel_loop3A_112 = arith.constant 16 : i32
      %parallel_loop3A_113 = vector.broadcast %parallel_loop3A_112 : i32 to vector<16xi32>
      %parallel_loop3A_114 = arith.muli %iota3A_5, %parallel_loop3A_113 : vector<16xi32>
      %parallel_loop3A_115 = vector.broadcast %parallel_loop3A_57 : i32 to vector<16xi32>
      %parallel_loop3A_116 = arith.addi %parallel_loop3A_115, %parallel_loop3A_114 : vector<16xi32>
      %parallel_loop3A_117 = arith.constant 2 : i32
      %parallel_loop3A_118 = vector.broadcast %parallel_loop3A_117 : i32 to vector<16xi32>
      %parallel_loop3A_119 = arith.addi %parallel_loop3A_116, %parallel_loop3A_118 : vector<16xi32>
      %parallel_loop3A_120 = tpu.vector_load_idx %arg9[%parallel_loop3A_119] : memref<512xf32, #tpu.memory_space<vmem>>[vector<16xi32>], vector<16xf32>,
      %parallel_loop3A_121 = arith.addf %parallel_loop3A_101, %parallel_loop3A_120 : vector<16xf32>
      %parallel_loop3A_122 = arith.constant 16 : i32
      %parallel_loop3A_123 = vector.broadcast %parallel_loop3A_122 : i32 to vector<16xi32>
      %parallel_loop3A_124 = arith.muli %iota3A_5, %parallel_loop3A_123 : vector<16xi32>
      %parallel_loop3A_125 = vector.broadcast %parallel_loop3A_57 : i32 to vector<16xi32>
      %parallel_loop3A_126 = arith.addi %parallel_loop3A_125, %parallel_loop3A_124 : vector<16xi32>
      %parallel_loop3A_127 = arith.constant 3 : i32
      %parallel_loop3A_128 = vector.broadcast %parallel_loop3A_127 : i32 to vector<16xi32>
      %parallel_loop3A_129 = arith.addi %parallel_loop3A_126, %parallel_loop3A_128 : vector<16xi32>
      %parallel_loop3A_130 = tpu.vector_load_idx %arg8[%parallel_loop3A_129] : memref<512xf32, #tpu.memory_space<vmem>>[vector<16xi32>], vector<16xf32>,
      %parallel_loop3A_131 = arith.addf %parallel_loop3A_111, %parallel_loop3A_130 : vector<16xf32>
      %parallel_loop3A_132 = arith.constant 16 : i32
      %parallel_loop3A_133 = vector.broadcast %parallel_loop3A_132 : i32 to vector<16xi32>
      %parallel_loop3A_134 = arith.muli %iota3A_5, %parallel_loop3A_133 : vector<16xi32>
      %parallel_loop3A_135 = vector.broadcast %parallel_loop3A_57 : i32 to vector<16xi32>
      %parallel_loop3A_136 = arith.addi %parallel_loop3A_135, %parallel_loop3A_134 : vector<16xi32>
      %parallel_loop3A_137 = arith.constant 3 : i32
      %parallel_loop3A_138 = vector.broadcast %parallel_loop3A_137 : i32 to vector<16xi32>
      %parallel_loop3A_139 = arith.addi %parallel_loop3A_136, %parallel_loop3A_138 : vector<16xi32>
      %parallel_loop3A_140 = tpu.vector_load_idx %arg9[%parallel_loop3A_139] : memref<512xf32, #tpu.memory_space<vmem>>[vector<16xi32>], vector<16xf32>,
      %parallel_loop3A_141 = arith.addf %parallel_loop3A_121, %parallel_loop3A_140 : vector<16xf32>
      %parallel_loop3A_142 = arith.constant 16 : i32
      %parallel_loop3A_143 = vector.broadcast %parallel_loop3A_142 : i32 to vector<16xi32>
      %parallel_loop3A_144 = arith.muli %iota3A_5, %parallel_loop3A_143 : vector<16xi32>
      %parallel_loop3A_145 = vector.broadcast %parallel_loop3A_57 : i32 to vector<16xi32>
      %parallel_loop3A_146 = arith.addi %parallel_loop3A_145, %parallel_loop3A_144 : vector<16xi32>
      %parallel_loop3A_147 = arith.constant 4 : i32
      %parallel_loop3A_148 = vector.broadcast %parallel_loop3A_147 : i32 to vector<16xi32>
      %parallel_loop3A_149 = arith.addi %parallel_loop3A_146, %parallel_loop3A_148 : vector<16xi32>
      %parallel_loop3A_150 = tpu.vector_load_idx %arg8[%parallel_loop3A_149] : memref<512xf32, #tpu.memory_space<vmem>>[vector<16xi32>], vector<16xf32>,
      %parallel_loop3A_151 = arith.addf %parallel_loop3A_131, %parallel_loop3A_150 : vector<16xf32>
      %parallel_loop3A_152 = arith.constant 16 : i32
      %parallel_loop3A_153 = vector.broadcast %parallel_loop3A_152 : i32 to vector<16xi32>
      %parallel_loop3A_154 = arith.muli %iota3A_5, %parallel_loop3A_153 : vector<16xi32>
      %parallel_loop3A_155 = vector.broadcast %parallel_loop3A_57 : i32 to vector<16xi32>
      %parallel_loop3A_156 = arith.addi %parallel_loop3A_155, %parallel_loop3A_154 : vector<16xi32>
      %parallel_loop3A_157 = arith.constant 4 : i32
      %parallel_loop3A_158 = vector.broadcast %parallel_loop3A_157 : i32 to vector<16xi32>
      %parallel_loop3A_159 = arith.addi %parallel_loop3A_156, %parallel_loop3A_158 : vector<16xi32>
      %parallel_loop3A_160 = tpu.vector_load_idx %arg9[%parallel_loop3A_159] : memref<512xf32, #tpu.memory_space<vmem>>[vector<16xi32>], vector<16xf32>,
      %parallel_loop3A_161 = arith.addf %parallel_loop3A_141, %parallel_loop3A_160 : vector<16xf32>
      %parallel_loop3A_162 = arith.constant 16 : i32
      %parallel_loop3A_163 = vector.broadcast %parallel_loop3A_162 : i32 to vector<16xi32>
      %parallel_loop3A_164 = arith.muli %iota3A_5, %parallel_loop3A_163 : vector<16xi32>
      %parallel_loop3A_165 = vector.broadcast %parallel_loop3A_57 : i32 to vector<16xi32>
      %parallel_loop3A_166 = arith.addi %parallel_loop3A_165, %parallel_loop3A_164 : vector<16xi32>
      %parallel_loop3A_167 = arith.constant 5 : i32
      %parallel_loop3A_168 = vector.broadcast %parallel_loop3A_167 : i32 to vector<16xi32>
      %parallel_loop3A_169 = arith.addi %parallel_loop3A_166, %parallel_loop3A_168 : vector<16xi32>
      %parallel_loop3A_170 = tpu.vector_load_idx %arg8[%parallel_loop3A_169] : memref<512xf32, #tpu.memory_space<vmem>>[vector<16xi32>], vector<16xf32>,
      %parallel_loop3A_171 = arith.addf %parallel_loop3A_151, %parallel_loop3A_170 : vector<16xf32>
      %parallel_loop3A_172 = arith.constant 16 : i32
      %parallel_loop3A_173 = vector.broadcast %parallel_loop3A_172 : i32 to vector<16xi32>
      %parallel_loop3A_174 = arith.muli %iota3A_5, %parallel_loop3A_173 : vector<16xi32>
      %parallel_loop3A_175 = vector.broadcast %parallel_loop3A_57 : i32 to vector<16xi32>
      %parallel_loop3A_176 = arith.addi %parallel_loop3A_175, %parallel_loop3A_174 : vector<16xi32>
      %parallel_loop3A_177 = arith.constant 5 : i32
      %parallel_loop3A_178 = vector.broadcast %parallel_loop3A_177 : i32 to vector<16xi32>
      %parallel_loop3A_179 = arith.addi %parallel_loop3A_176, %parallel_loop3A_178 : vector<16xi32>
      %parallel_loop3A_180 = tpu.vector_load_idx %arg9[%parallel_loop3A_179] : memref<512xf32, #tpu.memory_space<vmem>>[vector<16xi32>], vector<16xf32>,
      %parallel_loop3A_181 = arith.addf %parallel_loop3A_161, %parallel_loop3A_180 : vector<16xf32>
      %parallel_loop3A_182 = arith.constant 16 : i32
      %parallel_loop3A_183 = vector.broadcast %parallel_loop3A_182 : i32 to vector<16xi32>
      %parallel_loop3A_184 = arith.muli %iota3A_5, %parallel_loop3A_183 : vector<16xi32>
      %parallel_loop3A_185 = vector.broadcast %parallel_loop3A_57 : i32 to vector<16xi32>
      %parallel_loop3A_186 = arith.addi %parallel_loop3A_185, %parallel_loop3A_184 : vector<16xi32>
      %parallel_loop3A_187 = arith.constant 6 : i32
      %parallel_loop3A_188 = vector.broadcast %parallel_loop3A_187 : i32 to vector<16xi32>
      %parallel_loop3A_189 = arith.addi %parallel_loop3A_186, %parallel_loop3A_188 : vector<16xi32>
      %parallel_loop3A_190 = tpu.vector_load_idx %arg8[%parallel_loop3A_189] : memref<512xf32, #tpu.memory_space<vmem>>[vector<16xi32>], vector<16xf32>,
      %parallel_loop3A_191 = arith.addf %parallel_loop3A_171, %parallel_loop3A_190 : vector<16xf32>
      %parallel_loop3A_192 = arith.constant 16 : i32
      %parallel_loop3A_193 = vector.broadcast %parallel_loop3A_192 : i32 to vector<16xi32>
      %parallel_loop3A_194 = arith.muli %iota3A_5, %parallel_loop3A_193 : vector<16xi32>
      %parallel_loop3A_195 = vector.broadcast %parallel_loop3A_57 : i32 to vector<16xi32>
      %parallel_loop3A_196 = arith.addi %parallel_loop3A_195, %parallel_loop3A_194 : vector<16xi32>
      %parallel_loop3A_197 = arith.constant 6 : i32
      %parallel_loop3A_198 = vector.broadcast %parallel_loop3A_197 : i32 to vector<16xi32>
      %parallel_loop3A_199 = arith.addi %parallel_loop3A_196, %parallel_loop3A_198 : vector<16xi32>
      %parallel_loop3A_200 = tpu.vector_load_idx %arg9[%parallel_loop3A_199] : memref<512xf32, #tpu.memory_space<vmem>>[vector<16xi32>], vector<16xf32>,
      %parallel_loop3A_201 = arith.addf %parallel_loop3A_181, %parallel_loop3A_200 : vector<16xf32>
      %parallel_loop3A_202 = arith.constant 16 : i32
      %parallel_loop3A_203 = vector.broadcast %parallel_loop3A_202 : i32 to vector<16xi32>
      %parallel_loop3A_204 = arith.muli %iota3A_5, %parallel_loop3A_203 : vector<16xi32>
      %parallel_loop3A_205 = vector.broadcast %parallel_loop3A_57 : i32 to vector<16xi32>
      %parallel_loop3A_206 = arith.addi %parallel_loop3A_205, %parallel_loop3A_204 : vector<16xi32>
      %parallel_loop3A_207 = arith.constant 7 : i32
      %parallel_loop3A_208 = vector.broadcast %parallel_loop3A_207 : i32 to vector<16xi32>
      %parallel_loop3A_209 = arith.addi %parallel_loop3A_206, %parallel_loop3A_208 : vector<16xi32>
      %parallel_loop3A_210 = tpu.vector_load_idx %arg8[%parallel_loop3A_209] : memref<512xf32, #tpu.memory_space<vmem>>[vector<16xi32>], vector<16xf32>,
      %parallel_loop3A_211 = arith.addf %parallel_loop3A_191, %parallel_loop3A_210 : vector<16xf32>
      %parallel_loop3A_212 = arith.constant 16 : i32
      %parallel_loop3A_213 = vector.broadcast %parallel_loop3A_212 : i32 to vector<16xi32>
      %parallel_loop3A_214 = arith.muli %iota3A_5, %parallel_loop3A_213 : vector<16xi32>
      %parallel_loop3A_215 = vector.broadcast %parallel_loop3A_57 : i32 to vector<16xi32>
      %parallel_loop3A_216 = arith.addi %parallel_loop3A_215, %parallel_loop3A_214 : vector<16xi32>
      %parallel_loop3A_217 = arith.constant 7 : i32
      %parallel_loop3A_218 = vector.broadcast %parallel_loop3A_217 : i32 to vector<16xi32>
      %parallel_loop3A_219 = arith.addi %parallel_loop3A_216, %parallel_loop3A_218 : vector<16xi32>
      %parallel_loop3A_220 = tpu.vector_load_idx %arg9[%parallel_loop3A_219] : memref<512xf32, #tpu.memory_space<vmem>>[vector<16xi32>], vector<16xf32>,
      %parallel_loop3A_221 = arith.addf %parallel_loop3A_201, %parallel_loop3A_220 : vector<16xf32>
      %parallel_loop3A_222 = arith.constant 16 : i32
      %parallel_loop3A_223 = vector.broadcast %parallel_loop3A_222 : i32 to vector<16xi32>
      %parallel_loop3A_224 = arith.muli %iota3A_5, %parallel_loop3A_223 : vector<16xi32>
      %parallel_loop3A_225 = vector.broadcast %parallel_loop3A_57 : i32 to vector<16xi32>
      %parallel_loop3A_226 = arith.addi %parallel_loop3A_225, %parallel_loop3A_224 : vector<16xi32>
      %parallel_loop3A_227 = arith.constant 8 : i32
      %parallel_loop3A_228 = vector.broadcast %parallel_loop3A_227 : i32 to vector<16xi32>
      %parallel_loop3A_229 = arith.addi %parallel_loop3A_226, %parallel_loop3A_228 : vector<16xi32>
      %parallel_loop3A_230 = tpu.vector_load_idx %arg8[%parallel_loop3A_229] : memref<512xf32, #tpu.memory_space<vmem>>[vector<16xi32>], vector<16xf32>,
      %parallel_loop3A_231 = arith.addf %parallel_loop3A_211, %parallel_loop3A_230 : vector<16xf32>
      %parallel_loop3A_232 = arith.constant 16 : i32
      %parallel_loop3A_233 = vector.broadcast %parallel_loop3A_232 : i32 to vector<16xi32>
      %parallel_loop3A_234 = arith.muli %iota3A_5, %parallel_loop3A_233 : vector<16xi32>
      %parallel_loop3A_235 = vector.broadcast %parallel_loop3A_57 : i32 to vector<16xi32>
      %parallel_loop3A_236 = arith.addi %parallel_loop3A_235, %parallel_loop3A_234 : vector<16xi32>
      %parallel_loop3A_237 = arith.constant 8 : i32
      %parallel_loop3A_238 = vector.broadcast %parallel_loop3A_237 : i32 to vector<16xi32>
      %parallel_loop3A_239 = arith.addi %parallel_loop3A_236, %parallel_loop3A_238 : vector<16xi32>
      %parallel_loop3A_240 = tpu.vector_load_idx %arg9[%parallel_loop3A_239] : memref<512xf32, #tpu.memory_space<vmem>>[vector<16xi32>], vector<16xf32>,
      %parallel_loop3A_241 = arith.addf %parallel_loop3A_221, %parallel_loop3A_240 : vector<16xf32>
      %parallel_loop3A_242 = arith.constant 16 : i32
      %parallel_loop3A_243 = vector.broadcast %parallel_loop3A_242 : i32 to vector<16xi32>
      %parallel_loop3A_244 = arith.muli %iota3A_5, %parallel_loop3A_243 : vector<16xi32>
      %parallel_loop3A_245 = vector.broadcast %parallel_loop3A_57 : i32 to vector<16xi32>
      %parallel_loop3A_246 = arith.addi %parallel_loop3A_245, %parallel_loop3A_244 : vector<16xi32>
      %parallel_loop3A_247 = arith.constant 9 : i32
      %parallel_loop3A_248 = vector.broadcast %parallel_loop3A_247 : i32 to vector<16xi32>
      %parallel_loop3A_249 = arith.addi %parallel_loop3A_246, %parallel_loop3A_248 : vector<16xi32>
      %parallel_loop3A_250 = tpu.vector_load_idx %arg8[%parallel_loop3A_249] : memref<512xf32, #tpu.memory_space<vmem>>[vector<16xi32>], vector<16xf32>,
      %parallel_loop3A_251 = arith.addf %parallel_loop3A_231, %parallel_loop3A_250 : vector<16xf32>
      %parallel_loop3A_252 = arith.constant 16 : i32
      %parallel_loop3A_253 = vector.broadcast %parallel_loop3A_252 : i32 to vector<16xi32>
      %parallel_loop3A_254 = arith.muli %iota3A_5, %parallel_loop3A_253 : vector<16xi32>
      %parallel_loop3A_255 = vector.broadcast %parallel_loop3A_57 : i32 to vector<16xi32>
      %parallel_loop3A_256 = arith.addi %parallel_loop3A_255, %parallel_loop3A_254 : vector<16xi32>
      %parallel_loop3A_257 = arith.constant 9 : i32
      %parallel_loop3A_258 = vector.broadcast %parallel_loop3A_257 : i32 to vector<16xi32>
      %parallel_loop3A_259 = arith.addi %parallel_loop3A_256, %parallel_loop3A_258 : vector<16xi32>
      %parallel_loop3A_260 = tpu.vector_load_idx %arg9[%parallel_loop3A_259] : memref<512xf32, #tpu.memory_space<vmem>>[vector<16xi32>], vector<16xf32>,
      %parallel_loop3A_261 = arith.addf %parallel_loop3A_241, %parallel_loop3A_260 : vector<16xf32>
      %parallel_loop3A_262 = arith.constant 16 : i32
      %parallel_loop3A_263 = vector.broadcast %parallel_loop3A_262 : i32 to vector<16xi32>
      %parallel_loop3A_264 = arith.muli %iota3A_5, %parallel_loop3A_263 : vector<16xi32>
      %parallel_loop3A_265 = vector.broadcast %parallel_loop3A_57 : i32 to vector<16xi32>
      %parallel_loop3A_266 = arith.addi %parallel_loop3A_265, %parallel_loop3A_264 : vector<16xi32>
      %parallel_loop3A_267 = arith.constant 10 : i32
      %parallel_loop3A_268 = vector.broadcast %parallel_loop3A_267 : i32 to vector<16xi32>
      %parallel_loop3A_269 = arith.addi %parallel_loop3A_266, %parallel_loop3A_268 : vector<16xi32>
      %parallel_loop3A_270 = tpu.vector_load_idx %arg8[%parallel_loop3A_269] : memref<512xf32, #tpu.memory_space<vmem>>[vector<16xi32>], vector<16xf32>,
      %parallel_loop3A_271 = arith.addf %parallel_loop3A_251, %parallel_loop3A_270 : vector<16xf32>
      %parallel_loop3A_272 = arith.constant 16 : i32
      %parallel_loop3A_273 = vector.broadcast %parallel_loop3A_272 : i32 to vector<16xi32>
      %parallel_loop3A_274 = arith.muli %iota3A_5, %parallel_loop3A_273 : vector<16xi32>
      %parallel_loop3A_275 = vector.broadcast %parallel_loop3A_57 : i32 to vector<16xi32>
      %parallel_loop3A_276 = arith.addi %parallel_loop3A_275, %parallel_loop3A_274 : vector<16xi32>
      %parallel_loop3A_277 = arith.constant 10 : i32
      %parallel_loop3A_278 = vector.broadcast %parallel_loop3A_277 : i32 to vector<16xi32>
      %parallel_loop3A_279 = arith.addi %parallel_loop3A_276, %parallel_loop3A_278 : vector<16xi32>
      %parallel_loop3A_280 = tpu.vector_load_idx %arg9[%parallel_loop3A_279] : memref<512xf32, #tpu.memory_space<vmem>>[vector<16xi32>], vector<16xf32>,
      %parallel_loop3A_281 = arith.addf %parallel_loop3A_261, %parallel_loop3A_280 : vector<16xf32>
      %parallel_loop3A_282 = arith.constant 16 : i32
      %parallel_loop3A_283 = vector.broadcast %parallel_loop3A_282 : i32 to vector<16xi32>
      %parallel_loop3A_284 = arith.muli %iota3A_5, %parallel_loop3A_283 : vector<16xi32>
      %parallel_loop3A_285 = vector.broadcast %parallel_loop3A_57 : i32 to vector<16xi32>
      %parallel_loop3A_286 = arith.addi %parallel_loop3A_285, %parallel_loop3A_284 : vector<16xi32>
      %parallel_loop3A_287 = arith.constant 11 : i32
      %parallel_loop3A_288 = vector.broadcast %parallel_loop3A_287 : i32 to vector<16xi32>
      %parallel_loop3A_289 = arith.addi %parallel_loop3A_286, %parallel_loop3A_288 : vector<16xi32>
      %parallel_loop3A_290 = tpu.vector_load_idx %arg8[%parallel_loop3A_289] : memref<512xf32, #tpu.memory_space<vmem>>[vector<16xi32>], vector<16xf32>,
      %parallel_loop3A_291 = arith.addf %parallel_loop3A_271, %parallel_loop3A_290 : vector<16xf32>
      %parallel_loop3A_292 = arith.constant 16 : i32
      %parallel_loop3A_293 = vector.broadcast %parallel_loop3A_292 : i32 to vector<16xi32>
      %parallel_loop3A_294 = arith.muli %iota3A_5, %parallel_loop3A_293 : vector<16xi32>
      %parallel_loop3A_295 = vector.broadcast %parallel_loop3A_57 : i32 to vector<16xi32>
      %parallel_loop3A_296 = arith.addi %parallel_loop3A_295, %parallel_loop3A_294 : vector<16xi32>
      %parallel_loop3A_297 = arith.constant 11 : i32
      %parallel_loop3A_298 = vector.broadcast %parallel_loop3A_297 : i32 to vector<16xi32>
      %parallel_loop3A_299 = arith.addi %parallel_loop3A_296, %parallel_loop3A_298 : vector<16xi32>
      %parallel_loop3A_300 = tpu.vector_load_idx %arg9[%parallel_loop3A_299] : memref<512xf32, #tpu.memory_space<vmem>>[vector<16xi32>], vector<16xf32>,
      %parallel_loop3A_301 = arith.addf %parallel_loop3A_281, %parallel_loop3A_300 : vector<16xf32>
      %parallel_loop3A_302 = arith.constant 16 : i32
      %parallel_loop3A_303 = vector.broadcast %parallel_loop3A_302 : i32 to vector<16xi32>
      %parallel_loop3A_304 = arith.muli %iota3A_5, %parallel_loop3A_303 : vector<16xi32>
      %parallel_loop3A_305 = vector.broadcast %parallel_loop3A_57 : i32 to vector<16xi32>
      %parallel_loop3A_306 = arith.addi %parallel_loop3A_305, %parallel_loop3A_304 : vector<16xi32>
      %parallel_loop3A_307 = arith.constant 12 : i32
      %parallel_loop3A_308 = vector.broadcast %parallel_loop3A_307 : i32 to vector<16xi32>
      %parallel_loop3A_309 = arith.addi %parallel_loop3A_306, %parallel_loop3A_308 : vector<16xi32>
      %parallel_loop3A_310 = tpu.vector_load_idx %arg8[%parallel_loop3A_309] : memref<512xf32, #tpu.memory_space<vmem>>[vector<16xi32>], vector<16xf32>,
      %parallel_loop3A_311 = arith.addf %parallel_loop3A_291, %parallel_loop3A_310 : vector<16xf32>
      %parallel_loop3A_312 = arith.constant 16 : i32
      %parallel_loop3A_313 = vector.broadcast %parallel_loop3A_312 : i32 to vector<16xi32>
      %parallel_loop3A_314 = arith.muli %iota3A_5, %parallel_loop3A_313 : vector<16xi32>
      %parallel_loop3A_315 = vector.broadcast %parallel_loop3A_57 : i32 to vector<16xi32>
      %parallel_loop3A_316 = arith.addi %parallel_loop3A_315, %parallel_loop3A_314 : vector<16xi32>
      %parallel_loop3A_317 = arith.constant 12 : i32
      %parallel_loop3A_318 = vector.broadcast %parallel_loop3A_317 : i32 to vector<16xi32>
      %parallel_loop3A_319 = arith.addi %parallel_loop3A_316, %parallel_loop3A_318 : vector<16xi32>
      %parallel_loop3A_320 = tpu.vector_load_idx %arg9[%parallel_loop3A_319] : memref<512xf32, #tpu.memory_space<vmem>>[vector<16xi32>], vector<16xf32>,
      %parallel_loop3A_321 = arith.addf %parallel_loop3A_301, %parallel_loop3A_320 : vector<16xf32>
      %parallel_loop3A_322 = arith.constant 16 : i32
      %parallel_loop3A_323 = vector.broadcast %parallel_loop3A_322 : i32 to vector<16xi32>
      %parallel_loop3A_324 = arith.muli %iota3A_5, %parallel_loop3A_323 : vector<16xi32>
      %parallel_loop3A_325 = vector.broadcast %parallel_loop3A_57 : i32 to vector<16xi32>
      %parallel_loop3A_326 = arith.addi %parallel_loop3A_325, %parallel_loop3A_324 : vector<16xi32>
      %parallel_loop3A_327 = arith.constant 13 : i32
      %parallel_loop3A_328 = vector.broadcast %parallel_loop3A_327 : i32 to vector<16xi32>
      %parallel_loop3A_329 = arith.addi %parallel_loop3A_326, %parallel_loop3A_328 : vector<16xi32>
      %parallel_loop3A_330 = tpu.vector_load_idx %arg8[%parallel_loop3A_329] : memref<512xf32, #tpu.memory_space<vmem>>[vector<16xi32>], vector<16xf32>,
      %parallel_loop3A_331 = arith.addf %parallel_loop3A_311, %parallel_loop3A_330 : vector<16xf32>
      %parallel_loop3A_332 = arith.constant 16 : i32
      %parallel_loop3A_333 = vector.broadcast %parallel_loop3A_332 : i32 to vector<16xi32>
      %parallel_loop3A_334 = arith.muli %iota3A_5, %parallel_loop3A_333 : vector<16xi32>
      %parallel_loop3A_335 = vector.broadcast %parallel_loop3A_57 : i32 to vector<16xi32>
      %parallel_loop3A_336 = arith.addi %parallel_loop3A_335, %parallel_loop3A_334 : vector<16xi32>
      %parallel_loop3A_337 = arith.constant 13 : i32
      %parallel_loop3A_338 = vector.broadcast %parallel_loop3A_337 : i32 to vector<16xi32>
      %parallel_loop3A_339 = arith.addi %parallel_loop3A_336, %parallel_loop3A_338 : vector<16xi32>
      %parallel_loop3A_340 = tpu.vector_load_idx %arg9[%parallel_loop3A_339] : memref<512xf32, #tpu.memory_space<vmem>>[vector<16xi32>], vector<16xf32>,
      %parallel_loop3A_341 = arith.addf %parallel_loop3A_321, %parallel_loop3A_340 : vector<16xf32>
      %parallel_loop3A_342 = arith.constant 16 : i32
      %parallel_loop3A_343 = vector.broadcast %parallel_loop3A_342 : i32 to vector<16xi32>
      %parallel_loop3A_344 = arith.muli %iota3A_5, %parallel_loop3A_343 : vector<16xi32>
      %parallel_loop3A_345 = vector.broadcast %parallel_loop3A_57 : i32 to vector<16xi32>
      %parallel_loop3A_346 = arith.addi %parallel_loop3A_345, %parallel_loop3A_344 : vector<16xi32>
      %parallel_loop3A_347 = arith.constant 14 : i32
      %parallel_loop3A_348 = vector.broadcast %parallel_loop3A_347 : i32 to vector<16xi32>
      %parallel_loop3A_349 = arith.addi %parallel_loop3A_346, %parallel_loop3A_348 : vector<16xi32>
      %parallel_loop3A_350 = tpu.vector_load_idx %arg8[%parallel_loop3A_349] : memref<512xf32, #tpu.memory_space<vmem>>[vector<16xi32>], vector<16xf32>,
      %parallel_loop3A_351 = arith.addf %parallel_loop3A_331, %parallel_loop3A_350 : vector<16xf32>
      %parallel_loop3A_352 = arith.constant 16 : i32
      %parallel_loop3A_353 = vector.broadcast %parallel_loop3A_352 : i32 to vector<16xi32>
      %parallel_loop3A_354 = arith.muli %iota3A_5, %parallel_loop3A_353 : vector<16xi32>
      %parallel_loop3A_355 = vector.broadcast %parallel_loop3A_57 : i32 to vector<16xi32>
      %parallel_loop3A_356 = arith.addi %parallel_loop3A_355, %parallel_loop3A_354 : vector<16xi32>
      %parallel_loop3A_357 = arith.constant 14 : i32
      %parallel_loop3A_358 = vector.broadcast %parallel_loop3A_357 : i32 to vector<16xi32>
      %parallel_loop3A_359 = arith.addi %parallel_loop3A_356, %parallel_loop3A_358 : vector<16xi32>
      %parallel_loop3A_360 = tpu.vector_load_idx %arg9[%parallel_loop3A_359] : memref<512xf32, #tpu.memory_space<vmem>>[vector<16xi32>], vector<16xf32>,
      %parallel_loop3A_361 = arith.addf %parallel_loop3A_341, %parallel_loop3A_360 : vector<16xf32>
      %parallel_loop3A_362 = arith.constant 16 : i32
      %parallel_loop3A_363 = vector.broadcast %parallel_loop3A_362 : i32 to vector<16xi32>
      %parallel_loop3A_364 = arith.muli %iota3A_5, %parallel_loop3A_363 : vector<16xi32>
      %parallel_loop3A_365 = vector.broadcast %parallel_loop3A_57 : i32 to vector<16xi32>
      %parallel_loop3A_366 = arith.addi %parallel_loop3A_365, %parallel_loop3A_364 : vector<16xi32>
      %parallel_loop3A_367 = arith.constant 15 : i32
      %parallel_loop3A_368 = vector.broadcast %parallel_loop3A_367 : i32 to vector<16xi32>
      %parallel_loop3A_369 = arith.addi %parallel_loop3A_366, %parallel_loop3A_368 : vector<16xi32>
      %parallel_loop3A_370 = tpu.vector_load_idx %arg8[%parallel_loop3A_369] : memref<512xf32, #tpu.memory_space<vmem>>[vector<16xi32>], vector<16xf32>,
      %parallel_loop3A_371 = arith.addf %parallel_loop3A_351, %parallel_loop3A_370 : vector<16xf32>
      %parallel_loop3A_372 = arith.constant 16 : i32
      %parallel_loop3A_373 = vector.broadcast %parallel_loop3A_372 : i32 to vector<16xi32>
      %parallel_loop3A_374 = arith.muli %iota3A_5, %parallel_loop3A_373 : vector<16xi32>
      %parallel_loop3A_375 = vector.broadcast %parallel_loop3A_57 : i32 to vector<16xi32>
      %parallel_loop3A_376 = arith.addi %parallel_loop3A_375, %parallel_loop3A_374 : vector<16xi32>
      %parallel_loop3A_377 = arith.constant 15 : i32
      %parallel_loop3A_378 = vector.broadcast %parallel_loop3A_377 : i32 to vector<16xi32>
      %parallel_loop3A_379 = arith.addi %parallel_loop3A_376, %parallel_loop3A_378 : vector<16xi32>
      %parallel_loop3A_380 = tpu.vector_load_idx %arg9[%parallel_loop3A_379] : memref<512xf32, #tpu.memory_space<vmem>>[vector<16xi32>], vector<16xf32>,
      %parallel_loop3A_381 = arith.addf %parallel_loop3A_361, %parallel_loop3A_380 : vector<16xf32>
      %parallel_loop3A_382 = arith.constant 16 : i32
      %parallel_loop3A_383 = arith.muli %parallel_loop3A_53, %parallel_loop3A_382 : i32
      %parallel_loop3A_384 = arith.constant 32 : i32
      %parallel_loop3A_385 = arith.addi %parallel_loop3A_384, %parallel_loop3A_383 : i32
      %parallel_loop3A_386 = vector.broadcast %parallel_loop3A_385 : i32 to vector<16xi32>
      %parallel_loop3A_387 = arith.addi %parallel_loop3A_386, %iota3A_5 : vector<16xi32>
      %parallel_loop3A_388 = arith.constant 0 : i32
      %parallel_loop3A_389 = vector.broadcast %parallel_loop3A_388 : i32 to vector<16xi32>
      %parallel_loop3A_390 = arith.constant 5.000000e-03 : f32
      %parallel_loop3A_391 = vector.broadcast %parallel_loop3A_390 : f32 to vector<16xf32>
      %parallel_loop3A_392 = arith.mulf %parallel_loop3A_371, %parallel_loop3A_391 : vector<16xf32>
      %parallel_loop3A_393 = arith.constant 0 : index
      %parallel_loop3A_394 = tpu.vector_load %arg11[%parallel_loop3A_393] {strides = array<i32>} : memref<32xf32, #tpu.memory_space<vmem>>, vector<16xf32>,
      %parallel_loop3A_395 = arith.addf %parallel_loop3A_392, %parallel_loop3A_394 : vector<16xf32>
      tpu.vector_store_idx %arg10[%parallel_loop3A_387, %parallel_loop3A_389], %parallel_loop3A_395 : memref<128x2xf32, #tpu.memory_space<vmem>>[vector<16xi32>, vector<16xi32>], vector<16xf32>,
      %parallel_loop3A_396 = arith.constant 1 : i32
      %parallel_loop3A_397 = vector.broadcast %parallel_loop3A_396 : i32 to vector<16xi32>
      %parallel_loop3A_398 = arith.constant 5.000000e-03 : f32
      %parallel_loop3A_399 = vector.broadcast %parallel_loop3A_398 : f32 to vector<16xf32>
      %parallel_loop3A_400 = arith.mulf %parallel_loop3A_381, %parallel_loop3A_399 : vector<16xf32>
      %parallel_loop3A_401 = arith.constant 16 : index
      %parallel_loop3A_402 = tpu.vector_load %arg11[%parallel_loop3A_401] {strides = array<i32>} : memref<32xf32, #tpu.memory_space<vmem>>, vector<16xf32>,
      %parallel_loop3A_403 = arith.addf %parallel_loop3A_400, %parallel_loop3A_402 : vector<16xf32>
      tpu.vector_store_idx %arg10[%parallel_loop3A_387, %parallel_loop3A_397], %parallel_loop3A_403 : memref<128x2xf32, #tpu.memory_space<vmem>>[vector<16xi32>, vector<16xi32>], vector<16xf32>,
    } {sc.loop_unroll_factor = 2 : i64, sc.parallel_access}
    %add3A_27 = arith.constant 12800 : i32
    %add3A_28 = arith.addi %mul3A_2, %add3A_27 : i32
    "tpu.region"() ({
      %run_scoped3A = tpu.sem_alloc : memref<!tpu.dma_semaphore, #tpu.memory_space<semaphore_mem>>
      %dma_start3A = arith.constant 0 : i32
      %dma_start3A_53 = tpu.memref_slice %arg6[%dma_start3A] : memref<6416xi32, #tpu.memory_space<vmem>> -> memref<6400xi32, #tpu.memory_space<vmem>>
      %dma_start3A_54 = tpu.memref_slice %arg2[%add3A_28] : memref<819200xi32, #tpu.memory_space<hbm>> -> memref<6400xi32, #tpu.memory_space<hbm>>
      %dma_start3A_55 = arith.constant 0 : i32
      %dma_start3A_56 = tpu.memref_slice %arg6[%dma_start3A_55] : memref<6416xi32, #tpu.memory_space<vmem>> -> memref<6400xi32, #tpu.memory_space<vmem>>
      %dma_start3A_57 = tpu.memref_slice %arg2[%add3A_28] : memref<819200xi32, #tpu.memory_space<hbm>> -> memref<6400xi32, #tpu.memory_space<hbm>>
      tpu.enqueue_dma source(%dma_start3A_57 : memref<6400xi32, #tpu.memory_space<hbm>>) target(%dma_start3A_56 : memref<6400xi32, #tpu.memory_space<vmem>>) target_semaphore(%run_scoped3A : memref<!tpu.dma_semaphore, #tpu.memory_space<semaphore_mem>>)
      %dma_wait3A = arith.constant 0 : i32
      %dma_wait3A_58 = tpu.memref_slice %arg6[%dma_wait3A] : memref<6416xi32, #tpu.memory_space<vmem>> -> memref<6400xi32, #tpu.memory_space<vmem>>
      %dma_wait3A_59 = tpu.memref_slice %arg2[%add3A_28] : memref<819200xi32, #tpu.memory_space<hbm>> -> memref<6400xi32, #tpu.memory_space<hbm>>
      %dma_wait3A_60 = arith.constant 0 : i32
      %dma_wait3A_61 = tpu.memref_slice %arg6[%dma_wait3A_60] : memref<6416xi32, #tpu.memory_space<vmem>> -> memref<6400xi32, #tpu.memory_space<vmem>>
      %dma_wait3A_62 = tpu.memref_slice %arg2[%add3A_28] : memref<819200xi32, #tpu.memory_space<hbm>> -> memref<6400xi32, #tpu.memory_space<hbm>>
      tpu.wait_dma2 semaphore(%run_scoped3A : memref<!tpu.dma_semaphore, #tpu.memory_space<semaphore_mem>>) src(%dma_wait3A_62 : memref<6400xi32, #tpu.memory_space<hbm>>) dst(%dma_wait3A_61 : memref<6400xi32, #tpu.memory_space<vmem>>)
      tpu.yield
    }) : () -> ()
    %broadcast_in_dim3A_29 = arith.constant 0 : i32
    %broadcast_in_dim3A_30 = vector.broadcast %broadcast_in_dim3A_29 : i32 to vector<16xi32>
    %swap3A_31 = arith.constant 6400 : index
    %swap3A_32 = tpu.vector_load %arg6[%swap3A_31] {strides = array<i32>} : memref<6416xi32, #tpu.memory_space<vmem>>, vector<16xi32>,
    tpu.vector_store %arg6[%swap3A_31], %broadcast_in_dim3A_30 {strides = array<i32>} : memref<6416xi32, #tpu.memory_space<vmem>>, vector<16xi32>,
    %parallel_loop3A_33 = arith.constant 0 : i32
    %parallel_loop3A_34 = arith.constant 32 : i32
    %parallel_loop3A_35 = arith.constant 1 : i32
    scf.for %parallel_loop3A_53 = %parallel_loop3A_33 to %parallel_loop3A_34 step %parallel_loop3A_35  : i32 {
      %parallel_loop3A_54 = arith.constant 200 : i32
      %parallel_loop3A_55 = arith.muli %parallel_loop3A_53, %parallel_loop3A_54 : i32
      %parallel_loop3A_56 = arith.constant 0.000000e+00 : f32
      %parallel_loop3A_57 = vector.broadcast %parallel_loop3A_56 : f32 to vector<16xf32>
      %parallel_loop3A_58 = arith.constant 0.000000e+00 : f32
      %parallel_loop3A_59 = vector.broadcast %parallel_loop3A_58 : f32 to vector<16xf32>
      %parallel_loop3A_60 = arith.constant 0 : i32
      %parallel_loop3A_61 = arith.addi %parallel_loop3A_55, %parallel_loop3A_60 : i32
      %parallel_loop3A_62 = arith.index_cast %parallel_loop3A_61 : i32 to index
      %parallel_loop3A_63 = tpu.vector_load %arg6[%parallel_loop3A_62] {strides = array<i32>} : memref<6416xi32, #tpu.memory_space<vmem>>, vector<16xi32>,
      %parallel_loop3A_64 = tpu.vector_load_idx %arg7[%parallel_loop3A_63] : memref<100000xi32, #tpu.memory_space<vmem>>[vector<16xi32>], vector<16xi32>,
      %parallel_loop3A_65 = arith.constant 16 : i32
      %parallel_loop3A_66 = vector.broadcast %parallel_loop3A_65 : i32 to vector<16xi32>
      %parallel_loop3A_67 = arith.shli %parallel_loop3A_64, %parallel_loop3A_66 : vector<16xi32>
      %parallel_loop3A_68 = vector.bitcast %parallel_loop3A_67 : vector<16xi32> to vector<16xf32>
      %parallel_loop3A_69 = arith.constant -65536 : i32
      %parallel_loop3A_70 = vector.broadcast %parallel_loop3A_69 : i32 to vector<16xi32>
      %parallel_loop3A_71 = arith.andi %parallel_loop3A_64, %parallel_loop3A_70 : vector<16xi32>
      %parallel_loop3A_72 = vector.bitcast %parallel_loop3A_71 : vector<16xi32> to vector<16xf32>
      %parallel_loop3A_73 = arith.addf %parallel_loop3A_57, %parallel_loop3A_68 : vector<16xf32>
      %parallel_loop3A_74 = arith.addf %parallel_loop3A_59, %parallel_loop3A_72 : vector<16xf32>
      %parallel_loop3A_75 = arith.constant 16 : i32
      %parallel_loop3A_76 = arith.addi %parallel_loop3A_55, %parallel_loop3A_75 : i32
      %parallel_loop3A_77 = arith.index_cast %parallel_loop3A_76 : i32 to index
      %parallel_loop3A_78 = tpu.vector_load %arg6[%parallel_loop3A_77] {strides = array<i32>} : memref<6416xi32, #tpu.memory_space<vmem>>, vector<16xi32>,
      %parallel_loop3A_79 = tpu.vector_load_idx %arg7[%parallel_loop3A_78] : memref<100000xi32, #tpu.memory_space<vmem>>[vector<16xi32>], vector<16xi32>,
      %parallel_loop3A_80 = arith.constant 16 : i32
      %parallel_loop3A_81 = vector.broadcast %parallel_loop3A_80 : i32 to vector<16xi32>
      %parallel_loop3A_82 = arith.shli %parallel_loop3A_79, %parallel_loop3A_81 : vector<16xi32>
      %parallel_loop3A_83 = vector.bitcast %parallel_loop3A_82 : vector<16xi32> to vector<16xf32>
      %parallel_loop3A_84 = arith.constant -65536 : i32
      %parallel_loop3A_85 = vector.broadcast %parallel_loop3A_84 : i32 to vector<16xi32>
      %parallel_loop3A_86 = arith.andi %parallel_loop3A_79, %parallel_loop3A_85 : vector<16xi32>
      %parallel_loop3A_87 = vector.bitcast %parallel_loop3A_86 : vector<16xi32> to vector<16xf32>
      %parallel_loop3A_88 = arith.addf %parallel_loop3A_73, %parallel_loop3A_83 : vector<16xf32>
      %parallel_loop3A_89 = arith.addf %parallel_loop3A_74, %parallel_loop3A_87 : vector<16xf32>
      %parallel_loop3A_90 = arith.constant 32 : i32
      %parallel_loop3A_91 = arith.addi %parallel_loop3A_55, %parallel_loop3A_90 : i32
      %parallel_loop3A_92 = arith.index_cast %parallel_loop3A_91 : i32 to index
      %parallel_loop3A_93 = tpu.vector_load %arg6[%parallel_loop3A_92] {strides = array<i32>} : memref<6416xi32, #tpu.memory_space<vmem>>, vector<16xi32>,
      %parallel_loop3A_94 = tpu.vector_load_idx %arg7[%parallel_loop3A_93] : memref<100000xi32, #tpu.memory_space<vmem>>[vector<16xi32>], vector<16xi32>,
      %parallel_loop3A_95 = arith.constant 16 : i32
      %parallel_loop3A_96 = vector.broadcast %parallel_loop3A_95 : i32 to vector<16xi32>
      %parallel_loop3A_97 = arith.shli %parallel_loop3A_94, %parallel_loop3A_96 : vector<16xi32>
      %parallel_loop3A_98 = vector.bitcast %parallel_loop3A_97 : vector<16xi32> to vector<16xf32>
      %parallel_loop3A_99 = arith.constant -65536 : i32
      %parallel_loop3A_100 = vector.broadcast %parallel_loop3A_99 : i32 to vector<16xi32>
      %parallel_loop3A_101 = arith.andi %parallel_loop3A_94, %parallel_loop3A_100 : vector<16xi32>
      %parallel_loop3A_102 = vector.bitcast %parallel_loop3A_101 : vector<16xi32> to vector<16xf32>
      %parallel_loop3A_103 = arith.addf %parallel_loop3A_88, %parallel_loop3A_98 : vector<16xf32>
      %parallel_loop3A_104 = arith.addf %parallel_loop3A_89, %parallel_loop3A_102 : vector<16xf32>
      %parallel_loop3A_105 = arith.constant 48 : i32
      %parallel_loop3A_106 = arith.addi %parallel_loop3A_55, %parallel_loop3A_105 : i32
      %parallel_loop3A_107 = arith.index_cast %parallel_loop3A_106 : i32 to index
      %parallel_loop3A_108 = tpu.vector_load %arg6[%parallel_loop3A_107] {strides = array<i32>} : memref<6416xi32, #tpu.memory_space<vmem>>, vector<16xi32>,
      %parallel_loop3A_109 = tpu.vector_load_idx %arg7[%parallel_loop3A_108] : memref<100000xi32, #tpu.memory_space<vmem>>[vector<16xi32>], vector<16xi32>,
      %parallel_loop3A_110 = arith.constant 16 : i32
      %parallel_loop3A_111 = vector.broadcast %parallel_loop3A_110 : i32 to vector<16xi32>
      %parallel_loop3A_112 = arith.shli %parallel_loop3A_109, %parallel_loop3A_111 : vector<16xi32>
      %parallel_loop3A_113 = vector.bitcast %parallel_loop3A_112 : vector<16xi32> to vector<16xf32>
      %parallel_loop3A_114 = arith.constant -65536 : i32
      %parallel_loop3A_115 = vector.broadcast %parallel_loop3A_114 : i32 to vector<16xi32>
      %parallel_loop3A_116 = arith.andi %parallel_loop3A_109, %parallel_loop3A_115 : vector<16xi32>
      %parallel_loop3A_117 = vector.bitcast %parallel_loop3A_116 : vector<16xi32> to vector<16xf32>
      %parallel_loop3A_118 = arith.addf %parallel_loop3A_103, %parallel_loop3A_113 : vector<16xf32>
      %parallel_loop3A_119 = arith.addf %parallel_loop3A_104, %parallel_loop3A_117 : vector<16xf32>
      %parallel_loop3A_120 = arith.constant 64 : i32
      %parallel_loop3A_121 = arith.addi %parallel_loop3A_55, %parallel_loop3A_120 : i32
      %parallel_loop3A_122 = arith.index_cast %parallel_loop3A_121 : i32 to index
      %parallel_loop3A_123 = tpu.vector_load %arg6[%parallel_loop3A_122] {strides = array<i32>} : memref<6416xi32, #tpu.memory_space<vmem>>, vector<16xi32>,
      %parallel_loop3A_124 = tpu.vector_load_idx %arg7[%parallel_loop3A_123] : memref<100000xi32, #tpu.memory_space<vmem>>[vector<16xi32>], vector<16xi32>,
      %parallel_loop3A_125 = arith.constant 16 : i32
      %parallel_loop3A_126 = vector.broadcast %parallel_loop3A_125 : i32 to vector<16xi32>
      %parallel_loop3A_127 = arith.shli %parallel_loop3A_124, %parallel_loop3A_126 : vector<16xi32>
      %parallel_loop3A_128 = vector.bitcast %parallel_loop3A_127 : vector<16xi32> to vector<16xf32>
      %parallel_loop3A_129 = arith.constant -65536 : i32
      %parallel_loop3A_130 = vector.broadcast %parallel_loop3A_129 : i32 to vector<16xi32>
      %parallel_loop3A_131 = arith.andi %parallel_loop3A_124, %parallel_loop3A_130 : vector<16xi32>
      %parallel_loop3A_132 = vector.bitcast %parallel_loop3A_131 : vector<16xi32> to vector<16xf32>
      %parallel_loop3A_133 = arith.addf %parallel_loop3A_118, %parallel_loop3A_128 : vector<16xf32>
      %parallel_loop3A_134 = arith.addf %parallel_loop3A_119, %parallel_loop3A_132 : vector<16xf32>
      %parallel_loop3A_135 = arith.constant 80 : i32
      %parallel_loop3A_136 = arith.addi %parallel_loop3A_55, %parallel_loop3A_135 : i32
      %parallel_loop3A_137 = arith.index_cast %parallel_loop3A_136 : i32 to index
      %parallel_loop3A_138 = tpu.vector_load %arg6[%parallel_loop3A_137] {strides = array<i32>} : memref<6416xi32, #tpu.memory_space<vmem>>, vector<16xi32>,
      %parallel_loop3A_139 = tpu.vector_load_idx %arg7[%parallel_loop3A_138] : memref<100000xi32, #tpu.memory_space<vmem>>[vector<16xi32>], vector<16xi32>,
      %parallel_loop3A_140 = arith.constant 16 : i32
      %parallel_loop3A_141 = vector.broadcast %parallel_loop3A_140 : i32 to vector<16xi32>
      %parallel_loop3A_142 = arith.shli %parallel_loop3A_139, %parallel_loop3A_141 : vector<16xi32>
      %parallel_loop3A_143 = vector.bitcast %parallel_loop3A_142 : vector<16xi32> to vector<16xf32>
      %parallel_loop3A_144 = arith.constant -65536 : i32
      %parallel_loop3A_145 = vector.broadcast %parallel_loop3A_144 : i32 to vector<16xi32>
      %parallel_loop3A_146 = arith.andi %parallel_loop3A_139, %parallel_loop3A_145 : vector<16xi32>
      %parallel_loop3A_147 = vector.bitcast %parallel_loop3A_146 : vector<16xi32> to vector<16xf32>
      %parallel_loop3A_148 = arith.addf %parallel_loop3A_133, %parallel_loop3A_143 : vector<16xf32>
      %parallel_loop3A_149 = arith.addf %parallel_loop3A_134, %parallel_loop3A_147 : vector<16xf32>
      %parallel_loop3A_150 = arith.constant 96 : i32
      %parallel_loop3A_151 = arith.addi %parallel_loop3A_55, %parallel_loop3A_150 : i32
      %parallel_loop3A_152 = arith.index_cast %parallel_loop3A_151 : i32 to index
      %parallel_loop3A_153 = tpu.vector_load %arg6[%parallel_loop3A_152] {strides = array<i32>} : memref<6416xi32, #tpu.memory_space<vmem>>, vector<16xi32>,
      %parallel_loop3A_154 = tpu.vector_load_idx %arg7[%parallel_loop3A_153] : memref<100000xi32, #tpu.memory_space<vmem>>[vector<16xi32>], vector<16xi32>,
      %parallel_loop3A_155 = arith.constant 16 : i32
      %parallel_loop3A_156 = vector.broadcast %parallel_loop3A_155 : i32 to vector<16xi32>
      %parallel_loop3A_157 = arith.shli %parallel_loop3A_154, %parallel_loop3A_156 : vector<16xi32>
      %parallel_loop3A_158 = vector.bitcast %parallel_loop3A_157 : vector<16xi32> to vector<16xf32>
      %parallel_loop3A_159 = arith.constant -65536 : i32
      %parallel_loop3A_160 = vector.broadcast %parallel_loop3A_159 : i32 to vector<16xi32>
      %parallel_loop3A_161 = arith.andi %parallel_loop3A_154, %parallel_loop3A_160 : vector<16xi32>
      %parallel_loop3A_162 = vector.bitcast %parallel_loop3A_161 : vector<16xi32> to vector<16xf32>
      %parallel_loop3A_163 = arith.addf %parallel_loop3A_148, %parallel_loop3A_158 : vector<16xf32>
      %parallel_loop3A_164 = arith.addf %parallel_loop3A_149, %parallel_loop3A_162 : vector<16xf32>
      %parallel_loop3A_165 = arith.constant 112 : i32
      %parallel_loop3A_166 = arith.addi %parallel_loop3A_55, %parallel_loop3A_165 : i32
      %parallel_loop3A_167 = arith.index_cast %parallel_loop3A_166 : i32 to index
      %parallel_loop3A_168 = tpu.vector_load %arg6[%parallel_loop3A_167] {strides = array<i32>} : memref<6416xi32, #tpu.memory_space<vmem>>, vector<16xi32>,
      %parallel_loop3A_169 = tpu.vector_load_idx %arg7[%parallel_loop3A_168] : memref<100000xi32, #tpu.memory_space<vmem>>[vector<16xi32>], vector<16xi32>,
      %parallel_loop3A_170 = arith.constant 16 : i32
      %parallel_loop3A_171 = vector.broadcast %parallel_loop3A_170 : i32 to vector<16xi32>
      %parallel_loop3A_172 = arith.shli %parallel_loop3A_169, %parallel_loop3A_171 : vector<16xi32>
      %parallel_loop3A_173 = vector.bitcast %parallel_loop3A_172 : vector<16xi32> to vector<16xf32>
      %parallel_loop3A_174 = arith.constant -65536 : i32
      %parallel_loop3A_175 = vector.broadcast %parallel_loop3A_174 : i32 to vector<16xi32>
      %parallel_loop3A_176 = arith.andi %parallel_loop3A_169, %parallel_loop3A_175 : vector<16xi32>
      %parallel_loop3A_177 = vector.bitcast %parallel_loop3A_176 : vector<16xi32> to vector<16xf32>
      %parallel_loop3A_178 = arith.addf %parallel_loop3A_163, %parallel_loop3A_173 : vector<16xf32>
      %parallel_loop3A_179 = arith.addf %parallel_loop3A_164, %parallel_loop3A_177 : vector<16xf32>
      %parallel_loop3A_180 = arith.constant 128 : i32
      %parallel_loop3A_181 = arith.addi %parallel_loop3A_55, %parallel_loop3A_180 : i32
      %parallel_loop3A_182 = arith.index_cast %parallel_loop3A_181 : i32 to index
      %parallel_loop3A_183 = tpu.vector_load %arg6[%parallel_loop3A_182] {strides = array<i32>} : memref<6416xi32, #tpu.memory_space<vmem>>, vector<16xi32>,
      %parallel_loop3A_184 = tpu.vector_load_idx %arg7[%parallel_loop3A_183] : memref<100000xi32, #tpu.memory_space<vmem>>[vector<16xi32>], vector<16xi32>,
      %parallel_loop3A_185 = arith.constant 16 : i32
      %parallel_loop3A_186 = vector.broadcast %parallel_loop3A_185 : i32 to vector<16xi32>
      %parallel_loop3A_187 = arith.shli %parallel_loop3A_184, %parallel_loop3A_186 : vector<16xi32>
      %parallel_loop3A_188 = vector.bitcast %parallel_loop3A_187 : vector<16xi32> to vector<16xf32>
      %parallel_loop3A_189 = arith.constant -65536 : i32
      %parallel_loop3A_190 = vector.broadcast %parallel_loop3A_189 : i32 to vector<16xi32>
      %parallel_loop3A_191 = arith.andi %parallel_loop3A_184, %parallel_loop3A_190 : vector<16xi32>
      %parallel_loop3A_192 = vector.bitcast %parallel_loop3A_191 : vector<16xi32> to vector<16xf32>
      %parallel_loop3A_193 = arith.addf %parallel_loop3A_178, %parallel_loop3A_188 : vector<16xf32>
      %parallel_loop3A_194 = arith.addf %parallel_loop3A_179, %parallel_loop3A_192 : vector<16xf32>
      %parallel_loop3A_195 = arith.constant 144 : i32
      %parallel_loop3A_196 = arith.addi %parallel_loop3A_55, %parallel_loop3A_195 : i32
      %parallel_loop3A_197 = arith.index_cast %parallel_loop3A_196 : i32 to index
      %parallel_loop3A_198 = tpu.vector_load %arg6[%parallel_loop3A_197] {strides = array<i32>} : memref<6416xi32, #tpu.memory_space<vmem>>, vector<16xi32>,
      %parallel_loop3A_199 = tpu.vector_load_idx %arg7[%parallel_loop3A_198] : memref<100000xi32, #tpu.memory_space<vmem>>[vector<16xi32>], vector<16xi32>,
      %parallel_loop3A_200 = arith.constant 16 : i32
      %parallel_loop3A_201 = vector.broadcast %parallel_loop3A_200 : i32 to vector<16xi32>
      %parallel_loop3A_202 = arith.shli %parallel_loop3A_199, %parallel_loop3A_201 : vector<16xi32>
      %parallel_loop3A_203 = vector.bitcast %parallel_loop3A_202 : vector<16xi32> to vector<16xf32>
      %parallel_loop3A_204 = arith.constant -65536 : i32
      %parallel_loop3A_205 = vector.broadcast %parallel_loop3A_204 : i32 to vector<16xi32>
      %parallel_loop3A_206 = arith.andi %parallel_loop3A_199, %parallel_loop3A_205 : vector<16xi32>
      %parallel_loop3A_207 = vector.bitcast %parallel_loop3A_206 : vector<16xi32> to vector<16xf32>
      %parallel_loop3A_208 = arith.addf %parallel_loop3A_193, %parallel_loop3A_203 : vector<16xf32>
      %parallel_loop3A_209 = arith.addf %parallel_loop3A_194, %parallel_loop3A_207 : vector<16xf32>
      %parallel_loop3A_210 = arith.constant 160 : i32
      %parallel_loop3A_211 = arith.addi %parallel_loop3A_55, %parallel_loop3A_210 : i32
      %parallel_loop3A_212 = arith.index_cast %parallel_loop3A_211 : i32 to index
      %parallel_loop3A_213 = tpu.vector_load %arg6[%parallel_loop3A_212] {strides = array<i32>} : memref<6416xi32, #tpu.memory_space<vmem>>, vector<16xi32>,
      %parallel_loop3A_214 = tpu.vector_load_idx %arg7[%parallel_loop3A_213] : memref<100000xi32, #tpu.memory_space<vmem>>[vector<16xi32>], vector<16xi32>,
      %parallel_loop3A_215 = arith.constant 16 : i32
      %parallel_loop3A_216 = vector.broadcast %parallel_loop3A_215 : i32 to vector<16xi32>
      %parallel_loop3A_217 = arith.shli %parallel_loop3A_214, %parallel_loop3A_216 : vector<16xi32>
      %parallel_loop3A_218 = vector.bitcast %parallel_loop3A_217 : vector<16xi32> to vector<16xf32>
      %parallel_loop3A_219 = arith.constant -65536 : i32
      %parallel_loop3A_220 = vector.broadcast %parallel_loop3A_219 : i32 to vector<16xi32>
      %parallel_loop3A_221 = arith.andi %parallel_loop3A_214, %parallel_loop3A_220 : vector<16xi32>
      %parallel_loop3A_222 = vector.bitcast %parallel_loop3A_221 : vector<16xi32> to vector<16xf32>
      %parallel_loop3A_223 = arith.addf %parallel_loop3A_208, %parallel_loop3A_218 : vector<16xf32>
      %parallel_loop3A_224 = arith.addf %parallel_loop3A_209, %parallel_loop3A_222 : vector<16xf32>
      %parallel_loop3A_225 = arith.constant 176 : i32
      %parallel_loop3A_226 = arith.addi %parallel_loop3A_55, %parallel_loop3A_225 : i32
      %parallel_loop3A_227 = arith.index_cast %parallel_loop3A_226 : i32 to index
      %parallel_loop3A_228 = tpu.vector_load %arg6[%parallel_loop3A_227] {strides = array<i32>} : memref<6416xi32, #tpu.memory_space<vmem>>, vector<16xi32>,
      %parallel_loop3A_229 = tpu.vector_load_idx %arg7[%parallel_loop3A_228] : memref<100000xi32, #tpu.memory_space<vmem>>[vector<16xi32>], vector<16xi32>,
      %parallel_loop3A_230 = arith.constant 16 : i32
      %parallel_loop3A_231 = vector.broadcast %parallel_loop3A_230 : i32 to vector<16xi32>
      %parallel_loop3A_232 = arith.shli %parallel_loop3A_229, %parallel_loop3A_231 : vector<16xi32>
      %parallel_loop3A_233 = vector.bitcast %parallel_loop3A_232 : vector<16xi32> to vector<16xf32>
      %parallel_loop3A_234 = arith.constant -65536 : i32
      %parallel_loop3A_235 = vector.broadcast %parallel_loop3A_234 : i32 to vector<16xi32>
      %parallel_loop3A_236 = arith.andi %parallel_loop3A_229, %parallel_loop3A_235 : vector<16xi32>
      %parallel_loop3A_237 = vector.bitcast %parallel_loop3A_236 : vector<16xi32> to vector<16xf32>
      %parallel_loop3A_238 = arith.addf %parallel_loop3A_223, %parallel_loop3A_233 : vector<16xf32>
      %parallel_loop3A_239 = arith.addf %parallel_loop3A_224, %parallel_loop3A_237 : vector<16xf32>
      %parallel_loop3A_240 = arith.constant 192 : i32
      %parallel_loop3A_241 = arith.addi %parallel_loop3A_55, %parallel_loop3A_240 : i32
      %parallel_loop3A_242 = arith.index_cast %parallel_loop3A_241 : i32 to index
      %parallel_loop3A_243 = tpu.vector_load %arg6[%parallel_loop3A_242] {strides = array<i32>} : memref<6416xi32, #tpu.memory_space<vmem>>, vector<16xi32>,
      %parallel_loop3A_244 = tpu.vector_load_idx %arg7[%parallel_loop3A_243] : memref<100000xi32, #tpu.memory_space<vmem>>[vector<16xi32>], vector<16xi32>,
      %parallel_loop3A_245 = arith.constant 16 : i32
      %parallel_loop3A_246 = vector.broadcast %parallel_loop3A_245 : i32 to vector<16xi32>
      %parallel_loop3A_247 = arith.shli %parallel_loop3A_244, %parallel_loop3A_246 : vector<16xi32>
      %parallel_loop3A_248 = vector.bitcast %parallel_loop3A_247 : vector<16xi32> to vector<16xf32>
      %parallel_loop3A_249 = arith.constant -65536 : i32
      %parallel_loop3A_250 = vector.broadcast %parallel_loop3A_249 : i32 to vector<16xi32>
      %parallel_loop3A_251 = arith.andi %parallel_loop3A_244, %parallel_loop3A_250 : vector<16xi32>
      %parallel_loop3A_252 = vector.bitcast %parallel_loop3A_251 : vector<16xi32> to vector<16xf32>
      %parallel_loop3A_253 = arith.constant 0.000000e+00 : f32
      %parallel_loop3A_254 = vector.broadcast %parallel_loop3A_253 : f32 to vector<16xf32>
      %parallel_loop3A_255 = arith.select %lt3A_4, %parallel_loop3A_248, %parallel_loop3A_254 : vector<16xi1>, vector<16xf32>
      %parallel_loop3A_256 = arith.addf %parallel_loop3A_238, %parallel_loop3A_255 : vector<16xf32>
      %parallel_loop3A_257 = arith.constant 0.000000e+00 : f32
      %parallel_loop3A_258 = vector.broadcast %parallel_loop3A_257 : f32 to vector<16xf32>
      %parallel_loop3A_259 = arith.select %lt3A_4, %parallel_loop3A_252, %parallel_loop3A_258 : vector<16xi1>, vector<16xf32>
      %parallel_loop3A_260 = arith.addf %parallel_loop3A_239, %parallel_loop3A_259 : vector<16xf32>
      %parallel_loop3A_261 = arith.constant 16 : i32
      %parallel_loop3A_262 = arith.muli %parallel_loop3A_53, %parallel_loop3A_261 : i32
      %parallel_loop3A_263 = arith.index_cast %parallel_loop3A_262 : i32 to index
      %parallel_loop3A_264 = tpu.vector_load %arg8[%parallel_loop3A_263] {strides = array<i32>} : memref<512xf32, #tpu.memory_space<vmem>>, vector<16xf32>,
      tpu.vector_store %arg8[%parallel_loop3A_263], %parallel_loop3A_256 {strides = array<i32>} : memref<512xf32, #tpu.memory_space<vmem>>, vector<16xf32>,
      %parallel_loop3A_265 = arith.constant 16 : i32
      %parallel_loop3A_266 = arith.muli %parallel_loop3A_53, %parallel_loop3A_265 : i32
      %parallel_loop3A_267 = arith.index_cast %parallel_loop3A_266 : i32 to index
      %parallel_loop3A_268 = tpu.vector_load %arg9[%parallel_loop3A_267] {strides = array<i32>} : memref<512xf32, #tpu.memory_space<vmem>>, vector<16xf32>,
      tpu.vector_store %arg9[%parallel_loop3A_267], %parallel_loop3A_260 {strides = array<i32>} : memref<512xf32, #tpu.memory_space<vmem>>, vector<16xf32>,
    } {sc.loop_unroll_factor = 4 : i64, sc.parallel_access}
    %parallel_loop3A_36 = arith.constant 0 : i32
    %parallel_loop3A_37 = arith.constant 2 : i32
    %parallel_loop3A_38 = arith.constant 1 : i32
    scf.for %parallel_loop3A_53 = %parallel_loop3A_36 to %parallel_loop3A_37 step %parallel_loop3A_38  : i32 {
      %parallel_loop3A_54 = arith.constant 16 : i32
      %parallel_loop3A_55 = arith.muli %parallel_loop3A_53, %parallel_loop3A_54 : i32
      %parallel_loop3A_56 = arith.constant 16 : i32
      %parallel_loop3A_57 = arith.muli %parallel_loop3A_55, %parallel_loop3A_56 : i32
      %parallel_loop3A_58 = arith.constant 0.000000e+00 : f32
      %parallel_loop3A_59 = vector.broadcast %parallel_loop3A_58 : f32 to vector<16xf32>
      %parallel_loop3A_60 = arith.constant 0.000000e+00 : f32
      %parallel_loop3A_61 = vector.broadcast %parallel_loop3A_60 : f32 to vector<16xf32>
      %parallel_loop3A_62 = arith.constant 16 : i32
      %parallel_loop3A_63 = vector.broadcast %parallel_loop3A_62 : i32 to vector<16xi32>
      %parallel_loop3A_64 = arith.muli %iota3A_5, %parallel_loop3A_63 : vector<16xi32>
      %parallel_loop3A_65 = vector.broadcast %parallel_loop3A_57 : i32 to vector<16xi32>
      %parallel_loop3A_66 = arith.addi %parallel_loop3A_65, %parallel_loop3A_64 : vector<16xi32>
      %parallel_loop3A_67 = arith.constant 0 : i32
      %parallel_loop3A_68 = vector.broadcast %parallel_loop3A_67 : i32 to vector<16xi32>
      %parallel_loop3A_69 = arith.addi %parallel_loop3A_66, %parallel_loop3A_68 : vector<16xi32>
      %parallel_loop3A_70 = tpu.vector_load_idx %arg8[%parallel_loop3A_69] : memref<512xf32, #tpu.memory_space<vmem>>[vector<16xi32>], vector<16xf32>,
      %parallel_loop3A_71 = arith.addf %parallel_loop3A_59, %parallel_loop3A_70 : vector<16xf32>
      %parallel_loop3A_72 = arith.constant 16 : i32
      %parallel_loop3A_73 = vector.broadcast %parallel_loop3A_72 : i32 to vector<16xi32>
      %parallel_loop3A_74 = arith.muli %iota3A_5, %parallel_loop3A_73 : vector<16xi32>
      %parallel_loop3A_75 = vector.broadcast %parallel_loop3A_57 : i32 to vector<16xi32>
      %parallel_loop3A_76 = arith.addi %parallel_loop3A_75, %parallel_loop3A_74 : vector<16xi32>
      %parallel_loop3A_77 = arith.constant 0 : i32
      %parallel_loop3A_78 = vector.broadcast %parallel_loop3A_77 : i32 to vector<16xi32>
      %parallel_loop3A_79 = arith.addi %parallel_loop3A_76, %parallel_loop3A_78 : vector<16xi32>
      %parallel_loop3A_80 = tpu.vector_load_idx %arg9[%parallel_loop3A_79] : memref<512xf32, #tpu.memory_space<vmem>>[vector<16xi32>], vector<16xf32>,
      %parallel_loop3A_81 = arith.addf %parallel_loop3A_61, %parallel_loop3A_80 : vector<16xf32>
      %parallel_loop3A_82 = arith.constant 16 : i32
      %parallel_loop3A_83 = vector.broadcast %parallel_loop3A_82 : i32 to vector<16xi32>
      %parallel_loop3A_84 = arith.muli %iota3A_5, %parallel_loop3A_83 : vector<16xi32>
      %parallel_loop3A_85 = vector.broadcast %parallel_loop3A_57 : i32 to vector<16xi32>
      %parallel_loop3A_86 = arith.addi %parallel_loop3A_85, %parallel_loop3A_84 : vector<16xi32>
      %parallel_loop3A_87 = arith.constant 1 : i32
      %parallel_loop3A_88 = vector.broadcast %parallel_loop3A_87 : i32 to vector<16xi32>
      %parallel_loop3A_89 = arith.addi %parallel_loop3A_86, %parallel_loop3A_88 : vector<16xi32>
      %parallel_loop3A_90 = tpu.vector_load_idx %arg8[%parallel_loop3A_89] : memref<512xf32, #tpu.memory_space<vmem>>[vector<16xi32>], vector<16xf32>,
      %parallel_loop3A_91 = arith.addf %parallel_loop3A_71, %parallel_loop3A_90 : vector<16xf32>
      %parallel_loop3A_92 = arith.constant 16 : i32
      %parallel_loop3A_93 = vector.broadcast %parallel_loop3A_92 : i32 to vector<16xi32>
      %parallel_loop3A_94 = arith.muli %iota3A_5, %parallel_loop3A_93 : vector<16xi32>
      %parallel_loop3A_95 = vector.broadcast %parallel_loop3A_57 : i32 to vector<16xi32>
      %parallel_loop3A_96 = arith.addi %parallel_loop3A_95, %parallel_loop3A_94 : vector<16xi32>
      %parallel_loop3A_97 = arith.constant 1 : i32
      %parallel_loop3A_98 = vector.broadcast %parallel_loop3A_97 : i32 to vector<16xi32>
      %parallel_loop3A_99 = arith.addi %parallel_loop3A_96, %parallel_loop3A_98 : vector<16xi32>
      %parallel_loop3A_100 = tpu.vector_load_idx %arg9[%parallel_loop3A_99] : memref<512xf32, #tpu.memory_space<vmem>>[vector<16xi32>], vector<16xf32>,
      %parallel_loop3A_101 = arith.addf %parallel_loop3A_81, %parallel_loop3A_100 : vector<16xf32>
      %parallel_loop3A_102 = arith.constant 16 : i32
      %parallel_loop3A_103 = vector.broadcast %parallel_loop3A_102 : i32 to vector<16xi32>
      %parallel_loop3A_104 = arith.muli %iota3A_5, %parallel_loop3A_103 : vector<16xi32>
      %parallel_loop3A_105 = vector.broadcast %parallel_loop3A_57 : i32 to vector<16xi32>
      %parallel_loop3A_106 = arith.addi %parallel_loop3A_105, %parallel_loop3A_104 : vector<16xi32>
      %parallel_loop3A_107 = arith.constant 2 : i32
      %parallel_loop3A_108 = vector.broadcast %parallel_loop3A_107 : i32 to vector<16xi32>
      %parallel_loop3A_109 = arith.addi %parallel_loop3A_106, %parallel_loop3A_108 : vector<16xi32>
      %parallel_loop3A_110 = tpu.vector_load_idx %arg8[%parallel_loop3A_109] : memref<512xf32, #tpu.memory_space<vmem>>[vector<16xi32>], vector<16xf32>,
      %parallel_loop3A_111 = arith.addf %parallel_loop3A_91, %parallel_loop3A_110 : vector<16xf32>
      %parallel_loop3A_112 = arith.constant 16 : i32
      %parallel_loop3A_113 = vector.broadcast %parallel_loop3A_112 : i32 to vector<16xi32>
      %parallel_loop3A_114 = arith.muli %iota3A_5, %parallel_loop3A_113 : vector<16xi32>
      %parallel_loop3A_115 = vector.broadcast %parallel_loop3A_57 : i32 to vector<16xi32>
      %parallel_loop3A_116 = arith.addi %parallel_loop3A_115, %parallel_loop3A_114 : vector<16xi32>
      %parallel_loop3A_117 = arith.constant 2 : i32
      %parallel_loop3A_118 = vector.broadcast %parallel_loop3A_117 : i32 to vector<16xi32>
      %parallel_loop3A_119 = arith.addi %parallel_loop3A_116, %parallel_loop3A_118 : vector<16xi32>
      %parallel_loop3A_120 = tpu.vector_load_idx %arg9[%parallel_loop3A_119] : memref<512xf32, #tpu.memory_space<vmem>>[vector<16xi32>], vector<16xf32>,
      %parallel_loop3A_121 = arith.addf %parallel_loop3A_101, %parallel_loop3A_120 : vector<16xf32>
      %parallel_loop3A_122 = arith.constant 16 : i32
      %parallel_loop3A_123 = vector.broadcast %parallel_loop3A_122 : i32 to vector<16xi32>
      %parallel_loop3A_124 = arith.muli %iota3A_5, %parallel_loop3A_123 : vector<16xi32>
      %parallel_loop3A_125 = vector.broadcast %parallel_loop3A_57 : i32 to vector<16xi32>
      %parallel_loop3A_126 = arith.addi %parallel_loop3A_125, %parallel_loop3A_124 : vector<16xi32>
      %parallel_loop3A_127 = arith.constant 3 : i32
      %parallel_loop3A_128 = vector.broadcast %parallel_loop3A_127 : i32 to vector<16xi32>
      %parallel_loop3A_129 = arith.addi %parallel_loop3A_126, %parallel_loop3A_128 : vector<16xi32>
      %parallel_loop3A_130 = tpu.vector_load_idx %arg8[%parallel_loop3A_129] : memref<512xf32, #tpu.memory_space<vmem>>[vector<16xi32>], vector<16xf32>,
      %parallel_loop3A_131 = arith.addf %parallel_loop3A_111, %parallel_loop3A_130 : vector<16xf32>
      %parallel_loop3A_132 = arith.constant 16 : i32
      %parallel_loop3A_133 = vector.broadcast %parallel_loop3A_132 : i32 to vector<16xi32>
      %parallel_loop3A_134 = arith.muli %iota3A_5, %parallel_loop3A_133 : vector<16xi32>
      %parallel_loop3A_135 = vector.broadcast %parallel_loop3A_57 : i32 to vector<16xi32>
      %parallel_loop3A_136 = arith.addi %parallel_loop3A_135, %parallel_loop3A_134 : vector<16xi32>
      %parallel_loop3A_137 = arith.constant 3 : i32
      %parallel_loop3A_138 = vector.broadcast %parallel_loop3A_137 : i32 to vector<16xi32>
      %parallel_loop3A_139 = arith.addi %parallel_loop3A_136, %parallel_loop3A_138 : vector<16xi32>
      %parallel_loop3A_140 = tpu.vector_load_idx %arg9[%parallel_loop3A_139] : memref<512xf32, #tpu.memory_space<vmem>>[vector<16xi32>], vector<16xf32>,
      %parallel_loop3A_141 = arith.addf %parallel_loop3A_121, %parallel_loop3A_140 : vector<16xf32>
      %parallel_loop3A_142 = arith.constant 16 : i32
      %parallel_loop3A_143 = vector.broadcast %parallel_loop3A_142 : i32 to vector<16xi32>
      %parallel_loop3A_144 = arith.muli %iota3A_5, %parallel_loop3A_143 : vector<16xi32>
      %parallel_loop3A_145 = vector.broadcast %parallel_loop3A_57 : i32 to vector<16xi32>
      %parallel_loop3A_146 = arith.addi %parallel_loop3A_145, %parallel_loop3A_144 : vector<16xi32>
      %parallel_loop3A_147 = arith.constant 4 : i32
      %parallel_loop3A_148 = vector.broadcast %parallel_loop3A_147 : i32 to vector<16xi32>
      %parallel_loop3A_149 = arith.addi %parallel_loop3A_146, %parallel_loop3A_148 : vector<16xi32>
      %parallel_loop3A_150 = tpu.vector_load_idx %arg8[%parallel_loop3A_149] : memref<512xf32, #tpu.memory_space<vmem>>[vector<16xi32>], vector<16xf32>,
      %parallel_loop3A_151 = arith.addf %parallel_loop3A_131, %parallel_loop3A_150 : vector<16xf32>
      %parallel_loop3A_152 = arith.constant 16 : i32
      %parallel_loop3A_153 = vector.broadcast %parallel_loop3A_152 : i32 to vector<16xi32>
      %parallel_loop3A_154 = arith.muli %iota3A_5, %parallel_loop3A_153 : vector<16xi32>
      %parallel_loop3A_155 = vector.broadcast %parallel_loop3A_57 : i32 to vector<16xi32>
      %parallel_loop3A_156 = arith.addi %parallel_loop3A_155, %parallel_loop3A_154 : vector<16xi32>
      %parallel_loop3A_157 = arith.constant 4 : i32
      %parallel_loop3A_158 = vector.broadcast %parallel_loop3A_157 : i32 to vector<16xi32>
      %parallel_loop3A_159 = arith.addi %parallel_loop3A_156, %parallel_loop3A_158 : vector<16xi32>
      %parallel_loop3A_160 = tpu.vector_load_idx %arg9[%parallel_loop3A_159] : memref<512xf32, #tpu.memory_space<vmem>>[vector<16xi32>], vector<16xf32>,
      %parallel_loop3A_161 = arith.addf %parallel_loop3A_141, %parallel_loop3A_160 : vector<16xf32>
      %parallel_loop3A_162 = arith.constant 16 : i32
      %parallel_loop3A_163 = vector.broadcast %parallel_loop3A_162 : i32 to vector<16xi32>
      %parallel_loop3A_164 = arith.muli %iota3A_5, %parallel_loop3A_163 : vector<16xi32>
      %parallel_loop3A_165 = vector.broadcast %parallel_loop3A_57 : i32 to vector<16xi32>
      %parallel_loop3A_166 = arith.addi %parallel_loop3A_165, %parallel_loop3A_164 : vector<16xi32>
      %parallel_loop3A_167 = arith.constant 5 : i32
      %parallel_loop3A_168 = vector.broadcast %parallel_loop3A_167 : i32 to vector<16xi32>
      %parallel_loop3A_169 = arith.addi %parallel_loop3A_166, %parallel_loop3A_168 : vector<16xi32>
      %parallel_loop3A_170 = tpu.vector_load_idx %arg8[%parallel_loop3A_169] : memref<512xf32, #tpu.memory_space<vmem>>[vector<16xi32>], vector<16xf32>,
      %parallel_loop3A_171 = arith.addf %parallel_loop3A_151, %parallel_loop3A_170 : vector<16xf32>
      %parallel_loop3A_172 = arith.constant 16 : i32
      %parallel_loop3A_173 = vector.broadcast %parallel_loop3A_172 : i32 to vector<16xi32>
      %parallel_loop3A_174 = arith.muli %iota3A_5, %parallel_loop3A_173 : vector<16xi32>
      %parallel_loop3A_175 = vector.broadcast %parallel_loop3A_57 : i32 to vector<16xi32>
      %parallel_loop3A_176 = arith.addi %parallel_loop3A_175, %parallel_loop3A_174 : vector<16xi32>
      %parallel_loop3A_177 = arith.constant 5 : i32
      %parallel_loop3A_178 = vector.broadcast %parallel_loop3A_177 : i32 to vector<16xi32>
      %parallel_loop3A_179 = arith.addi %parallel_loop3A_176, %parallel_loop3A_178 : vector<16xi32>
      %parallel_loop3A_180 = tpu.vector_load_idx %arg9[%parallel_loop3A_179] : memref<512xf32, #tpu.memory_space<vmem>>[vector<16xi32>], vector<16xf32>,
      %parallel_loop3A_181 = arith.addf %parallel_loop3A_161, %parallel_loop3A_180 : vector<16xf32>
      %parallel_loop3A_182 = arith.constant 16 : i32
      %parallel_loop3A_183 = vector.broadcast %parallel_loop3A_182 : i32 to vector<16xi32>
      %parallel_loop3A_184 = arith.muli %iota3A_5, %parallel_loop3A_183 : vector<16xi32>
      %parallel_loop3A_185 = vector.broadcast %parallel_loop3A_57 : i32 to vector<16xi32>
      %parallel_loop3A_186 = arith.addi %parallel_loop3A_185, %parallel_loop3A_184 : vector<16xi32>
      %parallel_loop3A_187 = arith.constant 6 : i32
      %parallel_loop3A_188 = vector.broadcast %parallel_loop3A_187 : i32 to vector<16xi32>
      %parallel_loop3A_189 = arith.addi %parallel_loop3A_186, %parallel_loop3A_188 : vector<16xi32>
      %parallel_loop3A_190 = tpu.vector_load_idx %arg8[%parallel_loop3A_189] : memref<512xf32, #tpu.memory_space<vmem>>[vector<16xi32>], vector<16xf32>,
      %parallel_loop3A_191 = arith.addf %parallel_loop3A_171, %parallel_loop3A_190 : vector<16xf32>
      %parallel_loop3A_192 = arith.constant 16 : i32
      %parallel_loop3A_193 = vector.broadcast %parallel_loop3A_192 : i32 to vector<16xi32>
      %parallel_loop3A_194 = arith.muli %iota3A_5, %parallel_loop3A_193 : vector<16xi32>
      %parallel_loop3A_195 = vector.broadcast %parallel_loop3A_57 : i32 to vector<16xi32>
      %parallel_loop3A_196 = arith.addi %parallel_loop3A_195, %parallel_loop3A_194 : vector<16xi32>
      %parallel_loop3A_197 = arith.constant 6 : i32
      %parallel_loop3A_198 = vector.broadcast %parallel_loop3A_197 : i32 to vector<16xi32>
      %parallel_loop3A_199 = arith.addi %parallel_loop3A_196, %parallel_loop3A_198 : vector<16xi32>
      %parallel_loop3A_200 = tpu.vector_load_idx %arg9[%parallel_loop3A_199] : memref<512xf32, #tpu.memory_space<vmem>>[vector<16xi32>], vector<16xf32>,
      %parallel_loop3A_201 = arith.addf %parallel_loop3A_181, %parallel_loop3A_200 : vector<16xf32>
      %parallel_loop3A_202 = arith.constant 16 : i32
      %parallel_loop3A_203 = vector.broadcast %parallel_loop3A_202 : i32 to vector<16xi32>
      %parallel_loop3A_204 = arith.muli %iota3A_5, %parallel_loop3A_203 : vector<16xi32>
      %parallel_loop3A_205 = vector.broadcast %parallel_loop3A_57 : i32 to vector<16xi32>
      %parallel_loop3A_206 = arith.addi %parallel_loop3A_205, %parallel_loop3A_204 : vector<16xi32>
      %parallel_loop3A_207 = arith.constant 7 : i32
      %parallel_loop3A_208 = vector.broadcast %parallel_loop3A_207 : i32 to vector<16xi32>
      %parallel_loop3A_209 = arith.addi %parallel_loop3A_206, %parallel_loop3A_208 : vector<16xi32>
      %parallel_loop3A_210 = tpu.vector_load_idx %arg8[%parallel_loop3A_209] : memref<512xf32, #tpu.memory_space<vmem>>[vector<16xi32>], vector<16xf32>,
      %parallel_loop3A_211 = arith.addf %parallel_loop3A_191, %parallel_loop3A_210 : vector<16xf32>
      %parallel_loop3A_212 = arith.constant 16 : i32
      %parallel_loop3A_213 = vector.broadcast %parallel_loop3A_212 : i32 to vector<16xi32>
      %parallel_loop3A_214 = arith.muli %iota3A_5, %parallel_loop3A_213 : vector<16xi32>
      %parallel_loop3A_215 = vector.broadcast %parallel_loop3A_57 : i32 to vector<16xi32>
      %parallel_loop3A_216 = arith.addi %parallel_loop3A_215, %parallel_loop3A_214 : vector<16xi32>
      %parallel_loop3A_217 = arith.constant 7 : i32
      %parallel_loop3A_218 = vector.broadcast %parallel_loop3A_217 : i32 to vector<16xi32>
      %parallel_loop3A_219 = arith.addi %parallel_loop3A_216, %parallel_loop3A_218 : vector<16xi32>
      %parallel_loop3A_220 = tpu.vector_load_idx %arg9[%parallel_loop3A_219] : memref<512xf32, #tpu.memory_space<vmem>>[vector<16xi32>], vector<16xf32>,
      %parallel_loop3A_221 = arith.addf %parallel_loop3A_201, %parallel_loop3A_220 : vector<16xf32>
      %parallel_loop3A_222 = arith.constant 16 : i32
      %parallel_loop3A_223 = vector.broadcast %parallel_loop3A_222 : i32 to vector<16xi32>
      %parallel_loop3A_224 = arith.muli %iota3A_5, %parallel_loop3A_223 : vector<16xi32>
      %parallel_loop3A_225 = vector.broadcast %parallel_loop3A_57 : i32 to vector<16xi32>
      %parallel_loop3A_226 = arith.addi %parallel_loop3A_225, %parallel_loop3A_224 : vector<16xi32>
      %parallel_loop3A_227 = arith.constant 8 : i32
      %parallel_loop3A_228 = vector.broadcast %parallel_loop3A_227 : i32 to vector<16xi32>
      %parallel_loop3A_229 = arith.addi %parallel_loop3A_226, %parallel_loop3A_228 : vector<16xi32>
      %parallel_loop3A_230 = tpu.vector_load_idx %arg8[%parallel_loop3A_229] : memref<512xf32, #tpu.memory_space<vmem>>[vector<16xi32>], vector<16xf32>,
      %parallel_loop3A_231 = arith.addf %parallel_loop3A_211, %parallel_loop3A_230 : vector<16xf32>
      %parallel_loop3A_232 = arith.constant 16 : i32
      %parallel_loop3A_233 = vector.broadcast %parallel_loop3A_232 : i32 to vector<16xi32>
      %parallel_loop3A_234 = arith.muli %iota3A_5, %parallel_loop3A_233 : vector<16xi32>
      %parallel_loop3A_235 = vector.broadcast %parallel_loop3A_57 : i32 to vector<16xi32>
      %parallel_loop3A_236 = arith.addi %parallel_loop3A_235, %parallel_loop3A_234 : vector<16xi32>
      %parallel_loop3A_237 = arith.constant 8 : i32
      %parallel_loop3A_238 = vector.broadcast %parallel_loop3A_237 : i32 to vector<16xi32>
      %parallel_loop3A_239 = arith.addi %parallel_loop3A_236, %parallel_loop3A_238 : vector<16xi32>
      %parallel_loop3A_240 = tpu.vector_load_idx %arg9[%parallel_loop3A_239] : memref<512xf32, #tpu.memory_space<vmem>>[vector<16xi32>], vector<16xf32>,
      %parallel_loop3A_241 = arith.addf %parallel_loop3A_221, %parallel_loop3A_240 : vector<16xf32>
      %parallel_loop3A_242 = arith.constant 16 : i32
      %parallel_loop3A_243 = vector.broadcast %parallel_loop3A_242 : i32 to vector<16xi32>
      %parallel_loop3A_244 = arith.muli %iota3A_5, %parallel_loop3A_243 : vector<16xi32>
      %parallel_loop3A_245 = vector.broadcast %parallel_loop3A_57 : i32 to vector<16xi32>
      %parallel_loop3A_246 = arith.addi %parallel_loop3A_245, %parallel_loop3A_244 : vector<16xi32>
      %parallel_loop3A_247 = arith.constant 9 : i32
      %parallel_loop3A_248 = vector.broadcast %parallel_loop3A_247 : i32 to vector<16xi32>
      %parallel_loop3A_249 = arith.addi %parallel_loop3A_246, %parallel_loop3A_248 : vector<16xi32>
      %parallel_loop3A_250 = tpu.vector_load_idx %arg8[%parallel_loop3A_249] : memref<512xf32, #tpu.memory_space<vmem>>[vector<16xi32>], vector<16xf32>,
      %parallel_loop3A_251 = arith.addf %parallel_loop3A_231, %parallel_loop3A_250 : vector<16xf32>
      %parallel_loop3A_252 = arith.constant 16 : i32
      %parallel_loop3A_253 = vector.broadcast %parallel_loop3A_252 : i32 to vector<16xi32>
      %parallel_loop3A_254 = arith.muli %iota3A_5, %parallel_loop3A_253 : vector<16xi32>
      %parallel_loop3A_255 = vector.broadcast %parallel_loop3A_57 : i32 to vector<16xi32>
      %parallel_loop3A_256 = arith.addi %parallel_loop3A_255, %parallel_loop3A_254 : vector<16xi32>
      %parallel_loop3A_257 = arith.constant 9 : i32
      %parallel_loop3A_258 = vector.broadcast %parallel_loop3A_257 : i32 to vector<16xi32>
      %parallel_loop3A_259 = arith.addi %parallel_loop3A_256, %parallel_loop3A_258 : vector<16xi32>
      %parallel_loop3A_260 = tpu.vector_load_idx %arg9[%parallel_loop3A_259] : memref<512xf32, #tpu.memory_space<vmem>>[vector<16xi32>], vector<16xf32>,
      %parallel_loop3A_261 = arith.addf %parallel_loop3A_241, %parallel_loop3A_260 : vector<16xf32>
      %parallel_loop3A_262 = arith.constant 16 : i32
      %parallel_loop3A_263 = vector.broadcast %parallel_loop3A_262 : i32 to vector<16xi32>
      %parallel_loop3A_264 = arith.muli %iota3A_5, %parallel_loop3A_263 : vector<16xi32>
      %parallel_loop3A_265 = vector.broadcast %parallel_loop3A_57 : i32 to vector<16xi32>
      %parallel_loop3A_266 = arith.addi %parallel_loop3A_265, %parallel_loop3A_264 : vector<16xi32>
      %parallel_loop3A_267 = arith.constant 10 : i32
      %parallel_loop3A_268 = vector.broadcast %parallel_loop3A_267 : i32 to vector<16xi32>
      %parallel_loop3A_269 = arith.addi %parallel_loop3A_266, %parallel_loop3A_268 : vector<16xi32>
      %parallel_loop3A_270 = tpu.vector_load_idx %arg8[%parallel_loop3A_269] : memref<512xf32, #tpu.memory_space<vmem>>[vector<16xi32>], vector<16xf32>,
      %parallel_loop3A_271 = arith.addf %parallel_loop3A_251, %parallel_loop3A_270 : vector<16xf32>
      %parallel_loop3A_272 = arith.constant 16 : i32
      %parallel_loop3A_273 = vector.broadcast %parallel_loop3A_272 : i32 to vector<16xi32>
      %parallel_loop3A_274 = arith.muli %iota3A_5, %parallel_loop3A_273 : vector<16xi32>
      %parallel_loop3A_275 = vector.broadcast %parallel_loop3A_57 : i32 to vector<16xi32>
      %parallel_loop3A_276 = arith.addi %parallel_loop3A_275, %parallel_loop3A_274 : vector<16xi32>
      %parallel_loop3A_277 = arith.constant 10 : i32
      %parallel_loop3A_278 = vector.broadcast %parallel_loop3A_277 : i32 to vector<16xi32>
      %parallel_loop3A_279 = arith.addi %parallel_loop3A_276, %parallel_loop3A_278 : vector<16xi32>
      %parallel_loop3A_280 = tpu.vector_load_idx %arg9[%parallel_loop3A_279] : memref<512xf32, #tpu.memory_space<vmem>>[vector<16xi32>], vector<16xf32>,
      %parallel_loop3A_281 = arith.addf %parallel_loop3A_261, %parallel_loop3A_280 : vector<16xf32>
      %parallel_loop3A_282 = arith.constant 16 : i32
      %parallel_loop3A_283 = vector.broadcast %parallel_loop3A_282 : i32 to vector<16xi32>
      %parallel_loop3A_284 = arith.muli %iota3A_5, %parallel_loop3A_283 : vector<16xi32>
      %parallel_loop3A_285 = vector.broadcast %parallel_loop3A_57 : i32 to vector<16xi32>
      %parallel_loop3A_286 = arith.addi %parallel_loop3A_285, %parallel_loop3A_284 : vector<16xi32>
      %parallel_loop3A_287 = arith.constant 11 : i32
      %parallel_loop3A_288 = vector.broadcast %parallel_loop3A_287 : i32 to vector<16xi32>
      %parallel_loop3A_289 = arith.addi %parallel_loop3A_286, %parallel_loop3A_288 : vector<16xi32>
      %parallel_loop3A_290 = tpu.vector_load_idx %arg8[%parallel_loop3A_289] : memref<512xf32, #tpu.memory_space<vmem>>[vector<16xi32>], vector<16xf32>,
      %parallel_loop3A_291 = arith.addf %parallel_loop3A_271, %parallel_loop3A_290 : vector<16xf32>
      %parallel_loop3A_292 = arith.constant 16 : i32
      %parallel_loop3A_293 = vector.broadcast %parallel_loop3A_292 : i32 to vector<16xi32>
      %parallel_loop3A_294 = arith.muli %iota3A_5, %parallel_loop3A_293 : vector<16xi32>
      %parallel_loop3A_295 = vector.broadcast %parallel_loop3A_57 : i32 to vector<16xi32>
      %parallel_loop3A_296 = arith.addi %parallel_loop3A_295, %parallel_loop3A_294 : vector<16xi32>
      %parallel_loop3A_297 = arith.constant 11 : i32
      %parallel_loop3A_298 = vector.broadcast %parallel_loop3A_297 : i32 to vector<16xi32>
      %parallel_loop3A_299 = arith.addi %parallel_loop3A_296, %parallel_loop3A_298 : vector<16xi32>
      %parallel_loop3A_300 = tpu.vector_load_idx %arg9[%parallel_loop3A_299] : memref<512xf32, #tpu.memory_space<vmem>>[vector<16xi32>], vector<16xf32>,
      %parallel_loop3A_301 = arith.addf %parallel_loop3A_281, %parallel_loop3A_300 : vector<16xf32>
      %parallel_loop3A_302 = arith.constant 16 : i32
      %parallel_loop3A_303 = vector.broadcast %parallel_loop3A_302 : i32 to vector<16xi32>
      %parallel_loop3A_304 = arith.muli %iota3A_5, %parallel_loop3A_303 : vector<16xi32>
      %parallel_loop3A_305 = vector.broadcast %parallel_loop3A_57 : i32 to vector<16xi32>
      %parallel_loop3A_306 = arith.addi %parallel_loop3A_305, %parallel_loop3A_304 : vector<16xi32>
      %parallel_loop3A_307 = arith.constant 12 : i32
      %parallel_loop3A_308 = vector.broadcast %parallel_loop3A_307 : i32 to vector<16xi32>
      %parallel_loop3A_309 = arith.addi %parallel_loop3A_306, %parallel_loop3A_308 : vector<16xi32>
      %parallel_loop3A_310 = tpu.vector_load_idx %arg8[%parallel_loop3A_309] : memref<512xf32, #tpu.memory_space<vmem>>[vector<16xi32>], vector<16xf32>,
      %parallel_loop3A_311 = arith.addf %parallel_loop3A_291, %parallel_loop3A_310 : vector<16xf32>
      %parallel_loop3A_312 = arith.constant 16 : i32
      %parallel_loop3A_313 = vector.broadcast %parallel_loop3A_312 : i32 to vector<16xi32>
      %parallel_loop3A_314 = arith.muli %iota3A_5, %parallel_loop3A_313 : vector<16xi32>
      %parallel_loop3A_315 = vector.broadcast %parallel_loop3A_57 : i32 to vector<16xi32>
      %parallel_loop3A_316 = arith.addi %parallel_loop3A_315, %parallel_loop3A_314 : vector<16xi32>
      %parallel_loop3A_317 = arith.constant 12 : i32
      %parallel_loop3A_318 = vector.broadcast %parallel_loop3A_317 : i32 to vector<16xi32>
      %parallel_loop3A_319 = arith.addi %parallel_loop3A_316, %parallel_loop3A_318 : vector<16xi32>
      %parallel_loop3A_320 = tpu.vector_load_idx %arg9[%parallel_loop3A_319] : memref<512xf32, #tpu.memory_space<vmem>>[vector<16xi32>], vector<16xf32>,
      %parallel_loop3A_321 = arith.addf %parallel_loop3A_301, %parallel_loop3A_320 : vector<16xf32>
      %parallel_loop3A_322 = arith.constant 16 : i32
      %parallel_loop3A_323 = vector.broadcast %parallel_loop3A_322 : i32 to vector<16xi32>
      %parallel_loop3A_324 = arith.muli %iota3A_5, %parallel_loop3A_323 : vector<16xi32>
      %parallel_loop3A_325 = vector.broadcast %parallel_loop3A_57 : i32 to vector<16xi32>
      %parallel_loop3A_326 = arith.addi %parallel_loop3A_325, %parallel_loop3A_324 : vector<16xi32>
      %parallel_loop3A_327 = arith.constant 13 : i32
      %parallel_loop3A_328 = vector.broadcast %parallel_loop3A_327 : i32 to vector<16xi32>
      %parallel_loop3A_329 = arith.addi %parallel_loop3A_326, %parallel_loop3A_328 : vector<16xi32>
      %parallel_loop3A_330 = tpu.vector_load_idx %arg8[%parallel_loop3A_329] : memref<512xf32, #tpu.memory_space<vmem>>[vector<16xi32>], vector<16xf32>,
      %parallel_loop3A_331 = arith.addf %parallel_loop3A_311, %parallel_loop3A_330 : vector<16xf32>
      %parallel_loop3A_332 = arith.constant 16 : i32
      %parallel_loop3A_333 = vector.broadcast %parallel_loop3A_332 : i32 to vector<16xi32>
      %parallel_loop3A_334 = arith.muli %iota3A_5, %parallel_loop3A_333 : vector<16xi32>
      %parallel_loop3A_335 = vector.broadcast %parallel_loop3A_57 : i32 to vector<16xi32>
      %parallel_loop3A_336 = arith.addi %parallel_loop3A_335, %parallel_loop3A_334 : vector<16xi32>
      %parallel_loop3A_337 = arith.constant 13 : i32
      %parallel_loop3A_338 = vector.broadcast %parallel_loop3A_337 : i32 to vector<16xi32>
      %parallel_loop3A_339 = arith.addi %parallel_loop3A_336, %parallel_loop3A_338 : vector<16xi32>
      %parallel_loop3A_340 = tpu.vector_load_idx %arg9[%parallel_loop3A_339] : memref<512xf32, #tpu.memory_space<vmem>>[vector<16xi32>], vector<16xf32>,
      %parallel_loop3A_341 = arith.addf %parallel_loop3A_321, %parallel_loop3A_340 : vector<16xf32>
      %parallel_loop3A_342 = arith.constant 16 : i32
      %parallel_loop3A_343 = vector.broadcast %parallel_loop3A_342 : i32 to vector<16xi32>
      %parallel_loop3A_344 = arith.muli %iota3A_5, %parallel_loop3A_343 : vector<16xi32>
      %parallel_loop3A_345 = vector.broadcast %parallel_loop3A_57 : i32 to vector<16xi32>
      %parallel_loop3A_346 = arith.addi %parallel_loop3A_345, %parallel_loop3A_344 : vector<16xi32>
      %parallel_loop3A_347 = arith.constant 14 : i32
      %parallel_loop3A_348 = vector.broadcast %parallel_loop3A_347 : i32 to vector<16xi32>
      %parallel_loop3A_349 = arith.addi %parallel_loop3A_346, %parallel_loop3A_348 : vector<16xi32>
      %parallel_loop3A_350 = tpu.vector_load_idx %arg8[%parallel_loop3A_349] : memref<512xf32, #tpu.memory_space<vmem>>[vector<16xi32>], vector<16xf32>,
      %parallel_loop3A_351 = arith.addf %parallel_loop3A_331, %parallel_loop3A_350 : vector<16xf32>
      %parallel_loop3A_352 = arith.constant 16 : i32
      %parallel_loop3A_353 = vector.broadcast %parallel_loop3A_352 : i32 to vector<16xi32>
      %parallel_loop3A_354 = arith.muli %iota3A_5, %parallel_loop3A_353 : vector<16xi32>
      %parallel_loop3A_355 = vector.broadcast %parallel_loop3A_57 : i32 to vector<16xi32>
      %parallel_loop3A_356 = arith.addi %parallel_loop3A_355, %parallel_loop3A_354 : vector<16xi32>
      %parallel_loop3A_357 = arith.constant 14 : i32
      %parallel_loop3A_358 = vector.broadcast %parallel_loop3A_357 : i32 to vector<16xi32>
      %parallel_loop3A_359 = arith.addi %parallel_loop3A_356, %parallel_loop3A_358 : vector<16xi32>
      %parallel_loop3A_360 = tpu.vector_load_idx %arg9[%parallel_loop3A_359] : memref<512xf32, #tpu.memory_space<vmem>>[vector<16xi32>], vector<16xf32>,
      %parallel_loop3A_361 = arith.addf %parallel_loop3A_341, %parallel_loop3A_360 : vector<16xf32>
      %parallel_loop3A_362 = arith.constant 16 : i32
      %parallel_loop3A_363 = vector.broadcast %parallel_loop3A_362 : i32 to vector<16xi32>
      %parallel_loop3A_364 = arith.muli %iota3A_5, %parallel_loop3A_363 : vector<16xi32>
      %parallel_loop3A_365 = vector.broadcast %parallel_loop3A_57 : i32 to vector<16xi32>
      %parallel_loop3A_366 = arith.addi %parallel_loop3A_365, %parallel_loop3A_364 : vector<16xi32>
      %parallel_loop3A_367 = arith.constant 15 : i32
      %parallel_loop3A_368 = vector.broadcast %parallel_loop3A_367 : i32 to vector<16xi32>
      %parallel_loop3A_369 = arith.addi %parallel_loop3A_366, %parallel_loop3A_368 : vector<16xi32>
      %parallel_loop3A_370 = tpu.vector_load_idx %arg8[%parallel_loop3A_369] : memref<512xf32, #tpu.memory_space<vmem>>[vector<16xi32>], vector<16xf32>,
      %parallel_loop3A_371 = arith.addf %parallel_loop3A_351, %parallel_loop3A_370 : vector<16xf32>
      %parallel_loop3A_372 = arith.constant 16 : i32
      %parallel_loop3A_373 = vector.broadcast %parallel_loop3A_372 : i32 to vector<16xi32>
      %parallel_loop3A_374 = arith.muli %iota3A_5, %parallel_loop3A_373 : vector<16xi32>
      %parallel_loop3A_375 = vector.broadcast %parallel_loop3A_57 : i32 to vector<16xi32>
      %parallel_loop3A_376 = arith.addi %parallel_loop3A_375, %parallel_loop3A_374 : vector<16xi32>
      %parallel_loop3A_377 = arith.constant 15 : i32
      %parallel_loop3A_378 = vector.broadcast %parallel_loop3A_377 : i32 to vector<16xi32>
      %parallel_loop3A_379 = arith.addi %parallel_loop3A_376, %parallel_loop3A_378 : vector<16xi32>
      %parallel_loop3A_380 = tpu.vector_load_idx %arg9[%parallel_loop3A_379] : memref<512xf32, #tpu.memory_space<vmem>>[vector<16xi32>], vector<16xf32>,
      %parallel_loop3A_381 = arith.addf %parallel_loop3A_361, %parallel_loop3A_380 : vector<16xf32>
      %parallel_loop3A_382 = arith.constant 16 : i32
      %parallel_loop3A_383 = arith.muli %parallel_loop3A_53, %parallel_loop3A_382 : i32
      %parallel_loop3A_384 = arith.constant 64 : i32
      %parallel_loop3A_385 = arith.addi %parallel_loop3A_384, %parallel_loop3A_383 : i32
      %parallel_loop3A_386 = vector.broadcast %parallel_loop3A_385 : i32 to vector<16xi32>
      %parallel_loop3A_387 = arith.addi %parallel_loop3A_386, %iota3A_5 : vector<16xi32>
      %parallel_loop3A_388 = arith.constant 0 : i32
      %parallel_loop3A_389 = vector.broadcast %parallel_loop3A_388 : i32 to vector<16xi32>
      %parallel_loop3A_390 = arith.constant 5.000000e-03 : f32
      %parallel_loop3A_391 = vector.broadcast %parallel_loop3A_390 : f32 to vector<16xf32>
      %parallel_loop3A_392 = arith.mulf %parallel_loop3A_371, %parallel_loop3A_391 : vector<16xf32>
      %parallel_loop3A_393 = arith.constant 0 : index
      %parallel_loop3A_394 = tpu.vector_load %arg11[%parallel_loop3A_393] {strides = array<i32>} : memref<32xf32, #tpu.memory_space<vmem>>, vector<16xf32>,
      %parallel_loop3A_395 = arith.addf %parallel_loop3A_392, %parallel_loop3A_394 : vector<16xf32>
      tpu.vector_store_idx %arg10[%parallel_loop3A_387, %parallel_loop3A_389], %parallel_loop3A_395 : memref<128x2xf32, #tpu.memory_space<vmem>>[vector<16xi32>, vector<16xi32>], vector<16xf32>,
      %parallel_loop3A_396 = arith.constant 1 : i32
      %parallel_loop3A_397 = vector.broadcast %parallel_loop3A_396 : i32 to vector<16xi32>
      %parallel_loop3A_398 = arith.constant 5.000000e-03 : f32
      %parallel_loop3A_399 = vector.broadcast %parallel_loop3A_398 : f32 to vector<16xf32>
      %parallel_loop3A_400 = arith.mulf %parallel_loop3A_381, %parallel_loop3A_399 : vector<16xf32>
      %parallel_loop3A_401 = arith.constant 16 : index
      %parallel_loop3A_402 = tpu.vector_load %arg11[%parallel_loop3A_401] {strides = array<i32>} : memref<32xf32, #tpu.memory_space<vmem>>, vector<16xf32>,
      %parallel_loop3A_403 = arith.addf %parallel_loop3A_400, %parallel_loop3A_402 : vector<16xf32>
      tpu.vector_store_idx %arg10[%parallel_loop3A_387, %parallel_loop3A_397], %parallel_loop3A_403 : memref<128x2xf32, #tpu.memory_space<vmem>>[vector<16xi32>, vector<16xi32>], vector<16xf32>,
    } {sc.loop_unroll_factor = 2 : i64, sc.parallel_access}
    %add3A_39 = arith.constant 19200 : i32
    %add3A_40 = arith.addi %mul3A_2, %add3A_39 : i32
    "tpu.region"() ({
      %run_scoped3A = tpu.sem_alloc : memref<!tpu.dma_semaphore, #tpu.memory_space<semaphore_mem>>
      %dma_start3A = arith.constant 0 : i32
      %dma_start3A_53 = tpu.memref_slice %arg6[%dma_start3A] : memref<6416xi32, #tpu.memory_space<vmem>> -> memref<6400xi32, #tpu.memory_space<vmem>>
      %dma_start3A_54 = tpu.memref_slice %arg2[%add3A_40] : memref<819200xi32, #tpu.memory_space<hbm>> -> memref<6400xi32, #tpu.memory_space<hbm>>
      %dma_start3A_55 = arith.constant 0 : i32
      %dma_start3A_56 = tpu.memref_slice %arg6[%dma_start3A_55] : memref<6416xi32, #tpu.memory_space<vmem>> -> memref<6400xi32, #tpu.memory_space<vmem>>
      %dma_start3A_57 = tpu.memref_slice %arg2[%add3A_40] : memref<819200xi32, #tpu.memory_space<hbm>> -> memref<6400xi32, #tpu.memory_space<hbm>>
      tpu.enqueue_dma source(%dma_start3A_57 : memref<6400xi32, #tpu.memory_space<hbm>>) target(%dma_start3A_56 : memref<6400xi32, #tpu.memory_space<vmem>>) target_semaphore(%run_scoped3A : memref<!tpu.dma_semaphore, #tpu.memory_space<semaphore_mem>>)
      %dma_wait3A = arith.constant 0 : i32
      %dma_wait3A_58 = tpu.memref_slice %arg6[%dma_wait3A] : memref<6416xi32, #tpu.memory_space<vmem>> -> memref<6400xi32, #tpu.memory_space<vmem>>
      %dma_wait3A_59 = tpu.memref_slice %arg2[%add3A_40] : memref<819200xi32, #tpu.memory_space<hbm>> -> memref<6400xi32, #tpu.memory_space<hbm>>
      %dma_wait3A_60 = arith.constant 0 : i32
      %dma_wait3A_61 = tpu.memref_slice %arg6[%dma_wait3A_60] : memref<6416xi32, #tpu.memory_space<vmem>> -> memref<6400xi32, #tpu.memory_space<vmem>>
      %dma_wait3A_62 = tpu.memref_slice %arg2[%add3A_40] : memref<819200xi32, #tpu.memory_space<hbm>> -> memref<6400xi32, #tpu.memory_space<hbm>>
      tpu.wait_dma2 semaphore(%run_scoped3A : memref<!tpu.dma_semaphore, #tpu.memory_space<semaphore_mem>>) src(%dma_wait3A_62 : memref<6400xi32, #tpu.memory_space<hbm>>) dst(%dma_wait3A_61 : memref<6400xi32, #tpu.memory_space<vmem>>)
      tpu.yield
    }) : () -> ()
    %broadcast_in_dim3A_41 = arith.constant 0 : i32
    %broadcast_in_dim3A_42 = vector.broadcast %broadcast_in_dim3A_41 : i32 to vector<16xi32>
    %swap3A_43 = arith.constant 6400 : index
    %swap3A_44 = tpu.vector_load %arg6[%swap3A_43] {strides = array<i32>} : memref<6416xi32, #tpu.memory_space<vmem>>, vector<16xi32>,
    tpu.vector_store %arg6[%swap3A_43], %broadcast_in_dim3A_42 {strides = array<i32>} : memref<6416xi32, #tpu.memory_space<vmem>>, vector<16xi32>,
    %parallel_loop3A_45 = arith.constant 0 : i32
    %parallel_loop3A_46 = arith.constant 32 : i32
    %parallel_loop3A_47 = arith.constant 1 : i32
    scf.for %parallel_loop3A_53 = %parallel_loop3A_45 to %parallel_loop3A_46 step %parallel_loop3A_47  : i32 {
      %parallel_loop3A_54 = arith.constant 200 : i32
      %parallel_loop3A_55 = arith.muli %parallel_loop3A_53, %parallel_loop3A_54 : i32
      %parallel_loop3A_56 = arith.constant 0.000000e+00 : f32
      %parallel_loop3A_57 = vector.broadcast %parallel_loop3A_56 : f32 to vector<16xf32>
      %parallel_loop3A_58 = arith.constant 0.000000e+00 : f32
      %parallel_loop3A_59 = vector.broadcast %parallel_loop3A_58 : f32 to vector<16xf32>
      %parallel_loop3A_60 = arith.constant 0 : i32
      %parallel_loop3A_61 = arith.addi %parallel_loop3A_55, %parallel_loop3A_60 : i32
      %parallel_loop3A_62 = arith.index_cast %parallel_loop3A_61 : i32 to index
      %parallel_loop3A_63 = tpu.vector_load %arg6[%parallel_loop3A_62] {strides = array<i32>} : memref<6416xi32, #tpu.memory_space<vmem>>, vector<16xi32>,
      %parallel_loop3A_64 = tpu.vector_load_idx %arg7[%parallel_loop3A_63] : memref<100000xi32, #tpu.memory_space<vmem>>[vector<16xi32>], vector<16xi32>,
      %parallel_loop3A_65 = arith.constant 16 : i32
      %parallel_loop3A_66 = vector.broadcast %parallel_loop3A_65 : i32 to vector<16xi32>
      %parallel_loop3A_67 = arith.shli %parallel_loop3A_64, %parallel_loop3A_66 : vector<16xi32>
      %parallel_loop3A_68 = vector.bitcast %parallel_loop3A_67 : vector<16xi32> to vector<16xf32>
      %parallel_loop3A_69 = arith.constant -65536 : i32
      %parallel_loop3A_70 = vector.broadcast %parallel_loop3A_69 : i32 to vector<16xi32>
      %parallel_loop3A_71 = arith.andi %parallel_loop3A_64, %parallel_loop3A_70 : vector<16xi32>
      %parallel_loop3A_72 = vector.bitcast %parallel_loop3A_71 : vector<16xi32> to vector<16xf32>
      %parallel_loop3A_73 = arith.addf %parallel_loop3A_57, %parallel_loop3A_68 : vector<16xf32>
      %parallel_loop3A_74 = arith.addf %parallel_loop3A_59, %parallel_loop3A_72 : vector<16xf32>
      %parallel_loop3A_75 = arith.constant 16 : i32
      %parallel_loop3A_76 = arith.addi %parallel_loop3A_55, %parallel_loop3A_75 : i32
      %parallel_loop3A_77 = arith.index_cast %parallel_loop3A_76 : i32 to index
      %parallel_loop3A_78 = tpu.vector_load %arg6[%parallel_loop3A_77] {strides = array<i32>} : memref<6416xi32, #tpu.memory_space<vmem>>, vector<16xi32>,
      %parallel_loop3A_79 = tpu.vector_load_idx %arg7[%parallel_loop3A_78] : memref<100000xi32, #tpu.memory_space<vmem>>[vector<16xi32>], vector<16xi32>,
      %parallel_loop3A_80 = arith.constant 16 : i32
      %parallel_loop3A_81 = vector.broadcast %parallel_loop3A_80 : i32 to vector<16xi32>
      %parallel_loop3A_82 = arith.shli %parallel_loop3A_79, %parallel_loop3A_81 : vector<16xi32>
      %parallel_loop3A_83 = vector.bitcast %parallel_loop3A_82 : vector<16xi32> to vector<16xf32>
      %parallel_loop3A_84 = arith.constant -65536 : i32
      %parallel_loop3A_85 = vector.broadcast %parallel_loop3A_84 : i32 to vector<16xi32>
      %parallel_loop3A_86 = arith.andi %parallel_loop3A_79, %parallel_loop3A_85 : vector<16xi32>
      %parallel_loop3A_87 = vector.bitcast %parallel_loop3A_86 : vector<16xi32> to vector<16xf32>
      %parallel_loop3A_88 = arith.addf %parallel_loop3A_73, %parallel_loop3A_83 : vector<16xf32>
      %parallel_loop3A_89 = arith.addf %parallel_loop3A_74, %parallel_loop3A_87 : vector<16xf32>
      %parallel_loop3A_90 = arith.constant 32 : i32
      %parallel_loop3A_91 = arith.addi %parallel_loop3A_55, %parallel_loop3A_90 : i32
      %parallel_loop3A_92 = arith.index_cast %parallel_loop3A_91 : i32 to index
      %parallel_loop3A_93 = tpu.vector_load %arg6[%parallel_loop3A_92] {strides = array<i32>} : memref<6416xi32, #tpu.memory_space<vmem>>, vector<16xi32>,
      %parallel_loop3A_94 = tpu.vector_load_idx %arg7[%parallel_loop3A_93] : memref<100000xi32, #tpu.memory_space<vmem>>[vector<16xi32>], vector<16xi32>,
      %parallel_loop3A_95 = arith.constant 16 : i32
      %parallel_loop3A_96 = vector.broadcast %parallel_loop3A_95 : i32 to vector<16xi32>
      %parallel_loop3A_97 = arith.shli %parallel_loop3A_94, %parallel_loop3A_96 : vector<16xi32>
      %parallel_loop3A_98 = vector.bitcast %parallel_loop3A_97 : vector<16xi32> to vector<16xf32>
      %parallel_loop3A_99 = arith.constant -65536 : i32
      %parallel_loop3A_100 = vector.broadcast %parallel_loop3A_99 : i32 to vector<16xi32>
      %parallel_loop3A_101 = arith.andi %parallel_loop3A_94, %parallel_loop3A_100 : vector<16xi32>
      %parallel_loop3A_102 = vector.bitcast %parallel_loop3A_101 : vector<16xi32> to vector<16xf32>
      %parallel_loop3A_103 = arith.addf %parallel_loop3A_88, %parallel_loop3A_98 : vector<16xf32>
      %parallel_loop3A_104 = arith.addf %parallel_loop3A_89, %parallel_loop3A_102 : vector<16xf32>
      %parallel_loop3A_105 = arith.constant 48 : i32
      %parallel_loop3A_106 = arith.addi %parallel_loop3A_55, %parallel_loop3A_105 : i32
      %parallel_loop3A_107 = arith.index_cast %parallel_loop3A_106 : i32 to index
      %parallel_loop3A_108 = tpu.vector_load %arg6[%parallel_loop3A_107] {strides = array<i32>} : memref<6416xi32, #tpu.memory_space<vmem>>, vector<16xi32>,
      %parallel_loop3A_109 = tpu.vector_load_idx %arg7[%parallel_loop3A_108] : memref<100000xi32, #tpu.memory_space<vmem>>[vector<16xi32>], vector<16xi32>,
      %parallel_loop3A_110 = arith.constant 16 : i32
      %parallel_loop3A_111 = vector.broadcast %parallel_loop3A_110 : i32 to vector<16xi32>
      %parallel_loop3A_112 = arith.shli %parallel_loop3A_109, %parallel_loop3A_111 : vector<16xi32>
      %parallel_loop3A_113 = vector.bitcast %parallel_loop3A_112 : vector<16xi32> to vector<16xf32>
      %parallel_loop3A_114 = arith.constant -65536 : i32
      %parallel_loop3A_115 = vector.broadcast %parallel_loop3A_114 : i32 to vector<16xi32>
      %parallel_loop3A_116 = arith.andi %parallel_loop3A_109, %parallel_loop3A_115 : vector<16xi32>
      %parallel_loop3A_117 = vector.bitcast %parallel_loop3A_116 : vector<16xi32> to vector<16xf32>
      %parallel_loop3A_118 = arith.addf %parallel_loop3A_103, %parallel_loop3A_113 : vector<16xf32>
      %parallel_loop3A_119 = arith.addf %parallel_loop3A_104, %parallel_loop3A_117 : vector<16xf32>
      %parallel_loop3A_120 = arith.constant 64 : i32
      %parallel_loop3A_121 = arith.addi %parallel_loop3A_55, %parallel_loop3A_120 : i32
      %parallel_loop3A_122 = arith.index_cast %parallel_loop3A_121 : i32 to index
      %parallel_loop3A_123 = tpu.vector_load %arg6[%parallel_loop3A_122] {strides = array<i32>} : memref<6416xi32, #tpu.memory_space<vmem>>, vector<16xi32>,
      %parallel_loop3A_124 = tpu.vector_load_idx %arg7[%parallel_loop3A_123] : memref<100000xi32, #tpu.memory_space<vmem>>[vector<16xi32>], vector<16xi32>,
      %parallel_loop3A_125 = arith.constant 16 : i32
      %parallel_loop3A_126 = vector.broadcast %parallel_loop3A_125 : i32 to vector<16xi32>
      %parallel_loop3A_127 = arith.shli %parallel_loop3A_124, %parallel_loop3A_126 : vector<16xi32>
      %parallel_loop3A_128 = vector.bitcast %parallel_loop3A_127 : vector<16xi32> to vector<16xf32>
      %parallel_loop3A_129 = arith.constant -65536 : i32
      %parallel_loop3A_130 = vector.broadcast %parallel_loop3A_129 : i32 to vector<16xi32>
      %parallel_loop3A_131 = arith.andi %parallel_loop3A_124, %parallel_loop3A_130 : vector<16xi32>
      %parallel_loop3A_132 = vector.bitcast %parallel_loop3A_131 : vector<16xi32> to vector<16xf32>
      %parallel_loop3A_133 = arith.addf %parallel_loop3A_118, %parallel_loop3A_128 : vector<16xf32>
      %parallel_loop3A_134 = arith.addf %parallel_loop3A_119, %parallel_loop3A_132 : vector<16xf32>
      %parallel_loop3A_135 = arith.constant 80 : i32
      %parallel_loop3A_136 = arith.addi %parallel_loop3A_55, %parallel_loop3A_135 : i32
      %parallel_loop3A_137 = arith.index_cast %parallel_loop3A_136 : i32 to index
      %parallel_loop3A_138 = tpu.vector_load %arg6[%parallel_loop3A_137] {strides = array<i32>} : memref<6416xi32, #tpu.memory_space<vmem>>, vector<16xi32>,
      %parallel_loop3A_139 = tpu.vector_load_idx %arg7[%parallel_loop3A_138] : memref<100000xi32, #tpu.memory_space<vmem>>[vector<16xi32>], vector<16xi32>,
      %parallel_loop3A_140 = arith.constant 16 : i32
      %parallel_loop3A_141 = vector.broadcast %parallel_loop3A_140 : i32 to vector<16xi32>
      %parallel_loop3A_142 = arith.shli %parallel_loop3A_139, %parallel_loop3A_141 : vector<16xi32>
      %parallel_loop3A_143 = vector.bitcast %parallel_loop3A_142 : vector<16xi32> to vector<16xf32>
      %parallel_loop3A_144 = arith.constant -65536 : i32
      %parallel_loop3A_145 = vector.broadcast %parallel_loop3A_144 : i32 to vector<16xi32>
      %parallel_loop3A_146 = arith.andi %parallel_loop3A_139, %parallel_loop3A_145 : vector<16xi32>
      %parallel_loop3A_147 = vector.bitcast %parallel_loop3A_146 : vector<16xi32> to vector<16xf32>
      %parallel_loop3A_148 = arith.addf %parallel_loop3A_133, %parallel_loop3A_143 : vector<16xf32>
      %parallel_loop3A_149 = arith.addf %parallel_loop3A_134, %parallel_loop3A_147 : vector<16xf32>
      %parallel_loop3A_150 = arith.constant 96 : i32
      %parallel_loop3A_151 = arith.addi %parallel_loop3A_55, %parallel_loop3A_150 : i32
      %parallel_loop3A_152 = arith.index_cast %parallel_loop3A_151 : i32 to index
      %parallel_loop3A_153 = tpu.vector_load %arg6[%parallel_loop3A_152] {strides = array<i32>} : memref<6416xi32, #tpu.memory_space<vmem>>, vector<16xi32>,
      %parallel_loop3A_154 = tpu.vector_load_idx %arg7[%parallel_loop3A_153] : memref<100000xi32, #tpu.memory_space<vmem>>[vector<16xi32>], vector<16xi32>,
      %parallel_loop3A_155 = arith.constant 16 : i32
      %parallel_loop3A_156 = vector.broadcast %parallel_loop3A_155 : i32 to vector<16xi32>
      %parallel_loop3A_157 = arith.shli %parallel_loop3A_154, %parallel_loop3A_156 : vector<16xi32>
      %parallel_loop3A_158 = vector.bitcast %parallel_loop3A_157 : vector<16xi32> to vector<16xf32>
      %parallel_loop3A_159 = arith.constant -65536 : i32
      %parallel_loop3A_160 = vector.broadcast %parallel_loop3A_159 : i32 to vector<16xi32>
      %parallel_loop3A_161 = arith.andi %parallel_loop3A_154, %parallel_loop3A_160 : vector<16xi32>
      %parallel_loop3A_162 = vector.bitcast %parallel_loop3A_161 : vector<16xi32> to vector<16xf32>
      %parallel_loop3A_163 = arith.addf %parallel_loop3A_148, %parallel_loop3A_158 : vector<16xf32>
      %parallel_loop3A_164 = arith.addf %parallel_loop3A_149, %parallel_loop3A_162 : vector<16xf32>
      %parallel_loop3A_165 = arith.constant 112 : i32
      %parallel_loop3A_166 = arith.addi %parallel_loop3A_55, %parallel_loop3A_165 : i32
      %parallel_loop3A_167 = arith.index_cast %parallel_loop3A_166 : i32 to index
      %parallel_loop3A_168 = tpu.vector_load %arg6[%parallel_loop3A_167] {strides = array<i32>} : memref<6416xi32, #tpu.memory_space<vmem>>, vector<16xi32>,
      %parallel_loop3A_169 = tpu.vector_load_idx %arg7[%parallel_loop3A_168] : memref<100000xi32, #tpu.memory_space<vmem>>[vector<16xi32>], vector<16xi32>,
      %parallel_loop3A_170 = arith.constant 16 : i32
      %parallel_loop3A_171 = vector.broadcast %parallel_loop3A_170 : i32 to vector<16xi32>
      %parallel_loop3A_172 = arith.shli %parallel_loop3A_169, %parallel_loop3A_171 : vector<16xi32>
      %parallel_loop3A_173 = vector.bitcast %parallel_loop3A_172 : vector<16xi32> to vector<16xf32>
      %parallel_loop3A_174 = arith.constant -65536 : i32
      %parallel_loop3A_175 = vector.broadcast %parallel_loop3A_174 : i32 to vector<16xi32>
      %parallel_loop3A_176 = arith.andi %parallel_loop3A_169, %parallel_loop3A_175 : vector<16xi32>
      %parallel_loop3A_177 = vector.bitcast %parallel_loop3A_176 : vector<16xi32> to vector<16xf32>
      %parallel_loop3A_178 = arith.addf %parallel_loop3A_163, %parallel_loop3A_173 : vector<16xf32>
      %parallel_loop3A_179 = arith.addf %parallel_loop3A_164, %parallel_loop3A_177 : vector<16xf32>
      %parallel_loop3A_180 = arith.constant 128 : i32
      %parallel_loop3A_181 = arith.addi %parallel_loop3A_55, %parallel_loop3A_180 : i32
      %parallel_loop3A_182 = arith.index_cast %parallel_loop3A_181 : i32 to index
      %parallel_loop3A_183 = tpu.vector_load %arg6[%parallel_loop3A_182] {strides = array<i32>} : memref<6416xi32, #tpu.memory_space<vmem>>, vector<16xi32>,
      %parallel_loop3A_184 = tpu.vector_load_idx %arg7[%parallel_loop3A_183] : memref<100000xi32, #tpu.memory_space<vmem>>[vector<16xi32>], vector<16xi32>,
      %parallel_loop3A_185 = arith.constant 16 : i32
      %parallel_loop3A_186 = vector.broadcast %parallel_loop3A_185 : i32 to vector<16xi32>
      %parallel_loop3A_187 = arith.shli %parallel_loop3A_184, %parallel_loop3A_186 : vector<16xi32>
      %parallel_loop3A_188 = vector.bitcast %parallel_loop3A_187 : vector<16xi32> to vector<16xf32>
      %parallel_loop3A_189 = arith.constant -65536 : i32
      %parallel_loop3A_190 = vector.broadcast %parallel_loop3A_189 : i32 to vector<16xi32>
      %parallel_loop3A_191 = arith.andi %parallel_loop3A_184, %parallel_loop3A_190 : vector<16xi32>
      %parallel_loop3A_192 = vector.bitcast %parallel_loop3A_191 : vector<16xi32> to vector<16xf32>
      %parallel_loop3A_193 = arith.addf %parallel_loop3A_178, %parallel_loop3A_188 : vector<16xf32>
      %parallel_loop3A_194 = arith.addf %parallel_loop3A_179, %parallel_loop3A_192 : vector<16xf32>
      %parallel_loop3A_195 = arith.constant 144 : i32
      %parallel_loop3A_196 = arith.addi %parallel_loop3A_55, %parallel_loop3A_195 : i32
      %parallel_loop3A_197 = arith.index_cast %parallel_loop3A_196 : i32 to index
      %parallel_loop3A_198 = tpu.vector_load %arg6[%parallel_loop3A_197] {strides = array<i32>} : memref<6416xi32, #tpu.memory_space<vmem>>, vector<16xi32>,
      %parallel_loop3A_199 = tpu.vector_load_idx %arg7[%parallel_loop3A_198] : memref<100000xi32, #tpu.memory_space<vmem>>[vector<16xi32>], vector<16xi32>,
      %parallel_loop3A_200 = arith.constant 16 : i32
      %parallel_loop3A_201 = vector.broadcast %parallel_loop3A_200 : i32 to vector<16xi32>
      %parallel_loop3A_202 = arith.shli %parallel_loop3A_199, %parallel_loop3A_201 : vector<16xi32>
      %parallel_loop3A_203 = vector.bitcast %parallel_loop3A_202 : vector<16xi32> to vector<16xf32>
      %parallel_loop3A_204 = arith.constant -65536 : i32
      %parallel_loop3A_205 = vector.broadcast %parallel_loop3A_204 : i32 to vector<16xi32>
      %parallel_loop3A_206 = arith.andi %parallel_loop3A_199, %parallel_loop3A_205 : vector<16xi32>
      %parallel_loop3A_207 = vector.bitcast %parallel_loop3A_206 : vector<16xi32> to vector<16xf32>
      %parallel_loop3A_208 = arith.addf %parallel_loop3A_193, %parallel_loop3A_203 : vector<16xf32>
      %parallel_loop3A_209 = arith.addf %parallel_loop3A_194, %parallel_loop3A_207 : vector<16xf32>
      %parallel_loop3A_210 = arith.constant 160 : i32
      %parallel_loop3A_211 = arith.addi %parallel_loop3A_55, %parallel_loop3A_210 : i32
      %parallel_loop3A_212 = arith.index_cast %parallel_loop3A_211 : i32 to index
      %parallel_loop3A_213 = tpu.vector_load %arg6[%parallel_loop3A_212] {strides = array<i32>} : memref<6416xi32, #tpu.memory_space<vmem>>, vector<16xi32>,
      %parallel_loop3A_214 = tpu.vector_load_idx %arg7[%parallel_loop3A_213] : memref<100000xi32, #tpu.memory_space<vmem>>[vector<16xi32>], vector<16xi32>,
      %parallel_loop3A_215 = arith.constant 16 : i32
      %parallel_loop3A_216 = vector.broadcast %parallel_loop3A_215 : i32 to vector<16xi32>
      %parallel_loop3A_217 = arith.shli %parallel_loop3A_214, %parallel_loop3A_216 : vector<16xi32>
      %parallel_loop3A_218 = vector.bitcast %parallel_loop3A_217 : vector<16xi32> to vector<16xf32>
      %parallel_loop3A_219 = arith.constant -65536 : i32
      %parallel_loop3A_220 = vector.broadcast %parallel_loop3A_219 : i32 to vector<16xi32>
      %parallel_loop3A_221 = arith.andi %parallel_loop3A_214, %parallel_loop3A_220 : vector<16xi32>
      %parallel_loop3A_222 = vector.bitcast %parallel_loop3A_221 : vector<16xi32> to vector<16xf32>
      %parallel_loop3A_223 = arith.addf %parallel_loop3A_208, %parallel_loop3A_218 : vector<16xf32>
      %parallel_loop3A_224 = arith.addf %parallel_loop3A_209, %parallel_loop3A_222 : vector<16xf32>
      %parallel_loop3A_225 = arith.constant 176 : i32
      %parallel_loop3A_226 = arith.addi %parallel_loop3A_55, %parallel_loop3A_225 : i32
      %parallel_loop3A_227 = arith.index_cast %parallel_loop3A_226 : i32 to index
      %parallel_loop3A_228 = tpu.vector_load %arg6[%parallel_loop3A_227] {strides = array<i32>} : memref<6416xi32, #tpu.memory_space<vmem>>, vector<16xi32>,
      %parallel_loop3A_229 = tpu.vector_load_idx %arg7[%parallel_loop3A_228] : memref<100000xi32, #tpu.memory_space<vmem>>[vector<16xi32>], vector<16xi32>,
      %parallel_loop3A_230 = arith.constant 16 : i32
      %parallel_loop3A_231 = vector.broadcast %parallel_loop3A_230 : i32 to vector<16xi32>
      %parallel_loop3A_232 = arith.shli %parallel_loop3A_229, %parallel_loop3A_231 : vector<16xi32>
      %parallel_loop3A_233 = vector.bitcast %parallel_loop3A_232 : vector<16xi32> to vector<16xf32>
      %parallel_loop3A_234 = arith.constant -65536 : i32
      %parallel_loop3A_235 = vector.broadcast %parallel_loop3A_234 : i32 to vector<16xi32>
      %parallel_loop3A_236 = arith.andi %parallel_loop3A_229, %parallel_loop3A_235 : vector<16xi32>
      %parallel_loop3A_237 = vector.bitcast %parallel_loop3A_236 : vector<16xi32> to vector<16xf32>
      %parallel_loop3A_238 = arith.addf %parallel_loop3A_223, %parallel_loop3A_233 : vector<16xf32>
      %parallel_loop3A_239 = arith.addf %parallel_loop3A_224, %parallel_loop3A_237 : vector<16xf32>
      %parallel_loop3A_240 = arith.constant 192 : i32
      %parallel_loop3A_241 = arith.addi %parallel_loop3A_55, %parallel_loop3A_240 : i32
      %parallel_loop3A_242 = arith.index_cast %parallel_loop3A_241 : i32 to index
      %parallel_loop3A_243 = tpu.vector_load %arg6[%parallel_loop3A_242] {strides = array<i32>} : memref<6416xi32, #tpu.memory_space<vmem>>, vector<16xi32>,
      %parallel_loop3A_244 = tpu.vector_load_idx %arg7[%parallel_loop3A_243] : memref<100000xi32, #tpu.memory_space<vmem>>[vector<16xi32>], vector<16xi32>,
      %parallel_loop3A_245 = arith.constant 16 : i32
      %parallel_loop3A_246 = vector.broadcast %parallel_loop3A_245 : i32 to vector<16xi32>
      %parallel_loop3A_247 = arith.shli %parallel_loop3A_244, %parallel_loop3A_246 : vector<16xi32>
      %parallel_loop3A_248 = vector.bitcast %parallel_loop3A_247 : vector<16xi32> to vector<16xf32>
      %parallel_loop3A_249 = arith.constant -65536 : i32
      %parallel_loop3A_250 = vector.broadcast %parallel_loop3A_249 : i32 to vector<16xi32>
      %parallel_loop3A_251 = arith.andi %parallel_loop3A_244, %parallel_loop3A_250 : vector<16xi32>
      %parallel_loop3A_252 = vector.bitcast %parallel_loop3A_251 : vector<16xi32> to vector<16xf32>
      %parallel_loop3A_253 = arith.constant 0.000000e+00 : f32
      %parallel_loop3A_254 = vector.broadcast %parallel_loop3A_253 : f32 to vector<16xf32>
      %parallel_loop3A_255 = arith.select %lt3A_4, %parallel_loop3A_248, %parallel_loop3A_254 : vector<16xi1>, vector<16xf32>
      %parallel_loop3A_256 = arith.addf %parallel_loop3A_238, %parallel_loop3A_255 : vector<16xf32>
      %parallel_loop3A_257 = arith.constant 0.000000e+00 : f32
      %parallel_loop3A_258 = vector.broadcast %parallel_loop3A_257 : f32 to vector<16xf32>
      %parallel_loop3A_259 = arith.select %lt3A_4, %parallel_loop3A_252, %parallel_loop3A_258 : vector<16xi1>, vector<16xf32>
      %parallel_loop3A_260 = arith.addf %parallel_loop3A_239, %parallel_loop3A_259 : vector<16xf32>
      %parallel_loop3A_261 = arith.constant 16 : i32
      %parallel_loop3A_262 = arith.muli %parallel_loop3A_53, %parallel_loop3A_261 : i32
      %parallel_loop3A_263 = arith.index_cast %parallel_loop3A_262 : i32 to index
      %parallel_loop3A_264 = tpu.vector_load %arg8[%parallel_loop3A_263] {strides = array<i32>} : memref<512xf32, #tpu.memory_space<vmem>>, vector<16xf32>,
      tpu.vector_store %arg8[%parallel_loop3A_263], %parallel_loop3A_256 {strides = array<i32>} : memref<512xf32, #tpu.memory_space<vmem>>, vector<16xf32>,
      %parallel_loop3A_265 = arith.constant 16 : i32
      %parallel_loop3A_266 = arith.muli %parallel_loop3A_53, %parallel_loop3A_265 : i32
      %parallel_loop3A_267 = arith.index_cast %parallel_loop3A_266 : i32 to index
      %parallel_loop3A_268 = tpu.vector_load %arg9[%parallel_loop3A_267] {strides = array<i32>} : memref<512xf32, #tpu.memory_space<vmem>>, vector<16xf32>,
      tpu.vector_store %arg9[%parallel_loop3A_267], %parallel_loop3A_260 {strides = array<i32>} : memref<512xf32, #tpu.memory_space<vmem>>, vector<16xf32>,
    } {sc.loop_unroll_factor = 4 : i64, sc.parallel_access}
    %parallel_loop3A_48 = arith.constant 0 : i32
    %parallel_loop3A_49 = arith.constant 2 : i32
    %parallel_loop3A_50 = arith.constant 1 : i32
    scf.for %parallel_loop3A_53 = %parallel_loop3A_48 to %parallel_loop3A_49 step %parallel_loop3A_50  : i32 {
      %parallel_loop3A_54 = arith.constant 16 : i32
      %parallel_loop3A_55 = arith.muli %parallel_loop3A_53, %parallel_loop3A_54 : i32
      %parallel_loop3A_56 = arith.constant 16 : i32
      %parallel_loop3A_57 = arith.muli %parallel_loop3A_55, %parallel_loop3A_56 : i32
      %parallel_loop3A_58 = arith.constant 0.000000e+00 : f32
      %parallel_loop3A_59 = vector.broadcast %parallel_loop3A_58 : f32 to vector<16xf32>
      %parallel_loop3A_60 = arith.constant 0.000000e+00 : f32
      %parallel_loop3A_61 = vector.broadcast %parallel_loop3A_60 : f32 to vector<16xf32>
      %parallel_loop3A_62 = arith.constant 16 : i32
      %parallel_loop3A_63 = vector.broadcast %parallel_loop3A_62 : i32 to vector<16xi32>
      %parallel_loop3A_64 = arith.muli %iota3A_5, %parallel_loop3A_63 : vector<16xi32>
      %parallel_loop3A_65 = vector.broadcast %parallel_loop3A_57 : i32 to vector<16xi32>
      %parallel_loop3A_66 = arith.addi %parallel_loop3A_65, %parallel_loop3A_64 : vector<16xi32>
      %parallel_loop3A_67 = arith.constant 0 : i32
      %parallel_loop3A_68 = vector.broadcast %parallel_loop3A_67 : i32 to vector<16xi32>
      %parallel_loop3A_69 = arith.addi %parallel_loop3A_66, %parallel_loop3A_68 : vector<16xi32>
      %parallel_loop3A_70 = tpu.vector_load_idx %arg8[%parallel_loop3A_69] : memref<512xf32, #tpu.memory_space<vmem>>[vector<16xi32>], vector<16xf32>,
      %parallel_loop3A_71 = arith.addf %parallel_loop3A_59, %parallel_loop3A_70 : vector<16xf32>
      %parallel_loop3A_72 = arith.constant 16 : i32
      %parallel_loop3A_73 = vector.broadcast %parallel_loop3A_72 : i32 to vector<16xi32>
      %parallel_loop3A_74 = arith.muli %iota3A_5, %parallel_loop3A_73 : vector<16xi32>
      %parallel_loop3A_75 = vector.broadcast %parallel_loop3A_57 : i32 to vector<16xi32>
      %parallel_loop3A_76 = arith.addi %parallel_loop3A_75, %parallel_loop3A_74 : vector<16xi32>
      %parallel_loop3A_77 = arith.constant 0 : i32
      %parallel_loop3A_78 = vector.broadcast %parallel_loop3A_77 : i32 to vector<16xi32>
      %parallel_loop3A_79 = arith.addi %parallel_loop3A_76, %parallel_loop3A_78 : vector<16xi32>
      %parallel_loop3A_80 = tpu.vector_load_idx %arg9[%parallel_loop3A_79] : memref<512xf32, #tpu.memory_space<vmem>>[vector<16xi32>], vector<16xf32>,
      %parallel_loop3A_81 = arith.addf %parallel_loop3A_61, %parallel_loop3A_80 : vector<16xf32>
      %parallel_loop3A_82 = arith.constant 16 : i32
      %parallel_loop3A_83 = vector.broadcast %parallel_loop3A_82 : i32 to vector<16xi32>
      %parallel_loop3A_84 = arith.muli %iota3A_5, %parallel_loop3A_83 : vector<16xi32>
      %parallel_loop3A_85 = vector.broadcast %parallel_loop3A_57 : i32 to vector<16xi32>
      %parallel_loop3A_86 = arith.addi %parallel_loop3A_85, %parallel_loop3A_84 : vector<16xi32>
      %parallel_loop3A_87 = arith.constant 1 : i32
      %parallel_loop3A_88 = vector.broadcast %parallel_loop3A_87 : i32 to vector<16xi32>
      %parallel_loop3A_89 = arith.addi %parallel_loop3A_86, %parallel_loop3A_88 : vector<16xi32>
      %parallel_loop3A_90 = tpu.vector_load_idx %arg8[%parallel_loop3A_89] : memref<512xf32, #tpu.memory_space<vmem>>[vector<16xi32>], vector<16xf32>,
      %parallel_loop3A_91 = arith.addf %parallel_loop3A_71, %parallel_loop3A_90 : vector<16xf32>
      %parallel_loop3A_92 = arith.constant 16 : i32
      %parallel_loop3A_93 = vector.broadcast %parallel_loop3A_92 : i32 to vector<16xi32>
      %parallel_loop3A_94 = arith.muli %iota3A_5, %parallel_loop3A_93 : vector<16xi32>
      %parallel_loop3A_95 = vector.broadcast %parallel_loop3A_57 : i32 to vector<16xi32>
      %parallel_loop3A_96 = arith.addi %parallel_loop3A_95, %parallel_loop3A_94 : vector<16xi32>
      %parallel_loop3A_97 = arith.constant 1 : i32
      %parallel_loop3A_98 = vector.broadcast %parallel_loop3A_97 : i32 to vector<16xi32>
      %parallel_loop3A_99 = arith.addi %parallel_loop3A_96, %parallel_loop3A_98 : vector<16xi32>
      %parallel_loop3A_100 = tpu.vector_load_idx %arg9[%parallel_loop3A_99] : memref<512xf32, #tpu.memory_space<vmem>>[vector<16xi32>], vector<16xf32>,
      %parallel_loop3A_101 = arith.addf %parallel_loop3A_81, %parallel_loop3A_100 : vector<16xf32>
      %parallel_loop3A_102 = arith.constant 16 : i32
      %parallel_loop3A_103 = vector.broadcast %parallel_loop3A_102 : i32 to vector<16xi32>
      %parallel_loop3A_104 = arith.muli %iota3A_5, %parallel_loop3A_103 : vector<16xi32>
      %parallel_loop3A_105 = vector.broadcast %parallel_loop3A_57 : i32 to vector<16xi32>
      %parallel_loop3A_106 = arith.addi %parallel_loop3A_105, %parallel_loop3A_104 : vector<16xi32>
      %parallel_loop3A_107 = arith.constant 2 : i32
      %parallel_loop3A_108 = vector.broadcast %parallel_loop3A_107 : i32 to vector<16xi32>
      %parallel_loop3A_109 = arith.addi %parallel_loop3A_106, %parallel_loop3A_108 : vector<16xi32>
      %parallel_loop3A_110 = tpu.vector_load_idx %arg8[%parallel_loop3A_109] : memref<512xf32, #tpu.memory_space<vmem>>[vector<16xi32>], vector<16xf32>,
      %parallel_loop3A_111 = arith.addf %parallel_loop3A_91, %parallel_loop3A_110 : vector<16xf32>
      %parallel_loop3A_112 = arith.constant 16 : i32
      %parallel_loop3A_113 = vector.broadcast %parallel_loop3A_112 : i32 to vector<16xi32>
      %parallel_loop3A_114 = arith.muli %iota3A_5, %parallel_loop3A_113 : vector<16xi32>
      %parallel_loop3A_115 = vector.broadcast %parallel_loop3A_57 : i32 to vector<16xi32>
      %parallel_loop3A_116 = arith.addi %parallel_loop3A_115, %parallel_loop3A_114 : vector<16xi32>
      %parallel_loop3A_117 = arith.constant 2 : i32
      %parallel_loop3A_118 = vector.broadcast %parallel_loop3A_117 : i32 to vector<16xi32>
      %parallel_loop3A_119 = arith.addi %parallel_loop3A_116, %parallel_loop3A_118 : vector<16xi32>
      %parallel_loop3A_120 = tpu.vector_load_idx %arg9[%parallel_loop3A_119] : memref<512xf32, #tpu.memory_space<vmem>>[vector<16xi32>], vector<16xf32>,
      %parallel_loop3A_121 = arith.addf %parallel_loop3A_101, %parallel_loop3A_120 : vector<16xf32>
      %parallel_loop3A_122 = arith.constant 16 : i32
      %parallel_loop3A_123 = vector.broadcast %parallel_loop3A_122 : i32 to vector<16xi32>
      %parallel_loop3A_124 = arith.muli %iota3A_5, %parallel_loop3A_123 : vector<16xi32>
      %parallel_loop3A_125 = vector.broadcast %parallel_loop3A_57 : i32 to vector<16xi32>
      %parallel_loop3A_126 = arith.addi %parallel_loop3A_125, %parallel_loop3A_124 : vector<16xi32>
      %parallel_loop3A_127 = arith.constant 3 : i32
      %parallel_loop3A_128 = vector.broadcast %parallel_loop3A_127 : i32 to vector<16xi32>
      %parallel_loop3A_129 = arith.addi %parallel_loop3A_126, %parallel_loop3A_128 : vector<16xi32>
      %parallel_loop3A_130 = tpu.vector_load_idx %arg8[%parallel_loop3A_129] : memref<512xf32, #tpu.memory_space<vmem>>[vector<16xi32>], vector<16xf32>,
      %parallel_loop3A_131 = arith.addf %parallel_loop3A_111, %parallel_loop3A_130 : vector<16xf32>
      %parallel_loop3A_132 = arith.constant 16 : i32
      %parallel_loop3A_133 = vector.broadcast %parallel_loop3A_132 : i32 to vector<16xi32>
      %parallel_loop3A_134 = arith.muli %iota3A_5, %parallel_loop3A_133 : vector<16xi32>
      %parallel_loop3A_135 = vector.broadcast %parallel_loop3A_57 : i32 to vector<16xi32>
      %parallel_loop3A_136 = arith.addi %parallel_loop3A_135, %parallel_loop3A_134 : vector<16xi32>
      %parallel_loop3A_137 = arith.constant 3 : i32
      %parallel_loop3A_138 = vector.broadcast %parallel_loop3A_137 : i32 to vector<16xi32>
      %parallel_loop3A_139 = arith.addi %parallel_loop3A_136, %parallel_loop3A_138 : vector<16xi32>
      %parallel_loop3A_140 = tpu.vector_load_idx %arg9[%parallel_loop3A_139] : memref<512xf32, #tpu.memory_space<vmem>>[vector<16xi32>], vector<16xf32>,
      %parallel_loop3A_141 = arith.addf %parallel_loop3A_121, %parallel_loop3A_140 : vector<16xf32>
      %parallel_loop3A_142 = arith.constant 16 : i32
      %parallel_loop3A_143 = vector.broadcast %parallel_loop3A_142 : i32 to vector<16xi32>
      %parallel_loop3A_144 = arith.muli %iota3A_5, %parallel_loop3A_143 : vector<16xi32>
      %parallel_loop3A_145 = vector.broadcast %parallel_loop3A_57 : i32 to vector<16xi32>
      %parallel_loop3A_146 = arith.addi %parallel_loop3A_145, %parallel_loop3A_144 : vector<16xi32>
      %parallel_loop3A_147 = arith.constant 4 : i32
      %parallel_loop3A_148 = vector.broadcast %parallel_loop3A_147 : i32 to vector<16xi32>
      %parallel_loop3A_149 = arith.addi %parallel_loop3A_146, %parallel_loop3A_148 : vector<16xi32>
      %parallel_loop3A_150 = tpu.vector_load_idx %arg8[%parallel_loop3A_149] : memref<512xf32, #tpu.memory_space<vmem>>[vector<16xi32>], vector<16xf32>,
      %parallel_loop3A_151 = arith.addf %parallel_loop3A_131, %parallel_loop3A_150 : vector<16xf32>
      %parallel_loop3A_152 = arith.constant 16 : i32
      %parallel_loop3A_153 = vector.broadcast %parallel_loop3A_152 : i32 to vector<16xi32>
      %parallel_loop3A_154 = arith.muli %iota3A_5, %parallel_loop3A_153 : vector<16xi32>
      %parallel_loop3A_155 = vector.broadcast %parallel_loop3A_57 : i32 to vector<16xi32>
      %parallel_loop3A_156 = arith.addi %parallel_loop3A_155, %parallel_loop3A_154 : vector<16xi32>
      %parallel_loop3A_157 = arith.constant 4 : i32
      %parallel_loop3A_158 = vector.broadcast %parallel_loop3A_157 : i32 to vector<16xi32>
      %parallel_loop3A_159 = arith.addi %parallel_loop3A_156, %parallel_loop3A_158 : vector<16xi32>
      %parallel_loop3A_160 = tpu.vector_load_idx %arg9[%parallel_loop3A_159] : memref<512xf32, #tpu.memory_space<vmem>>[vector<16xi32>], vector<16xf32>,
      %parallel_loop3A_161 = arith.addf %parallel_loop3A_141, %parallel_loop3A_160 : vector<16xf32>
      %parallel_loop3A_162 = arith.constant 16 : i32
      %parallel_loop3A_163 = vector.broadcast %parallel_loop3A_162 : i32 to vector<16xi32>
      %parallel_loop3A_164 = arith.muli %iota3A_5, %parallel_loop3A_163 : vector<16xi32>
      %parallel_loop3A_165 = vector.broadcast %parallel_loop3A_57 : i32 to vector<16xi32>
      %parallel_loop3A_166 = arith.addi %parallel_loop3A_165, %parallel_loop3A_164 : vector<16xi32>
      %parallel_loop3A_167 = arith.constant 5 : i32
      %parallel_loop3A_168 = vector.broadcast %parallel_loop3A_167 : i32 to vector<16xi32>
      %parallel_loop3A_169 = arith.addi %parallel_loop3A_166, %parallel_loop3A_168 : vector<16xi32>
      %parallel_loop3A_170 = tpu.vector_load_idx %arg8[%parallel_loop3A_169] : memref<512xf32, #tpu.memory_space<vmem>>[vector<16xi32>], vector<16xf32>,
      %parallel_loop3A_171 = arith.addf %parallel_loop3A_151, %parallel_loop3A_170 : vector<16xf32>
      %parallel_loop3A_172 = arith.constant 16 : i32
      %parallel_loop3A_173 = vector.broadcast %parallel_loop3A_172 : i32 to vector<16xi32>
      %parallel_loop3A_174 = arith.muli %iota3A_5, %parallel_loop3A_173 : vector<16xi32>
      %parallel_loop3A_175 = vector.broadcast %parallel_loop3A_57 : i32 to vector<16xi32>
      %parallel_loop3A_176 = arith.addi %parallel_loop3A_175, %parallel_loop3A_174 : vector<16xi32>
      %parallel_loop3A_177 = arith.constant 5 : i32
      %parallel_loop3A_178 = vector.broadcast %parallel_loop3A_177 : i32 to vector<16xi32>
      %parallel_loop3A_179 = arith.addi %parallel_loop3A_176, %parallel_loop3A_178 : vector<16xi32>
      %parallel_loop3A_180 = tpu.vector_load_idx %arg9[%parallel_loop3A_179] : memref<512xf32, #tpu.memory_space<vmem>>[vector<16xi32>], vector<16xf32>,
      %parallel_loop3A_181 = arith.addf %parallel_loop3A_161, %parallel_loop3A_180 : vector<16xf32>
      %parallel_loop3A_182 = arith.constant 16 : i32
      %parallel_loop3A_183 = vector.broadcast %parallel_loop3A_182 : i32 to vector<16xi32>
      %parallel_loop3A_184 = arith.muli %iota3A_5, %parallel_loop3A_183 : vector<16xi32>
      %parallel_loop3A_185 = vector.broadcast %parallel_loop3A_57 : i32 to vector<16xi32>
      %parallel_loop3A_186 = arith.addi %parallel_loop3A_185, %parallel_loop3A_184 : vector<16xi32>
      %parallel_loop3A_187 = arith.constant 6 : i32
      %parallel_loop3A_188 = vector.broadcast %parallel_loop3A_187 : i32 to vector<16xi32>
      %parallel_loop3A_189 = arith.addi %parallel_loop3A_186, %parallel_loop3A_188 : vector<16xi32>
      %parallel_loop3A_190 = tpu.vector_load_idx %arg8[%parallel_loop3A_189] : memref<512xf32, #tpu.memory_space<vmem>>[vector<16xi32>], vector<16xf32>,
      %parallel_loop3A_191 = arith.addf %parallel_loop3A_171, %parallel_loop3A_190 : vector<16xf32>
      %parallel_loop3A_192 = arith.constant 16 : i32
      %parallel_loop3A_193 = vector.broadcast %parallel_loop3A_192 : i32 to vector<16xi32>
      %parallel_loop3A_194 = arith.muli %iota3A_5, %parallel_loop3A_193 : vector<16xi32>
      %parallel_loop3A_195 = vector.broadcast %parallel_loop3A_57 : i32 to vector<16xi32>
      %parallel_loop3A_196 = arith.addi %parallel_loop3A_195, %parallel_loop3A_194 : vector<16xi32>
      %parallel_loop3A_197 = arith.constant 6 : i32
      %parallel_loop3A_198 = vector.broadcast %parallel_loop3A_197 : i32 to vector<16xi32>
      %parallel_loop3A_199 = arith.addi %parallel_loop3A_196, %parallel_loop3A_198 : vector<16xi32>
      %parallel_loop3A_200 = tpu.vector_load_idx %arg9[%parallel_loop3A_199] : memref<512xf32, #tpu.memory_space<vmem>>[vector<16xi32>], vector<16xf32>,
      %parallel_loop3A_201 = arith.addf %parallel_loop3A_181, %parallel_loop3A_200 : vector<16xf32>
      %parallel_loop3A_202 = arith.constant 16 : i32
      %parallel_loop3A_203 = vector.broadcast %parallel_loop3A_202 : i32 to vector<16xi32>
      %parallel_loop3A_204 = arith.muli %iota3A_5, %parallel_loop3A_203 : vector<16xi32>
      %parallel_loop3A_205 = vector.broadcast %parallel_loop3A_57 : i32 to vector<16xi32>
      %parallel_loop3A_206 = arith.addi %parallel_loop3A_205, %parallel_loop3A_204 : vector<16xi32>
      %parallel_loop3A_207 = arith.constant 7 : i32
      %parallel_loop3A_208 = vector.broadcast %parallel_loop3A_207 : i32 to vector<16xi32>
      %parallel_loop3A_209 = arith.addi %parallel_loop3A_206, %parallel_loop3A_208 : vector<16xi32>
      %parallel_loop3A_210 = tpu.vector_load_idx %arg8[%parallel_loop3A_209] : memref<512xf32, #tpu.memory_space<vmem>>[vector<16xi32>], vector<16xf32>,
      %parallel_loop3A_211 = arith.addf %parallel_loop3A_191, %parallel_loop3A_210 : vector<16xf32>
      %parallel_loop3A_212 = arith.constant 16 : i32
      %parallel_loop3A_213 = vector.broadcast %parallel_loop3A_212 : i32 to vector<16xi32>
      %parallel_loop3A_214 = arith.muli %iota3A_5, %parallel_loop3A_213 : vector<16xi32>
      %parallel_loop3A_215 = vector.broadcast %parallel_loop3A_57 : i32 to vector<16xi32>
      %parallel_loop3A_216 = arith.addi %parallel_loop3A_215, %parallel_loop3A_214 : vector<16xi32>
      %parallel_loop3A_217 = arith.constant 7 : i32
      %parallel_loop3A_218 = vector.broadcast %parallel_loop3A_217 : i32 to vector<16xi32>
      %parallel_loop3A_219 = arith.addi %parallel_loop3A_216, %parallel_loop3A_218 : vector<16xi32>
      %parallel_loop3A_220 = tpu.vector_load_idx %arg9[%parallel_loop3A_219] : memref<512xf32, #tpu.memory_space<vmem>>[vector<16xi32>], vector<16xf32>,
      %parallel_loop3A_221 = arith.addf %parallel_loop3A_201, %parallel_loop3A_220 : vector<16xf32>
      %parallel_loop3A_222 = arith.constant 16 : i32
      %parallel_loop3A_223 = vector.broadcast %parallel_loop3A_222 : i32 to vector<16xi32>
      %parallel_loop3A_224 = arith.muli %iota3A_5, %parallel_loop3A_223 : vector<16xi32>
      %parallel_loop3A_225 = vector.broadcast %parallel_loop3A_57 : i32 to vector<16xi32>
      %parallel_loop3A_226 = arith.addi %parallel_loop3A_225, %parallel_loop3A_224 : vector<16xi32>
      %parallel_loop3A_227 = arith.constant 8 : i32
      %parallel_loop3A_228 = vector.broadcast %parallel_loop3A_227 : i32 to vector<16xi32>
      %parallel_loop3A_229 = arith.addi %parallel_loop3A_226, %parallel_loop3A_228 : vector<16xi32>
      %parallel_loop3A_230 = tpu.vector_load_idx %arg8[%parallel_loop3A_229] : memref<512xf32, #tpu.memory_space<vmem>>[vector<16xi32>], vector<16xf32>,
      %parallel_loop3A_231 = arith.addf %parallel_loop3A_211, %parallel_loop3A_230 : vector<16xf32>
      %parallel_loop3A_232 = arith.constant 16 : i32
      %parallel_loop3A_233 = vector.broadcast %parallel_loop3A_232 : i32 to vector<16xi32>
      %parallel_loop3A_234 = arith.muli %iota3A_5, %parallel_loop3A_233 : vector<16xi32>
      %parallel_loop3A_235 = vector.broadcast %parallel_loop3A_57 : i32 to vector<16xi32>
      %parallel_loop3A_236 = arith.addi %parallel_loop3A_235, %parallel_loop3A_234 : vector<16xi32>
      %parallel_loop3A_237 = arith.constant 8 : i32
      %parallel_loop3A_238 = vector.broadcast %parallel_loop3A_237 : i32 to vector<16xi32>
      %parallel_loop3A_239 = arith.addi %parallel_loop3A_236, %parallel_loop3A_238 : vector<16xi32>
      %parallel_loop3A_240 = tpu.vector_load_idx %arg9[%parallel_loop3A_239] : memref<512xf32, #tpu.memory_space<vmem>>[vector<16xi32>], vector<16xf32>,
      %parallel_loop3A_241 = arith.addf %parallel_loop3A_221, %parallel_loop3A_240 : vector<16xf32>
      %parallel_loop3A_242 = arith.constant 16 : i32
      %parallel_loop3A_243 = vector.broadcast %parallel_loop3A_242 : i32 to vector<16xi32>
      %parallel_loop3A_244 = arith.muli %iota3A_5, %parallel_loop3A_243 : vector<16xi32>
      %parallel_loop3A_245 = vector.broadcast %parallel_loop3A_57 : i32 to vector<16xi32>
      %parallel_loop3A_246 = arith.addi %parallel_loop3A_245, %parallel_loop3A_244 : vector<16xi32>
      %parallel_loop3A_247 = arith.constant 9 : i32
      %parallel_loop3A_248 = vector.broadcast %parallel_loop3A_247 : i32 to vector<16xi32>
      %parallel_loop3A_249 = arith.addi %parallel_loop3A_246, %parallel_loop3A_248 : vector<16xi32>
      %parallel_loop3A_250 = tpu.vector_load_idx %arg8[%parallel_loop3A_249] : memref<512xf32, #tpu.memory_space<vmem>>[vector<16xi32>], vector<16xf32>,
      %parallel_loop3A_251 = arith.addf %parallel_loop3A_231, %parallel_loop3A_250 : vector<16xf32>
      %parallel_loop3A_252 = arith.constant 16 : i32
      %parallel_loop3A_253 = vector.broadcast %parallel_loop3A_252 : i32 to vector<16xi32>
      %parallel_loop3A_254 = arith.muli %iota3A_5, %parallel_loop3A_253 : vector<16xi32>
      %parallel_loop3A_255 = vector.broadcast %parallel_loop3A_57 : i32 to vector<16xi32>
      %parallel_loop3A_256 = arith.addi %parallel_loop3A_255, %parallel_loop3A_254 : vector<16xi32>
      %parallel_loop3A_257 = arith.constant 9 : i32
      %parallel_loop3A_258 = vector.broadcast %parallel_loop3A_257 : i32 to vector<16xi32>
      %parallel_loop3A_259 = arith.addi %parallel_loop3A_256, %parallel_loop3A_258 : vector<16xi32>
      %parallel_loop3A_260 = tpu.vector_load_idx %arg9[%parallel_loop3A_259] : memref<512xf32, #tpu.memory_space<vmem>>[vector<16xi32>], vector<16xf32>,
      %parallel_loop3A_261 = arith.addf %parallel_loop3A_241, %parallel_loop3A_260 : vector<16xf32>
      %parallel_loop3A_262 = arith.constant 16 : i32
      %parallel_loop3A_263 = vector.broadcast %parallel_loop3A_262 : i32 to vector<16xi32>
      %parallel_loop3A_264 = arith.muli %iota3A_5, %parallel_loop3A_263 : vector<16xi32>
      %parallel_loop3A_265 = vector.broadcast %parallel_loop3A_57 : i32 to vector<16xi32>
      %parallel_loop3A_266 = arith.addi %parallel_loop3A_265, %parallel_loop3A_264 : vector<16xi32>
      %parallel_loop3A_267 = arith.constant 10 : i32
      %parallel_loop3A_268 = vector.broadcast %parallel_loop3A_267 : i32 to vector<16xi32>
      %parallel_loop3A_269 = arith.addi %parallel_loop3A_266, %parallel_loop3A_268 : vector<16xi32>
      %parallel_loop3A_270 = tpu.vector_load_idx %arg8[%parallel_loop3A_269] : memref<512xf32, #tpu.memory_space<vmem>>[vector<16xi32>], vector<16xf32>,
      %parallel_loop3A_271 = arith.addf %parallel_loop3A_251, %parallel_loop3A_270 : vector<16xf32>
      %parallel_loop3A_272 = arith.constant 16 : i32
      %parallel_loop3A_273 = vector.broadcast %parallel_loop3A_272 : i32 to vector<16xi32>
      %parallel_loop3A_274 = arith.muli %iota3A_5, %parallel_loop3A_273 : vector<16xi32>
      %parallel_loop3A_275 = vector.broadcast %parallel_loop3A_57 : i32 to vector<16xi32>
      %parallel_loop3A_276 = arith.addi %parallel_loop3A_275, %parallel_loop3A_274 : vector<16xi32>
      %parallel_loop3A_277 = arith.constant 10 : i32
      %parallel_loop3A_278 = vector.broadcast %parallel_loop3A_277 : i32 to vector<16xi32>
      %parallel_loop3A_279 = arith.addi %parallel_loop3A_276, %parallel_loop3A_278 : vector<16xi32>
      %parallel_loop3A_280 = tpu.vector_load_idx %arg9[%parallel_loop3A_279] : memref<512xf32, #tpu.memory_space<vmem>>[vector<16xi32>], vector<16xf32>,
      %parallel_loop3A_281 = arith.addf %parallel_loop3A_261, %parallel_loop3A_280 : vector<16xf32>
      %parallel_loop3A_282 = arith.constant 16 : i32
      %parallel_loop3A_283 = vector.broadcast %parallel_loop3A_282 : i32 to vector<16xi32>
      %parallel_loop3A_284 = arith.muli %iota3A_5, %parallel_loop3A_283 : vector<16xi32>
      %parallel_loop3A_285 = vector.broadcast %parallel_loop3A_57 : i32 to vector<16xi32>
      %parallel_loop3A_286 = arith.addi %parallel_loop3A_285, %parallel_loop3A_284 : vector<16xi32>
      %parallel_loop3A_287 = arith.constant 11 : i32
      %parallel_loop3A_288 = vector.broadcast %parallel_loop3A_287 : i32 to vector<16xi32>
      %parallel_loop3A_289 = arith.addi %parallel_loop3A_286, %parallel_loop3A_288 : vector<16xi32>
      %parallel_loop3A_290 = tpu.vector_load_idx %arg8[%parallel_loop3A_289] : memref<512xf32, #tpu.memory_space<vmem>>[vector<16xi32>], vector<16xf32>,
      %parallel_loop3A_291 = arith.addf %parallel_loop3A_271, %parallel_loop3A_290 : vector<16xf32>
      %parallel_loop3A_292 = arith.constant 16 : i32
      %parallel_loop3A_293 = vector.broadcast %parallel_loop3A_292 : i32 to vector<16xi32>
      %parallel_loop3A_294 = arith.muli %iota3A_5, %parallel_loop3A_293 : vector<16xi32>
      %parallel_loop3A_295 = vector.broadcast %parallel_loop3A_57 : i32 to vector<16xi32>
      %parallel_loop3A_296 = arith.addi %parallel_loop3A_295, %parallel_loop3A_294 : vector<16xi32>
      %parallel_loop3A_297 = arith.constant 11 : i32
      %parallel_loop3A_298 = vector.broadcast %parallel_loop3A_297 : i32 to vector<16xi32>
      %parallel_loop3A_299 = arith.addi %parallel_loop3A_296, %parallel_loop3A_298 : vector<16xi32>
      %parallel_loop3A_300 = tpu.vector_load_idx %arg9[%parallel_loop3A_299] : memref<512xf32, #tpu.memory_space<vmem>>[vector<16xi32>], vector<16xf32>,
      %parallel_loop3A_301 = arith.addf %parallel_loop3A_281, %parallel_loop3A_300 : vector<16xf32>
      %parallel_loop3A_302 = arith.constant 16 : i32
      %parallel_loop3A_303 = vector.broadcast %parallel_loop3A_302 : i32 to vector<16xi32>
      %parallel_loop3A_304 = arith.muli %iota3A_5, %parallel_loop3A_303 : vector<16xi32>
      %parallel_loop3A_305 = vector.broadcast %parallel_loop3A_57 : i32 to vector<16xi32>
      %parallel_loop3A_306 = arith.addi %parallel_loop3A_305, %parallel_loop3A_304 : vector<16xi32>
      %parallel_loop3A_307 = arith.constant 12 : i32
      %parallel_loop3A_308 = vector.broadcast %parallel_loop3A_307 : i32 to vector<16xi32>
      %parallel_loop3A_309 = arith.addi %parallel_loop3A_306, %parallel_loop3A_308 : vector<16xi32>
      %parallel_loop3A_310 = tpu.vector_load_idx %arg8[%parallel_loop3A_309] : memref<512xf32, #tpu.memory_space<vmem>>[vector<16xi32>], vector<16xf32>,
      %parallel_loop3A_311 = arith.addf %parallel_loop3A_291, %parallel_loop3A_310 : vector<16xf32>
      %parallel_loop3A_312 = arith.constant 16 : i32
      %parallel_loop3A_313 = vector.broadcast %parallel_loop3A_312 : i32 to vector<16xi32>
      %parallel_loop3A_314 = arith.muli %iota3A_5, %parallel_loop3A_313 : vector<16xi32>
      %parallel_loop3A_315 = vector.broadcast %parallel_loop3A_57 : i32 to vector<16xi32>
      %parallel_loop3A_316 = arith.addi %parallel_loop3A_315, %parallel_loop3A_314 : vector<16xi32>
      %parallel_loop3A_317 = arith.constant 12 : i32
      %parallel_loop3A_318 = vector.broadcast %parallel_loop3A_317 : i32 to vector<16xi32>
      %parallel_loop3A_319 = arith.addi %parallel_loop3A_316, %parallel_loop3A_318 : vector<16xi32>
      %parallel_loop3A_320 = tpu.vector_load_idx %arg9[%parallel_loop3A_319] : memref<512xf32, #tpu.memory_space<vmem>>[vector<16xi32>], vector<16xf32>,
      %parallel_loop3A_321 = arith.addf %parallel_loop3A_301, %parallel_loop3A_320 : vector<16xf32>
      %parallel_loop3A_322 = arith.constant 16 : i32
      %parallel_loop3A_323 = vector.broadcast %parallel_loop3A_322 : i32 to vector<16xi32>
      %parallel_loop3A_324 = arith.muli %iota3A_5, %parallel_loop3A_323 : vector<16xi32>
      %parallel_loop3A_325 = vector.broadcast %parallel_loop3A_57 : i32 to vector<16xi32>
      %parallel_loop3A_326 = arith.addi %parallel_loop3A_325, %parallel_loop3A_324 : vector<16xi32>
      %parallel_loop3A_327 = arith.constant 13 : i32
      %parallel_loop3A_328 = vector.broadcast %parallel_loop3A_327 : i32 to vector<16xi32>
      %parallel_loop3A_329 = arith.addi %parallel_loop3A_326, %parallel_loop3A_328 : vector<16xi32>
      %parallel_loop3A_330 = tpu.vector_load_idx %arg8[%parallel_loop3A_329] : memref<512xf32, #tpu.memory_space<vmem>>[vector<16xi32>], vector<16xf32>,
      %parallel_loop3A_331 = arith.addf %parallel_loop3A_311, %parallel_loop3A_330 : vector<16xf32>
      %parallel_loop3A_332 = arith.constant 16 : i32
      %parallel_loop3A_333 = vector.broadcast %parallel_loop3A_332 : i32 to vector<16xi32>
      %parallel_loop3A_334 = arith.muli %iota3A_5, %parallel_loop3A_333 : vector<16xi32>
      %parallel_loop3A_335 = vector.broadcast %parallel_loop3A_57 : i32 to vector<16xi32>
      %parallel_loop3A_336 = arith.addi %parallel_loop3A_335, %parallel_loop3A_334 : vector<16xi32>
      %parallel_loop3A_337 = arith.constant 13 : i32
      %parallel_loop3A_338 = vector.broadcast %parallel_loop3A_337 : i32 to vector<16xi32>
      %parallel_loop3A_339 = arith.addi %parallel_loop3A_336, %parallel_loop3A_338 : vector<16xi32>
      %parallel_loop3A_340 = tpu.vector_load_idx %arg9[%parallel_loop3A_339] : memref<512xf32, #tpu.memory_space<vmem>>[vector<16xi32>], vector<16xf32>,
      %parallel_loop3A_341 = arith.addf %parallel_loop3A_321, %parallel_loop3A_340 : vector<16xf32>
      %parallel_loop3A_342 = arith.constant 16 : i32
      %parallel_loop3A_343 = vector.broadcast %parallel_loop3A_342 : i32 to vector<16xi32>
      %parallel_loop3A_344 = arith.muli %iota3A_5, %parallel_loop3A_343 : vector<16xi32>
      %parallel_loop3A_345 = vector.broadcast %parallel_loop3A_57 : i32 to vector<16xi32>
      %parallel_loop3A_346 = arith.addi %parallel_loop3A_345, %parallel_loop3A_344 : vector<16xi32>
      %parallel_loop3A_347 = arith.constant 14 : i32
      %parallel_loop3A_348 = vector.broadcast %parallel_loop3A_347 : i32 to vector<16xi32>
      %parallel_loop3A_349 = arith.addi %parallel_loop3A_346, %parallel_loop3A_348 : vector<16xi32>
      %parallel_loop3A_350 = tpu.vector_load_idx %arg8[%parallel_loop3A_349] : memref<512xf32, #tpu.memory_space<vmem>>[vector<16xi32>], vector<16xf32>,
      %parallel_loop3A_351 = arith.addf %parallel_loop3A_331, %parallel_loop3A_350 : vector<16xf32>
      %parallel_loop3A_352 = arith.constant 16 : i32
      %parallel_loop3A_353 = vector.broadcast %parallel_loop3A_352 : i32 to vector<16xi32>
      %parallel_loop3A_354 = arith.muli %iota3A_5, %parallel_loop3A_353 : vector<16xi32>
      %parallel_loop3A_355 = vector.broadcast %parallel_loop3A_57 : i32 to vector<16xi32>
      %parallel_loop3A_356 = arith.addi %parallel_loop3A_355, %parallel_loop3A_354 : vector<16xi32>
      %parallel_loop3A_357 = arith.constant 14 : i32
      %parallel_loop3A_358 = vector.broadcast %parallel_loop3A_357 : i32 to vector<16xi32>
      %parallel_loop3A_359 = arith.addi %parallel_loop3A_356, %parallel_loop3A_358 : vector<16xi32>
      %parallel_loop3A_360 = tpu.vector_load_idx %arg9[%parallel_loop3A_359] : memref<512xf32, #tpu.memory_space<vmem>>[vector<16xi32>], vector<16xf32>,
      %parallel_loop3A_361 = arith.addf %parallel_loop3A_341, %parallel_loop3A_360 : vector<16xf32>
      %parallel_loop3A_362 = arith.constant 16 : i32
      %parallel_loop3A_363 = vector.broadcast %parallel_loop3A_362 : i32 to vector<16xi32>
      %parallel_loop3A_364 = arith.muli %iota3A_5, %parallel_loop3A_363 : vector<16xi32>
      %parallel_loop3A_365 = vector.broadcast %parallel_loop3A_57 : i32 to vector<16xi32>
      %parallel_loop3A_366 = arith.addi %parallel_loop3A_365, %parallel_loop3A_364 : vector<16xi32>
      %parallel_loop3A_367 = arith.constant 15 : i32
      %parallel_loop3A_368 = vector.broadcast %parallel_loop3A_367 : i32 to vector<16xi32>
      %parallel_loop3A_369 = arith.addi %parallel_loop3A_366, %parallel_loop3A_368 : vector<16xi32>
      %parallel_loop3A_370 = tpu.vector_load_idx %arg8[%parallel_loop3A_369] : memref<512xf32, #tpu.memory_space<vmem>>[vector<16xi32>], vector<16xf32>,
      %parallel_loop3A_371 = arith.addf %parallel_loop3A_351, %parallel_loop3A_370 : vector<16xf32>
      %parallel_loop3A_372 = arith.constant 16 : i32
      %parallel_loop3A_373 = vector.broadcast %parallel_loop3A_372 : i32 to vector<16xi32>
      %parallel_loop3A_374 = arith.muli %iota3A_5, %parallel_loop3A_373 : vector<16xi32>
      %parallel_loop3A_375 = vector.broadcast %parallel_loop3A_57 : i32 to vector<16xi32>
      %parallel_loop3A_376 = arith.addi %parallel_loop3A_375, %parallel_loop3A_374 : vector<16xi32>
      %parallel_loop3A_377 = arith.constant 15 : i32
      %parallel_loop3A_378 = vector.broadcast %parallel_loop3A_377 : i32 to vector<16xi32>
      %parallel_loop3A_379 = arith.addi %parallel_loop3A_376, %parallel_loop3A_378 : vector<16xi32>
      %parallel_loop3A_380 = tpu.vector_load_idx %arg9[%parallel_loop3A_379] : memref<512xf32, #tpu.memory_space<vmem>>[vector<16xi32>], vector<16xf32>,
      %parallel_loop3A_381 = arith.addf %parallel_loop3A_361, %parallel_loop3A_380 : vector<16xf32>
      %parallel_loop3A_382 = arith.constant 16 : i32
      %parallel_loop3A_383 = arith.muli %parallel_loop3A_53, %parallel_loop3A_382 : i32
      %parallel_loop3A_384 = arith.constant 96 : i32
      %parallel_loop3A_385 = arith.addi %parallel_loop3A_384, %parallel_loop3A_383 : i32
      %parallel_loop3A_386 = vector.broadcast %parallel_loop3A_385 : i32 to vector<16xi32>
      %parallel_loop3A_387 = arith.addi %parallel_loop3A_386, %iota3A_5 : vector<16xi32>
      %parallel_loop3A_388 = arith.constant 0 : i32
      %parallel_loop3A_389 = vector.broadcast %parallel_loop3A_388 : i32 to vector<16xi32>
      %parallel_loop3A_390 = arith.constant 5.000000e-03 : f32
      %parallel_loop3A_391 = vector.broadcast %parallel_loop3A_390 : f32 to vector<16xf32>
      %parallel_loop3A_392 = arith.mulf %parallel_loop3A_371, %parallel_loop3A_391 : vector<16xf32>
      %parallel_loop3A_393 = arith.constant 0 : index
      %parallel_loop3A_394 = tpu.vector_load %arg11[%parallel_loop3A_393] {strides = array<i32>} : memref<32xf32, #tpu.memory_space<vmem>>, vector<16xf32>,
      %parallel_loop3A_395 = arith.addf %parallel_loop3A_392, %parallel_loop3A_394 : vector<16xf32>
      tpu.vector_store_idx %arg10[%parallel_loop3A_387, %parallel_loop3A_389], %parallel_loop3A_395 : memref<128x2xf32, #tpu.memory_space<vmem>>[vector<16xi32>, vector<16xi32>], vector<16xf32>,
      %parallel_loop3A_396 = arith.constant 1 : i32
      %parallel_loop3A_397 = vector.broadcast %parallel_loop3A_396 : i32 to vector<16xi32>
      %parallel_loop3A_398 = arith.constant 5.000000e-03 : f32
      %parallel_loop3A_399 = vector.broadcast %parallel_loop3A_398 : f32 to vector<16xf32>
      %parallel_loop3A_400 = arith.mulf %parallel_loop3A_381, %parallel_loop3A_399 : vector<16xf32>
      %parallel_loop3A_401 = arith.constant 16 : index
      %parallel_loop3A_402 = tpu.vector_load %arg11[%parallel_loop3A_401] {strides = array<i32>} : memref<32xf32, #tpu.memory_space<vmem>>, vector<16xf32>,
      %parallel_loop3A_403 = arith.addf %parallel_loop3A_400, %parallel_loop3A_402 : vector<16xf32>
      tpu.vector_store_idx %arg10[%parallel_loop3A_387, %parallel_loop3A_397], %parallel_loop3A_403 : memref<128x2xf32, #tpu.memory_space<vmem>>[vector<16xi32>, vector<16xi32>], vector<16xf32>,
    } {sc.loop_unroll_factor = 2 : i64, sc.parallel_access}
    %mul3A_51 = arith.constant 128 : i32
    %mul3A_52 = arith.muli %add3A, %mul3A_51 : i32
    "tpu.region"() ({
      %run_scoped3A = tpu.sem_alloc : memref<!tpu.dma_semaphore, #tpu.memory_space<semaphore_mem>>
      %dma_start3A = arith.constant 0 : i32
      %dma_start3A_53 = tpu.memref_slice %arg5[%mul3A_52, %dma_start3A] : memref<4096x2xf32, #tpu.memory_space<hbm>> -> memref<128x2xf32, #tpu.memory_space<hbm>>
      %dma_start3A_54 = arith.constant 0 : i32
      %dma_start3A_55 = tpu.memref_slice %arg5[%mul3A_52, %dma_start3A_54] : memref<4096x2xf32, #tpu.memory_space<hbm>> -> memref<128x2xf32, #tpu.memory_space<hbm>>
      tpu.enqueue_dma source(%arg10 : memref<128x2xf32, #tpu.memory_space<vmem>>) target(%dma_start3A_55 : memref<128x2xf32, #tpu.memory_space<hbm>>) target_semaphore(%run_scoped3A : memref<!tpu.dma_semaphore, #tpu.memory_space<semaphore_mem>>)
      %dma_wait3A = arith.constant 0 : i32
      %dma_wait3A_56 = tpu.memref_slice %arg5[%mul3A_52, %dma_wait3A] : memref<4096x2xf32, #tpu.memory_space<hbm>> -> memref<128x2xf32, #tpu.memory_space<hbm>>
      %dma_wait3A_57 = arith.constant 0 : i32
      %dma_wait3A_58 = tpu.memref_slice %arg5[%mul3A_52, %dma_wait3A_57] : memref<4096x2xf32, #tpu.memory_space<hbm>> -> memref<128x2xf32, #tpu.memory_space<hbm>>
      tpu.wait_dma2 semaphore(%run_scoped3A : memref<!tpu.dma_semaphore, #tpu.memory_space<semaphore_mem>>) src(%arg10 : memref<128x2xf32, #tpu.memory_space<vmem>>) dst(%dma_wait3A_58 : memref<128x2xf32, #tpu.memory_space<hbm>>)
      tpu.yield
    }) : () -> ()
    return
  }
}

module attributes {stable_mosaic.version = 14 : i64} {
  func.func @_wc_body(%arg0: memref<65x128xf32, #tpu.memory_space<vmem>>, %arg1: memref<2x65xf32, #tpu.memory_space<vmem>>, %arg2: memref<2x128xf32, #tpu.memory_space<vmem>>) attributes {dimension_semantics = [], scalar_prefetch = 0 : i64, scratch_operands = 0 : i64, tpu.core_type = #tpu.core_type<tc>} {
    %get3A = arith.constant 0 : index
    %get3A_0 = arith.constant 0 : index
    %get3A_1 = vector.load %arg1[%get3A, %get3A_0] : memref<2x65xf32, #tpu.memory_space<vmem>>, vector<2x65xf32>
    %get3A_2 = arith.constant 0 : index
    %get3A_3 = arith.constant 0 : index
    %get3A_4 = vector.load %arg0[%get3A_2, %get3A_3] : memref<65x128xf32, #tpu.memory_space<vmem>>, vector<65x128xf32>
    %dot_general3A = arith.constant dense<0.000000e+00> : vector<2x128xf32>
    %dot_general3A_5 = tpu.matmul %get3A_1, %get3A_4, %dot_general3A {dimension_numbers = #tpu.dot_dimension_numbers<[1], [0], [0], [1], [0, 0, 1, 1], [], []>, transpose_lhs_hint = false} : vector<2x65xf32>, vector<65x128xf32>, vector<2x128xf32> -> vector<2x128xf32>
    %swap3A = arith.constant 0 : index
    %swap3A_6 = arith.constant 0 : index
    %swap3A_7 = vector.load %arg2[%swap3A, %swap3A_6] : memref<2x128xf32, #tpu.memory_space<vmem>>, vector<2x128xf32>
    tpu.vector_store %arg2[%swap3A, %swap3A_6], %dot_general3A_5 {strides = array<i32>} : memref<2x128xf32, #tpu.memory_space<vmem>>, vector<2x128xf32>,
    return
  }
}

</mosaic_0001>

<sc_bundles>
// kernel: kernel.5.cloned.1.call-start
scs
__scs_entry_jumppad:
0x0: {  	(pc) =	sbr.rel $0x88, $3  }
0x1: {  	(tag) =	ssettag $0x0;
	lr =	simm.s32 $0x1  }
0x2: {  	[smem:$0x3F9B] =	sst lr;
	_ =	strace $0xD0000000  }
0x3: {  	_ = 	snop  }
0x4: {  	_ = 	snop  }
0x5: {  	_ = 	snop  }
0x6: {  	_ = 	snop  }
0x7: {  	_ = 	snop  }
__scs_overlays_trampoline_lowered:
0x8: {  	[smem:$0x3FAA] =	sst s0  }
0x9: {  	[smem:$0x3FAB] =	sst s1  }
0xa: {  	[smem:$0x3FAC] =	sst s2  }
0xb: {  	[smem:$0x3FAD] =	sst s3  }
0xc: {  	[smem:$0x3FAE] =	sst s4  }
0xd: {  	[smem:$0x3FAF] =	sst s5  }
0xe: {  	[smem:$0x3FB0] =	sst s6  }
0xf: {  	[smem:$0x3FB1] =	sst s7  }
0x10: {  	[smem:$0x3FB2] =	sst s8  }
0x11: {  	[smem:$0x3FB3] =	sst s9;
	s0 =	simm.s32 @!p0 $0x0  }
0x12: {  	s1 =	sld [smem:$0x3F99];
	s0 =	simm.s32 @p0 $0x1  }
0x13: {  	[smem:$0x3FB4] =	sst s0;
	s0 =	simm.s32 @!p1 $0x0  }
0x14: {  	s2 =	sld [smem:$0x3F98];
	s0 =	simm.s32 @p1 $0x1  }
0x15: {  	[smem:$0x3FB5] =	sst s0;
	s0 =	simm.s32 @!p2 $0x0  }
0x16: {  	s3 =	sld [smem:$0x3FDB];
	s0 =	simm.s32 @p2 $0x1  }
0x17: {  	s4 =	simm.s32 $0x1BF5;
	[smem:$0x3FB7] =	sst s0  }
0x18: {  	s0 =	sld [smem:$0x3F9A];
	_ =	swait.ge [sflag:s4], $0x0  }
0x19: {  	s7 =	sld [smem:$0x3F9B]  }
0x1a: {  	s8 =	sadd.s32 $0xFFFFE003, lr  }
0x1b: {  	s9 =	sadd.s32 $0xFFFFFEF7, lr;
	s5 =	simm.s32 $0xFFFFFFFF;
	p2 =	slt.u32 s8, $0xFFFFF086  }
0x1c: {  	p1 =	slt.u32 s9, $0xF7A;
	s5 =	simm.s32 @!p2 $0x0  }
0x1d: {  	s5 =	simm.s32 @p1 $0x1;
	p0 =	seq.s32 s7, s2  }
0x1e: {  	s7 =	smul.u32 @!p0 $0xF7A, s2;
	p2 =	seq.s32 @!p0 s5, $0x0  }
0x1f: {  	s9 =	smul.u32 $0xF7A, s1;
	s8 =	simm.s32 @!p0 $0x1BF5;
	p2 =	por !p2, p0  }
0x20: {  	[sflag:s8] =	ssyncset.s32 @!p0 $0xFFFFF086;
	s6 =	sadd.s32 @!p0 s3, s7;
	s7 =	simm.s32 @!p0 $0x108  }
0x21: {  	s3 =	sadd.s32 s3, s9;
	s6 =	sadd.s32 @!p0 $0x88, s6;
	s7 =	simm.s32 @p2 $0x1082  }
0x22: {  	[simem:s7], [sflag:s8] =	dma.local @!p0 [hbm:s6], $0xF7A  }
0x23: {  	s9 =	sor.u32 $0xD0000000, s2;
	s6 =	simm.s32 $0x108;
	_ =	swait.ge @!p0 [sflag:s8], $0x0  }
0x24: {  	s3 =	sadd.s32 $0x88, s3;
	s6 =	simm.s32 @!p1 $0x1082;
	[sflag:s4] =	ssyncset.s32 $0xFFFFF086  }
0x25: {  	[simem:s6], [sflag:s4] =	dma.local [hbm:s3], $0xF7A  }
0x26: {  	[smem:$0x3F9B] =	sst s1;
	(tag) =	ssettag s2;
	_ =	strace s9  }
0x27: {  	s1 =	sld [smem:$0x3FAB]  }
0x28: {  	s2 =	sld [smem:$0x3FAC]  }
0x29: {  	s4 =	sld [smem:$0x3FAE]  }
0x2a: {  	p0 =	seq.s32 s5, $0x0;
	s5 =	sld [smem:$0x3FAF]  }
0x2b: {  	s6 =	sld [smem:$0x3FB0]  }
0x2c: {  	s7 =	sld [smem:$0x3FB1]  }
0x2d: {  	s3 =	simm.s32 $0x108;
	s8 =	sld [smem:$0x3FB2]  }
0x2e: {  	s3 =	simm.s32 @!p0 $0x1082;
	s9 =	sld [smem:$0x3FB3]  }
0x2f: {  	lr =	sadd.s32 s0, s3;
	s0 =	sld [smem:$0x3FAA]  }
0x30: {  	s3 =	sld [smem:$0x3FAD]  }
0x31: {  	[smem:$0x3FB6] =	sst s10  }
0x32: {  	s10 =	sld [smem:$0x3FB4];
	_ =	sdelay $0x3  }
0x33: {  	p0 =	seq.s32 s10, $0x1;
	s10 =	sld [smem:$0x3FB6];
	_ =	sdelay $0x3  }
0x34: {  	[smem:$0x3FB6] =	sst s10  }
0x35: {  	s10 =	sld [smem:$0x3FB5];
	_ =	sdelay $0x3  }
0x36: {  	p1 =	seq.s32 s10, $0x1;
	s10 =	sld [smem:$0x3FB6];
	_ =	sdelay $0x3  }
0x37: {  	[smem:$0x3FB6] =	sst s10  }
0x38: {  	s10 =	sld [smem:$0x3FB7]  }
0x39: {  	_ = 	snop;
	(pc) =	sbr.ind lr, $3  }
0x3a: {  	_ = 	snop  }
0x3b: {  	_ = 	snop  }
0x3c: {  	p2 =	seq.s32 s10, $0x1;
	s10 =	sld [smem:$0x3FB6]  }
0x3d: {  	_ =	shalt  }
0x3e: {  	_ =	shalt  }
0x3f: {  	_ =	shalt  }
0x40: {  	_ =	shalt  }
0x41: {  	_ =	shalt  }
0x42: {  	_ =	shalt  }
0x43: {  	_ =	shalt  }
0x44: {  	_ =	shalt  }
0x45: {  	_ =	shalt  }
0x46: {  	_ =	shalt  }
0x47: {  	_ =	shalt  }
0x48: {  	_ =	shalt  }
0x49: {  	_ =	shalt  }
0x4a: {  	_ =	shalt  }
0x4b: {  	_ =	shalt  }
0x4c: {  	_ =	shalt  }
0x4d: {  	_ =	shalt  }
0x4e: {  	_ =	shalt  }
0x4f: {  	_ =	shalt  }
0x50: {  	_ =	shalt  }
0x51: {  	_ =	shalt  }
0x52: {  	_ =	shalt  }
0x53: {  	_ =	shalt  }
0x54: {  	_ =	shalt  }
0x55: {  	_ =	shalt  }
0x56: {  	_ =	shalt  }
0x57: {  	_ =	shalt  }
0x58: {  	_ =	shalt  }
0x59: {  	_ =	shalt  }
0x5a: {  	_ =	shalt  }
0x5b: {  	_ =	shalt  }
0x5c: {  	_ =	shalt  }
0x5d: {  	_ =	shalt  }
0x5e: {  	_ =	shalt  }
0x5f: {  	_ =	shalt  }
0x60: {  	_ =	shalt  }
0x61: {  	_ =	shalt  }
0x62: {  	_ =	shalt  }
0x63: {  	_ =	shalt  }
0x64: {  	_ =	shalt  }
0x65: {  	_ =	shalt  }
0x66: {  	_ =	shalt  }
0x67: {  	_ =	shalt  }
0x68: {  	_ =	shalt  }
0x69: {  	_ =	shalt  }
0x6a: {  	_ =	shalt  }
0x6b: {  	_ =	shalt  }
0x6c: {  	_ =	shalt  }
0x6d: {  	_ =	shalt  }
0x6e: {  	_ =	shalt  }
0x6f: {  	_ =	shalt  }
0x70: {  	_ =	shalt  }
0x71: {  	_ =	shalt  }
0x72: {  	_ =	shalt  }
0x73: {  	_ =	shalt  }
0x74: {  	_ =	shalt  }
0x75: {  	_ =	shalt  }
0x76: {  	_ =	shalt  }
0x77: {  	_ =	shalt  }
0x78: {  	_ =	shalt  }
0x79: {  	_ =	shalt  }
0x7a: {  	_ =	shalt  }
0x7b: {  	_ =	shalt  }
0x7c: {  	_ =	shalt  }
0x7d: {  	_ =	shalt  }
0x7e: {  	_ =	shalt  }
0x7f: {  	_ =	shalt  }
0x80: {  	_ =	shalt  }
0x81: {  	_ =	shalt  }
0x82: {  	_ =	shalt  }
0x83: {  	_ =	shalt  }
0x84: {  	_ =	shalt  }
0x85: {  	_ =	shalt  }
0x86: {  	_ =	shalt  }
0x87: {  	_ =	shalt  }
.Lfunc_end0:
.L_simem_size_0:
called_computation_lowered:
.L_overlay_start_0:
0x88: {  	s2 =	sld [smem:$0x3FD9]  }
0x89: {  	s3 =	sld [smem:$0x3FFE];
	_ =	sdelay $0x1  }
0x8a: {  	s1 =	srdreg.scid  }
0x8b: {  	s0 =	sand.u32 $0x1, s1  }
0x8c: {  	s17 =	sshll.u32 s0, $0xA;
	s2 =	sadd.s32 s3, s2  }
0x8d: {  	s2 =	sadd.s32 s2, s17  }
0x8e: {  	[smem:$0x3FC2] =	sst s2  }
0x8f: {  	_ = 	snop  }
0x90: {  	s2 =	sld [smem:$0x3FC8]  }
0x91: {  	s18 =	sld [smem:$0x3FD0];
	(tm) =	ssettm $0x1  }
0x92: {  	s4 =	sld [smem:$0x3FFB];
	_ =	sdelay $0x3  }
0x93: {  	_ =	strace s4  }
0x94: {  	s4 =	sld [smem:$0x3FFC];
	_ =	sdelay $0x3  }
0x95: {  	_ =	strace s4  }
0x96: {  	s4 =	sld [smem:$0x3FFD];
	_ =	sdelay $0x3  }
0x97: {  	_ =	strace s4  }
0x98: {  	_ =	strace $0x8FFFFFFF  }
0x99: {  	s19 =	sld [smem:$0x3FDB];
	_ =	sdelay $0x1  }
0x9a: {  	s5 =	simm.s32 $_scs_section_size  }
0x9b: {  	s6 =	simm.s32 $_size__tile_overlayer_lowered;
	s7 =	simm.s32 $_tile_overlayer_lowered  }
0x9c: {  	s22 =	simm.s32 $0x1BFF;
	s21 =	sshll.u32 s7, $0x1;
	s4 =	sadd.s32 s5, s19  }
0x9d: {  	s8 =	simm.s32 $0x0;
	s20 =	sshll.u32 s6, $0x1;
	s6 =	sadd.s32 s21, s4  }
0x9e: {  	[timem:s8], [sflag:s22] =	dma.local [hbm:s6], s20  }
0x9f: {  	_ =	swait.ge [sflag:s22], s20  }
0xa0: {  	s5 =	ssub.s32 $0x0, s20;
	[sflag:s22] =	ssyncset.done $0x0  }
0xa1: {  	[sflag:s22] =	ssyncadd.s32 s5;
	_ =	sdelay $0x1  }
0xa2: {  	s23 =	simm.s32 $0x1B8B  }
0xa3: {  	_ =	swait.ge [sflag:s23], $0x1  }
0xa4: {  	[sflag:s23] =	ssyncset.done $0x0  }
0xa5: {  	s25 =	simm.s32 $0x1B8E;
	s24 =	sld [smem:$0x3FFE];
	[sflag:s23] =	ssyncadd.s32 $0xFFFFFFFF  }
0xa6: {  	s26 =	simm.s32 $execute0_lowered;
	[smem:$0x3FD2] =	sst s25  }
0xa7: {  	s6 =	sshll.u32 s26, $0x1;
	_ =	strace $0x80000046;
	[dreg:$0x1] =	wrdreg $0xFFFFFFFF  }
0xa8: {  	s28 =	simm.s32 $_size_execute0_lowered;
	s4 =	sadd.s32 s4, s6;
	[dreg:$0x0] =	wrdreg $0x0  }
0xa9: {  	s6 =	sshll.u32 s28, $0x1;
	[dreg:$0x2] =	wrdreg s4  }
0xaa: {  	[dreg:$0x3] =	wrdreg s6  }
0xab: {  	[dreg:$0x4] =	wrdreg $0xC0  }
0xac: {  	_ =	task [dreg:s8], $0x5FFFF  }
0xad: {  	[dreg:$0x1] =	wrdreg $0xFFFFFFFF  }
0xae: {  	[dreg:$0x0] =	wrdreg $0x60  }
0xaf: {  	[dreg:$0x2] =	wrdreg s2  }
0xb0: {  	[dreg:$0x3] =	wrdreg s18  }
0xb1: {  	[dreg:$0x4] =	wrdreg s24  }
0xb2: {  	[dreg:$0x5] =	wrdreg $0x9  }
0xb3: {  	_ =	task.clear_ibuf [dreg:s8], $0x6FFFF;
	_ =	strace $0x90000046  }
0xb4: {  	s29 =	simm.s32 $0x9;
	_ =	strace $0x80000048  }
0xb5: {  	_ =	swait.ge [sflag:s29], $0x1  }
0xb6: {  	[sflag:s29] =	ssyncadd.s32 $0xFFFFFFFF  }
0xb7: {  	_ =	strace $0x90000048  }
0xb8: {  	_ =	sfence  }
0xb9: {  	s30 =	sld [smem:$0x0];
	_ =	sdelay $0x2  }
0xba: {  	s31 =	sshll.u32 s1, $0xD;
	s1 =	sshrl.u32 s1, $0x2  }
0xbb: {  	s3 =	sand.u32 $0x4000, s31;
	s1 =	sadd.s32 s1, s30  }
0xbc: {  	s0 =	sor.u32 s3, s0;
	s1 =	sshll.u32 s1, $0x11  }
0xbd: {  	s0 =	sor.u32 s1, s0  }
0xbe: {  	s0 =	sadd.s32 $0x8F2B, s0  }
0xbf: {  	[sflag:s0] =	ssyncadd.remote.s32 $0x1  }
0xc0: {  	_ =	sfence.sel $0xFFFF  }
0xc1: {  	[dreg:$0x0] =	wrdreg $0xFFFFFFFF;
	(pc) =	sbr.abs _section_cstart, $3  }
0xc2: {  	[dreg:$0x1] =	wrdreg $0xFFFFFFFF  }
0xc3: {  	_ =	task.clear_ibuf [dreg:s8], $0x2FFFF;
	_ =	strace $0x9FFFFFFF  }
0xc4: {  	(tm) =	ssettm $0x7FFFFFFF  }
0xc5: {  	_ =	shalt  }
tec
execute0_lowered:
.L_overlay_start_1:
0x0: {  	(tag) =	ssettag $0x1  }
0x1: {  	s1 =	rddreg [dreg:$0x0]  }
0x2: {  	s2 =	rddreg [dreg:$0x1]  }
0x3: {  	s6 =	rddreg [dreg:$0x2]  }
0x4: {  	s0 =	rddreg [dreg:$0x3]  }
0x5: {  	s4 =	simm.s32 $0x0;
	s5 =	srdreg.scid;
	s3 =	stileid.u32  }
0x6: {  	s11 =	simm.s32 $0x8080;
	s12 =	simm.s32 $0x3;
	s13 =	simm.s32 $0x4000  }
0x7: {  	s14 =	simm.s32 $0x1;
	s15 =	simm.s32 $0x8000;
	s16 =	simm.s32 $0x2  }
0x8: {  	s17 =	simm.s32 $0x0;
	[smem:$0x7FF] =	sst s4;
	s5 =	sand.u32 $0x1, s5  }
0x9: {  	s7 =	sshll.u32 s3, $0x1;
	s6 =	sadd.s32 $0x1400, s6;
	s8 =	ssub.s32 $0x2, s5  }
0xa: {  	_ =	strace $0x80000047;
	s5 =	sor.u32 s5, s7;
	s31 =	sshrl.u32 s8, $0x1  }
0xb: {  	s9 =	sshll.u32 s5, $0xB;
	s7 =	sshll.u32 s5, $0x7;
	s10 =	ssub.s32 s8, s31  }
0xc: {  	vm0 =	vcmask $0x3F3C;
	s8 =	sadd.s32 s1, s9;
	s9 =	sor.u32 $0x40, s5;
	s10 =	smax.u32 s10, $0x1  }
.LBB2_1:
0xd: {  	[tilespmem:s11], [sflag:$0x3] =	stream.linear.gather [hbm4b:s2+s4], $0x100, $0x38;
	[tilespmem:$0x8180] =	vst v63  }
0xe: {  	_ =	swait.ge [sflag:s12], $0x100  }
0xf: {  	[sflag:s12] =	ssyncset.done $0x0  }
0x10: {  	[sflag:s12] =	ssyncadd.s32 $0xFFFFFF00  }
0x11: {  	v0 =	vld [tilespmem:$0x8080]  }
0x12: {  	v1 =	vld [tilespmem:$0x8090]  }
0x13: {  	v2 =	vld [tilespmem:$0x80A0]  }
0x14: {  	v3 =	vld [tilespmem:$0x80B0]  }
0x15: {  	v4 =	vld [tilespmem:$0x80C0]  }
0x16: {  	v5 =	vld [tilespmem:$0x80D0]  }
0x17: {  	v6 =	vld [tilespmem:$0x80E0]  }
0x18: {  	v7 =	vld [tilespmem:$0x80F0]  }
0x19: {  	v8 =	vld [tilespmem:$0x8100]  }
0x1a: {  	v9 =	vld [tilespmem:$0x8110]  }
0x1b: {  	v10 =	vld [tilespmem:$0x8120]  }
0x1c: {  	v11 =	vld [tilespmem:$0x8130]  }
0x1d: {  	v12 =	vld [tilespmem:$0x8140]  }
0x1e: {  	v13 =	vld [tilespmem:$0x8150]  }
0x1f: {  	s18 =	simm.s32 $0x0;
	v14 =	vld [tilespmem:$0x8160]  }
0x20: {  	v15 =	vld [tilespmem:$0x8170];
	[tilespmem:s4], [sflag:$0x1] =	stream.linear.gather [hbm4b:s8+s4], $0x4000, $0x38  }
.LBB2_2:
0x21: {  	s20 =	sshll.u32 s18, $0x6  }
0x22: {  	s19 =	sor.u32 s5, s20  }
0x23: {  	s19 =	sshll.u32 s19, $0x7  }
0x24: {  	s19 =	sor.u32 $0x1000, s19  }
0x25: {  	p0 =	slt.s32 s19, $0x18620  }
0x26: {  	s19 =	simm.s32 @!p0 $0x18620  }
0x27: {  	s21 =	sshll.u32 s19, $0x4  }
0x28: {  	s22 =	simm.s32 $0x0;
	s21 =	sadd.s32 s1, s21  }
0x29: {  	[tilespmem:s13], [sflag:$0x2] =	stream.linear.gather [hbm4b:s21+s22], $0x4000, $0x38;
	[tilespmem:$0x8180] =	vst v63  }
0x2a: {  	_ =	swait.ge [sflag:s14], $0x4000  }
0x2b: {  	[sflag:s14] =	ssyncset.done $0x0  }
0x2c: {  	s29 =	simm.s32 $0x100;
	[sflag:s14] =	ssyncadd.s32 $0xFFFFC000  }
0x2d: {  	v17 =	vld [tilespmem:s29+$0x80]  }
0x2e: {  	v18 =	vld [tilespmem:s29+$0xFFFFFF80]  }
0x2f: {  	v19 =	vld [tilespmem:s29+$0x90]  }
0x30: {  	v20 =	vld [tilespmem:s29+$0x0]  }
0x31: {  	v22 =	vld [tilespmem:s29+$0xFFFFFF00]  }
0x32: {  	v21 =	vld [tilespmem:s29+$0xA0]  }
0x33: {  	v32 =	vld [tilespmem:s29+$0xFFFFFF90];
	v23 =	vmul.f32 v17, v0;
	v24 =	vmul.f32 v18, v0  }
0x34: {  	v25 =	vld [tilespmem:s29+$0xB0];
	v18 =	vmul.f32 v18, v8;
	v26 =	vmul.f32 v19, v1  }
0x35: {  	v34 =	vld [tilespmem:s29+$0xFFFFFF20];
	v27 =	vmul.f32 v20, v0;
	v17 =	vmul.f32 v17, v8  }
0x36: {  	v36 =	vld [tilespmem:s29+$0x20];
	v20 =	vmul.f32 v20, v8;
	v29 =	vmul.f32 v22, v0;
	v23 =	vadd.f32 $0.0e+00, v23  }
0x37: {  	v28 =	vld [tilespmem:s29+$0xC0];
	v19 =	vmul.f32 v19, v9;
	v22 =	vmul.f32 v22, v8;
	v17 =	vadd.f32 $0.0e+00, v17  }
0x38: {  	v50 =	vmul.f32 v32, v1;
	v23 =	vadd.f32 v26, v23;
	v26 =	vmul.f32 v21, v2  }
0x39: {  	v30 =	vld [tilespmem:s29+$0xD0];
	v32 =	vmul.f32 v32, v9;
	v17 =	vadd.f32 v19, v17;
	v19 =	vmul.f32 v21, v10  }
0x3a: {  	v51 =	vmul.f32 v34, v10;
	v23 =	vadd.f32 v26, v23;
	v26 =	vmul.f32 v25, v3  }
0x3b: {  	v52 =	vmul.f32 v36, v2;
	v21 =	vld [tilespmem:s29+$0xE0];
	v17 =	vadd.f32 v19, v17;
	v19 =	vmul.f32 v25, v11  }
0x3c: {  	v31 =	vld [tilespmem:s29+$0xFFFFFF10];
	v24 =	vadd.f32 $0.0e+00, v24;
	v23 =	vadd.f32 v26, v23;
	v26 =	vmul.f32 v28, v4  }
0x3d: {  	v29 =	vadd.f32 $0.0e+00, v29;
	v25 =	vld [tilespmem:s29+$0xF0];
	v17 =	vadd.f32 v19, v17;
	v19 =	vmul.f32 v28, v12  }
0x3e: {  	v22 =	vadd.f32 $0.0e+00, v22;
	v23 =	vadd.f32 v26, v23;
	v26 =	vmul.f32 v30, v5  }
0x3f: {  	v18 =	vadd.f32 $0.0e+00, v18;
	v17 =	vadd.f32 v19, v17;
	v19 =	vmul.f32 v30, v13  }
0x40: {  	v33 =	vld [tilespmem:s29+$0x10];
	v27 =	vadd.f32 $0.0e+00, v27;
	v23 =	vadd.f32 v26, v23;
	v26 =	vmul.f32 v21, v6  }
0x41: {  	v20 =	vadd.f32 $0.0e+00, v20;
	v17 =	vadd.f32 v19, v17;
	v19 =	vmul.f32 v21, v14  }
0x42: {  	v35 =	vld [tilespmem:s29+$0xFFFFFFA0];
	v28 =	vmul.f32 v31, v1;
	v23 =	vadd.f32 v26, v23;
	v26 =	vmul.f32 v25, v7  }
0x43: {  	v24 =	vadd.f32 v50, v24;
	v31 =	vmul.f32 v31, v9;
	v17 =	vadd.f32 v19, v17  }
0x44: {  	v19 =	vmul.f32 v25, v15;
	v23 =	vadd.f32 v26, v23;
	v26 =	vadd.f32 v28, v29;
	v28 =	vld [tilespmem:s29+$0xFFFFFF30]  }
0x45: {  	v18 =	vadd.f32 v32, v18;
	v21 =	vmul.f32 v33, v1;
	v33 =	vmul.f32 v33, v9  }
0x46: {  	v22 =	vadd.f32 v31, v22;
	v25 =	vmul.f32 v34, v2;
	v29 =	vld [tilespmem:s29+$0xFFFFFFB0];
	v17 =	vadd.f32 v19, v17  }
0x47: {  	v20 =	vadd.f32 v33, v20;
	v19 =	vadd.f32 v21, v27;
	v21 =	vld [tilespmem:s29+$0x30];
	(xrf2) =	vadd.scan.msk.f32 $0xffff, v23;
	v23 =	vmul.f32 v35, v2  }
0x48: {  	v27 =	vmul.f32 v35, v10;
	v25 =	vadd.f32 v25, v26;
	v26 =	vld [tilespmem:s29+$0xFFFFFF40];
	(xrf2) =	vadd.scan.msk.f32 $0xffff, v17;
	v17 =	vadd.f32 v51, v22  }
0x49: {  	v53 =	vld [tilespmem:s29+$0xFFFFFFC0];
	v22 =	vadd.f32 v23, v24;
	v23 =	vmul.f32 v36, v10;
	v24 =	vmul.f32 v28, v3  }
0x4a: {  	v18 =	vadd.f32 v27, v18;
	v19 =	vadd.f32 v52, v19;
	v27 =	vmul.f32 v28, v11  }
0x4b: {  	v28 =	vld [tilespmem:s29+$0x40];
	v54 =	vmul.f32 v29, v3;
	v20 =	vadd.f32 v23, v20;
	v23 =	vadd.f32 v24, v25  }
0x4c: {  	v24 =	vld [tilespmem:s29+$0xFFFFFF50];
	v25 =	vmul.f32 v29, v11;
	v29 =	vmul.f32 v21, v3;
	v17 =	vadd.f32 v27, v17  }
0x4d: {  	v22 =	vadd.f32 v54, v22;
	v21 =	vmul.f32 v21, v11;
	v27 =	vmul.f32 v26, v4  }
0x4e: {  	v55 =	vld [tilespmem:s29+$0xFFFFFF60];
	v18 =	vadd.f32 v25, v18;
	v25 =	vmul.f32 v26, v12;
	v26 =	vmul.f32 v53, v4  }
0x4f: {  	v20 =	vadd.f32 v21, v20;
	v21 =	vadd.f32 v27, v23;
	v27 =	vmul.f32 v53, v12  }
0x50: {  	v19 =	vadd.f32 v29, v19;
	v23 =	vld [tilespmem:s29+$0xFFFFFF70];
	v29 =	vmul.f32 v28, v4  }
0x51: {  	v22 =	vadd.f32 v26, v22;
	v26 =	vmul.f32 v28, v12;
	v28 =	vmul.f32 v24, v5  }
0x52: {  	v56 =	vld [tilespmem:s29+$0xFFFFFFD0];
	v17 =	vadd.f32 v25, v17;
	v18 =	vadd.f32 v27, v18;
	v25, _, _ =	vpop (xrf2)  }
0x53: {  	v19 =	vadd.f32 v29, v19;
	v27, _, _ =	vpop (xrf2);
	v21 =	vadd.f32 v28, v21;
	v28 =	vmul.f32 v55, v6  }
0x54: {  	v20 =	vadd.f32 v26, v20;
	v29 =	vshrl.u32 v25, $0x10;
	v57 =	vshrl.u32 v27, $0x10  }
0x55: {  	v58 =	vld [tilespmem:s29+$0x50];
	v26 =	vand.u32 $0x1, v29;
	v21 =	vadd.f32 v28, v21;
	v28 =	vmul.f32 v23, v7  }
0x56: {  	v60 =	vld [tilespmem:s29+$0xFFFFFFE0];
	v24 =	vmul.f32 v24, v13;
	v29 =	vand.u32 $0x1, v57;
	v25 =	vadd.s32 v26, v25  }
0x57: {  	v26 =	vadd.s32 v29, v27;
	v29 =	vmul.f32 v56, v5;
	v21 =	vadd.f32 v28, v21;
	_ =	sdelay $0x1  }
0x58: {  	v17 =	vadd.f32 v24, v17;
	v22 =	vadd.f32 v29, v22;
	v29 =	vmul.f32 v55, v14;
	(xrf2) =	vadd.scan.msk.f32 $0xffff, v21;
	v21 =	vld [tilespmem:s29+$0xFFFFFFF0]  }
0x59: {  	v24 =	vmul.f32 v58, v13;
	v28 =	vmul.f32 v56, v13  }
0x5a: {  	v62 =	vmul.f32 v60, v6;
	v23 =	vmul.f32 v23, v15;
	v17 =	vadd.f32 v29, v17  }
0x5b: {  	v20 =	vadd.f32 v24, v20;
	v24 =	vmul.f32 v60, v14;
	v27 =	vld [tilespmem:s29+$0x60];
	v18 =	vadd.f32 v28, v18  }
0x5c: {  	v17 =	vadd.f32 v23, v17  }
0x5d: {  	v28 =	vld [tilespmem:s29+$0x70];
	v22 =	vadd.f32 v62, v22;
	v18 =	vadd.f32 v24, v18;
	v24 =	vmul.f32 v21, v7  }
0x5e: {  	s30 =	simm.s32 $0x3;
	v16 =	vmov s22;
	v61 =	vmul.f32 v58, v5;
	(xrf2) =	vadd.scan.msk.f32 $0xffff, v17  }
0x5f: {  	v59 =	vmov s30;
	v16 =	vand.u32 $0xFFFFFFFC, v16;
	v22 =	vadd.f32 v24, v22  }
0x60: {  	v19 =	vadd.f32 v61, v19;
	v63 =	vmul.f32 v27, v6;
	v21 =	vmul.f32 v21, v15  }
0x61: {  	v16 =	vbroadcast v16, $0x0;
	v25 =	vadd.s32 $0x7FFF, v25;
	v27 =	vmul.f32 v27, v14;
	(xrf2) =	vadd.scan.msk.f32 $0xffff, v22  }
0x62: {  	v19 =	vadd.f32 v63, v19;
	v23 =	vmul.f32 v28, v7;
	v18 =	vadd.f32 v21, v18  }
0x63: {  	s22 =	simm.s32 $0x300;
	v26 =	vadd.s32 $0x7FFF, v26;
	v20 =	vadd.f32 v27, v20;
	v27 =	vmul.f32 v28, v15  }
0x64: {  	s21 =	simm.s32 $0x4;
	v25 =	vshrl.u32 v25, $0x10;
	v26 =	vand.u32 $0xFFFF0000, v26;
	v28 =	vadd.f32 v23, v19;
	v23 =	vld [tilespmem:s22+$0x80];
	(xrf2) =	vadd.scan.msk.f32 $0xffff, v18  }
0x65: {  	s23 =	simm.s32 $0x1;
	s31 =	simm.s32 $0x2;
	v25 =	vor.u32 v26, v25;
	v17 =	vmov s21;
	v26 =	vadd.f32 v27, v20;
	v22 =	vld [tilespmem:s22+$0xFFFFFF80];
	v21, _, _ =	vpop (xrf2)  }
0x66: {  	[tilespmem:v59+s15+$0x0] =	vst.idx.msk vm0, v25;
	v19 =	vmov s23;
	v24 =	vld [tilespmem:s22+$0x90];
	v20 =	vmov s31;
	v18 =	vshrl.u32 v21, $0x10  }
0x67: {  	v25 =	vld [tilespmem:s22+$0x0];
	s23 =	simm.s32 $0x8;
	v19 =	vand.u32 $0xFFFFFFFD, v19;
	v27 =	vand.u32 $0xFFFFFFFE, v20;
	(xrf2) =	vadd.scan.msk.f32 $0xffff, v28;
	v18 =	vand.u32 $0x1, v18  }
.LBB2_3:
0x68: {  	p0 =	slt.u32 s23, $0x7C;
	v28 =	vld [tilespmem:s22+$0xA0];
	v20 =	vadd.s32 v18, v21;
	v19 =	vbroadcast v19, $0x0;
	v18 =	vbroadcast v27, $0x0;
	v21, _, _ =	vpop (xrf2)  }
0x69: {  	v27 =	vld [tilespmem:s22+$0xFFFFFF00];
	v29 =	vmul.f32 v23, v0;
	v20 =	vadd.s32 $0x7FFF, v20;
	v30 =	vshrl.u32 v21, $0x10  }
0x6a: {  	v31 =	vmul.f32 v22, v0;
	v32 =	vmul.f32 v22, v8;
	v33 =	vld [tilespmem:s22+$0xB0];
	v34 =	vand.u32 $0x1, v30;
	(xrf2) =	vadd.scan.msk.f32 $0xffff, v26  }
0x6b: {  	v26 =	vld [tilespmem:s22+$0xFFFFFF10];
	v29 =	vadd.f32 $0.0e+00, v29;
	v30 =	vmul.f32 v24, v1;
	v21 =	vadd.s32 v34, v21;
	v22, _, _ =	vpop (xrf2)  }
0x6c: {  	v40 =	vmul.f32 v23, v8;
	v31 =	vadd.f32 $0.0e+00, v31;
	v34 =	vmul.f32 v25, v0;
	v35 =	vld [tilespmem:s22+$0xC0]  }
0x6d: {  	v25 =	vmul.f32 v25, v8;
	v36 =	vld [tilespmem:s22+$0xFFFFFF90];
	v29 =	vadd.f32 v30, v29;
	v30 =	vmul.f32 v28, v2  }
0x6e: {  	v38 =	vadd.f32 $0.0e+00, v40;
	v43 =	vmul.f32 v24, v9;
	v37 =	vmul.f32 v27, v0;
	v39 =	vld [tilespmem:s22+$0xD0];
	v23, _, _ =	vpop (xrf2)  }
0x6f: {  	v27 =	vmul.f32 v27, v8;
	v40 =	vld [tilespmem:s22+$0x10];
	v29 =	vadd.f32 v30, v29;
	v30 =	vmul.f32 v33, v3  }
0x70: {  	v38 =	vadd.f32 v43, v38;
	v28 =	vmul.f32 v28, v10;
	v37 =	vadd.f32 $0.0e+00, v37;
	v41 =	vld [tilespmem:s22+$0xE0]  }
0x71: {  	v27 =	vadd.f32 $0.0e+00, v27;
	v42 =	vld [tilespmem:s22+$0xFFFFFF20];
	v29 =	vadd.f32 v30, v29;
	v30 =	vmul.f32 v35, v4;
	v24, _, _ =	vpop (xrf2)  }
0x72: {  	v32 =	vadd.f32 $0.0e+00, v32;
	v28 =	vadd.f32 v28, v38;
	v33 =	vmul.f32 v33, v11;
	v38 =	vld [tilespmem:s22+$0xF0]  }
0x73: {  	v34 =	vadd.f32 $0.0e+00, v34;
	v43 =	vld [tilespmem:s22+$0xFFFFFFA0];
	v29 =	vadd.f32 v30, v29;
	v30 =	vmul.f32 v39, v5  }
0x74: {  	v44 =	vadd.f32 $0.0e+00, v25;
	v28 =	vadd.f32 v33, v28;
	v33 =	vmul.f32 v35, v12;
	v45 =	vld [tilespmem:s22+$0x20];
	v25, _, _ =	vpop (xrf2)  }
0x75: {  	v35 =	vmul.f32 v26, v1;
	v46 =	vld [tilespmem:s22+$0xFFFFFF30];
	v29 =	vadd.f32 v30, v29;
	v30 =	vmul.f32 v41, v6  }
0x76: {  	v26 =	vmul.f32 v26, v9;
	v28 =	vadd.f32 v33, v28;
	v33 =	vmul.f32 v39, v13;
	v47 =	vld [tilespmem:s22+$0xFFFFFFB0]  }
0x77: {  	v39 =	vmul.f32 v36, v1;
	v48 =	vld [tilespmem:s22+$0x30];
	v29 =	vadd.f32 v30, v29;
	v30 =	vmul.f32 v38, v7  }
0x78: {  	v36 =	vmul.f32 v36, v9;
	v28 =	vadd.f32 v33, v28;
	v33 =	vmul.f32 v41, v14;
	v49 =	vld [tilespmem:s22+$0xFFFFFF40]  }
0x79: {  	v50 =	vmul.f32 v40, v1;
	v40 =	vmul.f32 v40, v9;
	v41 =	vld [tilespmem:s22+$0xFFFFFFC0];
	v29 =	vadd.f32 v30, v29  }
0x7a: {  	v28 =	vadd.f32 v33, v28;
	v33 =	vmul.f32 v38, v15;
	v30 =	vadd.f32 v35, v37;
	v35 =	vld [tilespmem:s22+$0x40]  }
0x7b: {  	v26 =	vadd.f32 v26, v27;
	v31 =	vadd.f32 v39, v31;
	v27 =	vmul.f32 v42, v2;
	v37 =	vld [tilespmem:s22+$0xFFFFFF50];
	(xrf2) =	vadd.scan.msk.f32 $0xffff, v29  }
0x7c: {  	v32 =	vadd.f32 v36, v32;
	v28 =	vadd.f32 v33, v28;
	v29 =	vmul.f32 v42, v10;
	v36 =	vld [tilespmem:s22+$0xFFFFFFD0]  }
0x7d: {  	v34 =	vadd.f32 v50, v34;
	v38 =	vadd.f32 v40, v44;
	v33 =	vmul.f32 v43, v2;
	v39 =	vld [tilespmem:s22+$0x50]  }
0x7e: {  	v40 =	vmul.f32 v43, v10;
	v27 =	vadd.f32 v27, v30;
	v42 =	vmul.f32 v45, v2;
	v30 =	vld [tilespmem:s22+$0xFFFFFF60];
	(xrf2) =	vadd.scan.msk.f32 $0xffff, v28  }
0x7f: {  	v26 =	vadd.f32 v29, v26;
	v28 =	vadd.f32 v33, v31;
	v31 =	vmul.f32 v45, v10;
	v29 =	vld [tilespmem:s22+$0xFFFFFFE0]  }
0x80: {  	v32 =	vadd.f32 v40, v32;
	v34 =	vadd.f32 v42, v34;
	v33 =	vmul.f32 v46, v3;
	v40 =	vld [tilespmem:s22+$0x60]  }
0x81: {  	v44 =	vmul.f32 v47, v3;
	v42 =	vmul.f32 v46, v11;
	v31 =	vadd.f32 v31, v38;
	v43 =	vld [tilespmem:s22+$0xFFFFFF70]  }
0x82: {  	v45 =	vmul.f32 v48, v3;
	v27 =	vadd.f32 v33, v27;
	v33 =	vmul.f32 v47, v11;
	v38 =	vld [tilespmem:s22+$0xFFFFFFF0]  }
0x83: {  	v26 =	vadd.f32 v42, v26;
	v28 =	vadd.f32 v44, v28;
	v47 =	vmul.f32 v48, v11;
	v44 =	vld [tilespmem:s22+$0x70]  }
0x84: {  	v46 =	vmul.f32 v49, v4;
	v32 =	vadd.f32 v33, v32;
	v33 =	vadd.f32 v45, v34  }
0x85: {  	v34 =	vmul.f32 v49, v12;
	v45 =	vmul.f32 v41, v4;
	v31 =	vadd.f32 v47, v31;
	v42, _, _ =	vpop (xrf2)  }
0x86: {  	v27 =	vadd.f32 v46, v27;
	v47 =	vmul.f32 v41, v12;
	v46 =	vmul.f32 v35, v4  }
0x87: {  	v26 =	vadd.f32 v34, v26;
	v28 =	vadd.f32 v45, v28;
	v34 =	vmul.f32 v35, v12  }
0x88: {  	v35 =	vmul.f32 v37, v5;
	v32 =	vadd.f32 v47, v32;
	v33 =	vadd.f32 v46, v33;
	v41, _, _ =	vpop (xrf2)  }
0x89: {  	s24 =	sadd.s32 $0x3, s21;
	v31 =	vadd.f32 v34, v31;
	v34 =	vshrl.u32 v42, $0x10;
	v45 =	vshrl.u32 v41, $0x10  }
0x8a: {  	v46 =	vmov s24;
	v34 =	vand.u32 $0x1, v34;
	v45 =	vand.u32 $0x1, v45  }
0x8b: {  	v37 =	vmul.f32 v37, v13;
	v34 =	vadd.s32 v34, v42;
	v41 =	vadd.s32 v45, v41  }
0x8c: {  	v42 =	vmul.f32 v36, v5;
	v34 =	vadd.s32 $0x7FFF, v34;
	v41 =	vadd.s32 $0x7FFF, v41  }
0x8d: {  	v36 =	vmul.f32 v36, v13;
	v34 =	vshrl.u32 v34, $0x10;
	v41 =	vand.u32 $0xFFFF0000, v41  }
0x8e: {  	v45 =	vmul.f32 v39, v5;
	v39 =	vmul.f32 v39, v13;
	v34 =	vor.u32 v41, v34  }
0x8f: {  	v27 =	vadd.f32 v35, v27;
	v26 =	vadd.f32 v37, v26;
	[tilespmem:v46+s15+$0x0] =	vst.idx.msk vm0, v34;
	v34 =	vshrl.u32 v22, $0x10  }
0x90: {  	v35 =	vmul.f32 v30, v6;
	v28 =	vadd.f32 v42, v28;
	v32 =	vadd.f32 v36, v32  }
0x91: {  	v30 =	vmul.f32 v30, v14;
	v33 =	vadd.f32 v45, v33;
	v31 =	vadd.f32 v39, v31  }
0x92: {  	v27 =	vadd.f32 v35, v27;
	v35 =	vmul.f32 v29, v6;
	v29 =	vmul.f32 v29, v14  }
0x93: {  	v26 =	vadd.f32 v30, v26;
	v30 =	vmul.f32 v40, v6;
	v36 =	vmul.f32 v40, v14  }
0x94: {  	v37 =	vmul.f32 v43, v7;
	v28 =	vadd.f32 v35, v28;
	v29 =	vadd.f32 v29, v32  }
0x95: {  	v32 =	vmul.f32 v43, v15;
	v30 =	vadd.f32 v30, v33;
	v31 =	vadd.f32 v36, v31  }
0x96: {  	v27 =	vadd.f32 v37, v27;
	v35 =	vmul.f32 v38, v15;
	v33 =	vmul.f32 v38, v7  }
0x97: {  	v32 =	vadd.f32 v32, v26;
	v26 =	vmul.f32 v44, v7;
	v36 =	vmul.f32 v44, v15  }
0x98: {  	v29 =	vadd.f32 v35, v29;
	v28 =	vadd.f32 v33, v28;
	(xrf2) =	vadd.scan.msk.f32 $0xffff, v27;
	v27 =	vshrl.u32 v23, $0x10  }
0x99: {  	v30 =	vadd.f32 v26, v30;
	v26 =	vadd.f32 v36, v31;
	v31 =	vshrl.u32 v24, $0x10  }
0x9a: {  	v33 =	vand.u32 $0x1, v34;
	v34 =	vshrl.u32 v25, $0x10;
	v27 =	vand.u32 $0x1, v27  }
0x9b: {  	v22 =	vadd.s32 v33, v22;
	v31 =	vand.u32 $0x1, v31;
	(xrf2) =	vadd.scan.msk.f32 $0xffff, v32;
	v32 =	vand.u32 $0x1, v34  }
0x9c: {  	v24 =	vadd.s32 v31, v24;
	v23 =	vadd.s32 v27, v23;
	v25 =	vadd.s32 v32, v25  }
0x9d: {  	v21 =	vadd.s32 $0x7FFF, v21;
	v22 =	vadd.s32 $0x7FFF, v22;
	v23 =	vadd.s32 $0x7FFF, v23  }
0x9e: {  	v20 =	vshrl.u32 v20, $0x10;
	v24 =	vadd.s32 $0x7FFF, v24;
	v25 =	vadd.s32 $0x7FFF, v25;
	(xrf2) =	vadd.scan.msk.f32 $0xffff, v28  }
0x9f: {  	v21 =	vand.u32 $0xFFFF0000, v21;
	v22 =	vshrl.u32 v22, $0x10;
	v27 =	vand.u32 $0xFFFF0000, v23  }
.Ltmp0:
0xa0: {  	v20 =	vor.u32 v21, v20;
	s22 =	sadd.s32 $0x200, s22;
	v28 =	vshrl.u32 v24, $0x10;
	v24 =	vand.u32 $0xFFFF0000, v25;
	(pc) =	sbr.rel @p0 .LBB2_3-.Ltmp0, $4  }
0xa1: {  	s24 =	sadd.s32 $0x1, s21;
	v23 =	vld [tilespmem:s22+$0x80];
	(xrf2) =	vadd.scan.msk.f32 $0xffff, v29;
	[tilespmem:v16+s15+$0x0] =	vst.idx.msk vm0, v20;
	v16 =	vor.u32 v27, v22;
	v20 =	vor.u32 v24, v28  }
0xa2: {  	v25 =	vand.u32 $0xFFFFFFFC, v17;
	v17 =	vmov s23;
	v27 =	vmov s24;
	s24 =	sadd.s32 $0x2, s21;
	s21 =	smov.u32 s23;
	v22 =	vld [tilespmem:s22+$0xFFFFFF80];
	v21, _, _ =	vpop (xrf2);
	[tilespmem:v19+s15+$0x0] =	vst.idx.msk vm0, v16  }
0xa3: {  	v16 =	vbroadcast v25, $0x0;
	v28 =	vmov s24;
	v24 =	vld [tilespmem:s22+$0x90];
	v19 =	vshrl.u32 v21, $0x10;
	[tilespmem:v18+s15+$0x0] =	vst.idx.msk vm0, v20  }
0xa4: {  	s23 =	sadd.s32 $0x4, s23;
	v25 =	vld [tilespmem:s22+$0x0];
	v18 =	vand.u32 $0x1, v19;
	v19 =	vand.u32 $0xFFFFFFFD, v27;
	v27 =	vand.u32 $0xFFFFFFFE, v28;
	(xrf2) =	vadd.scan.msk.f32 $0xffff, v30  }
0xa5: {  	v28 =	vld [tilespmem:s22+$0xA0]  }
0xa6: {  	s23 =	sadd.s32 $0x3, s21;
	v21 =	vadd.s32 v18, v21;
	v19 =	vbroadcast v19, $0x0;
	v18 =	vbroadcast v27, $0x0;
	v29 =	vld [tilespmem:s22+$0xFFFFFF00]  }
0xa7: {  	v34 =	vld [tilespmem:s22+$0xB0];
	v17 =	vand.u32 $0xFFFFFFFC, v17;
	v20 =	vmov s23;
	v30 =	vmul.f32 v23, v0  }
0xa8: {  	v27, _, _ =	vpop (xrf2);
	v63 =	vld [tilespmem:s22+$0xC0];
	v21 =	vadd.s32 $0x7FFF, v21;
	v23 =	vmul.f32 v23, v8;
	v17 =	vbroadcast v17, $0x0  }
0xa9: {  	v36 =	vld [tilespmem:s22+$0xD0];
	v31 =	vshrl.u32 v27, $0x10;
	v32 =	vmul.f32 v22, v0;
	v33 =	vmul.f32 v22, v8  }
0xaa: {  	v37 =	vld [tilespmem:s22+$0xFFFFFF10];
	v22 =	vand.u32 $0x1, v31;
	v62 =	vmul.f32 v24, v1;
	v24 =	vmul.f32 v24, v9  }
0xab: {  	v39 =	vld [tilespmem:s22+$0xFFFFFF90];
	v21 =	vshrl.u32 v21, $0x10;
	v35 =	vmul.f32 v25, v0;
	v25 =	vmul.f32 v25, v8  }
0xac: {  	v45 =	vld [tilespmem:s22+$0xF0];
	v23 =	vadd.f32 $0.0e+00, v23;
	v42 =	vmul.f32 v28, v2;
	v38 =	vmul.f32 v29, v0  }
0xad: {  	v41 =	vld [tilespmem:s22+$0xFFFFFF20];
	v30 =	vadd.f32 $0.0e+00, v30;
	v43 =	vmul.f32 v34, v3;
	v29 =	vmul.f32 v29, v8  }
0xae: {  	v51 =	vld [tilespmem:s22+$0xFFFFFF30];
	v23 =	vadd.f32 v24, v23;
	v24 =	vmul.f32 v28, v10;
	v44 =	vmul.f32 v63, v4  }
0xaf: {  	(xrf2) =	vadd.scan.msk.f32 $0xffff, v26;
	v26 =	vld [tilespmem:s22+$0xFFFFFFB0];
	v22 =	vadd.s32 v22, v27;
	v46 =	vmul.f32 v36, v5;
	v47 =	vmul.f32 v37, v1  }
0xb0: {  	v27 =	vadd.f32 $0.0e+00, v32;
	v37 =	vmul.f32 v37, v9;
	v49 =	vmul.f32 v39, v1  }
0xb1: {  	v33 =	vadd.f32 $0.0e+00, v33;
	v50 =	vmul.f32 v45, v7;
	v39 =	vmul.f32 v39, v9  }
0xb2: {  	v22 =	vadd.s32 $0x7FFF, v22;
	v52 =	vmul.f32 v41, v2;
	v53 =	vmul.f32 v41, v10  }
0xb3: {  	v30 =	vadd.f32 v62, v30;
	v60 =	vmul.f32 v51, v3;
	v31 =	vmul.f32 v51, v11  }
0xb4: {  	v61 =	vmul.f32 v26, v3;
	v35 =	vadd.f32 $0.0e+00, v35;
	v25 =	vadd.f32 $0.0e+00, v25  }
0xb5: {  	v28 =	vld [tilespmem:s22+$0xE0];
	v26 =	vmul.f32 v26, v11;
	v30 =	vadd.f32 v42, v30;
	v38 =	vadd.f32 $0.0e+00, v38  }
0xb6: {  	v51 =	vld [tilespmem:s22+$0x50];
	v29 =	vadd.f32 $0.0e+00, v29;
	v23 =	vadd.f32 v24, v23;
	v24 =	vmul.f32 v34, v11  }
0xb7: {  	v22 =	vand.u32 $0xFFFF0000, v22;
	v27 =	vadd.f32 v49, v27;
	v30 =	vadd.f32 v43, v30  }
0xb8: {  	v42 =	vld [tilespmem:s22+$0xFFFFFFA0];
	v23 =	vadd.f32 v24, v23;
	v24 =	vmul.f32 v63, v12;
	v32 =	vadd.f32 v47, v38  }
0xb9: {  	v40 =	vld [tilespmem:s22+$0x10];
	v21 =	vor.u32 v22, v21;
	v29 =	vadd.f32 v37, v29;
	v30 =	vadd.f32 v44, v30  }
0xba: {  	v48 =	vmul.f32 v28, v6;
	v23 =	vadd.f32 v24, v23;
	v24 =	vmul.f32 v36, v13  }
0xbb: {  	v43 =	vld [tilespmem:s22+$0x20];
	v38 =	vmul.f32 v51, v13;
	v32 =	vadd.f32 v52, v32;
	v30 =	vadd.f32 v46, v30  }
0xbc: {  	v55 =	vld [tilespmem:s22+$0x30];
	v29 =	vadd.f32 v53, v29;
	v23 =	vadd.f32 v24, v23;
	v24 =	vmul.f32 v28, v14  }
0xbd: {  	v63 =	vld [tilespmem:s22+$0xFFFFFF50];
	v54 =	vmul.f32 v42, v2;
	v56 =	vmul.f32 v42, v10;
	v30 =	vadd.f32 v48, v30  }
0xbe: {  	v28 =	vmul.f32 v40, v1;
	v23 =	vadd.f32 v24, v23;
	v24 =	vmul.f32 v45, v15  }
0xbf: {  	v58 =	vld [tilespmem:s22+$0xFFFFFFC0];
	v40 =	vmul.f32 v40, v9;
	v32 =	vadd.f32 v60, v32;
	v30 =	vadd.f32 v50, v30  }
0xc0: {  	v62 =	vld [tilespmem:s22+$0x40];
	v29 =	vadd.f32 v31, v29;
	v57 =	vmul.f32 v43, v2;
	v23 =	vadd.f32 v24, v23  }
0xc1: {  	v46 =	vld [tilespmem:s22+$0xFFFFFFD0];
	v27 =	vadd.f32 v54, v27;
	v59 =	vmul.f32 v43, v10;
	v43 =	vmul.f32 v55, v3;
	(xrf2) =	vadd.scan.msk.f32 $0xffff, v30  }
0xc2: {  	v49 =	vmul.f32 v63, v5;
	v37 =	vmul.f32 v63, v13;
	v28 =	vadd.f32 v28, v35;
	(xrf2) =	vadd.scan.msk.f32 $0xffff, v23  }
0xc3: {  	v25 =	vadd.f32 v40, v25;
	v24 =	vadd.f32 v39, v33;
	v33 =	vmul.f32 v55, v11;
	v55 =	vld [tilespmem:s22+$0xFFFFFF60]  }
0xc4: {  	v45 =	vmul.f32 v58, v4;
	v27 =	vadd.f32 v61, v27;
	v28 =	vadd.f32 v57, v28;
	v23 =	vld [tilespmem:s22+$0xFFFFFF40]  }
0xc5: {  	v48 =	vmul.f32 v62, v4;
	v25 =	vadd.f32 v59, v25;
	v24 =	vadd.f32 v56, v24;
	v56 =	vld [tilespmem:s22+$0xFFFFFFE0]  }
0xc6: {  	v36, _, _ =	vpop (xrf2);
	v27 =	vadd.f32 v45, v27;
	v57 =	vmul.f32 v46, v5;
	v30 =	vmul.f32 v58, v12;
	v58 =	vld [tilespmem:s22+$0x60]  }
0xc7: {  	v61 =	vshrl.u32 v36, $0x10;
	v28 =	vadd.f32 v43, v28;
	v24 =	vadd.f32 v26, v24  }
0xc8: {  	v31, _, _ =	vpop (xrf2);
	v25 =	vadd.f32 v33, v25;
	v33 =	vmul.f32 v46, v13;
	v27 =	vadd.f32 v57, v27  }
0xc9: {  	v26, _, _ =	vpop (xrf2);
	v45 =	vmul.f32 v55, v14;
	v24 =	vadd.f32 v30, v24;
	v44 =	vmul.f32 v23, v4  }
0xca: {  	v28 =	vadd.f32 v48, v28;
	v39, _, _ =	vpop (xrf2);
	v34 =	vmul.f32 v56, v14;
	v23 =	vmul.f32 v23, v12  }
0xcb: {  	v48 =	vmul.f32 v58, v6;
	v24 =	vadd.f32 v33, v24;
	v32 =	vadd.f32 v44, v32;
	v47, _, _ =	vpop (xrf2)  }
0xcc: {  	v59 =	vld [tilespmem:s22+$0xFFFFFF70];
	v23 =	vadd.f32 v23, v29;
	v29 =	vmul.f32 v62, v12;
	v44 =	vmul.f32 v51, v5;
	v50, _, _ =	vpop (xrf2)  }
0xcd: {  	v62 =	vmul.f32 v55, v6;
	v52 =	vshrl.u32 v47, $0x10;
	v53 =	vshrl.u32 v50, $0x10  }
0xce: {  	v25 =	vadd.f32 v29, v25;
	v29 =	vand.u32 $0x1, v52;
	v54 =	vand.u32 $0x1, v53  }
0xcf: {  	v63 =	vld [tilespmem:s22+$0xFFFFFFF0];
	v60 =	vadd.f32 v49, v32;
	v29 =	vadd.s32 v29, v47;
	v30 =	vadd.s32 v54, v50  }
0xd0: {  	v23 =	vadd.f32 v37, v23;
	v29 =	vadd.s32 $0x7FFF, v29;
	v30 =	vadd.s32 $0x7FFF, v30  }
0xd1: {  	v49 =	vmul.f32 v59, v7;
	v29 =	vshrl.u32 v29, $0x10;
	v30 =	vand.u32 $0xFFFF0000, v30  }
0xd2: {  	v46 =	vld [tilespmem:s22+$0x70];
	v47 =	vmul.f32 v56, v6;
	v29 =	vor.u32 v30, v29;
	v30 =	vadd.f32 v62, v60  }
0xd3: {  	v24 =	vadd.f32 v34, v24;
	v51 =	vmul.f32 v59, v15;
	v23 =	vadd.f32 v45, v23  }
0xd4: {  	v52 =	vmul.f32 v63, v7;
	v27 =	vadd.f32 v47, v27;
	v30 =	vadd.f32 v49, v30  }
0xd5: {  	v33 =	vmul.f32 v63, v15;
	v28 =	vadd.f32 v44, v28;
	v23 =	vadd.f32 v51, v23  }
0xd6: {  	v25 =	vadd.f32 v38, v25;
	v50 =	vmul.f32 v58, v14;
	v27 =	vadd.f32 v52, v27;
	(xrf2) =	vadd.scan.msk.f32 $0xffff, v30  }
0xd7: {  	v24 =	vadd.f32 v33, v24;
	v28 =	vadd.f32 v48, v28;
	v53 =	vmul.f32 v46, v7;
	(xrf2) =	vadd.scan.msk.f32 $0xffff, v23  }
0xd8: {  	v57 =	vshrl.u32 v39, $0x10;
	v54 =	vmul.f32 v46, v15;
	v25 =	vadd.f32 v50, v25;
	(xrf2) =	vadd.scan.msk.f32 $0xffff, v27  }
0xd9: {  	v55 =	vshrl.u32 v31, $0x10;
	v32 =	vand.u32 $0x1, v57;
	v28 =	vadd.f32 v53, v28;
	(xrf2) =	vadd.scan.msk.f32 $0xffff, v24  }
0xda: {  	v56 =	vshrl.u32 v26, $0x10;
	v25 =	vadd.f32 v54, v25;
	v23 =	vand.u32 $0x1, v61  }
0xdb: {  	v30 =	vand.u32 $0x1, v55;
	v23 =	vadd.s32 v23, v36;
	v27 =	vand.u32 $0x1, v56;
	(xrf2) =	vadd.scan.msk.f32 $0xffff, v28  }
0xdc: {  	v24 =	vadd.s32 v30, v31;
	v26 =	vadd.s32 v27, v26;
	v27 =	vadd.s32 v32, v39  }
0xdd: {  	s24 =	sadd.s32 $0x2, s21;
	v23 =	vadd.s32 $0x7FFF, v23;
	(xrf2) =	vadd.scan.msk.f32 $0xffff, v25;
	v25 =	vadd.s32 $0x7FFF, v26;
	v26 =	vadd.s32 $0x7FFF, v27  }
0xde: {  	v24 =	vadd.s32 $0x7FFF, v24;
	v23 =	vshrl.u32 v23, $0x10;
	v28 =	vmov s24  }
0xdf: {  	s23 =	sadd.s32 $0x1, s21;
	v24 =	vand.u32 $0xFFFF0000, v24;
	v28 =	vand.u32 $0xFFFFFFFE, v28;
	v22 =	vshrl.u32 v25, $0x10  }
0xe0: {  	v25 =	vand.u32 $0xFFFF0000, v26;
	v23 =	vor.u32 v24, v23;
	v24 =	vmov s23;
	v26, _, _ =	vpop (xrf2)  }
0xe1: {  	v22 =	vor.u32 v25, v22;
	v24 =	vand.u32 $0xFFFFFFFD, v24;
	v25 =	vshrl.u32 v26, $0x10;
	v27, _, _ =	vpop (xrf2)  }
0xe2: {  	v28 =	vbroadcast v28, $0x0;
	v24 =	vbroadcast v24, $0x0;
	v25 =	vand.u32 $0x1, v25;
	v58, _, _ =	vpop (xrf2)  }
0xe3: {  	v25 =	vadd.s32 v25, v26;
	v26 =	vshrl.u32 v27, $0x10;
	v59, _, _ =	vpop (xrf2);
	v60 =	vshrl.u32 v58, $0x10  }
0xe4: {  	v26 =	vand.u32 $0x1, v26;
	v25 =	vadd.s32 $0x7FFF, v25;
	v62 =	vshrl.u32 v59, $0x10  }
0xe5: {  	v32 =	vand.u32 $0x1, v60;
	v26 =	vadd.s32 v26, v27;
	v27, _, _ =	vpop (xrf2);
	v34 =	vand.u32 $0x1, v62  }
0xe6: {  	v30 =	vadd.s32 v32, v58;
	v25 =	vshrl.u32 v25, $0x10;
	v63 =	vshrl.u32 v27, $0x10  }
0xe7: {  	[tilespmem:v16+s15+$0x0] =	vst.idx.msk vm0, v21;
	v61, _, _ =	vpop (xrf2);
	v31 =	vadd.s32 v34, v59;
	v26 =	vadd.s32 $0x7FFF, v26;
	v16 =	vadd.s32 $0x7FFF, v30  }
0xe8: {  	[tilespmem:v20+s15+$0x0] =	vst.idx.msk vm0, v29;
	v40 =	vshrl.u32 v61, $0x10;
	v41 =	vand.u32 $0x1, v63;
	v21 =	vadd.s32 $0x7FFF, v31  }
0xe9: {  	[tilespmem:v19+s15+$0x0] =	vst.idx.msk vm0, v23;
	v23 =	vand.u32 $0xFFFF0000, v26;
	v16 =	vshrl.u32 v16, $0x10;
	v42 =	vand.u32 $0x1, v40  }
0xea: {  	s25 =	sshll.u32 s18, $0xD;
	[tilespmem:v18+s15+$0x0] =	vst.idx.msk vm0, v22;
	v20 =	vadd.s32 v41, v27;
	v18 =	vand.u32 $0xFFFF0000, v21;
	v27 =	vadd.s32 v42, v61  }
0xeb: {  	s21 =	sor.u32 s7, s25;
	v21 =	vor.u32 v23, v25;
	v19 =	vadd.s32 $0x7FFF, v20;
	v20 =	vadd.s32 $0x7FFF, v27  }
0xec: {  	s21 =	smin.u32 s21, $0x18620;
	[tilespmem:v17+s15+$0x0] =	vst.idx.msk vm0, v21;
	v16 =	vor.u32 v18, v16;
	v19 =	vshrl.u32 v19, $0x10;
	v20 =	vand.u32 $0xFFFF0000, v20  }
0xed: {  	s20 =	sadd.s32 s9, s20;
	s21 =	sshrl.u32 s21, $0x3;
	[tilespmem:v24+s15+$0x0] =	vst.idx.msk vm0, v16;
	v17 =	vor.u32 v20, v19  }
0xee: {  	s26 =	simm.s32 $0x0;
	s20 =	sshll.u32 s20, $0x7;
	s21 =	sadd.s32 s6, s21;
	[tilespmem:v28+s15+$0x0] =	vst.idx.msk vm0, v17  }
0xef: {  	[hbm4b:s21+s26] =	stream.linear.scatter [tilespmem:s15], [sflag:$0x3], $0x80, $0x38;
	[tilespmem:$0x8180] =	vst v63  }
0xf0: {  	s20 =	smin.u32 s20, $0x18620;
	_ =	swait.ge [sflag:s12], $0x80  }
0xf1: {  	s20 =	sshll.u32 s20, $0x4;
	[sflag:s12] =	ssyncset.done $0x0  }
0xf2: {  	s20 =	sadd.s32 s1, s20;
	[sflag:s12] =	ssyncadd.s32 $0xFFFFFF80  }
0xf3: {  	[tilespmem:s26], [sflag:$0x1] =	stream.linear.gather [hbm4b:s20+s26], $0x4000, $0x38;
	[tilespmem:$0x8180] =	vst v63  }
0xf4: {  	_ =	swait.ge [sflag:s16], $0x4000  }
0xf5: {  	[sflag:s16] =	ssyncset.done $0x0  }
0xf6: {  	s28 =	simm.s32 $0x4100;
	[sflag:s16] =	ssyncadd.s32 $0xFFFFC000  }
0xf7: {  	v17 =	vld [tilespmem:s28+$0x80]  }
0xf8: {  	v18 =	vld [tilespmem:s28+$0xFFFFFF80]  }
0xf9: {  	v19 =	vld [tilespmem:s28+$0x90]  }
0xfa: {  	v20 =	vld [tilespmem:s28+$0x0]  }
0xfb: {  	v21 =	vld [tilespmem:s28+$0xA0]  }
0xfc: {  	v22 =	vld [tilespmem:s28+$0xFFFFFF00]  }
0xfd: {  	v25 =	vld [tilespmem:s28+$0xB0]  }
0xfe: {  	v44 =	vld [tilespmem:s28+$0xFFFFFF10];
	v23 =	vmul.f32 v17, v0;
	v24 =	vmul.f32 v18, v0  }
0xff: {  	v45 =	vld [tilespmem:s28+$0xFFFFFF90];
	v18 =	vmul.f32 v18, v8;
	v26 =	vmul.f32 v19, v1  }
0x100: {  	v28 =	vld [tilespmem:s28+$0xC0];
	v27 =	vmul.f32 v20, v0;
	v17 =	vmul.f32 v17, v8  }
0x101: {  	v46 =	vld [tilespmem:s28+$0x10];
	v20 =	vmul.f32 v20, v8;
	v29 =	vmul.f32 v22, v0;
	v23 =	vadd.f32 $0.0e+00, v23  }
0x102: {  	v47 =	vld [tilespmem:s28+$0xFFFFFF20];
	v19 =	vmul.f32 v19, v9;
	v22 =	vmul.f32 v22, v8;
	v17 =	vadd.f32 $0.0e+00, v17  }
0x103: {  	v31 =	vmul.f32 v44, v9;
	v23 =	vadd.f32 v26, v23;
	v26 =	vmul.f32 v21, v2  }
0x104: {  	v43 =	vld [tilespmem:s28+$0xD0];
	v48 =	vmul.f32 v45, v1;
	v17 =	vadd.f32 v19, v17;
	v19 =	vmul.f32 v21, v10  }
0x105: {  	v32 =	vmul.f32 v45, v9;
	v23 =	vadd.f32 v26, v23;
	v26 =	vmul.f32 v25, v3  }
0x106: {  	v33 =	vmul.f32 v46, v9;
	v21 =	vld [tilespmem:s28+$0xE0];
	v17 =	vadd.f32 v19, v17;
	v19 =	vmul.f32 v25, v11  }
0x107: {  	v51 =	vmul.f32 v47, v10;
	v23 =	vadd.f32 v26, v23;
	v26 =	vmul.f32 v28, v4  }
0x108: {  	v24 =	vadd.f32 $0.0e+00, v24;
	v25 =	vld [tilespmem:s28+$0xF0];
	v17 =	vadd.f32 v19, v17;
	v19 =	vmul.f32 v28, v12  }
0x109: {  	v50 =	vld [tilespmem:s28+$0x20];
	v29 =	vadd.f32 $0.0e+00, v29;
	v23 =	vadd.f32 v26, v23;
	v26 =	vmul.f32 v43, v5  }
0x10a: {  	v22 =	vadd.f32 $0.0e+00, v22;
	v17 =	vadd.f32 v19, v17;
	v19 =	vmul.f32 v43, v13  }
0x10b: {  	v18 =	vadd.f32 $0.0e+00, v18;
	v23 =	vadd.f32 v26, v23;
	v26 =	vmul.f32 v21, v6  }
0x10c: {  	v27 =	vadd.f32 $0.0e+00, v27;
	v17 =	vadd.f32 v19, v17;
	v19 =	vmul.f32 v21, v14  }
0x10d: {  	v49 =	vld [tilespmem:s28+$0xFFFFFFA0];
	v28 =	vmul.f32 v44, v1;
	v23 =	vadd.f32 v26, v23;
	v26 =	vmul.f32 v25, v7  }
0x10e: {  	v52 =	vmul.f32 v50, v2;
	v20 =	vadd.f32 $0.0e+00, v20;
	v17 =	vadd.f32 v19, v17  }
0x10f: {  	v19 =	vmul.f32 v25, v15;
	v23 =	vadd.f32 v26, v23;
	v26 =	vadd.f32 v28, v29;
	v28 =	vld [tilespmem:s28+$0xFFFFFF30]  }
0x110: {  	v22 =	vadd.f32 v31, v22;
	v24 =	vadd.f32 v48, v24;
	v21 =	vmul.f32 v46, v1  }
0x111: {  	v18 =	vadd.f32 v32, v18;
	v25 =	vmul.f32 v47, v2;
	v29 =	vld [tilespmem:s28+$0xFFFFFFB0];
	v17 =	vadd.f32 v19, v17  }
0x112: {  	v20 =	vadd.f32 v33, v20;
	v19 =	vadd.f32 v21, v27;
	v21 =	vld [tilespmem:s28+$0x30];
	(xrf2) =	vadd.scan.msk.f32 $0xffff, v23;
	v23 =	vmul.f32 v49, v2  }
0x113: {  	v27 =	vmul.f32 v49, v10;
	v25 =	vadd.f32 v25, v26;
	v26 =	vld [tilespmem:s28+$0xFFFFFF40];
	(xrf2) =	vadd.scan.msk.f32 $0xffff, v17;
	v17 =	vadd.f32 v51, v22  }
0x114: {  	v53 =	vld [tilespmem:s28+$0xFFFFFFC0];
	v22 =	vadd.f32 v23, v24;
	v23 =	vmul.f32 v50, v10;
	v24 =	vmul.f32 v28, v3  }
0x115: {  	v18 =	vadd.f32 v27, v18;
	v19 =	vadd.f32 v52, v19;
	v27 =	vmul.f32 v28, v11  }
0x116: {  	v28 =	vld [tilespmem:s28+$0x40];
	v54 =	vmul.f32 v29, v3;
	v20 =	vadd.f32 v23, v20;
	v23 =	vadd.f32 v24, v25  }
0x117: {  	v24 =	vld [tilespmem:s28+$0xFFFFFF50];
	v25 =	vmul.f32 v29, v11;
	v29 =	vmul.f32 v21, v3;
	v17 =	vadd.f32 v27, v17  }
0x118: {  	v22 =	vadd.f32 v54, v22;
	v21 =	vmul.f32 v21, v11;
	v27 =	vmul.f32 v26, v4  }
0x119: {  	v55 =	vld [tilespmem:s28+$0xFFFFFF60];
	v18 =	vadd.f32 v25, v18;
	v25 =	vmul.f32 v26, v12;
	v26 =	vmul.f32 v53, v4  }
0x11a: {  	v20 =	vadd.f32 v21, v20;
	v21 =	vadd.f32 v27, v23;
	v27 =	vmul.f32 v53, v12  }
0x11b: {  	v19 =	vadd.f32 v29, v19;
	v23 =	vld [tilespmem:s28+$0xFFFFFF70];
	v29 =	vmul.f32 v28, v4  }
0x11c: {  	v22 =	vadd.f32 v26, v22;
	v26 =	vmul.f32 v28, v12;
	v28 =	vmul.f32 v24, v5  }
0x11d: {  	v56 =	vld [tilespmem:s28+$0xFFFFFFD0];
	v17 =	vadd.f32 v25, v17;
	v18 =	vadd.f32 v27, v18;
	v25, _, _ =	vpop (xrf2)  }
0x11e: {  	v19 =	vadd.f32 v29, v19;
	v27, _, _ =	vpop (xrf2);
	v21 =	vadd.f32 v28, v21;
	v28 =	vmul.f32 v55, v6  }
0x11f: {  	v20 =	vadd.f32 v26, v20;
	v29 =	vshrl.u32 v25, $0x10;
	v57 =	vshrl.u32 v27, $0x10  }
0x120: {  	v58 =	vld [tilespmem:s28+$0x50];
	v26 =	vand.u32 $0x1, v29;
	v21 =	vadd.f32 v28, v21;
	v28 =	vmul.f32 v23, v7  }
0x121: {  	v60 =	vld [tilespmem:s28+$0xFFFFFFE0];
	v24 =	vmul.f32 v24, v13;
	v29 =	vand.u32 $0x1, v57;
	v25 =	vadd.s32 v26, v25  }
0x122: {  	v26 =	vadd.s32 v29, v27;
	v29 =	vmul.f32 v56, v5;
	v21 =	vadd.f32 v28, v21;
	_ =	sdelay $0x1  }
0x123: {  	v17 =	vadd.f32 v24, v17;
	v22 =	vadd.f32 v29, v22;
	v29 =	vmul.f32 v55, v14;
	(xrf2) =	vadd.scan.msk.f32 $0xffff, v21;
	v21 =	vld [tilespmem:s28+$0xFFFFFFF0]  }
0x124: {  	v24 =	vmul.f32 v58, v13;
	v28 =	vmul.f32 v56, v13  }
0x125: {  	v62 =	vmul.f32 v60, v6;
	v23 =	vmul.f32 v23, v15;
	v17 =	vadd.f32 v29, v17  }
0x126: {  	v20 =	vadd.f32 v24, v20;
	v24 =	vmul.f32 v60, v14;
	v27 =	vld [tilespmem:s28+$0x60];
	v18 =	vadd.f32 v28, v18  }
0x127: {  	v17 =	vadd.f32 v23, v17  }
0x128: {  	v28 =	vld [tilespmem:s28+$0x70];
	v22 =	vadd.f32 v62, v22;
	v18 =	vadd.f32 v24, v18;
	v24 =	vmul.f32 v21, v7  }
0x129: {  	s29 =	simm.s32 $0x3;
	v16 =	vmov s26;
	v61 =	vmul.f32 v58, v5;
	(xrf2) =	vadd.scan.msk.f32 $0xffff, v17  }
0x12a: {  	v59 =	vmov s29;
	v16 =	vand.u32 $0xFFFFFFFC, v16;
	v22 =	vadd.f32 v24, v22  }
0x12b: {  	v19 =	vadd.f32 v61, v19;
	v63 =	vmul.f32 v27, v6;
	v21 =	vmul.f32 v21, v15  }
0x12c: {  	v16 =	vbroadcast v16, $0x0;
	v25 =	vadd.s32 $0x7FFF, v25;
	v27 =	vmul.f32 v27, v14;
	(xrf2) =	vadd.scan.msk.f32 $0xffff, v22  }
0x12d: {  	v19 =	vadd.f32 v63, v19;
	v23 =	vmul.f32 v28, v7;
	v18 =	vadd.f32 v21, v18  }
0x12e: {  	s21 =	simm.s32 $0x4300;
	v26 =	vadd.s32 $0x7FFF, v26;
	v20 =	vadd.f32 v27, v20;
	v27 =	vmul.f32 v28, v15  }
0x12f: {  	s20 =	simm.s32 $0x4;
	v25 =	vshrl.u32 v25, $0x10;
	v26 =	vand.u32 $0xFFFF0000, v26;
	v28 =	vadd.f32 v23, v19;
	v23 =	vld [tilespmem:s21+$0x80];
	(xrf2) =	vadd.scan.msk.f32 $0xffff, v18  }
0x130: {  	s30 =	simm.s32 $0x1;
	s31 =	simm.s32 $0x2;
	v25 =	vor.u32 v26, v25;
	v17 =	vmov s20;
	v26 =	vadd.f32 v27, v20;
	v22 =	vld [tilespmem:s21+$0xFFFFFF80];
	v21, _, _ =	vpop (xrf2)  }
0x131: {  	[tilespmem:v59+s15+$0x0] =	vst.idx.msk vm0, v25;
	v19 =	vmov s30;
	v24 =	vld [tilespmem:s21+$0x90];
	v20 =	vmov s31;
	v18 =	vshrl.u32 v21, $0x10  }
0x132: {  	s22 =	simm.s32 $0x8;
	v25 =	vld [tilespmem:s21+$0x0];
	v19 =	vand.u32 $0xFFFFFFFD, v19;
	v27 =	vand.u32 $0xFFFFFFFE, v20;
	(xrf2) =	vadd.scan.msk.f32 $0xffff, v28;
	v18 =	vand.u32 $0x1, v18  }
.LBB2_5:
0x133: {  	p0 =	slt.u32 s22, $0x7C;
	v28 =	vld [tilespmem:s21+$0xA0];
	v20 =	vadd.s32 v18, v21;
	v19 =	vbroadcast v19, $0x0;
	v18 =	vbroadcast v27, $0x0;
	v21, _, _ =	vpop (xrf2)  }
0x134: {  	v27 =	vld [tilespmem:s21+$0xFFFFFF00];
	v29 =	vmul.f32 v23, v0;
	v20 =	vadd.s32 $0x7FFF, v20;
	v30 =	vshrl.u32 v21, $0x10  }
0x135: {  	v31 =	vmul.f32 v22, v0;
	v32 =	vmul.f32 v22, v8;
	v33 =	vld [tilespmem:s21+$0xB0];
	v34 =	vand.u32 $0x1, v30;
	(xrf2) =	vadd.scan.msk.f32 $0xffff, v26  }
0x136: {  	v26 =	vld [tilespmem:s21+$0xFFFFFF10];
	v29 =	vadd.f32 $0.0e+00, v29;
	v30 =	vmul.f32 v24, v1;
	v21 =	vadd.s32 v34, v21;
	v22, _, _ =	vpop (xrf2)  }
0x137: {  	v40 =	vmul.f32 v23, v8;
	v31 =	vadd.f32 $0.0e+00, v31;
	v34 =	vmul.f32 v25, v0;
	v35 =	vld [tilespmem:s21+$0xC0]  }
0x138: {  	v25 =	vmul.f32 v25, v8;
	v36 =	vld [tilespmem:s21+$0xFFFFFF90];
	v29 =	vadd.f32 v30, v29;
	v30 =	vmul.f32 v28, v2  }
0x139: {  	v38 =	vadd.f32 $0.0e+00, v40;
	v43 =	vmul.f32 v24, v9;
	v37 =	vmul.f32 v27, v0;
	v39 =	vld [tilespmem:s21+$0xD0];
	v23, _, _ =	vpop (xrf2)  }
0x13a: {  	v27 =	vmul.f32 v27, v8;
	v40 =	vld [tilespmem:s21+$0x10];
	v29 =	vadd.f32 v30, v29;
	v30 =	vmul.f32 v33, v3  }
0x13b: {  	v38 =	vadd.f32 v43, v38;
	v28 =	vmul.f32 v28, v10;
	v37 =	vadd.f32 $0.0e+00, v37;
	v41 =	vld [tilespmem:s21+$0xE0]  }
0x13c: {  	v27 =	vadd.f32 $0.0e+00, v27;
	v42 =	vld [tilespmem:s21+$0xFFFFFF20];
	v29 =	vadd.f32 v30, v29;
	v30 =	vmul.f32 v35, v4;
	v24, _, _ =	vpop (xrf2)  }
0x13d: {  	v32 =	vadd.f32 $0.0e+00, v32;
	v28 =	vadd.f32 v28, v38;
	v33 =	vmul.f32 v33, v11;
	v38 =	vld [tilespmem:s21+$0xF0]  }
0x13e: {  	v34 =	vadd.f32 $0.0e+00, v34;
	v43 =	vld [tilespmem:s21+$0xFFFFFFA0];
	v29 =	vadd.f32 v30, v29;
	v30 =	vmul.f32 v39, v5  }
0x13f: {  	v44 =	vadd.f32 $0.0e+00, v25;
	v28 =	vadd.f32 v33, v28;
	v33 =	vmul.f32 v35, v12;
	v45 =	vld [tilespmem:s21+$0x20];
	v25, _, _ =	vpop (xrf2)  }
0x140: {  	v35 =	vmul.f32 v26, v1;
	v46 =	vld [tilespmem:s21+$0xFFFFFF30];
	v29 =	vadd.f32 v30, v29;
	v30 =	vmul.f32 v41, v6  }
0x141: {  	v26 =	vmul.f32 v26, v9;
	v28 =	vadd.f32 v33, v28;
	v33 =	vmul.f32 v39, v13;
	v47 =	vld [tilespmem:s21+$0xFFFFFFB0]  }
0x142: {  	v39 =	vmul.f32 v36, v1;
	v48 =	vld [tilespmem:s21+$0x30];
	v29 =	vadd.f32 v30, v29;
	v30 =	vmul.f32 v38, v7  }
0x143: {  	v36 =	vmul.f32 v36, v9;
	v28 =	vadd.f32 v33, v28;
	v33 =	vmul.f32 v41, v14;
	v49 =	vld [tilespmem:s21+$0xFFFFFF40]  }
0x144: {  	v50 =	vmul.f32 v40, v1;
	v40 =	vmul.f32 v40, v9;
	v41 =	vld [tilespmem:s21+$0xFFFFFFC0];
	v29 =	vadd.f32 v30, v29  }
0x145: {  	v28 =	vadd.f32 v33, v28;
	v33 =	vmul.f32 v38, v15;
	v30 =	vadd.f32 v35, v37;
	v35 =	vld [tilespmem:s21+$0x40]  }
0x146: {  	v26 =	vadd.f32 v26, v27;
	v31 =	vadd.f32 v39, v31;
	v27 =	vmul.f32 v42, v2;
	v37 =	vld [tilespmem:s21+$0xFFFFFF50];
	(xrf2) =	vadd.scan.msk.f32 $0xffff, v29  }
0x147: {  	v32 =	vadd.f32 v36, v32;
	v28 =	vadd.f32 v33, v28;
	v29 =	vmul.f32 v42, v10;
	v36 =	vld [tilespmem:s21+$0xFFFFFFD0]  }
0x148: {  	v34 =	vadd.f32 v50, v34;
	v38 =	vadd.f32 v40, v44;
	v33 =	vmul.f32 v43, v2;
	v39 =	vld [tilespmem:s21+$0x50]  }
0x149: {  	v40 =	vmul.f32 v43, v10;
	v27 =	vadd.f32 v27, v30;
	v42 =	vmul.f32 v45, v2;
	v30 =	vld [tilespmem:s21+$0xFFFFFF60];
	(xrf2) =	vadd.scan.msk.f32 $0xffff, v28  }
0x14a: {  	v26 =	vadd.f32 v29, v26;
	v28 =	vadd.f32 v33, v31;
	v31 =	vmul.f32 v45, v10;
	v29 =	vld [tilespmem:s21+$0xFFFFFFE0]  }
0x14b: {  	v32 =	vadd.f32 v40, v32;
	v34 =	vadd.f32 v42, v34;
	v33 =	vmul.f32 v46, v3;
	v40 =	vld [tilespmem:s21+$0x60]  }
0x14c: {  	v44 =	vmul.f32 v47, v3;
	v42 =	vmul.f32 v46, v11;
	v31 =	vadd.f32 v31, v38;
	v43 =	vld [tilespmem:s21+$0xFFFFFF70]  }
0x14d: {  	v45 =	vmul.f32 v48, v3;
	v27 =	vadd.f32 v33, v27;
	v33 =	vmul.f32 v47, v11;
	v38 =	vld [tilespmem:s21+$0xFFFFFFF0]  }
0x14e: {  	v26 =	vadd.f32 v42, v26;
	v28 =	vadd.f32 v44, v28;
	v47 =	vmul.f32 v48, v11;
	v44 =	vld [tilespmem:s21+$0x70]  }
0x14f: {  	v46 =	vmul.f32 v49, v4;
	v32 =	vadd.f32 v33, v32;
	v33 =	vadd.f32 v45, v34  }
0x150: {  	v34 =	vmul.f32 v49, v12;
	v45 =	vmul.f32 v41, v4;
	v31 =	vadd.f32 v47, v31;
	v42, _, _ =	vpop (xrf2)  }
0x151: {  	v27 =	vadd.f32 v46, v27;
	v47 =	vmul.f32 v41, v12;
	v46 =	vmul.f32 v35, v4  }
0x152: {  	v26 =	vadd.f32 v34, v26;
	v28 =	vadd.f32 v45, v28;
	v34 =	vmul.f32 v35, v12  }
0x153: {  	v35 =	vmul.f32 v37, v5;
	v32 =	vadd.f32 v47, v32;
	v33 =	vadd.f32 v46, v33;
	v41, _, _ =	vpop (xrf2)  }
0x154: {  	s23 =	sadd.s32 $0x3, s20;
	v31 =	vadd.f32 v34, v31;
	v34 =	vshrl.u32 v42, $0x10;
	v45 =	vshrl.u32 v41, $0x10  }
0x155: {  	v46 =	vmov s23;
	v34 =	vand.u32 $0x1, v34;
	v45 =	vand.u32 $0x1, v45  }
0x156: {  	v37 =	vmul.f32 v37, v13;
	v34 =	vadd.s32 v34, v42;
	v41 =	vadd.s32 v45, v41  }
0x157: {  	v42 =	vmul.f32 v36, v5;
	v34 =	vadd.s32 $0x7FFF, v34;
	v41 =	vadd.s32 $0x7FFF, v41  }
0x158: {  	v36 =	vmul.f32 v36, v13;
	v34 =	vshrl.u32 v34, $0x10;
	v41 =	vand.u32 $0xFFFF0000, v41  }
0x159: {  	v45 =	vmul.f32 v39, v5;
	v39 =	vmul.f32 v39, v13;
	v34 =	vor.u32 v41, v34  }
0x15a: {  	v27 =	vadd.f32 v35, v27;
	v26 =	vadd.f32 v37, v26;
	[tilespmem:v46+s15+$0x0] =	vst.idx.msk vm0, v34;
	v34 =	vshrl.u32 v22, $0x10  }
0x15b: {  	v35 =	vmul.f32 v30, v6;
	v28 =	vadd.f32 v42, v28;
	v32 =	vadd.f32 v36, v32  }
0x15c: {  	v30 =	vmul.f32 v30, v14;
	v33 =	vadd.f32 v45, v33;
	v31 =	vadd.f32 v39, v31  }
0x15d: {  	v27 =	vadd.f32 v35, v27;
	v35 =	vmul.f32 v29, v6;
	v29 =	vmul.f32 v29, v14  }
0x15e: {  	v26 =	vadd.f32 v30, v26;
	v30 =	vmul.f32 v40, v6;
	v36 =	vmul.f32 v40, v14  }
0x15f: {  	v37 =	vmul.f32 v43, v7;
	v28 =	vadd.f32 v35, v28;
	v29 =	vadd.f32 v29, v32  }
0x160: {  	v32 =	vmul.f32 v43, v15;
	v30 =	vadd.f32 v30, v33;
	v31 =	vadd.f32 v36, v31  }
0x161: {  	v27 =	vadd.f32 v37, v27;
	v35 =	vmul.f32 v38, v15;
	v33 =	vmul.f32 v38, v7  }
0x162: {  	v32 =	vadd.f32 v32, v26;
	v26 =	vmul.f32 v44, v7;
	v36 =	vmul.f32 v44, v15  }
0x163: {  	v29 =	vadd.f32 v35, v29;
	v28 =	vadd.f32 v33, v28;
	(xrf2) =	vadd.scan.msk.f32 $0xffff, v27;
	v27 =	vshrl.u32 v23, $0x10  }
0x164: {  	v30 =	vadd.f32 v26, v30;
	v26 =	vadd.f32 v36, v31;
	v31 =	vshrl.u32 v24, $0x10  }
0x165: {  	v33 =	vand.u32 $0x1, v34;
	v34 =	vshrl.u32 v25, $0x10;
	v27 =	vand.u32 $0x1, v27  }
0x166: {  	v22 =	vadd.s32 v33, v22;
	v31 =	vand.u32 $0x1, v31;
	(xrf2) =	vadd.scan.msk.f32 $0xffff, v32;
	v32 =	vand.u32 $0x1, v34  }
0x167: {  	v24 =	vadd.s32 v31, v24;
	v23 =	vadd.s32 v27, v23;
	v25 =	vadd.s32 v32, v25  }
0x168: {  	v21 =	vadd.s32 $0x7FFF, v21;
	v22 =	vadd.s32 $0x7FFF, v22;
	v23 =	vadd.s32 $0x7FFF, v23  }
0x169: {  	v20 =	vshrl.u32 v20, $0x10;
	v24 =	vadd.s32 $0x7FFF, v24;
	v25 =	vadd.s32 $0x7FFF, v25;
	(xrf2) =	vadd.scan.msk.f32 $0xffff, v28  }
0x16a: {  	v21 =	vand.u32 $0xFFFF0000, v21;
	v22 =	vshrl.u32 v22, $0x10;
	v27 =	vand.u32 $0xFFFF0000, v23  }
.Ltmp1:
0x16b: {  	v20 =	vor.u32 v21, v20;
	s21 =	sadd.s32 $0x200, s21;
	v28 =	vshrl.u32 v24, $0x10;
	v24 =	vand.u32 $0xFFFF0000, v25;
	(pc) =	sbr.rel @p0 .LBB2_5-.Ltmp1, $4  }
0x16c: {  	s23 =	sadd.s32 $0x1, s20;
	v23 =	vld [tilespmem:s21+$0x80];
	(xrf2) =	vadd.scan.msk.f32 $0xffff, v29;
	[tilespmem:v16+s15+$0x0] =	vst.idx.msk vm0, v20;
	v16 =	vor.u32 v27, v22;
	v20 =	vor.u32 v24, v28  }
0x16d: {  	v25 =	vand.u32 $0xFFFFFFFC, v17;
	v17 =	vmov s22;
	v27 =	vmov s23;
	s23 =	sadd.s32 $0x2, s20;
	s20 =	smov.u32 s22;
	v22 =	vld [tilespmem:s21+$0xFFFFFF80];
	v21, _, _ =	vpop (xrf2);
	[tilespmem:v19+s15+$0x0] =	vst.idx.msk vm0, v16  }
0x16e: {  	v16 =	vbroadcast v25, $0x0;
	v28 =	vmov s23;
	v24 =	vld [tilespmem:s21+$0x90];
	v19 =	vshrl.u32 v21, $0x10;
	[tilespmem:v18+s15+$0x0] =	vst.idx.msk vm0, v20  }
0x16f: {  	s22 =	sadd.s32 $0x4, s22;
	v25 =	vld [tilespmem:s21+$0x0];
	v18 =	vand.u32 $0x1, v19;
	v19 =	vand.u32 $0xFFFFFFFD, v27;
	v27 =	vand.u32 $0xFFFFFFFE, v28;
	(xrf2) =	vadd.scan.msk.f32 $0xffff, v30  }
0x170: {  	s22 =	sadd.s32 $0x3, s20;
	v28 =	vld [tilespmem:s21+$0xA0];
	v21 =	vadd.s32 v18, v21;
	v19 =	vbroadcast v19, $0x0;
	v18 =	vbroadcast v27, $0x0  }
0x171: {  	v29 =	vld [tilespmem:s21+$0xFFFFFF00];
	v17 =	vand.u32 $0xFFFFFFFC, v17;
	v20 =	vmov s22;
	v30 =	vmul.f32 v23, v0  }
0x172: {  	v44, _, _ =	vpop (xrf2);
	v34 =	vld [tilespmem:s21+$0xB0];
	v21 =	vadd.s32 $0x7FFF, v21;
	v47 =	vmul.f32 v23, v8;
	v17 =	vbroadcast v17, $0x0  }
0x173: {  	v48 =	vld [tilespmem:s21+$0xC0];
	v31 =	vshrl.u32 v44, $0x10;
	v32 =	vmul.f32 v22, v0;
	v33 =	vmul.f32 v22, v8  }
0x174: {  	v36 =	vld [tilespmem:s21+$0xD0];
	v45 =	vand.u32 $0x1, v31;
	v21 =	vshrl.u32 v21, $0x10;
	v46 =	vmul.f32 v24, v1  }
0x175: {  	v37 =	vld [tilespmem:s21+$0xFFFFFF10];
	v30 =	vadd.f32 $0.0e+00, v30;
	v51 =	vmul.f32 v24, v9;
	v35 =	vmul.f32 v25, v0  }
0x176: {  	v54 =	vld [tilespmem:s21+$0xE0];
	v22 =	vadd.s32 v45, v44;
	v50 =	vmul.f32 v25, v8;
	v49 =	vmul.f32 v28, v2  }
0x177: {  	v39 =	vld [tilespmem:s21+$0xFFFFFF90];
	v23 =	vadd.f32 $0.0e+00, v47;
	v38 =	vmul.f32 v29, v0;
	v52 =	vmul.f32 v34, v3  }
0x178: {  	v57 =	vld [tilespmem:s21+$0xF0];
	v27 =	vadd.f32 $0.0e+00, v32;
	v29 =	vmul.f32 v29, v8;
	v53 =	vmul.f32 v28, v10  }
0x179: {  	v33 =	vadd.f32 $0.0e+00, v33;
	v55 =	vmul.f32 v48, v4;
	v56 =	vmul.f32 v34, v11  }
0x17a: {  	v22 =	vadd.s32 $0x7FFF, v22;
	v58 =	vmul.f32 v36, v5;
	v59 =	vmul.f32 v48, v12  }
0x17b: {  	v40 =	vld [tilespmem:s21+$0x10];
	v30 =	vadd.f32 v46, v30;
	v60 =	vmul.f32 v37, v1;
	v61 =	vmul.f32 v54, v6  }
0x17c: {  	v23 =	vadd.f32 v51, v23;
	v37 =	vmul.f32 v37, v9;
	v62 =	vmul.f32 v36, v13  }
0x17d: {  	v63 =	vmul.f32 v39, v1;
	v45 =	vmul.f32 v57, v7;
	v35 =	vadd.f32 $0.0e+00, v35  }
0x17e: {  	v42 =	vld [tilespmem:s21+$0xFFFFFFA0];
	v39 =	vmul.f32 v39, v9;
	v25 =	vadd.f32 $0.0e+00, v50;
	v30 =	vadd.f32 v49, v30  }
0x17f: {  	v46 =	vmul.f32 v54, v14;
	v38 =	vadd.f32 $0.0e+00, v38;
	v29 =	vadd.f32 $0.0e+00, v29  }
0x180: {  	v41 =	vld [tilespmem:s21+$0xFFFFFF20];
	v47 =	vmul.f32 v40, v1;
	v23 =	vadd.f32 v53, v23;
	v27 =	vadd.f32 v63, v27  }
0x181: {  	v40 =	vmul.f32 v40, v9;
	v53 =	vadd.f32 v39, v33;
	v30 =	vadd.f32 v52, v30  }
0x182: {  	v43 =	vld [tilespmem:s21+$0x20];
	v48 =	vmul.f32 v57, v15;
	v28 =	vadd.f32 v47, v35;
	v23 =	vadd.f32 v56, v23  }
0x183: {  	v44 =	vld [tilespmem:s21+$0xFFFFFF50];
	v54 =	vmul.f32 v42, v2;
	v25 =	vadd.f32 v40, v25;
	v30 =	vadd.f32 v55, v30  }
0x184: {  	v51 =	vld [tilespmem:s21+$0xFFFFFFB0];
	v22 =	vand.u32 $0xFFFF0000, v22;
	v32 =	vadd.f32 v60, v38;
	v23 =	vadd.f32 v59, v23  }
0x185: {  	v50 =	vmul.f32 v41, v2;
	v49 =	vld [tilespmem:s21+$0xFFFFFF30];
	v29 =	vadd.f32 v37, v29;
	v30 =	vadd.f32 v58, v30  }
0x186: {  	v63 =	vld [tilespmem:s21+$0x40];
	v52 =	vmul.f32 v41, v10;
	v56 =	vmul.f32 v42, v10;
	v23 =	vadd.f32 v62, v23  }
0x187: {  	v27 =	vadd.f32 v54, v27;
	v60 =	vmul.f32 v43, v10;
	v30 =	vadd.f32 v61, v30  }
0x188: {  	v54 =	vld [tilespmem:s21+$0x50];
	v37 =	vmul.f32 v44, v13;
	v32 =	vadd.f32 v50, v32;
	v23 =	vadd.f32 v46, v23  }
0x189: {  	(xrf2) =	vadd.scan.msk.f32 $0xffff, v26;
	v26 =	vmul.f32 v51, v11;
	v55 =	vld [tilespmem:s21+$0x30];
	v29 =	vadd.f32 v52, v29;
	v30 =	vadd.f32 v45, v30  }
0x18a: {  	v59 =	vld [tilespmem:s21+$0xFFFFFFC0];
	v24 =	vadd.f32 v56, v53;
	v52 =	vmul.f32 v44, v5;
	v23 =	vadd.f32 v48, v23  }
0x18b: {  	v57 =	vld [tilespmem:s21+$0xFFFFFF40];
	v25 =	vadd.f32 v60, v25;
	v31 =	vmul.f32 v49, v11;
	v50 =	vmul.f32 v63, v4;
	(xrf2) =	vadd.scan.msk.f32 $0xffff, v30  }
0x18c: {  	v60 =	vld [tilespmem:s21+$0xFFFFFFE0];
	v58 =	vmul.f32 v43, v2;
	v62 =	vmul.f32 v51, v3;
	v24 =	vadd.f32 v26, v24;
	(xrf2) =	vadd.scan.msk.f32 $0xffff, v23  }
0x18d: {  	v51 =	vmul.f32 v63, v12;
	v29 =	vadd.f32 v31, v29;
	v44 =	vmul.f32 v54, v5  }
0x18e: {  	v38 =	vmul.f32 v54, v13;
	v61 =	vmul.f32 v49, v3;
	v28 =	vadd.f32 v58, v28  }
0x18f: {  	v27 =	vadd.f32 v62, v27;
	v62 =	vld [tilespmem:s21+$0x60];
	v33 =	vmul.f32 v55, v11;
	v47 =	vmul.f32 v59, v4  }
0x190: {  	v46 =	vmul.f32 v57, v4;
	v32 =	vadd.f32 v61, v32;
	v45 =	vmul.f32 v55, v3  }
0x191: {  	v36, _, _ =	vpop (xrf2);
	v34 =	vmul.f32 v60, v14;
	v48 =	vld [tilespmem:s21+$0xFFFFFFD0];
	v25 =	vadd.f32 v33, v25;
	v27 =	vadd.f32 v47, v27  }
0x192: {  	v31, _, _ =	vpop (xrf2);
	v28 =	vadd.f32 v45, v28;
	v32 =	vadd.f32 v46, v32;
	v30 =	vmul.f32 v59, v12  }
0x193: {  	v26, _, _ =	vpop (xrf2);
	v23 =	vmul.f32 v57, v12;
	v25 =	vadd.f32 v51, v25;
	v51 =	vmul.f32 v60, v6  }
0x194: {  	v39, _, _ =	vpop (xrf2);
	v59 =	vld [tilespmem:s21+$0xFFFFFF60];
	v54 =	vmul.f32 v62, v14;
	v24 =	vadd.f32 v30, v24;
	v28 =	vadd.f32 v50, v28  }
0x195: {  	v45 =	vadd.f32 v52, v32;
	v52 =	vmul.f32 v62, v6;
	v23 =	vadd.f32 v23, v29;
	v49, _, _ =	vpop (xrf2)  }
0x196: {  	v61 =	vmul.f32 v48, v5;
	v33 =	vmul.f32 v48, v13;
	v25 =	vadd.f32 v38, v25;
	v53, _, _ =	vpop (xrf2)  }
0x197: {  	v63 =	vld [tilespmem:s21+$0xFFFFFF70];
	v28 =	vadd.f32 v44, v28;
	v55 =	vshrl.u32 v49, $0x10;
	v56 =	vshrl.u32 v53, $0x10  }
0x198: {  	v23 =	vadd.f32 v37, v23;
	v57 =	vand.u32 $0x1, v55;
	v58 =	vand.u32 $0x1, v56  }
0x199: {  	v48 =	vld [tilespmem:s21+$0xFFFFFFF0];
	v47 =	vmul.f32 v59, v6;
	v29 =	vadd.s32 v57, v49;
	v30 =	vadd.s32 v58, v53  }
0x19a: {  	v27 =	vadd.f32 v61, v27;
	v29 =	vadd.s32 $0x7FFF, v29;
	v30 =	vadd.s32 $0x7FFF, v30  }
0x19b: {  	v50 =	vld [tilespmem:s21+$0x70];
	v49 =	vmul.f32 v59, v14;
	v29 =	vshrl.u32 v29, $0x10;
	v30 =	vand.u32 $0xFFFF0000, v30  }
0x19c: {  	v53 =	vmul.f32 v63, v7;
	v29 =	vor.u32 v30, v29;
	v30 =	vadd.f32 v47, v45  }
0x19d: {  	v24 =	vadd.f32 v33, v24;
	v55 =	vmul.f32 v63, v15;
	v23 =	vadd.f32 v49, v23  }
0x19e: {  	v27 =	vadd.f32 v51, v27;
	v56 =	vmul.f32 v48, v7;
	v30 =	vadd.f32 v53, v30  }
0x19f: {  	v24 =	vadd.f32 v34, v24;
	v33 =	vmul.f32 v48, v15;
	v23 =	vadd.f32 v55, v23  }
0x1a0: {  	v28 =	vadd.f32 v52, v28;
	v57 =	vmul.f32 v50, v7;
	v27 =	vadd.f32 v56, v27;
	(xrf2) =	vadd.scan.msk.f32 $0xffff, v30  }
0x1a1: {  	v21 =	vor.u32 v22, v21;
	v62 =	vshrl.u32 v39, $0x10;
	v24 =	vadd.f32 v33, v24;
	(xrf2) =	vadd.scan.msk.f32 $0xffff, v23  }
0x1a2: {  	s30 =	sadd.s32 $0x1, s20;
	v25 =	vadd.f32 v54, v25;
	v58 =	vmul.f32 v50, v15;
	v28 =	vadd.f32 v57, v28;
	(xrf2) =	vadd.scan.msk.f32 $0xffff, v27  }
0x1a3: {  	v41 =	vmov s30;
	v46 =	vshrl.u32 v36, $0x10;
	v32 =	vand.u32 $0x1, v62;
	(xrf2) =	vadd.scan.msk.f32 $0xffff, v24  }
0x1a4: {  	s31 =	sadd.s32 $0x2, s20;
	v60 =	vshrl.u32 v26, $0x10;
	v35 =	vadd.s32 v32, v39;
	v25 =	vadd.f32 v58, v25;
	(xrf2) =	vadd.scan.msk.f32 $0xffff, v28  }
0x1a5: {  	v44 =	vmov s31;
	v61 =	vand.u32 $0x1, v46;
	v37 =	vadd.s32 $0x7FFF, v35  }
0x1a6: {  	v39 =	vand.u32 $0xFFFF0000, v37;
	v59 =	vshrl.u32 v31, $0x10;
	v63 =	vand.u32 $0x1, v60;
	(xrf2) =	vadd.scan.msk.f32 $0xffff, v25  }
0x1a7: {  	v26 =	vadd.s32 v63, v26;
	v30 =	vand.u32 $0x1, v59;
	v23 =	vadd.s32 v61, v36  }
0x1a8: {  	v34 =	vadd.s32 v30, v31;
	v36 =	vadd.s32 $0x7FFF, v26;
	v23 =	vadd.s32 $0x7FFF, v23  }
0x1a9: {  	v38 =	vshrl.u32 v36, $0x10;
	v24 =	vadd.s32 $0x7FFF, v34;
	v23 =	vshrl.u32 v23, $0x10  }
0x1aa: {  	v22 =	vor.u32 v39, v38;
	v24 =	vand.u32 $0xFFFF0000, v24;
	v28 =	vand.u32 $0xFFFFFFFE, v44;
	v40, _, _ =	vpop (xrf2)  }
0x1ab: {  	v23 =	vor.u32 v24, v23;
	v24 =	vand.u32 $0xFFFFFFFD, v41;
	v42 =	vshrl.u32 v40, $0x10;
	v43, _, _ =	vpop (xrf2)  }
0x1ac: {  	v28 =	vbroadcast v28, $0x0;
	v25 =	vand.u32 $0x1, v42;
	v45 =	vshrl.u32 v43, $0x10;
	v46, _, _ =	vpop (xrf2)  }
0x1ad: {  	v24 =	vbroadcast v24, $0x0;
	v25 =	vadd.s32 v25, v40;
	v26 =	vand.u32 $0x1, v45;
	v47, _, _ =	vpop (xrf2)  }
0x1ae: {  	v49 =	vshrl.u32 v46, $0x10;
	v25 =	vadd.s32 $0x7FFF, v25;
	v26 =	vadd.s32 v26, v43;
	v48, _, _ =	vpop (xrf2)  }
0x1af: {  	v51 =	vshrl.u32 v47, $0x10;
	v32 =	vand.u32 $0x1, v49;
	v52 =	vshrl.u32 v48, $0x10  }
0x1b0: {  	v50, _, _ =	vpop (xrf2);
	v34 =	vand.u32 $0x1, v51;
	v30 =	vadd.s32 v32, v46;
	v26 =	vadd.s32 $0x7FFF, v26  }
0x1b1: {  	v25 =	vshrl.u32 v25, $0x10;
	v53 =	vshrl.u32 v50, $0x10;
	v54 =	vand.u32 $0x1, v52  }
0x1b2: {  	[tilespmem:v16+s15+$0x0] =	vst.idx.msk vm0, v21;
	v31 =	vadd.s32 v34, v47;
	v16 =	vadd.s32 $0x7FFF, v30;
	v61 =	vand.u32 $0xFFFF0000, v26  }
0x1b3: {  	[tilespmem:v20+s15+$0x0] =	vst.idx.msk vm0, v29;
	v55 =	vand.u32 $0x1, v53;
	v56 =	vadd.s32 v54, v48;
	v58 =	vadd.s32 $0x7FFF, v31  }
0x1b4: {  	[tilespmem:v18+s15+$0x0] =	vst.idx.msk vm0, v22;
	v16 =	vshrl.u32 v16, $0x10;
	v63 =	vor.u32 v61, v25;
	v57 =	vadd.s32 v55, v50  }
0x1b5: {  	[tilespmem:v19+s15+$0x0] =	vst.idx.msk vm0, v23;
	v59 =	vadd.s32 $0x7FFF, v56;
	v62 =	vand.u32 $0xFFFF0000, v58;
	v60 =	vadd.s32 $0x7FFF, v57  }
0x1b6: {  	s18 =	sadd.s32 $0x1, s18;
	[tilespmem:v17+s15+$0x0] =	vst.idx.msk vm0, v63;
	v19 =	vshrl.u32 v59, $0x10;
	v16 =	vor.u32 v62, v16;
	v20 =	vand.u32 $0xFFFF0000, v60  }
0x1b7: {  	s19 =	sshrl.u32 s19, $0x3;
	p0 =	sne.s32 s18, $0xD;
	[tilespmem:v24+s15+$0x0] =	vst.idx.msk vm0, v16;
	v17 =	vor.u32 v20, v19  }
.Ltmp2:
0x1b8: {  	s19 =	sadd.s32 s6, s19;
	[tilespmem:v28+s15+$0x0] =	vst.idx.msk vm0, v17;
	(pc) =	sbr.rel @p0 .LBB2_2-.Ltmp2, $4  }
0x1b9: {  	[hbm4b:s19+s4] =	stream.linear.scatter [tilespmem:s15], [sflag:$0x3], $0x80, $0x38;
	[tilespmem:$0x8180] =	vst v63  }
0x1ba: {  	_ =	swait.ge [sflag:s12], $0x80  }
0x1bb: {  	[sflag:s12] =	ssyncset.done $0x0  }
0x1bc: {  	[sflag:s12] =	ssyncadd.s32 $0xFFFFFF80  }
0x1bd: {  	s17 =	sadd.s32 $0x1, s17  }
0x1be: {  	p0 =	sne.s32 s17, s10  }
.Ltmp3:
0x1bf: {  	_ = 	snop;
	(pc) =	sbr.rel @p0 .LBB2_1-.Ltmp3, $4  }
0x1c0: {  	_ = 	snop  }
0x1c1: {  	_ =	swait.ge [sflag:s14], $0x4000  }
0x1c2: {  	[sflag:s14] =	ssyncset.done $0x0  }
0x1c3: {  	[sflag:s14] =	ssyncadd.s32 $0xFFFFC000  }
0x1c4: {  	_ =	sfence.sel $0x180000  }
0x1c5: {  	[bflag:$0x0] =	sbarrier.arrive $0xFFFF  }
0x1c6: {  	p0 =	sne.s32 s3, $0x0;
	_ =	strace $0x90000047  }
0x1c7: {  	s0 =	sadd.s32 @!p0 $0x100000, s0;
	[bflag:$0x2] =	sbarrier.arrive $0xFFFF  }
0x1c8: {  	[sflag:s0] =	ssyncadd.tile.s32 @!p0 $0x1;
	_ =	shalt  }
.Lfunc_end2:
_tile_overlayer_lowered:
.L_overlay_start_2:
0x1c9: {  	(tag) =	ssettag $0x2  }
0x1ca: {  	s0 =	rddreg [dreg:$0x0];
	s2 =	stileid.u32  }
0x1cb: {  	s1 =	rddreg [dreg:$0x1];
	p0 =	sne.s32 s2, $0x0  }
0x1cc: {  	s3 =	rddreg [dreg:$0x2];
	[bflag:$0x3] =	sbarrier.arrive $0xFFFF;
	s2 =	simm.s32 @!p0 $0x1C03  }
0x1cd: {  	[timem:s3], [sflag:s2] =	dma.local @!p0 [hbm:s0], s1  }
0x1ce: {  	s0 =	simm.s32 @!p0 $0x3  }
0x1cf: {  	_ =	swait.ge @!p0 [sflag:s0], s1  }
0x1d0: {  	s1 =	ssub.s32 @!p0 $0x0, s1;
	[sflag:s0] =	ssyncset.done @!p0 $0x0  }
0x1d1: {  	[sflag:s0] =	ssyncadd.s32 @!p0 s1  }
0x1d2: {  	[bflag:$0x3] =	sbarrier.arrive $0xFFFF  }
0x1d3: {  	_ =	shalt  }

// kernel: kernel.8.cloned.1.call-start
scs
__scs_entry_jumppad:
0x0: {  	(pc) =	sbr.rel $0x88, $3  }
0x1: {  	(tag) =	ssettag $0x0;
	lr =	simm.s32 $0x1  }
0x2: {  	[smem:$0x3F9B] =	sst lr;
	_ =	strace $0xD0000000  }
0x3: {  	_ = 	snop  }
0x4: {  	_ = 	snop  }
0x5: {  	_ = 	snop  }
0x6: {  	_ = 	snop  }
0x7: {  	_ = 	snop  }
__scs_overlays_trampoline_lowered:
0x8: {  	[smem:$0x3FAA] =	sst s0  }
0x9: {  	[smem:$0x3FAB] =	sst s1  }
0xa: {  	[smem:$0x3FAC] =	sst s2  }
0xb: {  	[smem:$0x3FAD] =	sst s3  }
0xc: {  	[smem:$0x3FAE] =	sst s4  }
0xd: {  	[smem:$0x3FAF] =	sst s5  }
0xe: {  	[smem:$0x3FB0] =	sst s6  }
0xf: {  	[smem:$0x3FB1] =	sst s7  }
0x10: {  	[smem:$0x3FB2] =	sst s8  }
0x11: {  	[smem:$0x3FB3] =	sst s9;
	s0 =	simm.s32 @!p0 $0x0  }
0x12: {  	s1 =	sld [smem:$0x3F99];
	s0 =	simm.s32 @p0 $0x1  }
0x13: {  	[smem:$0x3FB4] =	sst s0;
	s0 =	simm.s32 @!p1 $0x0  }
0x14: {  	s2 =	sld [smem:$0x3F98];
	s0 =	simm.s32 @p1 $0x1  }
0x15: {  	[smem:$0x3FB5] =	sst s0;
	s0 =	simm.s32 @!p2 $0x0  }
0x16: {  	s3 =	sld [smem:$0x3FDB];
	s0 =	simm.s32 @p2 $0x1  }
0x17: {  	s4 =	simm.s32 $0x1BF5;
	[smem:$0x3FB7] =	sst s0  }
0x18: {  	s0 =	sld [smem:$0x3F9A];
	_ =	swait.ge [sflag:s4], $0x0  }
0x19: {  	s7 =	sld [smem:$0x3F9B]  }
0x1a: {  	s8 =	sadd.s32 $0xFFFFE003, lr  }
0x1b: {  	s9 =	sadd.s32 $0xFFFFFEF7, lr;
	s5 =	simm.s32 $0xFFFFFFFF;
	p2 =	slt.u32 s8, $0xFFFFF086  }
0x1c: {  	p1 =	slt.u32 s9, $0xF7A;
	s5 =	simm.s32 @!p2 $0x0  }
0x1d: {  	s5 =	simm.s32 @p1 $0x1;
	p0 =	seq.s32 s7, s2  }
0x1e: {  	s7 =	smul.u32 @!p0 $0xF7A, s2;
	p2 =	seq.s32 @!p0 s5, $0x0  }
0x1f: {  	s9 =	smul.u32 $0xF7A, s1;
	s8 =	simm.s32 @!p0 $0x1BF5;
	p2 =	por !p2, p0  }
0x20: {  	[sflag:s8] =	ssyncset.s32 @!p0 $0xFFFFF086;
	s6 =	sadd.s32 @!p0 s3, s7;
	s7 =	simm.s32 @!p0 $0x108  }
0x21: {  	s3 =	sadd.s32 s3, s9;
	s6 =	sadd.s32 @!p0 $0x88, s6;
	s7 =	simm.s32 @p2 $0x1082  }
0x22: {  	[simem:s7], [sflag:s8] =	dma.local @!p0 [hbm:s6], $0xF7A  }
0x23: {  	s9 =	sor.u32 $0xD0000000, s2;
	s6 =	simm.s32 $0x108;
	_ =	swait.ge @!p0 [sflag:s8], $0x0  }
0x24: {  	s3 =	sadd.s32 $0x88, s3;
	s6 =	simm.s32 @!p1 $0x1082;
	[sflag:s4] =	ssyncset.s32 $0xFFFFF086  }
0x25: {  	[simem:s6], [sflag:s4] =	dma.local [hbm:s3], $0xF7A  }
0x26: {  	[smem:$0x3F9B] =	sst s1;
	(tag) =	ssettag s2;
	_ =	strace s9  }
0x27: {  	s1 =	sld [smem:$0x3FAB]  }
0x28: {  	s2 =	sld [smem:$0x3FAC]  }
0x29: {  	s4 =	sld [smem:$0x3FAE]  }
0x2a: {  	p0 =	seq.s32 s5, $0x0;
	s5 =	sld [smem:$0x3FAF]  }
0x2b: {  	s6 =	sld [smem:$0x3FB0]  }
0x2c: {  	s7 =	sld [smem:$0x3FB1]  }
0x2d: {  	s3 =	simm.s32 $0x108;
	s8 =	sld [smem:$0x3FB2]  }
0x2e: {  	s3 =	simm.s32 @!p0 $0x1082;
	s9 =	sld [smem:$0x3FB3]  }
0x2f: {  	lr =	sadd.s32 s0, s3;
	s0 =	sld [smem:$0x3FAA]  }
0x30: {  	s3 =	sld [smem:$0x3FAD]  }
0x31: {  	[smem:$0x3FB6] =	sst s10  }
0x32: {  	s10 =	sld [smem:$0x3FB4];
	_ =	sdelay $0x3  }
0x33: {  	p0 =	seq.s32 s10, $0x1;
	s10 =	sld [smem:$0x3FB6];
	_ =	sdelay $0x3  }
0x34: {  	[smem:$0x3FB6] =	sst s10  }
0x35: {  	s10 =	sld [smem:$0x3FB5];
	_ =	sdelay $0x3  }
0x36: {  	p1 =	seq.s32 s10, $0x1;
	s10 =	sld [smem:$0x3FB6];
	_ =	sdelay $0x3  }
0x37: {  	[smem:$0x3FB6] =	sst s10  }
0x38: {  	s10 =	sld [smem:$0x3FB7]  }
0x39: {  	_ = 	snop;
	(pc) =	sbr.ind lr, $3  }
0x3a: {  	_ = 	snop  }
0x3b: {  	_ = 	snop  }
0x3c: {  	p2 =	seq.s32 s10, $0x1;
	s10 =	sld [smem:$0x3FB6]  }
0x3d: {  	_ =	shalt  }
0x3e: {  	_ =	shalt  }
0x3f: {  	_ =	shalt  }
0x40: {  	_ =	shalt  }
0x41: {  	_ =	shalt  }
0x42: {  	_ =	shalt  }
0x43: {  	_ =	shalt  }
0x44: {  	_ =	shalt  }
0x45: {  	_ =	shalt  }
0x46: {  	_ =	shalt  }
0x47: {  	_ =	shalt  }
0x48: {  	_ =	shalt  }
0x49: {  	_ =	shalt  }
0x4a: {  	_ =	shalt  }
0x4b: {  	_ =	shalt  }
0x4c: {  	_ =	shalt  }
0x4d: {  	_ =	shalt  }
0x4e: {  	_ =	shalt  }
0x4f: {  	_ =	shalt  }
0x50: {  	_ =	shalt  }
0x51: {  	_ =	shalt  }
0x52: {  	_ =	shalt  }
0x53: {  	_ =	shalt  }
0x54: {  	_ =	shalt  }
0x55: {  	_ =	shalt  }
0x56: {  	_ =	shalt  }
0x57: {  	_ =	shalt  }
0x58: {  	_ =	shalt  }
0x59: {  	_ =	shalt  }
0x5a: {  	_ =	shalt  }
0x5b: {  	_ =	shalt  }
0x5c: {  	_ =	shalt  }
0x5d: {  	_ =	shalt  }
0x5e: {  	_ =	shalt  }
0x5f: {  	_ =	shalt  }
0x60: {  	_ =	shalt  }
0x61: {  	_ =	shalt  }
0x62: {  	_ =	shalt  }
0x63: {  	_ =	shalt  }
0x64: {  	_ =	shalt  }
0x65: {  	_ =	shalt  }
0x66: {  	_ =	shalt  }
0x67: {  	_ =	shalt  }
0x68: {  	_ =	shalt  }
0x69: {  	_ =	shalt  }
0x6a: {  	_ =	shalt  }
0x6b: {  	_ =	shalt  }
0x6c: {  	_ =	shalt  }
0x6d: {  	_ =	shalt  }
0x6e: {  	_ =	shalt  }
0x6f: {  	_ =	shalt  }
0x70: {  	_ =	shalt  }
0x71: {  	_ =	shalt  }
0x72: {  	_ =	shalt  }
0x73: {  	_ =	shalt  }
0x74: {  	_ =	shalt  }
0x75: {  	_ =	shalt  }
0x76: {  	_ =	shalt  }
0x77: {  	_ =	shalt  }
0x78: {  	_ =	shalt  }
0x79: {  	_ =	shalt  }
0x7a: {  	_ =	shalt  }
0x7b: {  	_ =	shalt  }
0x7c: {  	_ =	shalt  }
0x7d: {  	_ =	shalt  }
0x7e: {  	_ =	shalt  }
0x7f: {  	_ =	shalt  }
0x80: {  	_ =	shalt  }
0x81: {  	_ =	shalt  }
0x82: {  	_ =	shalt  }
0x83: {  	_ =	shalt  }
0x84: {  	_ =	shalt  }
0x85: {  	_ =	shalt  }
0x86: {  	_ =	shalt  }
0x87: {  	_ =	shalt  }
.Lfunc_end0:
.L_simem_size_0:
called_computation.1_lowered:
.L_overlay_start_0:
0x88: {  	s2 =	sld [smem:$0x3FD9]  }
0x89: {  	s3 =	sld [smem:$0x3FFE];
	_ =	sdelay $0x1  }
0x8a: {  	s1 =	srdreg.scid  }
0x8b: {  	s0 =	sand.u32 $0x1, s1  }
0x8c: {  	s16 =	sshll.u32 s0, $0xA;
	s2 =	sadd.s32 s3, s2  }
0x8d: {  	s2 =	sadd.s32 s2, s16  }
0x8e: {  	[smem:$0x3FC2] =	sst s2  }
0x8f: {  	_ = 	snop  }
0x90: {  	(tm) =	ssettm $0x1  }
0x91: {  	s17 =	sld [smem:$0x3FFB];
	_ =	sdelay $0x3  }
0x92: {  	_ =	strace s17  }
0x93: {  	s2 =	sld [smem:$0x3FFC];
	_ =	sdelay $0x3  }
0x94: {  	_ =	strace s2  }
0x95: {  	s2 =	sld [smem:$0x3FFD];
	_ =	sdelay $0x3  }
0x96: {  	_ =	strace s2  }
0x97: {  	_ =	strace $0x8FFFFFFF  }
0x98: {  	s18 =	sld [smem:$0x3FDB];
	_ =	sdelay $0x1  }
0x99: {  	s19 =	simm.s32 $_scs_section_size  }
0x9a: {  	s4 =	simm.s32 $_size__tile_overlayer_lowered;
	s5 =	simm.s32 $_tile_overlayer_lowered  }
0x9b: {  	s22 =	simm.s32 $0x1BFF;
	s21 =	sshll.u32 s5, $0x1;
	s2 =	sadd.s32 s19, s18  }
0x9c: {  	s6 =	simm.s32 $0x0;
	s20 =	sshll.u32 s4, $0x1;
	s4 =	sadd.s32 s21, s2  }
0x9d: {  	[timem:s6], [sflag:s22] =	dma.local [hbm:s4], s20  }
0x9e: {  	_ =	swait.ge [sflag:s22], s20  }
0x9f: {  	s3 =	ssub.s32 $0x0, s20;
	[sflag:s22] =	ssyncset.done $0x0  }
0xa0: {  	[sflag:s22] =	ssyncadd.s32 s3;
	_ =	sdelay $0x1  }
0xa1: {  	s23 =	simm.s32 $0x1B8B  }
0xa2: {  	_ =	swait.ge [sflag:s23], $0x1  }
0xa3: {  	[sflag:s23] =	ssyncset.done $0x0  }
0xa4: {  	s25 =	simm.s32 $0x1B8E;
	s24 =	sld [smem:$0x3FFE];
	[sflag:s23] =	ssyncadd.s32 $0xFFFFFFFF  }
0xa5: {  	s26 =	simm.s32 $execute0_lowered;
	[smem:$0x3FD2] =	sst s25  }
0xa6: {  	s4 =	sshll.u32 s26, $0x1;
	_ =	strace $0x80000049;
	[dreg:$0x1] =	wrdreg $0xFFFFFFFF  }
0xa7: {  	s28 =	simm.s32 $_size_execute0_lowered;
	s2 =	sadd.s32 s2, s4;
	[dreg:$0x0] =	wrdreg $0x0  }
0xa8: {  	s4 =	sshll.u32 s28, $0x1;
	[dreg:$0x2] =	wrdreg s2  }
0xa9: {  	[dreg:$0x3] =	wrdreg s4  }
0xaa: {  	[dreg:$0x4] =	wrdreg $0xC0  }
0xab: {  	_ =	task [dreg:s6], $0x5FFFF  }
0xac: {  	[dreg:$0x1] =	wrdreg $0xFFFFFFFF  }
0xad: {  	[dreg:$0x0] =	wrdreg $0x60  }
0xae: {  	[dreg:$0x2] =	wrdreg s24  }
0xaf: {  	[dreg:$0x3] =	wrdreg $0x9  }
0xb0: {  	_ =	task.clear_ibuf [dreg:s6], $0x4FFFF;
	_ =	strace $0x90000049  }
0xb1: {  	s29 =	simm.s32 $0x9;
	_ =	strace $0x8000004B  }
0xb2: {  	_ =	swait.ge [sflag:s29], $0x1  }
0xb3: {  	[sflag:s29] =	ssyncadd.s32 $0xFFFFFFFF  }
0xb4: {  	_ =	strace $0x9000004B  }
0xb5: {  	_ =	sfence  }
0xb6: {  	s30 =	sld [smem:$0x0];
	_ =	sdelay $0x2  }
0xb7: {  	s31 =	sshll.u32 s1, $0xD;
	s1 =	sshrl.u32 s1, $0x2  }
0xb8: {  	s3 =	sand.u32 $0x4000, s31;
	s1 =	sadd.s32 s1, s30  }
0xb9: {  	s0 =	sor.u32 s3, s0;
	s1 =	sshll.u32 s1, $0x11  }
0xba: {  	s0 =	sor.u32 s1, s0  }
0xbb: {  	s0 =	sadd.s32 $0x8F2B, s0  }
0xbc: {  	[sflag:s0] =	ssyncadd.remote.s32 $0x1  }
0xbd: {  	_ =	sfence.sel $0xFFFF  }
0xbe: {  	[dreg:$0x0] =	wrdreg $0xFFFFFFFF;
	(pc) =	sbr.abs _section_cstart, $3  }
0xbf: {  	[dreg:$0x1] =	wrdreg $0xFFFFFFFF  }
0xc0: {  	_ =	task.clear_ibuf [dreg:s6], $0x2FFFF;
	_ =	strace $0x9FFFFFFF  }
0xc1: {  	(tm) =	ssettm $0x7FFFFFFF  }
tec
execute0_lowered:
.L_overlay_start_1:
0x0: {  	(tag) =	ssettag $0x1  }
0x1: {  	s1 =	srdreg.scid  }
0x2: {  	s0 =	stileid.u32;
	s5 =	rddreg [dreg:$0x0]  }
0x3: {  	s2 =	simm.s32 $0x0;
	s12 =	simm.s32 $0x1;
	s13 =	simm.s32 $0x1980  }
0x4: {  	s14 =	simm.s32 $0x1A080;
	s15 =	simm.s32 $0x1A280;
	s16 =	simm.s32 $0x1A480  }
0x5: {  	s4 =	sand.u32 $0x1, s1;
	s31 =	sshll.u32 s0, $0x1;
	s1 =	rddreg [dreg:$0x1]  }
0x6: {  	v0 =	vlaneseq.u32;
	s17 =	simm.s32 $0x0;
	[smem:$0x7FF] =	sst s2;
	s6 =	sor.u32 s4, s31  }
0x7: {  	v1 =	vmul.u32 $0x10, v0;
	_ =	strace $0x8000004A;
	s7 =	ssub.s32 $0x2, s4;
	s3 =	smul.u32 $0x6400, s6  }
0x8: {  	s4 =	sadd.s32 $0x1D600, s5;
	s6 =	sshll.u32 s6, $0xB;
	s9 =	sshrl.u32 s7, $0x1  }
0x9: {  	v62 =	vimm.s32 $0x0;
	vm0 =	vmmov $0xff;
	v0 =	vor.u32 $0x1, v1;
	s10 =	sadd.s32 s6, s5;
	s11 =	ssub.s32 s7, s9;
	s3 =	sshrl.u32 s3, $0x3  }
0xa: {  	v4 =	vor.u32 $0x2, v1;
	v5 =	vor.u32 $0x3, v1;
	v6 =	vor.u32 $0x4, v1;
	s9 =	sadd.s32 $0x1D800, s10;
	s10 =	smax.u32 s11, $0x1;
	s8 =	sadd.s32 s3, s5  }
0xb: {  	v7 =	vor.u32 $0x5, v1;
	v8 =	vor.u32 $0x6, v1;
	v9 =	vor.u32 $0x7, v1;
	s11 =	simm.s32 $0x1E480;
	s3 =	sadd.s32 $0x1400, s5;
	s5 =	sadd.s32 $0x4600, s8  }
0xc: {  	v10 =	vor.u32 $0x8, v1;
	v11 =	vor.u32 $0x9, v1;
	v12 =	vor.u32 $0xA, v1;
	[tilespmem:$0x1FFF0] =	vst v0;
	s6 =	sadd.s32 $0x4920, s8;
	s7 =	sadd.s32 $0x4C40, s8;
	s8 =	sadd.s32 $0x4F60, s8  }
.LBB2_1:
0xd: {  	[tilespmem:s11], [sflag:$0x1] =	stream.linear.gather [hbm4b:s4+s2], $0x80, $0x38;
	[tilespmem:$0x1E500] =	vst v63  }
0xe: {  	_ =	swait.ge [sflag:s12], $0x80  }
0xf: {  	[sflag:s12] =	ssyncset.done $0x0  }
0x10: {  	[sflag:s12] =	ssyncadd.s32 $0xFFFFFF80  }
0x11: {  	[tilespmem:s13], [sflag:$0x1] =	stream.linear.gather [hbm4b:s3+s2], $0x18700, $0x38;
	[tilespmem:$0x1E500] =	vst v63  }
0x12: {  	_ =	swait.ge [sflag:s12], $0x18700  }
0x13: {  	[sflag:s12] =	ssyncset.done $0x0  }
0x14: {  	[sflag:s12] =	ssyncadd.s32 $0xFFFE7900  }
0x15: {  	[tilespmem:s2], [sflag:$0x1] =	stream.linear.gather [hbm4b:s5+s2], $0x1900, $0x38;
	[tilespmem:$0x1E500] =	vst v63  }
0x16: {  	_ =	swait.ge [sflag:s12], $0x1900  }
0x17: {  	[sflag:s12] =	ssyncset.done $0x0  }
0x18: {  	[sflag:s12] =	ssyncadd.s32 $0xFFFFE700  }
0x19: {  	s18 =	simm.s32 $0x190;
	[tilespmem:$0x1900] =	vst v62  }
0x1a: {  	v13 =	vld [tilespmem:s18+$0xC8]  }
0x1b: {  	v14 =	vld [tilespmem:s18+$0xFFFFFF38]  }
0x1c: {  	v15 =	vld [tilespmem:s18+$0xD8]  }
0x1d: {  	v16 =	vld [tilespmem:s18+$0x0]  }
0x1e: {  	v17 =	vld [tilespmem:s18+$0xE8]  }
0x1f: {  	v18 =	vld [tilespmem:s18+$0xFFFFFE70]  }
0x20: {  	v19 =	vld [tilespmem:s18+$0xF8]  }
0x21: {  	v20 =	vld [tilespmem:s18+$0x108]  }
0x22: {  	v21 =	vld [tilespmem:s18+$0x118]  }
0x23: {  	s19 =	simm.s32 $0x258;
	v22 =	vld [tilespmem:s18+$0x128]  }
0x24: {  	s19 =	sand.u32 $0x1FF8, s19;
	v23 =	vld [tilespmem:s18+$0x138]  }
0x25: {  	v24 =	vld [tilespmem:s19+$0x80]  }
0x26: {  	v25 =	vld [tilespmem:s18+$0x158]  }
0x27: {  	v26 =	vld [tilespmem:s18+$0x168]  }
0x28: {  	v27 =	vld [tilespmem:s18+$0x178]  }
0x29: {  	v28 =	vld [tilespmem:s18+$0x188]  }
0x2a: {  	v29 =	vld [tilespmem:s18+$0xFFFFFE80]  }
0x2b: {  	v30 =	vld [tilespmem:s18+$0xFFFFFF48]  }
0x2c: {  	v31 =	vld [tilespmem:s18+$0x10]  }
0x2d: {  	v32 =	vld [tilespmem:s18+$0xFFFFFE90]  }
0x2e: {  	v33 =	vld [tilespmem:s18+$0xFFFFFF58]  }
0x2f: {  	v34 =	vld [tilespmem:s18+$0x20]  }
0x30: {  	v60 =	vld [tilespmem:s18+$0xFFFFFEA0]  }
0x31: {  	v37 =	vld [tilespmem:s18+$0xFFFFFF68]  }
0x32: {  	v63 =	vld [tilespmem:s18+$0xFFFFFF88]  }
0x33: {  	v44 =	vld [tilespmem:s18+$0xFFFFFF98]  }
0x34: {  	v38 =	vld [tilespmem:s18+$0x60]  }
0x35: {  	v45 =	vld [tilespmem:s18+$0xFFFFFEE0]  }
0x36: {  	s20 =	simm.s32 $0x190;
	v41 =	vld [tilespmem:s18+$0xFFFFFFA8]  }
0x37: {  	s20 =	sand.u32 $0x1FF0, s20;
	v46 =	vld [tilespmem:s18+$0x70]  }
0x38: {  	s31 =	sand.u32 $0x1FE0, s2;
	v47 =	vld [tilespmem:s20+$0x80]  }
0x39: {  	v48 =	vld [tilespmem:s31+$0x80]  }
0x3a: {  	v51 =	vld [tilespmem:s18+$0xFFFFFF00]  }
0x3b: {  	v13 =	vld.idx.msk [tilespmem:v13+s13+$0x0], $0xffff  }
0x3c: {  	v55 =	vld [tilespmem:s18+$0xFFFFFF20]  }
0x3d: {  	v15 =	vld.idx.msk [tilespmem:v15+s13+$0x0], $0xffff  }
0x3e: {  	v58 =	vld [tilespmem:s18+$0xFFFFFFF8]  }
0x3f: {  	v17 =	vld.idx.msk [tilespmem:v17+s13+$0x0], $0xffff  }
0x40: {  	v19 =	vld.idx.msk [tilespmem:v19+s13+$0x0], $0xffff;
	v35 =	vshll.u32 v13, $0x10  }
0x41: {  	v20 =	vld.idx.msk [tilespmem:v20+s13+$0x0], $0xffff;
	v13 =	vand.u32 $0xFFFF0000, v13;
	v35 =	vadd.f32 $0.0e+00, v35  }
0x42: {  	v36 =	vld.idx.msk [tilespmem:v14+s13+$0x0], $0xffff;
	v14 =	vshll.u32 v15, $0x10;
	v13 =	vadd.f32 $0.0e+00, v13  }
0x43: {  	v21 =	vld.idx.msk [tilespmem:v21+s13+$0x0], $0xffff;
	v15 =	vand.u32 $0xFFFF0000, v15;
	v14 =	vadd.f32 v14, v35  }
0x44: {  	v22 =	vld.idx.msk [tilespmem:v22+s13+$0x0], $0xffff;
	v13 =	vadd.f32 v15, v13;
	v15 =	vshll.u32 v17, $0x10  }
0x45: {  	v23 =	vld.idx.msk [tilespmem:v23+s13+$0x0], $0xffff;
	v17 =	vand.u32 $0xFFFF0000, v17;
	v14 =	vadd.f32 v15, v14  }
0x46: {  	v24 =	vld.idx.msk [tilespmem:v24+s13+$0x0], $0xffff;
	v13 =	vadd.f32 v17, v13;
	v17 =	vshll.u32 v19, $0x10  }
0x47: {  	v25 =	vld.idx.msk [tilespmem:v25+s13+$0x0], $0xffff;
	v19 =	vand.u32 $0xFFFF0000, v19;
	v14 =	vadd.f32 v17, v14  }
0x48: {  	v26 =	vld.idx.msk [tilespmem:v26+s13+$0x0], $0xffff;
	v13 =	vadd.f32 v19, v13;
	v19 =	vshll.u32 v20, $0x10  }
0x49: {  	v27 =	vld.idx.msk [tilespmem:v27+s13+$0x0], $0xffff;
	v20 =	vand.u32 $0xFFFF0000, v20;
	v14 =	vadd.f32 v19, v14  }
0x4a: {  	v16 =	vld.idx.msk [tilespmem:v16+s13+$0x0], $0xffff;
	v13 =	vadd.f32 v20, v13;
	v20 =	vshll.u32 v21, $0x10  }
0x4b: {  	v29 =	vld.idx.msk [tilespmem:v29+s13+$0x0], $0xffff;
	v21 =	vand.u32 $0xFFFF0000, v21;
	v14 =	vadd.f32 v20, v14  }
0x4c: {  	v28 =	vld.idx.msk [tilespmem:v28+s13+$0x0], $0xffff;
	v13 =	vadd.f32 v21, v13;
	v21 =	vshll.u32 v22, $0x10  }
0x4d: {  	v15 =	vld [tilespmem:s18+$0x30];
	v22 =	vand.u32 $0xFFFF0000, v22;
	v14 =	vadd.f32 v21, v14  }
0x4e: {  	v54 =	vld.idx.msk [tilespmem:v46+s13+$0x0], $0xffff;
	v13 =	vadd.f32 v22, v13;
	v22 =	vshll.u32 v23, $0x10  }
0x4f: {  	v18 =	vld.idx.msk [tilespmem:v18+s13+$0x0], $0xffff;
	v39 =	vshll.u32 v16, $0x10;
	v23 =	vand.u32 $0xFFFF0000, v23;
	v14 =	vadd.f32 v22, v14  }
0x50: {  	v53 =	vld.idx.msk [tilespmem:v45+s13+$0x0], $0xffff;
	v40 =	vshll.u32 v29, $0x10;
	v13 =	vadd.f32 v23, v13;
	v23 =	vshll.u32 v24, $0x10  }
0x51: {  	v16 =	vand.u32 $0xFFFF0000, v16;
	v35 =	vld.idx.msk [tilespmem:v60+s13+$0x0], $0xffff;
	v24 =	vand.u32 $0xFFFF0000, v24;
	v14 =	vadd.f32 v23, v14  }
0x52: {  	v29 =	vand.u32 $0xFFFF0000, v29;
	v17 =	vld.idx.msk [tilespmem:v30+s13+$0x0], $0xffff;
	v13 =	vadd.f32 v24, v13;
	v24 =	vshll.u32 v25, $0x10  }
0x53: {  	v57 =	vand.u32 $0xFFFF0000, v54;
	v30 =	vld.idx.msk [tilespmem:v31+s13+$0x0], $0xffff;
	v25 =	vand.u32 $0xFFFF0000, v25;
	v14 =	vadd.f32 v24, v14  }
0x54: {  	v39 =	vadd.f32 $0.0e+00, v39;
	v31 =	vld [tilespmem:s18+$0xFFFFFF78];
	v13 =	vadd.f32 v25, v13;
	v25 =	vshll.u32 v26, $0x10  }
0x55: {  	v16 =	vadd.f32 $0.0e+00, v16;
	v15 =	vld.idx.msk [tilespmem:v15+s13+$0x0], $0xffff;
	v26 =	vand.u32 $0xFFFF0000, v26;
	v14 =	vadd.f32 v25, v14  }
0x56: {  	v32 =	vld.idx.msk [tilespmem:v32+s13+$0x0], $0xffff;
	v49 =	vand.u32 $0xFFFF0000, v35;
	v13 =	vadd.f32 v26, v13;
	v26 =	vshll.u32 v27, $0x10  }
0x57: {  	v61 =	vld.idx.msk [tilespmem:v34+s13+$0x0], $0xffff;
	v27 =	vand.u32 $0xFFFF0000, v27;
	v14 =	vadd.f32 v26, v14;
	v26 =	vshll.u32 v28, $0x10  }
0x58: {  	v34 =	vld.idx.msk [tilespmem:v63+s13+$0x0], $0xffff;
	v13 =	vadd.f32 v27, v13;
	v27 =	vand.u32 $0xFFFF0000, v28;
	v26 =	vnsel vm0, $0x0, v26  }
0x59: {  	v21 =	vld.idx.msk [tilespmem:v33+s13+$0x0], $0xffff;
	v33 =	vand.u32 $0xFFFF0000, v53;
	v14 =	vadd.f32 v26, v14;
	v26 =	vnsel vm0, $0x0, v27  }
0x5a: {  	v19 =	vld [tilespmem:s18+$0xFFFFFEB0];
	v52 =	vshll.u32 v15, $0x10;
	v13 =	vadd.f32 v26, v13;
	v26 =	vshll.u32 v18, $0x10  }
0x5b: {  	v20 =	vld [tilespmem:s18+$0x40];
	v28 =	vshll.u32 v36, $0x10;
	v18 =	vand.u32 $0xFFFF0000, v18;
	v26 =	vadd.f32 $0.0e+00, v26  }
0x5c: {  	v28 =	vadd.f32 $0.0e+00, v28;
	v27 =	vld.idx.msk [tilespmem:v31+s13+$0x0], $0xffff;
	v31 =	vand.u32 $0xFFFF0000, v36;
	v18 =	vadd.f32 $0.0e+00, v18  }
0x5d: {  	v22 =	vld [tilespmem:s18+$0xFFFFFEC0];
	v15 =	vand.u32 $0xFFFF0000, v15;
	v31 =	vadd.f32 $0.0e+00, v31;
	v26 =	vadd.f32 v40, v26  }
0x5e: {  	v23 =	vld [tilespmem:s18+$0x50];
	v18 =	vadd.f32 v29, v18;
	v29 =	vshll.u32 v17, $0x10;
	v17 =	vand.u32 $0xFFFF0000, v17  }
0x5f: {  	v25 =	vld [tilespmem:s18+$0xFFFFFED0];
	v28 =	vadd.f32 v29, v28;
	v29 =	vshll.u32 v30, $0x10;
	v30 =	vand.u32 $0xFFFF0000, v30  }
0x60: {  	v24 =	vld.idx.msk [tilespmem:v37+s13+$0x0], $0xffff;
	v17 =	vadd.f32 v17, v31;
	v16 =	vadd.f32 v30, v16;
	v30 =	vshll.u32 v32, $0x10  }
0x61: {  	v50 =	vld.idx.msk [tilespmem:v38+s13+$0x0], $0xffff;
	v29 =	vadd.f32 v29, v39;
	v32 =	vand.u32 $0xFFFF0000, v32;
	v26 =	vadd.f32 v30, v26  }
0x62: {  	v19 =	vld.idx.msk [tilespmem:v19+s13+$0x0], $0xffff;
	v30 =	vshll.u32 v21, $0x10;
	v18 =	vadd.f32 v32, v18;
	v21 =	vand.u32 $0xFFFF0000, v21  }
0x63: {  	v56 =	vld.idx.msk [tilespmem:v51+s13+$0x0], $0xffff;
	v28 =	vadd.f32 v30, v28;
	v17 =	vadd.f32 v21, v17;
	v21 =	vand.u32 $0xFFFF0000, v61  }
0x64: {  	v20 =	vld.idx.msk [tilespmem:v20+s13+$0x0], $0xffff;
	v30 =	vshll.u32 v61, $0x10;
	v16 =	vadd.f32 v21, v16;
	v21 =	vshll.u32 v35, $0x10  }
0x65: {  	v22 =	vld.idx.msk [tilespmem:v22+s13+$0x0], $0xffff;
	v29 =	vadd.f32 v30, v29;
	v21 =	vadd.f32 v21, v26;
	v26 =	vshll.u32 v24, $0x10  }
0x66: {  	s30 =	simm.s32 $0xC8;
	v23 =	vld.idx.msk [tilespmem:v23+s13+$0x0], $0xffff;
	v18 =	vadd.f32 v49, v18;
	v24 =	vand.u32 $0xFFFF0000, v24;
	v26 =	vadd.f32 v26, v28  }
0x67: {  	s19 =	sand.u32 $0x1FE8, s30;
	v25 =	vld.idx.msk [tilespmem:v25+s13+$0x0], $0xffff;
	v17 =	vadd.f32 v24, v17;
	v15 =	vadd.f32 v15, v16;
	v16 =	vshll.u32 v19, $0x10  }
0x68: {  	v31 =	vld [tilespmem:s19+$0x80];
	v24 =	vadd.f32 v52, v29;
	v19 =	vand.u32 $0xFFFF0000, v19;
	v16 =	vadd.f32 v16, v21  }
0x69: {  	v32 =	vld.idx.msk [tilespmem:v48+s13+$0x0], $0xffff;
	v18 =	vadd.f32 v19, v18;
	v19 =	vshll.u32 v27, $0x10;
	v27 =	vand.u32 $0xFFFF0000, v27  }
0x6a: {  	v30 =	vld.idx.msk [tilespmem:v44+s13+$0x0], $0xffff;
	v19 =	vadd.f32 v19, v26;
	v26 =	vshll.u32 v20, $0x10;
	v20 =	vand.u32 $0xFFFF0000, v20  }
0x6b: {  	v28 =	vld [tilespmem:s18+$0xFFFFFFC8];
	v17 =	vadd.f32 v27, v17;
	v15 =	vadd.f32 v20, v15;
	v20 =	vshll.u32 v22, $0x10  }
0x6c: {  	v29 =	vld [tilespmem:s18+$0x90];
	v24 =	vadd.f32 v26, v24;
	v22 =	vand.u32 $0xFFFF0000, v22;
	v16 =	vadd.f32 v20, v16  }
0x6d: {  	v21 =	vld.idx.msk [tilespmem:v41+s13+$0x0], $0xffff;
	v20 =	vshll.u32 v34, $0x10;
	v18 =	vadd.f32 v22, v18;
	v34 =	vand.u32 $0xFFFF0000, v34  }
0x6e: {  	v27 =	vld [tilespmem:s18+$0xFFFFFFD8];
	v19 =	vadd.f32 v20, v19;
	v20 =	vshll.u32 v23, $0x10;
	v23 =	vand.u32 $0xFFFF0000, v23  }
0x6f: {  	v26 =	vld [tilespmem:s18+$0xFFFFFF10];
	v17 =	vadd.f32 v34, v17;
	v15 =	vadd.f32 v23, v15;
	v23 =	vshll.u32 v25, $0x10  }
0x70: {  	v31 =	vld.idx.msk [tilespmem:v31+s13+$0x0], $0xffff;
	v20 =	vadd.f32 v20, v24;
	v25 =	vand.u32 $0xFFFF0000, v25;
	v16 =	vadd.f32 v23, v16  }
0x71: {  	v22 =	vld [tilespmem:s18+$0xA0];
	v23 =	vshll.u32 v30, $0x10;
	v30 =	vand.u32 $0xFFFF0000, v30;
	v18 =	vadd.f32 v25, v18  }
0x72: {  	v24 =	vld.idx.msk [tilespmem:v47+s13+$0x0], $0xffff;
	v25 =	vshll.u32 v50, $0x10;
	v17 =	vadd.f32 v30, v17;
	v30 =	vand.u32 $0xFFFF0000, v50  }
0x73: {  	v19 =	vadd.f32 v23, v19;
	v23 =	vld [tilespmem:s18+$0xFFFFFFE8];
	v15 =	vadd.f32 v30, v15;
	v30 =	vshll.u32 v53, $0x10  }
0x74: {  	v20 =	vadd.f32 v25, v20;
	v25 =	vld [tilespmem:s18+$0xB0];
	v16 =	vadd.f32 v30, v16;
	v30 =	vshll.u32 v21, $0x10  }
0x75: {  	v28 =	vld.idx.msk [tilespmem:v28+s13+$0x0], $0xffff;
	v18 =	vadd.f32 v33, v18;
	v21 =	vand.u32 $0xFFFF0000, v21;
	v19 =	vadd.f32 v30, v19  }
0x76: {  	v29 =	vld.idx.msk [tilespmem:v29+s13+$0x0], $0xffff;
	v30 =	vshll.u32 v54, $0x10;
	v17 =	vadd.f32 v21, v17;
	v15 =	vadd.f32 v57, v15  }
0x77: {  	v21 =	vshll.u32 v31, $0x10;
	v31 =	vand.u32 $0xFFFF0000, v31;
	v26 =	vld.idx.msk [tilespmem:v26+s13+$0x0], $0xffff;
	v20 =	vadd.f32 v30, v20  }
0x78: {  	v30 =	vld [tilespmem:s18+$0xFFFFFF30];
	v19 =	vadd.f32 v21, v19;
	v21 =	vshll.u32 v32, $0x10;
	v17 =	vadd.f32 v31, v17  }
0x79: {  	v31 =	vld [tilespmem:s18+$0xC0];
	v32 =	vand.u32 $0xFFFF0000, v32;
	v16 =	vadd.f32 v21, v16;
	v21 =	vshll.u32 v24, $0x10  }
0x7a: {  	v27 =	vld.idx.msk [tilespmem:v27+s13+$0x0], $0xffff;
	v18 =	vadd.f32 v32, v18;
	v59 =	vadd.f32 v21, v20;
	v20 =	vand.u32 $0xFFFF0000, v24  }
0x7b: {  	v61 =	vld.idx.msk [tilespmem:v22+s13+$0x0], $0xffff;
	v60 =	vadd.f32 v20, v15;
	v15 =	vshll.u32 v56, $0x10;
	v20 =	vand.u32 $0xFFFF0000, v56  }
0x7c: {  	v16 =	vadd.f32 v15, v16;
	v63 =	vadd.f32 v20, v18;
	v15 =	vshll.u32 v28, $0x10;
	v20 =	vld.idx.msk [tilespmem:v55+s13+$0x0], $0xffff  }
0x7d: {  	v18 =	vand.u32 $0xFFFF0000, v28;
	v21 =	vadd.f32 v15, v19;
	v15 =	vshll.u32 v29, $0x10;
	v19 =	vld.idx.msk [tilespmem:v23+s13+$0x0], $0xffff  }
0x7e: {  	s18 =	simm.s32 $0x1A0A0;
	v24 =	vadd.f32 v18, v17;
	v17 =	vshll.u32 v26, $0x10;
	v22 =	vadd.f32 v15, v59;
	v15 =	vld.idx.msk [tilespmem:v25+s13+$0x0], $0xffff  }
0x7f: {  	[tilespmem:s18+$0x10] =	vst v14;
	v14 =	vshll.u32 v27, $0x10;
	v27 =	vand.u32 $0xFFFF0000, v27;
	v25 =	vadd.f32 v17, v16;
	v17 =	vld.idx.msk [tilespmem:v58+s13+$0x0], $0xffff  }
0x80: {  	s19 =	simm.s32 $0x1A2A0;
	v28 =	vshll.u32 v61, $0x10;
	v23 =	vand.u32 $0xFFFF0000, v29;
	v26 =	vand.u32 $0xFFFF0000, v26;
	v18 =	vld.idx.msk [tilespmem:v30+s13+$0x0], $0xffff  }
0x81: {  	s21 =	simm.s32 $0x4B0;
	s22 =	simm.s32 $0x0;
	s20 =	simm.s32 $0x0;
	[tilespmem:s19+$0x10] =	vst v13;
	v29 =	vand.u32 $0xFFFF0000, v61;
	v23 =	vadd.f32 v23, v60;
	v26 =	vadd.f32 v26, v63;
	v16 =	vld.idx.msk [tilespmem:v31+s13+$0x0], $0xffff  }
.LBB2_2:
0x82: {  	v30 =	vld [tilespmem:s21+$0xC8];
	v31 =	vshll.u32 v20, $0x10;
	v21 =	vadd.f32 v14, v21;
	v24 =	vadd.f32 v27, v24  }
0x83: {  	s20 =	sadd.s32 $0x4, s20;
	v20 =	vand.u32 $0xFFFF0000, v20;
	v22 =	vadd.f32 v28, v22;
	v23 =	vadd.f32 v29, v23;
	v13 =	vld [tilespmem:s21+$0xFFFFFF38]  }
0x84: {  	v28 =	vshll.u32 v19, $0x10;
	v19 =	vand.u32 $0xFFFF0000, v19;
	p0 =	slt.u32 s20, $0x1C;
	v29 =	vshll.u32 v15, $0x10;
	v27 =	vld [tilespmem:s21+$0xD8]  }
0x85: {  	v25 =	vadd.f32 v31, v25;
	v20 =	vadd.f32 v20, v26;
	v26 =	vand.u32 $0xFFFF0000, v15;
	v14 =	vld [tilespmem:s21+$0x0]  }
0x86: {  	v32 =	vshll.u32 v18, $0x10;
	v21 =	vadd.f32 v28, v21;
	v19 =	vadd.f32 v19, v24;
	v31 =	vld [tilespmem:s21+$0xE8]  }
0x87: {  	v18 =	vand.u32 $0xFFFF0000, v18;
	v22 =	vadd.f32 v29, v22;
	v23 =	vadd.f32 v26, v23;
	v15 =	vld [tilespmem:s21+$0xFFFFFE70]  }
0x88: {  	v26 =	vshll.u32 v17, $0x10;
	v17 =	vand.u32 $0xFFFF0000, v17;
	v28 =	vshll.u32 v16, $0x10;
	v24 =	vld [tilespmem:s21+$0xF8]  }
0x89: {  	v32 =	vnsel vm0, $0x0, v32;
	v18 =	vnsel vm0, $0x0, v18;
	v16 =	vand.u32 $0xFFFF0000, v16;
	v29 =	vld [tilespmem:s21+$0x108]  }
0x8a: {  	v26 =	vnsel vm0, $0x0, v26;
	v17 =	vnsel vm0, $0x0, v17;
	v28 =	vnsel vm0, $0x0, v28;
	v30 =	vld.idx.msk [tilespmem:v30+s13+$0x0], $0xffff  }
0x8b: {  	v25 =	vadd.f32 v32, v25;
	v18 =	vadd.f32 v18, v20;
	v16 =	vnsel vm0, $0x0, v16;
	v33 =	vld [tilespmem:s21+$0x118]  }
0x8c: {  	v21 =	vadd.f32 v26, v21;
	v17 =	vadd.f32 v17, v19;
	v20 =	vld.idx.msk [tilespmem:v27+s13+$0x0], $0xffff  }
0x8d: {  	v22 =	vadd.f32 v28, v22;
	v16 =	vadd.f32 v16, v23;
	v19 =	vld [tilespmem:s21+$0x128];
	[tilespmem:s18+$0xFFFFFFE0] =	vst v25  }
0x8e: {  	s22 =	sadd.s32 $0x320, s22;
	v23 =	vld.idx.msk [tilespmem:v31+s13+$0x0], $0xffff;
	[tilespmem:s19+$0xFFFFFFE0] =	vst v18  }
0x8f: {  	s23 =	sadd.s32 $0xC8, s22;
	s25 =	sadd.s32 $0x190, s22;
	s26 =	sadd.s32 $0x258, s22;
	v18 =	vld [tilespmem:s21+$0x138];
	[tilespmem:s18+$0xFFFFFFF0] =	vst v21  }
0x90: {  	s24 =	sand.u32 $0x1FE8, s23;
	s23 =	sand.u32 $0x1FF0, s25;
	s26 =	sand.u32 $0x1FF8, s26;
	v21 =	vshll.u32 v30, $0x10;
	v24 =	vld.idx.msk [tilespmem:v24+s13+$0x0], $0xffff;
	[tilespmem:s19+$0xFFFFFFF0] =	vst v17  }
0x91: {  	s25 =	sand.u32 $0x1FE0, s22;
	v17 =	vand.u32 $0xFFFF0000, v30;
	v21 =	vadd.f32 $0.0e+00, v21;
	v25 =	vld [tilespmem:s26+$0x80];
	[tilespmem:s18+$0x0] =	vst v22  }
0x92: {  	v17 =	vadd.f32 $0.0e+00, v17;
	v22 =	vshll.u32 v20, $0x10;
	v26 =	vld.idx.msk [tilespmem:v29+s13+$0x0], $0xffff;
	[tilespmem:s19+$0x0] =	vst v16  }
0x93: {  	v16 =	vand.u32 $0xFFFF0000, v20;
	v20 =	vadd.f32 v22, v21;
	v21 =	vld [tilespmem:s21+$0x158]  }
0x94: {  	v16 =	vadd.f32 v16, v17;
	v17 =	vshll.u32 v23, $0x10;
	v22 =	vld.idx.msk [tilespmem:v33+s13+$0x0], $0xffff  }
0x95: {  	v23 =	vand.u32 $0xFFFF0000, v23;
	v17 =	vadd.f32 v17, v20;
	v20 =	vld [tilespmem:s21+$0x168]  }
0x96: {  	v16 =	vadd.f32 v23, v16;
	v23 =	vshll.u32 v24, $0x10;
	v19 =	vld.idx.msk [tilespmem:v19+s13+$0x0], $0xffff  }
0x97: {  	v24 =	vand.u32 $0xFFFF0000, v24;
	v17 =	vadd.f32 v23, v17;
	v23 =	vld [tilespmem:s21+$0x178]  }
0x98: {  	v16 =	vadd.f32 v24, v16;
	v24 =	vshll.u32 v26, $0x10;
	v18 =	vld.idx.msk [tilespmem:v18+s13+$0x0], $0xffff  }
0x99: {  	v26 =	vand.u32 $0xFFFF0000, v26;
	v17 =	vadd.f32 v24, v17;
	v24 =	vld [tilespmem:s21+$0x188]  }
0x9a: {  	v16 =	vadd.f32 v26, v16;
	v26 =	vshll.u32 v22, $0x10;
	v25 =	vld.idx.msk [tilespmem:v25+s13+$0x0], $0xffff  }
0x9b: {  	v22 =	vand.u32 $0xFFFF0000, v22;
	v17 =	vadd.f32 v26, v17;
	v27 =	vld [tilespmem:s21+$0xFFFFFE80]  }
0x9c: {  	v16 =	vadd.f32 v22, v16;
	v22 =	vshll.u32 v19, $0x10;
	v21 =	vld.idx.msk [tilespmem:v21+s13+$0x0], $0xffff  }
0x9d: {  	v19 =	vand.u32 $0xFFFF0000, v19;
	v17 =	vadd.f32 v22, v17;
	v26 =	vld [tilespmem:s21+$0xFFFFFF48]  }
0x9e: {  	v16 =	vadd.f32 v19, v16;
	v19 =	vshll.u32 v18, $0x10;
	v20 =	vld.idx.msk [tilespmem:v20+s13+$0x0], $0xffff  }
0x9f: {  	v18 =	vand.u32 $0xFFFF0000, v18;
	v17 =	vadd.f32 v19, v17;
	v22 =	vld [tilespmem:s21+$0x10]  }
0xa0: {  	v16 =	vadd.f32 v18, v16;
	v18 =	vshll.u32 v25, $0x10;
	v19 =	vld.idx.msk [tilespmem:v23+s13+$0x0], $0xffff  }
0xa1: {  	v23 =	vand.u32 $0xFFFF0000, v25;
	v17 =	vadd.f32 v18, v17;
	v18 =	vld.idx.msk [tilespmem:v24+s13+$0x0], $0xffff  }
0xa2: {  	v16 =	vadd.f32 v23, v16;
	v23 =	vshll.u32 v21, $0x10;
	v24 =	vld [tilespmem:s21+$0xFFFFFE90]  }
0xa3: {  	v21 =	vand.u32 $0xFFFF0000, v21;
	v17 =	vadd.f32 v23, v17;
	v25 =	vld [tilespmem:s21+$0xFFFFFF58]  }
0xa4: {  	v16 =	vadd.f32 v21, v16;
	v21 =	vshll.u32 v20, $0x10;
	v23 =	vld [tilespmem:s21+$0x20]  }
0xa5: {  	v20 =	vand.u32 $0xFFFF0000, v20;
	v17 =	vadd.f32 v21, v17;
	v15 =	vld.idx.msk [tilespmem:v15+s13+$0x0], $0xffff  }
0xa6: {  	v16 =	vadd.f32 v20, v16;
	v20 =	vshll.u32 v19, $0x10;
	v13 =	vld.idx.msk [tilespmem:v13+s13+$0x0], $0xffff  }
0xa7: {  	v19 =	vand.u32 $0xFFFF0000, v19;
	v17 =	vadd.f32 v20, v17;
	v20 =	vshll.u32 v18, $0x10;
	v14 =	vld.idx.msk [tilespmem:v14+s13+$0x0], $0xffff  }
0xa8: {  	v18 =	vand.u32 $0xFFFF0000, v18;
	v16 =	vadd.f32 v19, v16;
	v19 =	vnsel vm0, $0x0, v20;
	v21 =	vld [tilespmem:s21+$0xFFFFFEA0]  }
0xa9: {  	v18 =	vnsel vm0, $0x0, v18;
	v17 =	vadd.f32 v19, v17;
	v20 =	vld [tilespmem:s21+$0xFFFFFF68]  }
0xaa: {  	s18 =	sadd.s32 $0x40, s18;
	v16 =	vadd.f32 v18, v16;
	v19 =	vld [tilespmem:s21+$0x30]  }
0xab: {  	s19 =	sadd.s32 $0x40, s19;
	v18 =	vshll.u32 v15, $0x10;
	v15 =	vand.u32 $0xFFFF0000, v15;
	v27 =	vld.idx.msk [tilespmem:v27+s13+$0x0], $0xffff;
	[tilespmem:s18+$0x10] =	vst v17  }
0xac: {  	v17 =	vadd.f32 $0.0e+00, v18;
	v18 =	vshll.u32 v13, $0x10;
	v13 =	vand.u32 $0xFFFF0000, v13;
	v26 =	vld.idx.msk [tilespmem:v26+s13+$0x0], $0xffff;
	[tilespmem:s19+$0x10] =	vst v16  }
0xad: {  	v15 =	vadd.f32 $0.0e+00, v15;
	v16 =	vshll.u32 v14, $0x10;
	v14 =	vand.u32 $0xFFFF0000, v14;
	v22 =	vld.idx.msk [tilespmem:v22+s13+$0x0], $0xffff  }
0xae: {  	v18 =	vadd.f32 $0.0e+00, v18;
	v13 =	vadd.f32 $0.0e+00, v13;
	v28 =	vld [tilespmem:s21+$0xFFFFFEB0]  }
0xaf: {  	v16 =	vadd.f32 $0.0e+00, v16;
	v14 =	vadd.f32 $0.0e+00, v14;
	v29 =	vld [tilespmem:s21+$0xFFFFFF78]  }
0xb0: {  	v30 =	vld [tilespmem:s21+$0x40]  }
0xb1: {  	v31 =	vshll.u32 v27, $0x10;
	v27 =	vand.u32 $0xFFFF0000, v27;
	v24 =	vld.idx.msk [tilespmem:v24+s13+$0x0], $0xffff  }
0xb2: {  	v17 =	vadd.f32 v31, v17;
	v31 =	vshll.u32 v26, $0x10;
	v26 =	vand.u32 $0xFFFF0000, v26;
	v25 =	vld.idx.msk [tilespmem:v25+s13+$0x0], $0xffff  }
0xb3: {  	v15 =	vadd.f32 v27, v15;
	v27 =	vshll.u32 v22, $0x10;
	v22 =	vand.u32 $0xFFFF0000, v22;
	v23 =	vld.idx.msk [tilespmem:v23+s13+$0x0], $0xffff  }
0xb4: {  	v18 =	vadd.f32 v31, v18;
	v13 =	vadd.f32 v26, v13;
	v32 =	vld [tilespmem:s21+$0xFFFFFEC0]  }
0xb5: {  	v16 =	vadd.f32 v27, v16;
	v14 =	vadd.f32 v22, v14;
	v26 =	vld [tilespmem:s21+$0xFFFFFF88]  }
0xb6: {  	v22 =	vld [tilespmem:s21+$0x50]  }
0xb7: {  	v27 =	vshll.u32 v24, $0x10;
	v24 =	vand.u32 $0xFFFF0000, v24;
	v21 =	vld.idx.msk [tilespmem:v21+s13+$0x0], $0xffff  }
0xb8: {  	v17 =	vadd.f32 v27, v17;
	v27 =	vshll.u32 v25, $0x10;
	v25 =	vand.u32 $0xFFFF0000, v25;
	v20 =	vld.idx.msk [tilespmem:v20+s13+$0x0], $0xffff  }
0xb9: {  	v15 =	vadd.f32 v24, v15;
	v24 =	vshll.u32 v23, $0x10;
	v23 =	vand.u32 $0xFFFF0000, v23;
	v19 =	vld.idx.msk [tilespmem:v19+s13+$0x0], $0xffff  }
0xba: {  	v18 =	vadd.f32 v27, v18;
	v13 =	vadd.f32 v25, v13;
	v31 =	vld [tilespmem:s21+$0xFFFFFED0]  }
0xbb: {  	v16 =	vadd.f32 v24, v16;
	v14 =	vadd.f32 v23, v14;
	v25 =	vld [tilespmem:s21+$0xFFFFFF98]  }
0xbc: {  	v23 =	vld [tilespmem:s21+$0x60]  }
0xbd: {  	v24 =	vshll.u32 v21, $0x10;
	v21 =	vand.u32 $0xFFFF0000, v21;
	v27 =	vld.idx.msk [tilespmem:v28+s13+$0x0], $0xffff  }
0xbe: {  	v17 =	vadd.f32 v24, v17;
	v24 =	vshll.u32 v20, $0x10;
	v20 =	vand.u32 $0xFFFF0000, v20;
	v28 =	vld.idx.msk [tilespmem:v29+s13+$0x0], $0xffff  }
0xbf: {  	v15 =	vadd.f32 v21, v15;
	v21 =	vshll.u32 v19, $0x10;
	v19 =	vand.u32 $0xFFFF0000, v19;
	v29 =	vld.idx.msk [tilespmem:v30+s13+$0x0], $0xffff  }
0xc0: {  	v18 =	vadd.f32 v24, v18;
	v13 =	vadd.f32 v20, v13;
	v30 =	vld [tilespmem:s21+$0xFFFFFEE0]  }
0xc1: {  	v16 =	vadd.f32 v21, v16;
	v14 =	vadd.f32 v19, v14;
	v20 =	vld [tilespmem:s21+$0xFFFFFFA8]  }
0xc2: {  	v19 =	vld [tilespmem:s21+$0x70]  }
0xc3: {  	v21 =	vshll.u32 v27, $0x10;
	v24 =	vand.u32 $0xFFFF0000, v27;
	v27 =	vld.idx.msk [tilespmem:v32+s13+$0x0], $0xffff  }
0xc4: {  	v17 =	vadd.f32 v21, v17;
	v21 =	vshll.u32 v28, $0x10;
	v28 =	vand.u32 $0xFFFF0000, v28;
	v26 =	vld.idx.msk [tilespmem:v26+s13+$0x0], $0xffff  }
0xc5: {  	v15 =	vadd.f32 v24, v15;
	v24 =	vshll.u32 v29, $0x10;
	v29 =	vand.u32 $0xFFFF0000, v29;
	v22 =	vld.idx.msk [tilespmem:v22+s13+$0x0], $0xffff  }
0xc6: {  	v18 =	vadd.f32 v21, v18;
	v13 =	vadd.f32 v28, v13;
	v21 =	vld [tilespmem:s24+$0x80]  }
0xc7: {  	v16 =	vadd.f32 v24, v16;
	v14 =	vadd.f32 v29, v14;
	v24 =	vld [tilespmem:s23+$0x80]  }
0xc8: {  	v28 =	vld [tilespmem:s25+$0x80]  }
0xc9: {  	v29 =	vshll.u32 v27, $0x10;
	v27 =	vand.u32 $0xFFFF0000, v27;
	v31 =	vld.idx.msk [tilespmem:v31+s13+$0x0], $0xffff  }
0xca: {  	v17 =	vadd.f32 v29, v17;
	v29 =	vshll.u32 v26, $0x10;
	v26 =	vand.u32 $0xFFFF0000, v26;
	v25 =	vld.idx.msk [tilespmem:v25+s13+$0x0], $0xffff  }
0xcb: {  	v15 =	vadd.f32 v27, v15;
	v27 =	vshll.u32 v22, $0x10;
	v22 =	vand.u32 $0xFFFF0000, v22;
	v23 =	vld.idx.msk [tilespmem:v23+s13+$0x0], $0xffff  }
0xcc: {  	v18 =	vadd.f32 v29, v18;
	v13 =	vadd.f32 v26, v13;
	v32 =	vld [tilespmem:s21+$0xFFFFFF00]  }
0xcd: {  	v16 =	vadd.f32 v27, v16;
	v14 =	vadd.f32 v22, v14;
	v26 =	vld [tilespmem:s21+$0xFFFFFFC8]  }
0xce: {  	v22 =	vld [tilespmem:s21+$0x90]  }
0xcf: {  	v27 =	vshll.u32 v31, $0x10;
	v29 =	vand.u32 $0xFFFF0000, v31;
	v30 =	vld.idx.msk [tilespmem:v30+s13+$0x0], $0xffff  }
0xd0: {  	v17 =	vadd.f32 v27, v17;
	v27 =	vshll.u32 v25, $0x10;
	v25 =	vand.u32 $0xFFFF0000, v25;
	v20 =	vld.idx.msk [tilespmem:v20+s13+$0x0], $0xffff  }
0xd1: {  	v15 =	vadd.f32 v29, v15;
	v29 =	vshll.u32 v23, $0x10;
	v23 =	vand.u32 $0xFFFF0000, v23;
	v19 =	vld.idx.msk [tilespmem:v19+s13+$0x0], $0xffff  }
0xd2: {  	v18 =	vadd.f32 v27, v18;
	v13 =	vadd.f32 v25, v13;
	v31 =	vld [tilespmem:s21+$0xFFFFFF10]  }
0xd3: {  	v16 =	vadd.f32 v29, v16;
	v14 =	vadd.f32 v23, v14;
	v25 =	vld [tilespmem:s21+$0xFFFFFFD8]  }
0xd4: {  	v23 =	vld [tilespmem:s21+$0xA0]  }
0xd5: {  	v27 =	vshll.u32 v30, $0x10;
	v29 =	vand.u32 $0xFFFF0000, v30;
	v21 =	vld.idx.msk [tilespmem:v21+s13+$0x0], $0xffff  }
0xd6: {  	v17 =	vadd.f32 v27, v17;
	v27 =	vshll.u32 v20, $0x10;
	v20 =	vand.u32 $0xFFFF0000, v20;
	v24 =	vld.idx.msk [tilespmem:v24+s13+$0x0], $0xffff  }
0xd7: {  	v15 =	vadd.f32 v29, v15;
	v29 =	vshll.u32 v19, $0x10;
	v19 =	vand.u32 $0xFFFF0000, v19;
	v28 =	vld.idx.msk [tilespmem:v28+s13+$0x0], $0xffff  }
0xd8: {  	v18 =	vadd.f32 v27, v18;
	v13 =	vadd.f32 v20, v13;
	v30 =	vld [tilespmem:s21+$0xFFFFFF20]  }
0xd9: {  	v16 =	vadd.f32 v29, v16;
	v14 =	vadd.f32 v19, v14;
	v27 =	vld [tilespmem:s21+$0xFFFFFFE8]  }
0xda: {  	v29 =	vld [tilespmem:s21+$0xB0]  }
0xdb: {  	v20 =	vshll.u32 v21, $0x10;
	v21 =	vand.u32 $0xFFFF0000, v21;
	v19 =	vld.idx.msk [tilespmem:v32+s13+$0x0], $0xffff  }
0xdc: {  	v18 =	vadd.f32 v20, v18;
	v20 =	vld.idx.msk [tilespmem:v26+s13+$0x0], $0xffff;
	v26 =	vshll.u32 v24, $0x10;
	v24 =	vand.u32 $0xFFFF0000, v24  }
0xdd: {  	v13 =	vadd.f32 v21, v13;
	v32 =	vshll.u32 v28, $0x10;
	v28 =	vand.u32 $0xFFFF0000, v28;
	v21 =	vld.idx.msk [tilespmem:v22+s13+$0x0], $0xffff  }
0xde: {  	v17 =	vadd.f32 v32, v17;
	v15 =	vadd.f32 v28, v15;
	v28 =	vld [tilespmem:s21+$0xFFFFFF30]  }
0xdf: {  	v16 =	vadd.f32 v26, v16;
	v14 =	vadd.f32 v24, v14;
	v32 =	vld [tilespmem:s21+$0xFFFFFFF8]  }
0xe0: {  	v33 =	vld [tilespmem:s21+$0xC0]  }
0xe1: {  	v22 =	vshll.u32 v19, $0x10;
	v19 =	vand.u32 $0xFFFF0000, v19;
	v26 =	vld.idx.msk [tilespmem:v31+s13+$0x0], $0xffff  }
0xe2: {  	v17 =	vadd.f32 v22, v17;
	v22 =	vshll.u32 v20, $0x10;
	v24 =	vand.u32 $0xFFFF0000, v20;
	v31 =	vld.idx.msk [tilespmem:v25+s13+$0x0], $0xffff  }
0xe3: {  	v34 =	vadd.f32 v19, v15;
	v15 =	vshll.u32 v21, $0x10;
	v25 =	vand.u32 $0xFFFF0000, v21;
	v35 =	vld.idx.msk [tilespmem:v23+s13+$0x0], $0xffff  }
0xe4: {  	v21 =	vadd.f32 v22, v18;
	v24 =	vadd.f32 v24, v13;
	v20 =	vld.idx.msk [tilespmem:v30+s13+$0x0], $0xffff  }
.Ltmp0:
0xe5: {  	v22 =	vadd.f32 v15, v16;
	v23 =	vadd.f32 v25, v14;
	v19 =	vld.idx.msk [tilespmem:v27+s13+$0x0], $0xffff;
	(pc) =	sbr.rel @p0 .LBB2_2-.Ltmp0, $4  }
0xe6: {  	v15 =	vld.idx.msk [tilespmem:v29+s13+$0x0], $0xffff  }
0xe7: {  	v13 =	vshll.u32 v26, $0x10;
	v16 =	vand.u32 $0xFFFF0000, v26;
	v18 =	vld.idx.msk [tilespmem:v28+s13+$0x0], $0xffff  }
0xe8: {  	v25 =	vadd.f32 v13, v17;
	v14 =	vshll.u32 v31, $0x10;
	v27 =	vand.u32 $0xFFFF0000, v31;
	v17 =	vld.idx.msk [tilespmem:v32+s13+$0x0], $0xffff  }
0xe9: {  	s21 =	sadd.s32 $0x320, s21;
	v26 =	vadd.f32 v16, v34;
	v28 =	vshll.u32 v35, $0x10;
	v29 =	vand.u32 $0xFFFF0000, v35;
	v16 =	vld.idx.msk [tilespmem:v33+s13+$0x0], $0xffff  }
0xea: {  	v13 =	vshll.u32 v20, $0x10  }
0xeb: {  	v14 =	vadd.f32 v14, v21;
	v21 =	vadd.f32 v27, v24;
	v20 =	vand.u32 $0xFFFF0000, v20  }
0xec: {  	v22 =	vadd.f32 v28, v22;
	v23 =	vadd.f32 v29, v23;
	v24 =	vshll.u32 v19, $0x10  }
0xed: {  	v19 =	vand.u32 $0xFFFF0000, v19;
	v27 =	vshll.u32 v15, $0x10;
	v13 =	vadd.f32 v13, v25  }
0xee: {  	v20 =	vadd.f32 v20, v26;
	v15 =	vand.u32 $0xFFFF0000, v15;
	v25 =	vshll.u32 v18, $0x10  }
0xef: {  	v14 =	vadd.f32 v24, v14;
	v19 =	vadd.f32 v19, v21;
	v18 =	vand.u32 $0xFFFF0000, v18  }
0xf0: {  	v21 =	vadd.f32 v27, v22;
	v15 =	vadd.f32 v15, v23;
	v22 =	vnsel vm0, $0x0, v25  }
0xf1: {  	v23 =	vshll.u32 v17, $0x10;
	v18 =	vnsel vm0, $0x0, v18;
	v13 =	vadd.f32 v22, v13  }
0xf2: {  	v17 =	vand.u32 $0xFFFF0000, v17;
	v22 =	vnsel vm0, $0x0, v23;
	v18 =	vadd.f32 v18, v20  }
0xf3: {  	v20 =	vshll.u32 v16, $0x10;
	v17 =	vnsel vm0, $0x0, v17;
	v14 =	vadd.f32 v22, v14;
	[tilespmem:s18+$0xFFFFFFE0] =	vst v13  }
0xf4: {  	v17 =	vadd.f32 v17, v19;
	v13 =	vand.u32 $0xFFFF0000, v16;
	v16 =	vnsel vm0, $0x0, v20;
	[tilespmem:s19+$0xFFFFFFE0] =	vst v18  }
0xf5: {  	v13 =	vnsel vm0, $0x0, v13;
	v16 =	vadd.f32 v16, v21;
	[tilespmem:s18+$0xFFFFFFF0] =	vst v14  }
0xf6: {  	v13 =	vadd.f32 v13, v15;
	[tilespmem:s19+$0xFFFFFFF0] =	vst v17  }
0xf7: {  	[tilespmem:s18+$0x0] =	vst v16  }
0xf8: {  	[tilespmem:s19+$0x0] =	vst v13  }
0xf9: {  	v16 =	vld.idx.msk [tilespmem:v1+s14+$0x0], $0xffff  }
0xfa: {  	v17 =	vld.idx.msk [tilespmem:v1+s15+$0x0], $0xffff  }
0xfb: {  	v0 =	vld [tilespmem:$0x1FFF0]  }
0xfc: {  	v19 =	vld.idx.msk [tilespmem:v4+s14+$0x0], $0xffff  }
0xfd: {  	v22 =	vld.idx.msk [tilespmem:v4+s15+$0x0], $0xffff  }
0xfe: {  	v20 =	vld.idx.msk [tilespmem:v5+s14+$0x0], $0xffff  }
0xff: {  	v23 =	vld.idx.msk [tilespmem:v5+s15+$0x0], $0xffff  }
0x100: {  	v25 =	vld.idx.msk [tilespmem:v6+s14+$0x0], $0xffff  }
0x101: {  	v32 =	vld.idx.msk [tilespmem:v6+s15+$0x0], $0xffff  }
0x102: {  	v27 =	vld.idx.msk [tilespmem:v7+s14+$0x0], $0xffff  }
0x103: {  	v35 =	vld.idx.msk [tilespmem:v7+s15+$0x0], $0xffff  }
0x104: {  	v36 =	vld.idx.msk [tilespmem:v8+s14+$0x0], $0xffff  }
0x105: {  	v37 =	vld.idx.msk [tilespmem:v8+s15+$0x0], $0xffff  }
0x106: {  	v38 =	vld.idx.msk [tilespmem:v9+s14+$0x0], $0xffff  }
0x107: {  	v39 =	vld.idx.msk [tilespmem:v9+s15+$0x0], $0xffff  }
0x108: {  	v40 =	vld.idx.msk [tilespmem:v10+s14+$0x0], $0xffff  }
0x109: {  	v33 =	vor.u32 $0xB, v1;
	v41 =	vld.idx.msk [tilespmem:v10+s15+$0x0], $0xffff  }
0x10a: {  	v42 =	vld.idx.msk [tilespmem:v11+s14+$0x0], $0xffff  }
0x10b: {  	v34 =	vor.u32 $0xC, v1;
	v43 =	vld.idx.msk [tilespmem:v11+s15+$0x0], $0xffff  }
0x10c: {  	v44 =	vld.idx.msk [tilespmem:v12+s14+$0x0], $0xffff  }
0x10d: {  	v29 =	vor.u32 $0x100, v1;
	v45 =	vld.idx.msk [tilespmem:v12+s15+$0x0], $0xffff  }
0x10e: {  	v30 =	vor.u32 $0x101, v1;
	v46 =	vld.idx.msk [tilespmem:v33+s14+$0x0], $0xffff  }
0x10f: {  	v31 =	vor.u32 $0x102, v1;
	v47 =	vld.idx.msk [tilespmem:v33+s15+$0x0], $0xffff  }
0x110: {  	v48 =	vld.idx.msk [tilespmem:v34+s14+$0x0], $0xffff  }
0x111: {  	v28 =	vor.u32 $0x103, v1;
	v49 =	vld.idx.msk [tilespmem:v34+s15+$0x0], $0xffff  }
0x112: {  	v24 =	vld.idx.msk [tilespmem:v29+s14+$0x0], $0xffff  }
0x113: {  	v51 =	vld.idx.msk [tilespmem:v30+s14+$0x0], $0xffff  }
0x114: {  	v53 =	vld.idx.msk [tilespmem:v31+s14+$0x0], $0xffff  }
0x115: {  	v18 =	vld.idx.msk [tilespmem:v0+s14+$0x0], $0xffff  }
0x116: {  	v14 =	vor.u32 $0xE, v1;
	v56 =	vld.idx.msk [tilespmem:v28+s14+$0x0], $0xffff  }
0x117: {  	v26 =	vor.u32 $0x104, v1;
	v57 =	vld.idx.msk [tilespmem:v29+s15+$0x0], $0xffff  }
0x118: {  	v58 =	vld.idx.msk [tilespmem:v30+s15+$0x0], $0xffff;
	v16 =	vadd.f32 $0.0e+00, v16  }
0x119: {  	v59 =	vld.idx.msk [tilespmem:v31+s15+$0x0], $0xffff;
	v55 =	vadd.f32 $0.0e+00, v24;
	v24 =	vor.u32 $0x105, v1  }
0x11a: {  	v15 =	vor.u32 $0xD, v1;
	v60 =	vld.idx.msk [tilespmem:v28+s15+$0x0], $0xffff;
	v16 =	vadd.f32 v18, v16  }
0x11b: {  	v52 =	vld.idx.msk [tilespmem:v14+s14+$0x0], $0xffff;
	v51 =	vadd.f32 v51, v55;
	v18 =	vor.u32 $0x106, v1  }
0x11c: {  	v13 =	vor.u32 $0xF, v1;
	v55 =	vld.idx.msk [tilespmem:v26+s14+$0x0], $0xffff;
	v16 =	vadd.f32 v19, v16  }
0x11d: {  	v21 =	vld.idx.msk [tilespmem:v0+s15+$0x0], $0xffff;
	v51 =	vadd.f32 v53, v51;
	v19 =	vor.u32 $0x107, v1  }
0x11e: {  	v53 =	vld.idx.msk [tilespmem:v24+s14+$0x0], $0xffff;
	v20 =	vadd.f32 v20, v16  }
0x11f: {  	v50 =	vld.idx.msk [tilespmem:v15+s14+$0x0], $0xffff;
	v51 =	vadd.f32 v56, v51;
	v16 =	vor.u32 $0x108, v1  }
0x120: {  	v17 =	vadd.f32 $0.0e+00, v17;
	v56 =	vld.idx.msk [tilespmem:v18+s14+$0x0], $0xffff;
	v25 =	vadd.f32 v25, v20  }
0x121: {  	v54 =	vld.idx.msk [tilespmem:v13+s14+$0x0], $0xffff;
	v57 =	vadd.f32 $0.0e+00, v57;
	v51 =	vadd.f32 v55, v51;
	v20 =	vor.u32 $0x109, v1  }
0x122: {  	v17 =	vadd.f32 v21, v17;
	v55 =	vld.idx.msk [tilespmem:v19+s14+$0x0], $0xffff;
	v21 =	vadd.f32 v27, v25  }
0x123: {  	v51 =	vadd.f32 v53, v51;
	v27 =	vadd.f32 v58, v57;
	v57 =	vld.idx.msk [tilespmem:v26+s15+$0x0], $0xffff;
	v25 =	vor.u32 $0x10A, v1  }
0x124: {  	v17 =	vadd.f32 v22, v17;
	v22 =	vld.idx.msk [tilespmem:v16+s14+$0x0], $0xffff;
	v21 =	vadd.f32 v36, v21  }
0x125: {  	v63 =	vld.idx.msk [tilespmem:v24+s15+$0x0], $0xffff;
	v61 =	vadd.f32 v59, v27;
	v51 =	vadd.f32 v56, v51;
	v27 =	vor.u32 $0x10B, v1  }
0x126: {  	v23 =	vadd.f32 v23, v17;
	v17 =	vor.u32 $0x10C, v1;
	v21 =	vadd.f32 v38, v21;
	v38 =	vld.idx.msk [tilespmem:v20+s14+$0x0], $0xffff  }
0x127: {  	v56 =	vld.idx.msk [tilespmem:v18+s15+$0x0], $0xffff;
	v36 =	vadd.f32 v60, v61;
	v51 =	vadd.f32 v55, v51  }
0x128: {  	v23 =	vadd.f32 v32, v23;
	v59 =	vld.idx.msk [tilespmem:v25+s14+$0x0], $0xffff;
	v58 =	vadd.f32 v40, v21  }
0x129: {  	v60 =	vld.idx.msk [tilespmem:v19+s15+$0x0], $0xffff;
	v36 =	vadd.f32 v57, v36;
	v22 =	vadd.f32 v22, v51;
	v21 =	vor.u32 $0x10D, v1  }
0x12a: {  	v23 =	vadd.f32 v35, v23;
	v61 =	vld.idx.msk [tilespmem:v27+s14+$0x0], $0xffff;
	v32 =	vadd.f32 v42, v58  }
0x12b: {  	v57 =	vld.idx.msk [tilespmem:v17+s14+$0x0], $0xffff;
	v36 =	vadd.f32 v63, v36;
	v38 =	vadd.f32 v38, v22;
	v22 =	vor.u32 $0x10E, v1  }
0x12c: {  	v37 =	vadd.f32 v37, v23;
	v63 =	vld.idx.msk [tilespmem:v16+s15+$0x0], $0xffff;
	v32 =	vadd.f32 v44, v32  }
0x12d: {  	v23 =	vor.u32 $0x10F, v1;
	v58 =	vld.idx.msk [tilespmem:v20+s15+$0x0], $0xffff;
	v36 =	vadd.f32 v56, v36;
	v38 =	vadd.f32 v59, v38  }
0x12e: {  	v37 =	vadd.f32 v39, v37;
	v59 =	vld.idx.msk [tilespmem:v21+s14+$0x0], $0xffff;
	v32 =	vadd.f32 v46, v32  }
0x12f: {  	v36 =	vadd.f32 v60, v36;
	v60 =	vld.idx.msk [tilespmem:v25+s15+$0x0], $0xffff;
	v35 =	vadd.f32 v61, v38  }
0x130: {  	v37 =	vadd.f32 v41, v37;
	v32 =	vadd.f32 v48, v32;
	v61 =	vld.idx.msk [tilespmem:v22+s14+$0x0], $0xffff  }
0x131: {  	v36 =	vadd.f32 v63, v36;
	v63 =	vld.idx.msk [tilespmem:v27+s15+$0x0], $0xffff;
	v35 =	vadd.f32 v57, v35  }
0x132: {  	v37 =	vadd.f32 v43, v37;
	v48 =	vld.idx.msk [tilespmem:v23+s14+$0x0], $0xffff;
	v32 =	vadd.f32 v50, v32  }
0x133: {  	v53 =	vld.idx.msk [tilespmem:v17+s15+$0x0], $0xffff;
	v36 =	vadd.f32 v58, v36;
	v35 =	vadd.f32 v59, v35  }
0x134: {  	v55 =	vld [tilespmem:$0x1E480];
	v37 =	vadd.f32 v45, v37;
	v32 =	vadd.f32 v52, v32  }
0x135: {  	v0 =	vlaneseq.u32;
	v50 =	vld.idx.msk [tilespmem:v15+s15+$0x0], $0xffff;
	v36 =	vadd.f32 v60, v36;
	v35 =	vadd.f32 v61, v35  }
0x136: {  	v37 =	vadd.f32 v47, v37;
	v57 =	vld.idx.msk [tilespmem:v21+s15+$0x0], $0xffff;
	v56 =	vadd.f32 v54, v32;
	v32 =	vmul.u32 $0x80, v0  }
0x137: {  	v58 =	vld.idx.msk [tilespmem:v14+s15+$0x0], $0xffff;
	v36 =	vadd.f32 v63, v36;
	v35 =	vadd.f32 v48, v35  }
0x138: {  	v37 =	vadd.f32 v49, v37;
	v59 =	vld.idx.msk [tilespmem:v22+s15+$0x0], $0xffff;
	v38 =	vmul.f32 $4.999999890e-03, v56;
	v60 =	vor.u32 $0x800, v32  }
0x139: {  	v61 =	vld.idx.msk [tilespmem:v13+s15+$0x0], $0xffff;
	v36 =	vadd.f32 v53, v36;
	v35 =	vmul.f32 $4.999999890e-03, v35  }
0x13a: {  	v63 =	vld.idx.msk [tilespmem:v23+s15+$0x0], $0xffff;
	v37 =	vadd.f32 v50, v37;
	v38 =	vadd.f32 v55, v38  }
0x13b: {  	v36 =	vadd.f32 v57, v36;
	v35 =	vadd.f32 v35, v55  }
0x13c: {  	v37 =	vadd.f32 v58, v37;
	[tilespmem:v32+s16+$0x0] =	vst.idx.msk $0xffff, v38  }
0x13d: {  	v36 =	vadd.f32 v59, v36;
	v38 =	vld [tilespmem:$0x1E490];
	[tilespmem:v60+s16+$0x0] =	vst.idx.msk $0xffff, v35  }
0x13e: {  	v45 =	vadd.f32 v61, v37;
	v46 =	vld [tilespmem:$0x1E490]  }
0x13f: {  	v47 =	vor.u32 $0x1, v32;
	v36 =	vadd.f32 v63, v36  }
0x140: {  	v48 =	vor.u32 $0x801, v32;
	v35 =	vmul.f32 $4.999999890e-03, v45  }
0x141: {  	v36 =	vmul.f32 $4.999999890e-03, v36  }
0x142: {  	v35 =	vadd.f32 v38, v35  }
0x143: {  	v36 =	vadd.f32 v46, v36  }
0x144: {  	[tilespmem:v47+s16+$0x0] =	vst.idx.msk $0xffff, v35  }
0x145: {  	s18 =	simm.s32 $0x0;
	[tilespmem:v48+s16+$0x0] =	vst.idx.msk $0xffff, v36  }
0x146: {  	[tilespmem:s18], [sflag:$0x1] =	stream.linear.gather [hbm4b:s6+s18], $0x1900, $0x38;
	[tilespmem:$0x1E500] =	vst v63  }
0x147: {  	_ =	swait.ge [sflag:s12], $0x1900  }
0x148: {  	[sflag:s12] =	ssyncset.done $0x0  }
0x149: {  	[sflag:s12] =	ssyncadd.s32 $0xFFFFE700  }
0x14a: {  	s29 =	simm.s32 $0x190;
	[tilespmem:$0x1900] =	vst v62  }
0x14b: {  	v49 =	vld [tilespmem:s29+$0xC8]  }
0x14c: {  	v36 =	vld [tilespmem:s29+$0xFFFFFF38]  }
0x14d: {  	v50 =	vld [tilespmem:s29+$0xD8]  }
0x14e: {  	v38 =	vld [tilespmem:s29+$0x0]  }
0x14f: {  	v51 =	vld [tilespmem:s29+$0xE8]  }
0x150: {  	v40 =	vld [tilespmem:s29+$0xFFFFFE70]  }
0x151: {  	v52 =	vld [tilespmem:s29+$0xF8]  }
0x152: {  	v53 =	vld [tilespmem:s29+$0x108]  }
0x153: {  	v54 =	vld [tilespmem:s29+$0x118]  }
0x154: {  	s20 =	simm.s32 $0x258;
	v55 =	vld [tilespmem:s29+$0x128]  }
0x155: {  	s20 =	sand.u32 $0x1FF8, s20;
	v56 =	vld [tilespmem:s29+$0x138]  }
0x156: {  	v57 =	vld [tilespmem:s20+$0x80]  }
0x157: {  	v58 =	vld [tilespmem:s29+$0x158]  }
0x158: {  	v59 =	vld [tilespmem:s29+$0x168]  }
0x159: {  	v60 =	vld [tilespmem:s29+$0x178]  }
0x15a: {  	v61 =	vld [tilespmem:s29+$0x188]  }
0x15b: {  	v62 =	vld [tilespmem:s29+$0xFFFFFF48]  }
0x15c: {  	v35 =	vld.idx.msk [tilespmem:v49+s13+$0x0], $0xffff  }
0x15d: {  	v37 =	vld.idx.msk [tilespmem:v50+s13+$0x0], $0xffff  }
0x15e: {  	v39 =	vld.idx.msk [tilespmem:v51+s13+$0x0], $0xffff  }
0x15f: {  	v41 =	vld.idx.msk [tilespmem:v52+s13+$0x0], $0xffff  }
0x160: {  	v42 =	vld.idx.msk [tilespmem:v53+s13+$0x0], $0xffff  }
0x161: {  	v43 =	vld.idx.msk [tilespmem:v54+s13+$0x0], $0xffff  }
0x162: {  	v44 =	vld.idx.msk [tilespmem:v55+s13+$0x0], $0xffff  }
0x163: {  	v45 =	vld.idx.msk [tilespmem:v56+s13+$0x0], $0xffff  }
0x164: {  	v46 =	vld.idx.msk [tilespmem:v57+s13+$0x0], $0xffff  }
0x165: {  	v51 =	vld [tilespmem:s29+$0xFFFFFE80]  }
0x166: {  	v47 =	vld.idx.msk [tilespmem:v58+s13+$0x0], $0xffff  }
0x167: {  	v48 =	vld.idx.msk [tilespmem:v59+s13+$0x0], $0xffff  }
0x168: {  	v53 =	vld [tilespmem:s29+$0x10]  }
0x169: {  	v49 =	vld.idx.msk [tilespmem:v60+s13+$0x0], $0xffff  }
0x16a: {  	v50 =	vld.idx.msk [tilespmem:v61+s13+$0x0], $0xffff  }
0x16b: {  	v54 =	vld [tilespmem:s29+$0xFFFFFE90]  }
0x16c: {  	v55 =	vld [tilespmem:s29+$0xFFFFFF58]  }
0x16d: {  	v56 =	vld [tilespmem:s29+$0x20]  }
0x16e: {  	v40 =	vld.idx.msk [tilespmem:v40+s13+$0x0], $0xffff;
	v63 =	vshll.u32 v35, $0x10  }
0x16f: {  	v58 =	vld.idx.msk [tilespmem:v36+s13+$0x0], $0xffff;
	v57 =	vadd.f32 $0.0e+00, v63  }
0x170: {  	v38 =	vld.idx.msk [tilespmem:v38+s13+$0x0], $0xffff;
	v35 =	vand.u32 $0xFFFF0000, v35;
	v59 =	vshll.u32 v37, $0x10  }
0x171: {  	v35 =	vadd.f32 $0.0e+00, v35;
	v36 =	vadd.f32 v59, v57;
	v57 =	vld [tilespmem:s29+$0xFFFFFEA0]  }
0x172: {  	v37 =	vand.u32 $0xFFFF0000, v37;
	v59 =	vld [tilespmem:s29+$0xFFFFFF68]  }
0x173: {  	v35 =	vadd.f32 v37, v35;
	v37 =	vld [tilespmem:s29+$0x30]  }
0x174: {  	v60 =	vshll.u32 v39, $0x10;
	v39 =	vand.u32 $0xFFFF0000, v39;
	v51 =	vld.idx.msk [tilespmem:v51+s13+$0x0], $0xffff  }
0x175: {  	v52 =	vld.idx.msk [tilespmem:v53+s13+$0x0], $0xffff;
	v36 =	vadd.f32 v60, v36;
	v35 =	vadd.f32 v39, v35  }
0x176: {  	v61 =	vshll.u32 v41, $0x10;
	v41 =	vand.u32 $0xFFFF0000, v41;
	v53 =	vld [tilespmem:s29+$0xFFFFFF78]  }
0x177: {  	v54 =	vld.idx.msk [tilespmem:v54+s13+$0x0], $0xffff;
	v36 =	vadd.f32 v61, v36;
	v35 =	vadd.f32 v41, v35  }
0x178: {  	v39 =	vld.idx.msk [tilespmem:v62+s13+$0x0], $0xffff;
	v62 =	vshll.u32 v42, $0x10;
	v42 =	vand.u32 $0xFFFF0000, v42  }
0x179: {  	v41 =	vld [tilespmem:s29+$0xFFFFFEB0];
	v36 =	vadd.f32 v62, v36;
	v35 =	vadd.f32 v42, v35  }
0x17a: {  	v63 =	vshll.u32 v43, $0x10;
	v43 =	vand.u32 $0xFFFF0000, v43;
	v42 =	vld [tilespmem:s29+$0x40]  }
0x17b: {  	v36 =	vadd.f32 v63, v36;
	v35 =	vadd.f32 v43, v35;
	v43 =	vld.idx.msk [tilespmem:v55+s13+$0x0], $0xffff  }
0x17c: {  	v60 =	vshll.u32 v44, $0x10;
	v55 =	vld.idx.msk [tilespmem:v56+s13+$0x0], $0xffff  }
0x17d: {  	v44 =	vand.u32 $0xFFFF0000, v44;
	v56 =	vld [tilespmem:s29+$0xFFFFFF88];
	v36 =	vadd.f32 v60, v36  }
0x17e: {  	v61 =	vshll.u32 v45, $0x10;
	v57 =	vld.idx.msk [tilespmem:v57+s13+$0x0], $0xffff;
	v35 =	vadd.f32 v44, v35  }
0x17f: {  	v45 =	vand.u32 $0xFFFF0000, v45;
	v37 =	vld.idx.msk [tilespmem:v37+s13+$0x0], $0xffff;
	v36 =	vadd.f32 v61, v36  }
0x180: {  	v62 =	vshll.u32 v46, $0x10;
	v44 =	vld [tilespmem:s29+$0xFFFFFEC0];
	v35 =	vadd.f32 v45, v35  }
0x181: {  	v46 =	vand.u32 $0xFFFF0000, v46;
	v45 =	vld [tilespmem:s29+$0x50];
	v36 =	vadd.f32 v62, v36  }
0x182: {  	v63 =	vshll.u32 v47, $0x10;
	v47 =	vand.u32 $0xFFFF0000, v47;
	v41 =	vld.idx.msk [tilespmem:v41+s13+$0x0], $0xffff;
	v35 =	vadd.f32 v46, v35  }
0x183: {  	v60 =	vshll.u32 v48, $0x10;
	v48 =	vand.u32 $0xFFFF0000, v48;
	v46 =	vld.idx.msk [tilespmem:v59+s13+$0x0], $0xffff;
	v36 =	vadd.f32 v63, v36  }
0x184: {  	v61 =	vshll.u32 v49, $0x10;
	v59 =	vld [tilespmem:s29+$0xFFFFFF98];
	v62 =	vand.u32 $0xFFFF0000, v50;
	v35 =	vadd.f32 v47, v35  }
0x185: {  	v49 =	vand.u32 $0xFFFF0000, v49;
	v42 =	vld.idx.msk [tilespmem:v42+s13+$0x0], $0xffff;
	v63 =	vnsel vm0, $0x0, v62;
	v36 =	vadd.f32 v60, v36  }
0x186: {  	v47 =	vld [tilespmem:s29+$0xFFFFFED0];
	v35 =	vadd.f32 v48, v35;
	v48 =	vshll.u32 v50, $0x10;
	v50 =	vshll.u32 v58, $0x10  }
0x187: {  	v62 =	vshll.u32 v51, $0x10;
	v56 =	vld.idx.msk [tilespmem:v56+s13+$0x0], $0xffff;
	v50 =	vadd.f32 $0.0e+00, v50;
	v36 =	vadd.f32 v61, v36  }
0x188: {  	v35 =	vadd.f32 v49, v35;
	v49 =	vld.idx.msk [tilespmem:v53+s13+$0x0], $0xffff;
	v53 =	vshll.u32 v40, $0x10;
	v40 =	vand.u32 $0xFFFF0000, v40  }
0x189: {  	v60 =	vld [tilespmem:s29+$0x60];
	v61 =	vshll.u32 v38, $0x10;
	v38 =	vand.u32 $0xFFFF0000, v38;
	v40 =	vadd.f32 $0.0e+00, v40  }
0x18a: {  	v44 =	vld.idx.msk [tilespmem:v44+s13+$0x0], $0xffff;
	v48 =	vnsel vm0, $0x0, v48;
	v61 =	vadd.f32 $0.0e+00, v61;
	v38 =	vadd.f32 $0.0e+00, v38  }
0x18b: {  	v45 =	vld.idx.msk [tilespmem:v45+s13+$0x0], $0xffff;
	v36 =	vadd.f32 v48, v36;
	v48 =	vadd.f32 $0.0e+00, v53;
	v53 =	vand.u32 $0xFFFF0000, v58  }
0x18c: {  	v51 =	vand.u32 $0xFFFF0000, v51;
	v35 =	vadd.f32 v63, v35;
	v58 =	vld [tilespmem:s29+$0xFFFFFEE0];
	v53 =	vadd.f32 $0.0e+00, v53  }
0x18d: {  	v63 =	vld [tilespmem:s29+$0xFFFFFFA8];
	v40 =	vadd.f32 v51, v40;
	v51 =	vshll.u32 v39, $0x10;
	v39 =	vand.u32 $0xFFFF0000, v39  }
0x18e: {  	s30 =	simm.s32 $0xC8;
	v48 =	vadd.f32 v62, v48;
	v62 =	vld [tilespmem:s29+$0x70];
	v50 =	vadd.f32 v51, v50;
	v51 =	vshll.u32 v52, $0x10  }
0x18f: {  	s21 =	simm.s32 $0x190;
	s20 =	sand.u32 $0x1FE8, s30;
	v52 =	vand.u32 $0xFFFF0000, v52;
	v47 =	vld.idx.msk [tilespmem:v47+s13+$0x0], $0xffff;
	v39 =	vadd.f32 v39, v53;
	v51 =	vadd.f32 v51, v61  }
0x190: {  	s21 =	sand.u32 $0x1FF0, s21;
	v53 =	vld [tilespmem:s20+$0x80];
	v38 =	vadd.f32 v52, v38;
	v52 =	vshll.u32 v54, $0x10;
	v54 =	vand.u32 $0xFFFF0000, v54  }
0x191: {  	s31 =	sand.u32 $0x1FE0, s18;
	v61 =	vld [tilespmem:s21+$0x80];
	v48 =	vadd.f32 v52, v48;
	v52 =	vshll.u32 v43, $0x10;
	v40 =	vadd.f32 v54, v40  }
0x192: {  	v54 =	vld [tilespmem:s31+$0x80];
	v43 =	vand.u32 $0xFFFF0000, v43;
	v50 =	vadd.f32 v52, v50;
	v52 =	vshll.u32 v55, $0x10  }
0x193: {  	v39 =	vadd.f32 v43, v39;
	v43 =	vand.u32 $0xFFFF0000, v55;
	v51 =	vadd.f32 v52, v51;
	v52 =	vld.idx.msk [tilespmem:v59+s13+$0x0], $0xffff  }
0x194: {  	v55 =	vand.u32 $0xFFFF0000, v57;
	v38 =	vadd.f32 v43, v38;
	v43 =	vshll.u32 v57, $0x10;
	v57 =	vld.idx.msk [tilespmem:v60+s13+$0x0], $0xffff  }
0x195: {  	v59 =	vld [tilespmem:s29+$0xFFFFFF00];
	v40 =	vadd.f32 v55, v40;
	v43 =	vadd.f32 v43, v48;
	v48 =	vshll.u32 v46, $0x10  }
0x196: {  	v60 =	vshll.u32 v37, $0x10;
	v46 =	vand.u32 $0xFFFF0000, v46;
	v48 =	vadd.f32 v48, v50;
	v50 =	vld [tilespmem:s29+$0xFFFFFFC8]  }
0x197: {  	v37 =	vand.u32 $0xFFFF0000, v37;
	v39 =	vadd.f32 v46, v39;
	v46 =	vadd.f32 v60, v51;
	v51 =	vld [tilespmem:s29+$0x90]  }
0x198: {  	v37 =	vadd.f32 v37, v38;
	v60 =	vshll.u32 v41, $0x10;
	v41 =	vand.u32 $0xFFFF0000, v41;
	v55 =	vld.idx.msk [tilespmem:v58+s13+$0x0], $0xffff  }
0x199: {  	v58 =	vshll.u32 v49, $0x10;
	v49 =	vand.u32 $0xFFFF0000, v49;
	v38 =	vadd.f32 v60, v43;
	v43 =	vld.idx.msk [tilespmem:v63+s13+$0x0], $0xffff  }
0x19a: {  	v40 =	vadd.f32 v41, v40;
	v60 =	vshll.u32 v42, $0x10;
	v41 =	vadd.f32 v58, v48;
	v58 =	vld.idx.msk [tilespmem:v62+s13+$0x0], $0xffff  }
0x19b: {  	v42 =	vand.u32 $0xFFFF0000, v42;
	v63 =	vshll.u32 v56, $0x10;
	v39 =	vadd.f32 v49, v39;
	v48 =	vld [tilespmem:s29+$0xFFFFFF10]  }
0x19c: {  	v46 =	vadd.f32 v60, v46;
	v62 =	vshll.u32 v44, $0x10;
	v44 =	vand.u32 $0xFFFF0000, v44;
	v49 =	vld [tilespmem:s29+$0xFFFFFFD8]  }
0x19d: {  	v56 =	vand.u32 $0xFFFF0000, v56;
	v37 =	vadd.f32 v42, v37;
	v40 =	vadd.f32 v44, v40;
	v44 =	vld [tilespmem:s29+$0xA0]  }
0x19e: {  	v60 =	vshll.u32 v45, $0x10;
	v45 =	vand.u32 $0xFFFF0000, v45;
	v38 =	vadd.f32 v62, v38;
	v53 =	vld.idx.msk [tilespmem:v53+s13+$0x0], $0xffff  }
0x19f: {  	v62 =	vshll.u32 v52, $0x10;
	v41 =	vadd.f32 v63, v41;
	v42 =	vadd.f32 v60, v46;
	v46 =	vld.idx.msk [tilespmem:v61+s13+$0x0], $0xffff  }
0x1a0: {  	v52 =	vand.u32 $0xFFFF0000, v52;
	v39 =	vadd.f32 v56, v39;
	v37 =	vadd.f32 v45, v37;
	v54 =	vld.idx.msk [tilespmem:v54+s13+$0x0], $0xffff  }
0x1a1: {  	v61 =	vshll.u32 v47, $0x10;
	v47 =	vand.u32 $0xFFFF0000, v47;
	v56 =	vld [tilespmem:s29+$0xFFFFFF20];
	v63 =	vshll.u32 v57, $0x10  }
0x1a2: {  	v45 =	vld [tilespmem:s29+$0xFFFFFFE8];
	v57 =	vand.u32 $0xFFFF0000, v57;
	v38 =	vadd.f32 v61, v38;
	v40 =	vadd.f32 v47, v40  }
0x1a3: {  	v47 =	vld [tilespmem:s29+$0xB0];
	v60 =	vshll.u32 v55, $0x10;
	v41 =	vadd.f32 v62, v41;
	v39 =	vadd.f32 v52, v39  }
0x1a4: {  	v55 =	vand.u32 $0xFFFF0000, v55;
	v42 =	vadd.f32 v63, v42;
	v37 =	vadd.f32 v57, v37;
	v57 =	vld.idx.msk [tilespmem:v59+s13+$0x0], $0xffff  }
0x1a5: {  	v61 =	vshll.u32 v43, $0x10;
	v43 =	vand.u32 $0xFFFF0000, v43;
	v52 =	vld [tilespmem:s29+$0xFFFFFF30];
	v38 =	vadd.f32 v60, v38  }
0x1a6: {  	v40 =	vadd.f32 v55, v40;
	v62 =	vshll.u32 v58, $0x10;
	v55 =	vld [tilespmem:s29+$0xFFFFFFF8];
	v41 =	vadd.f32 v61, v41  }
0x1a7: {  	v63 =	vand.u32 $0xFFFF0000, v58;
	v50 =	vld.idx.msk [tilespmem:v50+s13+$0x0], $0xffff;
	v39 =	vadd.f32 v43, v39;
	v42 =	vadd.f32 v62, v42  }
0x1a8: {  	v51 =	vld.idx.msk [tilespmem:v51+s13+$0x0], $0xffff;
	v37 =	vadd.f32 v63, v37;
	v58 =	vshll.u32 v53, $0x10;
	v53 =	vand.u32 $0xFFFF0000, v53  }
0x1a9: {  	v59 =	vshll.u32 v54, $0x10;
	v60 =	vshll.u32 v46, $0x10;
	v39 =	vadd.f32 v53, v39;
	v53 =	vld [tilespmem:s29+$0xC0]  }
0x1aa: {  	v54 =	vand.u32 $0xFFFF0000, v54;
	v41 =	vadd.f32 v58, v41;
	v38 =	vadd.f32 v59, v38;
	v48 =	vld.idx.msk [tilespmem:v48+s13+$0x0], $0xffff  }
0x1ab: {  	v61 =	vand.u32 $0xFFFF0000, v46;
	v40 =	vadd.f32 v54, v40;
	v54 =	vadd.f32 v60, v42;
	v49 =	vld.idx.msk [tilespmem:v49+s13+$0x0], $0xffff  }
0x1ac: {  	v58 =	vadd.f32 v61, v37;
	v62 =	vshll.u32 v57, $0x10;
	v63 =	vand.u32 $0xFFFF0000, v57;
	v57 =	vld.idx.msk [tilespmem:v44+s13+$0x0], $0xffff  }
0x1ad: {  	v38 =	vadd.f32 v62, v38;
	v59 =	vadd.f32 v63, v40;
	v42 =	vld.idx.msk [tilespmem:v56+s13+$0x0], $0xffff;
	v46 =	vshll.u32 v50, $0x10  }
0x1ae: {  	v60 =	vand.u32 $0xFFFF0000, v50;
	v61 =	vshll.u32 v51, $0x10;
	v37 =	vld.idx.msk [tilespmem:v47+s13+$0x0], $0xffff;
	v43 =	vadd.f32 v46, v41  }
0x1af: {  	v62 =	vand.u32 $0xFFFF0000, v51;
	v41 =	vld.idx.msk [tilespmem:v45+s13+$0x0], $0xffff;
	v46 =	vadd.f32 v60, v39;
	v44 =	vadd.f32 v61, v54  }
0x1b0: {  	s19 =	simm.s32 $0x1A0A0;
	v45 =	vadd.f32 v62, v58;
	v40 =	vld.idx.msk [tilespmem:v52+s13+$0x0], $0xffff;
	v63 =	vshll.u32 v48, $0x10;
	v48 =	vand.u32 $0xFFFF0000, v48  }
0x1b1: {  	[tilespmem:s19+$0x10] =	vst v36;
	s20 =	simm.s32 $0x1A2A0;
	v36 =	vshll.u32 v49, $0x10;
	v49 =	vand.u32 $0xFFFF0000, v49;
	v39 =	vld.idx.msk [tilespmem:v55+s13+$0x0], $0xffff;
	v47 =	vadd.f32 v63, v38  }
0x1b2: {  	s22 =	simm.s32 $0x4B0;
	s21 =	simm.s32 $0x0;
	[tilespmem:s20+$0x10] =	vst v35;
	v48 =	vadd.f32 v48, v59;
	v50 =	vshll.u32 v57, $0x10;
	v51 =	vand.u32 $0xFFFF0000, v57;
	v38 =	vld.idx.msk [tilespmem:v53+s13+$0x0], $0xffff  }
.LBB2_4:
0x1b3: {  	v52 =	vld [tilespmem:s22+$0xC8];
	v53 =	vshll.u32 v42, $0x10;
	v43 =	vadd.f32 v36, v43;
	v46 =	vadd.f32 v49, v46  }
0x1b4: {  	s21 =	sadd.s32 $0x4, s21;
	v42 =	vand.u32 $0xFFFF0000, v42;
	v44 =	vadd.f32 v50, v44;
	v45 =	vadd.f32 v51, v45;
	v35 =	vld [tilespmem:s22+$0xFFFFFF38]  }
0x1b5: {  	v50 =	vshll.u32 v41, $0x10;
	v41 =	vand.u32 $0xFFFF0000, v41;
	p0 =	slt.u32 s21, $0x1C;
	v51 =	vshll.u32 v37, $0x10;
	v49 =	vld [tilespmem:s22+$0xD8]  }
0x1b6: {  	v47 =	vadd.f32 v53, v47;
	v42 =	vadd.f32 v42, v48;
	v48 =	vand.u32 $0xFFFF0000, v37;
	v36 =	vld [tilespmem:s22+$0x0]  }
0x1b7: {  	v54 =	vshll.u32 v40, $0x10;
	v43 =	vadd.f32 v50, v43;
	v41 =	vadd.f32 v41, v46;
	v53 =	vld [tilespmem:s22+$0xE8]  }
0x1b8: {  	v40 =	vand.u32 $0xFFFF0000, v40;
	v44 =	vadd.f32 v51, v44;
	v45 =	vadd.f32 v48, v45;
	v37 =	vld [tilespmem:s22+$0xFFFFFE70]  }
0x1b9: {  	v48 =	vshll.u32 v39, $0x10;
	v39 =	vand.u32 $0xFFFF0000, v39;
	v50 =	vshll.u32 v38, $0x10;
	v46 =	vld [tilespmem:s22+$0xF8]  }
0x1ba: {  	v54 =	vnsel vm0, $0x0, v54;
	v40 =	vnsel vm0, $0x0, v40;
	v38 =	vand.u32 $0xFFFF0000, v38;
	v51 =	vld [tilespmem:s22+$0x108]  }
0x1bb: {  	v48 =	vnsel vm0, $0x0, v48;
	v39 =	vnsel vm0, $0x0, v39;
	v50 =	vnsel vm0, $0x0, v50;
	v52 =	vld.idx.msk [tilespmem:v52+s13+$0x0], $0xffff  }
0x1bc: {  	v47 =	vadd.f32 v54, v47;
	v40 =	vadd.f32 v40, v42;
	v38 =	vnsel vm0, $0x0, v38;
	v55 =	vld [tilespmem:s22+$0x118]  }
0x1bd: {  	v43 =	vadd.f32 v48, v43;
	v39 =	vadd.f32 v39, v41;
	v42 =	vld.idx.msk [tilespmem:v49+s13+$0x0], $0xffff  }
0x1be: {  	v44 =	vadd.f32 v50, v44;
	v38 =	vadd.f32 v38, v45;
	v41 =	vld [tilespmem:s22+$0x128];
	[tilespmem:s19+$0xFFFFFFE0] =	vst v47  }
0x1bf: {  	s18 =	sadd.s32 $0x320, s18;
	v45 =	vld.idx.msk [tilespmem:v53+s13+$0x0], $0xffff;
	[tilespmem:s20+$0xFFFFFFE0] =	vst v40  }
0x1c0: {  	s23 =	sadd.s32 $0xC8, s18;
	s25 =	sadd.s32 $0x190, s18;
	s26 =	sadd.s32 $0x258, s18;
	v40 =	vld [tilespmem:s22+$0x138];
	[tilespmem:s19+$0xFFFFFFF0] =	vst v43  }
0x1c1: {  	s24 =	sand.u32 $0x1FE8, s23;
	s23 =	sand.u32 $0x1FF0, s25;
	s26 =	sand.u32 $0x1FF8, s26;
	v43 =	vshll.u32 v52, $0x10;
	v46 =	vld.idx.msk [tilespmem:v46+s13+$0x0], $0xffff;
	[tilespmem:s20+$0xFFFFFFF0] =	vst v39  }
0x1c2: {  	s25 =	sand.u32 $0x1FE0, s18;
	v39 =	vand.u32 $0xFFFF0000, v52;
	v43 =	vadd.f32 $0.0e+00, v43;
	v47 =	vld [tilespmem:s26+$0x80];
	[tilespmem:s19+$0x0] =	vst v44  }
0x1c3: {  	v39 =	vadd.f32 $0.0e+00, v39;
	v44 =	vshll.u32 v42, $0x10;
	v48 =	vld.idx.msk [tilespmem:v51+s13+$0x0], $0xffff;
	[tilespmem:s20+$0x0] =	vst v38  }
0x1c4: {  	v38 =	vand.u32 $0xFFFF0000, v42;
	v42 =	vadd.f32 v44, v43;
	v43 =	vld [tilespmem:s22+$0x158]  }
0x1c5: {  	v38 =	vadd.f32 v38, v39;
	v39 =	vshll.u32 v45, $0x10;
	v44 =	vld.idx.msk [tilespmem:v55+s13+$0x0], $0xffff  }
0x1c6: {  	v45 =	vand.u32 $0xFFFF0000, v45;
	v39 =	vadd.f32 v39, v42;
	v42 =	vld [tilespmem:s22+$0x168]  }
0x1c7: {  	v38 =	vadd.f32 v45, v38;
	v45 =	vshll.u32 v46, $0x10;
	v41 =	vld.idx.msk [tilespmem:v41+s13+$0x0], $0xffff  }
0x1c8: {  	v46 =	vand.u32 $0xFFFF0000, v46;
	v39 =	vadd.f32 v45, v39;
	v45 =	vld [tilespmem:s22+$0x178]  }
0x1c9: {  	v38 =	vadd.f32 v46, v38;
	v46 =	vshll.u32 v48, $0x10;
	v40 =	vld.idx.msk [tilespmem:v40+s13+$0x0], $0xffff  }
0x1ca: {  	v48 =	vand.u32 $0xFFFF0000, v48;
	v39 =	vadd.f32 v46, v39;
	v46 =	vld [tilespmem:s22+$0x188]  }
0x1cb: {  	v38 =	vadd.f32 v48, v38;
	v48 =	vshll.u32 v44, $0x10;
	v47 =	vld.idx.msk [tilespmem:v47+s13+$0x0], $0xffff  }
0x1cc: {  	v44 =	vand.u32 $0xFFFF0000, v44;
	v39 =	vadd.f32 v48, v39;
	v49 =	vld [tilespmem:s22+$0xFFFFFE80]  }
0x1cd: {  	v38 =	vadd.f32 v44, v38;
	v44 =	vshll.u32 v41, $0x10;
	v43 =	vld.idx.msk [tilespmem:v43+s13+$0x0], $0xffff  }
0x1ce: {  	v41 =	vand.u32 $0xFFFF0000, v41;
	v39 =	vadd.f32 v44, v39;
	v48 =	vld [tilespmem:s22+$0xFFFFFF48]  }
0x1cf: {  	v38 =	vadd.f32 v41, v38;
	v41 =	vshll.u32 v40, $0x10;
	v42 =	vld.idx.msk [tilespmem:v42+s13+$0x0], $0xffff  }
0x1d0: {  	v40 =	vand.u32 $0xFFFF0000, v40;
	v39 =	vadd.f32 v41, v39;
	v44 =	vld [tilespmem:s22+$0x10]  }
0x1d1: {  	v38 =	vadd.f32 v40, v38;
	v40 =	vshll.u32 v47, $0x10;
	v41 =	vld.idx.msk [tilespmem:v45+s13+$0x0], $0xffff  }
0x1d2: {  	v45 =	vand.u32 $0xFFFF0000, v47;
	v39 =	vadd.f32 v40, v39;
	v40 =	vld.idx.msk [tilespmem:v46+s13+$0x0], $0xffff  }
0x1d3: {  	v38 =	vadd.f32 v45, v38;
	v45 =	vshll.u32 v43, $0x10;
	v46 =	vld [tilespmem:s22+$0xFFFFFE90]  }
0x1d4: {  	v43 =	vand.u32 $0xFFFF0000, v43;
	v39 =	vadd.f32 v45, v39;
	v47 =	vld [tilespmem:s22+$0xFFFFFF58]  }
0x1d5: {  	v38 =	vadd.f32 v43, v38;
	v43 =	vshll.u32 v42, $0x10;
	v45 =	vld [tilespmem:s22+$0x20]  }
0x1d6: {  	v42 =	vand.u32 $0xFFFF0000, v42;
	v39 =	vadd.f32 v43, v39;
	v37 =	vld.idx.msk [tilespmem:v37+s13+$0x0], $0xffff  }
0x1d7: {  	v38 =	vadd.f32 v42, v38;
	v42 =	vshll.u32 v41, $0x10;
	v35 =	vld.idx.msk [tilespmem:v35+s13+$0x0], $0xffff  }
0x1d8: {  	v41 =	vand.u32 $0xFFFF0000, v41;
	v39 =	vadd.f32 v42, v39;
	v42 =	vshll.u32 v40, $0x10;
	v36 =	vld.idx.msk [tilespmem:v36+s13+$0x0], $0xffff  }
0x1d9: {  	v40 =	vand.u32 $0xFFFF0000, v40;
	v38 =	vadd.f32 v41, v38;
	v41 =	vnsel vm0, $0x0, v42;
	v43 =	vld [tilespmem:s22+$0xFFFFFEA0]  }
0x1da: {  	v40 =	vnsel vm0, $0x0, v40;
	v39 =	vadd.f32 v41, v39;
	v42 =	vld [tilespmem:s22+$0xFFFFFF68]  }
0x1db: {  	s19 =	sadd.s32 $0x40, s19;
	v38 =	vadd.f32 v40, v38;
	v41 =	vld [tilespmem:s22+$0x30]  }
0x1dc: {  	s20 =	sadd.s32 $0x40, s20;
	v40 =	vshll.u32 v37, $0x10;
	v37 =	vand.u32 $0xFFFF0000, v37;
	v49 =	vld.idx.msk [tilespmem:v49+s13+$0x0], $0xffff;
	[tilespmem:s19+$0x10] =	vst v39  }
0x1dd: {  	v39 =	vadd.f32 $0.0e+00, v40;
	v40 =	vshll.u32 v35, $0x10;
	v35 =	vand.u32 $0xFFFF0000, v35;
	v48 =	vld.idx.msk [tilespmem:v48+s13+$0x0], $0xffff;
	[tilespmem:s20+$0x10] =	vst v38  }
0x1de: {  	v37 =	vadd.f32 $0.0e+00, v37;
	v38 =	vshll.u32 v36, $0x10;
	v36 =	vand.u32 $0xFFFF0000, v36;
	v44 =	vld.idx.msk [tilespmem:v44+s13+$0x0], $0xffff  }
0x1df: {  	v40 =	vadd.f32 $0.0e+00, v40;
	v35 =	vadd.f32 $0.0e+00, v35;
	v50 =	vld [tilespmem:s22+$0xFFFFFEB0]  }
0x1e0: {  	v38 =	vadd.f32 $0.0e+00, v38;
	v36 =	vadd.f32 $0.0e+00, v36;
	v51 =	vld [tilespmem:s22+$0xFFFFFF78]  }
0x1e1: {  	v52 =	vld [tilespmem:s22+$0x40]  }
0x1e2: {  	v53 =	vshll.u32 v49, $0x10;
	v49 =	vand.u32 $0xFFFF0000, v49;
	v46 =	vld.idx.msk [tilespmem:v46+s13+$0x0], $0xffff  }
0x1e3: {  	v39 =	vadd.f32 v53, v39;
	v53 =	vshll.u32 v48, $0x10;
	v48 =	vand.u32 $0xFFFF0000, v48;
	v47 =	vld.idx.msk [tilespmem:v47+s13+$0x0], $0xffff  }
0x1e4: {  	v37 =	vadd.f32 v49, v37;
	v49 =	vshll.u32 v44, $0x10;
	v44 =	vand.u32 $0xFFFF0000, v44;
	v45 =	vld.idx.msk [tilespmem:v45+s13+$0x0], $0xffff  }
0x1e5: {  	v40 =	vadd.f32 v53, v40;
	v35 =	vadd.f32 v48, v35;
	v54 =	vld [tilespmem:s22+$0xFFFFFEC0]  }
0x1e6: {  	v38 =	vadd.f32 v49, v38;
	v36 =	vadd.f32 v44, v36;
	v48 =	vld [tilespmem:s22+$0xFFFFFF88]  }
0x1e7: {  	v44 =	vld [tilespmem:s22+$0x50]  }
0x1e8: {  	v49 =	vshll.u32 v46, $0x10;
	v46 =	vand.u32 $0xFFFF0000, v46;
	v43 =	vld.idx.msk [tilespmem:v43+s13+$0x0], $0xffff  }
0x1e9: {  	v39 =	vadd.f32 v49, v39;
	v49 =	vshll.u32 v47, $0x10;
	v47 =	vand.u32 $0xFFFF0000, v47;
	v42 =	vld.idx.msk [tilespmem:v42+s13+$0x0], $0xffff  }
0x1ea: {  	v37 =	vadd.f32 v46, v37;
	v46 =	vshll.u32 v45, $0x10;
	v45 =	vand.u32 $0xFFFF0000, v45;
	v41 =	vld.idx.msk [tilespmem:v41+s13+$0x0], $0xffff  }
0x1eb: {  	v40 =	vadd.f32 v49, v40;
	v35 =	vadd.f32 v47, v35;
	v53 =	vld [tilespmem:s22+$0xFFFFFED0]  }
0x1ec: {  	v38 =	vadd.f32 v46, v38;
	v36 =	vadd.f32 v45, v36;
	v47 =	vld [tilespmem:s22+$0xFFFFFF98]  }
0x1ed: {  	v45 =	vld [tilespmem:s22+$0x60]  }
0x1ee: {  	v46 =	vshll.u32 v43, $0x10;
	v43 =	vand.u32 $0xFFFF0000, v43;
	v49 =	vld.idx.msk [tilespmem:v50+s13+$0x0], $0xffff  }
0x1ef: {  	v39 =	vadd.f32 v46, v39;
	v46 =	vshll.u32 v42, $0x10;
	v42 =	vand.u32 $0xFFFF0000, v42;
	v50 =	vld.idx.msk [tilespmem:v51+s13+$0x0], $0xffff  }
0x1f0: {  	v37 =	vadd.f32 v43, v37;
	v43 =	vshll.u32 v41, $0x10;
	v41 =	vand.u32 $0xFFFF0000, v41;
	v51 =	vld.idx.msk [tilespmem:v52+s13+$0x0], $0xffff  }
0x1f1: {  	v40 =	vadd.f32 v46, v40;
	v35 =	vadd.f32 v42, v35;
	v52 =	vld [tilespmem:s22+$0xFFFFFEE0]  }
0x1f2: {  	v38 =	vadd.f32 v43, v38;
	v36 =	vadd.f32 v41, v36;
	v42 =	vld [tilespmem:s22+$0xFFFFFFA8]  }
0x1f3: {  	v41 =	vld [tilespmem:s22+$0x70]  }
0x1f4: {  	v43 =	vshll.u32 v49, $0x10;
	v46 =	vand.u32 $0xFFFF0000, v49;
	v49 =	vld.idx.msk [tilespmem:v54+s13+$0x0], $0xffff  }
0x1f5: {  	v39 =	vadd.f32 v43, v39;
	v43 =	vshll.u32 v50, $0x10;
	v50 =	vand.u32 $0xFFFF0000, v50;
	v48 =	vld.idx.msk [tilespmem:v48+s13+$0x0], $0xffff  }
0x1f6: {  	v37 =	vadd.f32 v46, v37;
	v46 =	vshll.u32 v51, $0x10;
	v51 =	vand.u32 $0xFFFF0000, v51;
	v44 =	vld.idx.msk [tilespmem:v44+s13+$0x0], $0xffff  }
0x1f7: {  	v40 =	vadd.f32 v43, v40;
	v35 =	vadd.f32 v50, v35;
	v43 =	vld [tilespmem:s24+$0x80]  }
0x1f8: {  	v38 =	vadd.f32 v46, v38;
	v36 =	vadd.f32 v51, v36;
	v46 =	vld [tilespmem:s23+$0x80]  }
0x1f9: {  	v50 =	vld [tilespmem:s25+$0x80]  }
0x1fa: {  	v51 =	vshll.u32 v49, $0x10;
	v49 =	vand.u32 $0xFFFF0000, v49;
	v53 =	vld.idx.msk [tilespmem:v53+s13+$0x0], $0xffff  }
0x1fb: {  	v39 =	vadd.f32 v51, v39;
	v51 =	vshll.u32 v48, $0x10;
	v48 =	vand.u32 $0xFFFF0000, v48;
	v47 =	vld.idx.msk [tilespmem:v47+s13+$0x0], $0xffff  }
0x1fc: {  	v37 =	vadd.f32 v49, v37;
	v49 =	vshll.u32 v44, $0x10;
	v44 =	vand.u32 $0xFFFF0000, v44;
	v45 =	vld.idx.msk [tilespmem:v45+s13+$0x0], $0xffff  }
0x1fd: {  	v40 =	vadd.f32 v51, v40;
	v35 =	vadd.f32 v48, v35;
	v54 =	vld [tilespmem:s22+$0xFFFFFF00]  }
0x1fe: {  	v38 =	vadd.f32 v49, v38;
	v36 =	vadd.f32 v44, v36;
	v48 =	vld [tilespmem:s22+$0xFFFFFFC8]  }
0x1ff: {  	v44 =	vld [tilespmem:s22+$0x90]  }
0x200: {  	v49 =	vshll.u32 v53, $0x10;
	v51 =	vand.u32 $0xFFFF0000, v53;
	v52 =	vld.idx.msk [tilespmem:v52+s13+$0x0], $0xffff  }
0x201: {  	v39 =	vadd.f32 v49, v39;
	v49 =	vshll.u32 v47, $0x10;
	v47 =	vand.u32 $0xFFFF0000, v47;
	v42 =	vld.idx.msk [tilespmem:v42+s13+$0x0], $0xffff  }
0x202: {  	v37 =	vadd.f32 v51, v37;
	v51 =	vshll.u32 v45, $0x10;
	v45 =	vand.u32 $0xFFFF0000, v45;
	v41 =	vld.idx.msk [tilespmem:v41+s13+$0x0], $0xffff  }
0x203: {  	v40 =	vadd.f32 v49, v40;
	v35 =	vadd.f32 v47, v35;
	v53 =	vld [tilespmem:s22+$0xFFFFFF10]  }
0x204: {  	v38 =	vadd.f32 v51, v38;
	v36 =	vadd.f32 v45, v36;
	v47 =	vld [tilespmem:s22+$0xFFFFFFD8]  }
0x205: {  	v45 =	vld [tilespmem:s22+$0xA0]  }
0x206: {  	v49 =	vshll.u32 v52, $0x10;
	v51 =	vand.u32 $0xFFFF0000, v52;
	v43 =	vld.idx.msk [tilespmem:v43+s13+$0x0], $0xffff  }
0x207: {  	v39 =	vadd.f32 v49, v39;
	v49 =	vshll.u32 v42, $0x10;
	v42 =	vand.u32 $0xFFFF0000, v42;
	v46 =	vld.idx.msk [tilespmem:v46+s13+$0x0], $0xffff  }
0x208: {  	v37 =	vadd.f32 v51, v37;
	v51 =	vshll.u32 v41, $0x10;
	v41 =	vand.u32 $0xFFFF0000, v41;
	v50 =	vld.idx.msk [tilespmem:v50+s13+$0x0], $0xffff  }
0x209: {  	v40 =	vadd.f32 v49, v40;
	v35 =	vadd.f32 v42, v35;
	v52 =	vld [tilespmem:s22+$0xFFFFFF20]  }
0x20a: {  	v38 =	vadd.f32 v51, v38;
	v36 =	vadd.f32 v41, v36;
	v49 =	vld [tilespmem:s22+$0xFFFFFFE8]  }
0x20b: {  	v51 =	vld [tilespmem:s22+$0xB0]  }
0x20c: {  	v42 =	vshll.u32 v43, $0x10;
	v43 =	vand.u32 $0xFFFF0000, v43;
	v41 =	vld.idx.msk [tilespmem:v54+s13+$0x0], $0xffff  }
0x20d: {  	v40 =	vadd.f32 v42, v40;
	v42 =	vld.idx.msk [tilespmem:v48+s13+$0x0], $0xffff;
	v48 =	vshll.u32 v46, $0x10;
	v46 =	vand.u32 $0xFFFF0000, v46  }
0x20e: {  	v35 =	vadd.f32 v43, v35;
	v54 =	vshll.u32 v50, $0x10;
	v50 =	vand.u32 $0xFFFF0000, v50;
	v43 =	vld.idx.msk [tilespmem:v44+s13+$0x0], $0xffff  }
0x20f: {  	v39 =	vadd.f32 v54, v39;
	v37 =	vadd.f32 v50, v37;
	v50 =	vld [tilespmem:s22+$0xFFFFFF30]  }
0x210: {  	v38 =	vadd.f32 v48, v38;
	v36 =	vadd.f32 v46, v36;
	v54 =	vld [tilespmem:s22+$0xFFFFFFF8]  }
0x211: {  	v55 =	vld [tilespmem:s22+$0xC0]  }
0x212: {  	v44 =	vshll.u32 v41, $0x10;
	v41 =	vand.u32 $0xFFFF0000, v41;
	v48 =	vld.idx.msk [tilespmem:v53+s13+$0x0], $0xffff  }
0x213: {  	v39 =	vadd.f32 v44, v39;
	v44 =	vshll.u32 v42, $0x10;
	v46 =	vand.u32 $0xFFFF0000, v42;
	v53 =	vld.idx.msk [tilespmem:v47+s13+$0x0], $0xffff  }
0x214: {  	v56 =	vadd.f32 v41, v37;
	v37 =	vshll.u32 v43, $0x10;
	v47 =	vand.u32 $0xFFFF0000, v43;
	v57 =	vld.idx.msk [tilespmem:v45+s13+$0x0], $0xffff  }
0x215: {  	v43 =	vadd.f32 v44, v40;
	v46 =	vadd.f32 v46, v35;
	v42 =	vld.idx.msk [tilespmem:v52+s13+$0x0], $0xffff  }
.Ltmp1:
0x216: {  	v44 =	vadd.f32 v37, v38;
	v45 =	vadd.f32 v47, v36;
	v41 =	vld.idx.msk [tilespmem:v49+s13+$0x0], $0xffff;
	(pc) =	sbr.rel @p0 .LBB2_4-.Ltmp1, $4  }
0x217: {  	v37 =	vld.idx.msk [tilespmem:v51+s13+$0x0], $0xffff  }
0x218: {  	v35 =	vshll.u32 v48, $0x10;
	v38 =	vand.u32 $0xFFFF0000, v48;
	v40 =	vld.idx.msk [tilespmem:v50+s13+$0x0], $0xffff  }
0x219: {  	v47 =	vadd.f32 v35, v39;
	v36 =	vshll.u32 v53, $0x10;
	v49 =	vand.u32 $0xFFFF0000, v53;
	v39 =	vld.idx.msk [tilespmem:v54+s13+$0x0], $0xffff  }
0x21a: {  	s22 =	sadd.s32 $0x320, s22;
	v48 =	vadd.f32 v38, v56;
	v50 =	vshll.u32 v57, $0x10;
	v51 =	vand.u32 $0xFFFF0000, v57;
	v38 =	vld.idx.msk [tilespmem:v55+s13+$0x0], $0xffff  }
0x21b: {  	v35 =	vshll.u32 v42, $0x10  }
0x21c: {  	v36 =	vadd.f32 v36, v43;
	v59 =	vadd.f32 v49, v46;
	v60 =	vand.u32 $0xFFFF0000, v42  }
0x21d: {  	v44 =	vadd.f32 v50, v44;
	v45 =	vadd.f32 v51, v45;
	v61 =	vshll.u32 v41, $0x10  }
0x21e: {  	v62 =	vand.u32 $0xFFFF0000, v41;
	v63 =	vshll.u32 v37, $0x10;
	v35 =	vadd.f32 v35, v47  }
0x21f: {  	v42 =	vadd.f32 v60, v48;
	v50 =	vand.u32 $0xFFFF0000, v37;
	v51 =	vshll.u32 v40, $0x10  }
0x220: {  	v36 =	vadd.f32 v61, v36;
	v41 =	vadd.f32 v62, v59;
	v52 =	vand.u32 $0xFFFF0000, v40  }
0x221: {  	v53 =	vadd.f32 v63, v44;
	v37 =	vadd.f32 v50, v45;
	v54 =	vnsel vm0, $0x0, v51  }
0x222: {  	v55 =	vshll.u32 v39, $0x10;
	v40 =	vnsel vm0, $0x0, v52;
	v35 =	vadd.f32 v54, v35  }
0x223: {  	v56 =	vand.u32 $0xFFFF0000, v39;
	v57 =	vnsel vm0, $0x0, v55;
	v40 =	vadd.f32 v40, v42  }
0x224: {  	v58 =	vshll.u32 v38, $0x10;
	v39 =	vnsel vm0, $0x0, v56;
	v36 =	vadd.f32 v57, v36;
	[tilespmem:s19+$0xFFFFFFE0] =	vst v35  }
0x225: {  	v59 =	vand.u32 $0xFFFF0000, v38;
	v60 =	vnsel vm0, $0x0, v58;
	v39 =	vadd.f32 v39, v41;
	[tilespmem:s20+$0xFFFFFFE0] =	vst v40  }
0x226: {  	v35 =	vnsel vm0, $0x0, v59;
	v38 =	vadd.f32 v60, v53;
	[tilespmem:s19+$0xFFFFFFF0] =	vst v36  }
0x227: {  	v35 =	vadd.f32 v35, v37;
	[tilespmem:s20+$0xFFFFFFF0] =	vst v39  }
0x228: {  	[tilespmem:s19+$0x0] =	vst v38  }
0x229: {  	[tilespmem:s20+$0x0] =	vst v35  }
0x22a: {  	v35 =	vld.idx.msk [tilespmem:v1+s14+$0x0], $0xffff  }
0x22b: {  	v36 =	vld.idx.msk [tilespmem:v1+s15+$0x0], $0xffff  }
0x22c: {  	v0 =	vld [tilespmem:$0x1FFF0]  }
0x22d: {  	v39 =	vld.idx.msk [tilespmem:v4+s14+$0x0], $0xffff  }
0x22e: {  	v40 =	vld.idx.msk [tilespmem:v4+s15+$0x0], $0xffff  }
0x22f: {  	v41 =	vld.idx.msk [tilespmem:v5+s14+$0x0], $0xffff  }
0x230: {  	v42 =	vld.idx.msk [tilespmem:v5+s15+$0x0], $0xffff  }
0x231: {  	v43 =	vld.idx.msk [tilespmem:v6+s14+$0x0], $0xffff  }
0x232: {  	v44 =	vld.idx.msk [tilespmem:v6+s15+$0x0], $0xffff  }
0x233: {  	v45 =	vld.idx.msk [tilespmem:v7+s14+$0x0], $0xffff  }
0x234: {  	v46 =	vld.idx.msk [tilespmem:v7+s15+$0x0], $0xffff  }
0x235: {  	v47 =	vld.idx.msk [tilespmem:v8+s14+$0x0], $0xffff  }
0x236: {  	v48 =	vld.idx.msk [tilespmem:v8+s15+$0x0], $0xffff  }
0x237: {  	v49 =	vld.idx.msk [tilespmem:v9+s14+$0x0], $0xffff  }
0x238: {  	v50 =	vld.idx.msk [tilespmem:v9+s15+$0x0], $0xffff  }
0x239: {  	v51 =	vld.idx.msk [tilespmem:v10+s14+$0x0], $0xffff  }
0x23a: {  	v52 =	vld.idx.msk [tilespmem:v10+s15+$0x0], $0xffff  }
0x23b: {  	v53 =	vld.idx.msk [tilespmem:v11+s14+$0x0], $0xffff  }
0x23c: {  	v54 =	vld.idx.msk [tilespmem:v11+s15+$0x0], $0xffff  }
0x23d: {  	v55 =	vld.idx.msk [tilespmem:v12+s14+$0x0], $0xffff  }
0x23e: {  	v56 =	vld.idx.msk [tilespmem:v12+s15+$0x0], $0xffff  }
0x23f: {  	v57 =	vld.idx.msk [tilespmem:v33+s14+$0x0], $0xffff  }
0x240: {  	v58 =	vld.idx.msk [tilespmem:v33+s15+$0x0], $0xffff  }
0x241: {  	v59 =	vld.idx.msk [tilespmem:v34+s14+$0x0], $0xffff  }
0x242: {  	v61 =	vld.idx.msk [tilespmem:v29+s14+$0x0], $0xffff  }
0x243: {  	v60 =	vld.idx.msk [tilespmem:v34+s15+$0x0], $0xffff  }
0x244: {  	v63 =	vld.idx.msk [tilespmem:v30+s14+$0x0], $0xffff  }
0x245: {  	v62 =	vld.idx.msk [tilespmem:v15+s14+$0x0], $0xffff  }
0x246: {  	v37 =	vld.idx.msk [tilespmem:v0+s14+$0x0], $0xffff  }
0x247: {  	v2 =	vld.idx.msk [tilespmem:v31+s14+$0x0], $0xffff;
	v61 =	vadd.f32 $0.0e+00, v61  }
0x248: {  	v3 =	vld.idx.msk [tilespmem:v13+s14+$0x0], $0xffff  }
0x249: {  	v35 =	vadd.f32 $0.0e+00, v35;
	v61 =	vadd.f32 v63, v61;
	v63 =	vld.idx.msk [tilespmem:v29+s15+$0x0], $0xffff  }
0x24a: {  	v38 =	vld.idx.msk [tilespmem:v0+s15+$0x0], $0xffff  }
0x24b: {  	v35 =	vadd.f32 v37, v35;
	v37 =	vld.idx.msk [tilespmem:v28+s14+$0x0], $0xffff  }
0x24c: {  	v0 =	vld.idx.msk [tilespmem:v14+s14+$0x0], $0xffff  }
0x24d: {  	v35 =	vadd.f32 v39, v35;
	v39 =	vld.idx.msk [tilespmem:v26+s14+$0x0], $0xffff  }
0x24e: {  	v2 =	vadd.f32 v2, v61;
	v61 =	vld.idx.msk [tilespmem:v30+s15+$0x0], $0xffff  }
0x24f: {  	v36 =	vadd.f32 $0.0e+00, v36;
	v35 =	vadd.f32 v41, v35;
	v41 =	vld.idx.msk [tilespmem:v24+s14+$0x0], $0xffff  }
0x250: {  	v2 =	vadd.f32 v37, v2;
	v37 =	vld.idx.msk [tilespmem:v31+s15+$0x0], $0xffff  }
0x251: {  	v36 =	vadd.f32 v38, v36;
	v35 =	vadd.f32 v43, v35;
	v43 =	vld.idx.msk [tilespmem:v18+s14+$0x0], $0xffff  }
0x252: {  	v63 =	vadd.f32 $0.0e+00, v63;
	v38 =	vld.idx.msk [tilespmem:v19+s14+$0x0], $0xffff;
	v2 =	vadd.f32 v39, v2  }
0x253: {  	v36 =	vadd.f32 v40, v36;
	v39 =	vld.idx.msk [tilespmem:v28+s15+$0x0], $0xffff;
	v35 =	vadd.f32 v45, v35  }
0x254: {  	v61 =	vadd.f32 v61, v63;
	v63 =	vld.idx.msk [tilespmem:v26+s15+$0x0], $0xffff;
	v2 =	vadd.f32 v41, v2  }
0x255: {  	v40 =	vld.idx.msk [tilespmem:v16+s14+$0x0], $0xffff;
	v36 =	vadd.f32 v42, v36;
	v35 =	vadd.f32 v47, v35  }
0x256: {  	v42 =	vld.idx.msk [tilespmem:v20+s14+$0x0], $0xffff;
	v37 =	vadd.f32 v37, v61;
	v2 =	vadd.f32 v43, v2  }
0x257: {  	v45 =	vld.idx.msk [tilespmem:v24+s15+$0x0], $0xffff;
	v35 =	vadd.f32 v49, v35  }
0x258: {  	v61 =	vld.idx.msk [tilespmem:v25+s14+$0x0], $0xffff;
	v37 =	vadd.f32 v39, v37;
	v2 =	vadd.f32 v38, v2  }
0x259: {  	v36 =	vadd.f32 v44, v36;
	v39 =	vld.idx.msk [tilespmem:v18+s15+$0x0], $0xffff;
	v35 =	vadd.f32 v51, v35  }
0x25a: {  	v47 =	vld.idx.msk [tilespmem:v27+s14+$0x0], $0xffff;
	v37 =	vadd.f32 v63, v37;
	v2 =	vadd.f32 v40, v2  }
0x25b: {  	v36 =	vadd.f32 v46, v36;
	v63 =	vld.idx.msk [tilespmem:v19+s15+$0x0], $0xffff;
	v35 =	vadd.f32 v53, v35  }
0x25c: {  	v49 =	vld.idx.msk [tilespmem:v16+s15+$0x0], $0xffff;
	v37 =	vadd.f32 v45, v37;
	v2 =	vadd.f32 v42, v2  }
0x25d: {  	v36 =	vadd.f32 v48, v36;
	v51 =	vld.idx.msk [tilespmem:v17+s14+$0x0], $0xffff;
	v35 =	vadd.f32 v55, v35  }
0x25e: {  	v53 =	vld.idx.msk [tilespmem:v20+s15+$0x0], $0xffff;
	v37 =	vadd.f32 v39, v37;
	v2 =	vadd.f32 v61, v2  }
0x25f: {  	v36 =	vadd.f32 v50, v36;
	v55 =	vld.idx.msk [tilespmem:v21+s14+$0x0], $0xffff;
	v35 =	vadd.f32 v57, v35  }
0x260: {  	v61 =	vld.idx.msk [tilespmem:v22+s14+$0x0], $0xffff;
	v37 =	vadd.f32 v63, v37;
	v2 =	vadd.f32 v47, v2  }
0x261: {  	v36 =	vadd.f32 v52, v36;
	v57 =	vld.idx.msk [tilespmem:v25+s15+$0x0], $0xffff;
	v35 =	vadd.f32 v59, v35  }
0x262: {  	v48 =	vld.idx.msk [tilespmem:v23+s14+$0x0], $0xffff;
	v37 =	vadd.f32 v49, v37;
	v2 =	vadd.f32 v51, v2  }
0x263: {  	v36 =	vadd.f32 v54, v36;
	v63 =	vld.idx.msk [tilespmem:v27+s15+$0x0], $0xffff;
	v35 =	vadd.f32 v62, v35  }
0x264: {  	v50 =	vld.idx.msk [tilespmem:v17+s15+$0x0], $0xffff;
	v37 =	vadd.f32 v53, v37;
	v2 =	vadd.f32 v55, v2  }
0x265: {  	v36 =	vadd.f32 v56, v36;
	v49 =	vld.idx.msk [tilespmem:v15+s15+$0x0], $0xffff;
	v0 =	vadd.f32 v0, v35  }
0x266: {  	v51 =	vld [tilespmem:$0x1E480];
	v37 =	vadd.f32 v57, v37;
	v2 =	vadd.f32 v61, v2  }
0x267: {  	v36 =	vadd.f32 v58, v36;
	v0 =	vadd.f32 v3, v0;
	v3 =	vld.idx.msk [tilespmem:v21+s15+$0x0], $0xffff  }
0x268: {  	v52 =	vld.idx.msk [tilespmem:v14+s15+$0x0], $0xffff;
	v53 =	vor.u32 $0x1000, v32;
	v37 =	vadd.f32 v63, v37;
	v2 =	vadd.f32 v48, v2  }
0x269: {  	v54 =	vld.idx.msk [tilespmem:v22+s15+$0x0], $0xffff;
	v36 =	vadd.f32 v60, v36;
	v55 =	vor.u32 $0x1800, v32;
	v0 =	vmul.f32 $4.999999890e-03, v0  }
0x26a: {  	v56 =	vld.idx.msk [tilespmem:v13+s15+$0x0], $0xffff;
	v35 =	vadd.f32 v50, v37;
	v2 =	vmul.f32 $4.999999890e-03, v2  }
0x26b: {  	v57 =	vld.idx.msk [tilespmem:v23+s15+$0x0], $0xffff;
	v36 =	vadd.f32 v49, v36;
	v0 =	vadd.f32 v51, v0  }
0x26c: {  	v3 =	vadd.f32 v3, v35;
	v2 =	vadd.f32 v2, v51  }
0x26d: {  	v58 =	vadd.f32 v52, v36;
	[tilespmem:v53+s16+$0x0] =	vst.idx.msk $0xffff, v0  }
0x26e: {  	v0 =	vld [tilespmem:$0x1E490];
	v3 =	vadd.f32 v54, v3;
	[tilespmem:v55+s16+$0x0] =	vst.idx.msk $0xffff, v2  }
0x26f: {  	v2 =	vadd.f32 v56, v58;
	v59 =	vld [tilespmem:$0x1E490]  }
0x270: {  	v60 =	vor.u32 $0x1001, v32;
	v3 =	vadd.f32 v57, v3  }
0x271: {  	v61 =	vor.u32 $0x1801, v32;
	v2 =	vmul.f32 $4.999999890e-03, v2  }
0x272: {  	v3 =	vmul.f32 $4.999999890e-03, v3  }
0x273: {  	v0 =	vadd.f32 v0, v2  }
0x274: {  	v2 =	vadd.f32 v59, v3  }
0x275: {  	[tilespmem:v60+s16+$0x0] =	vst.idx.msk $0xffff, v0  }
0x276: {  	s18 =	simm.s32 $0x0;
	[tilespmem:v61+s16+$0x0] =	vst.idx.msk $0xffff, v2  }
0x277: {  	[tilespmem:s18], [sflag:$0x1] =	stream.linear.gather [hbm4b:s7+s18], $0x1900, $0x38;
	[tilespmem:$0x1E500] =	vst v63  }
0x278: {  	_ =	swait.ge [sflag:s12], $0x1900  }
0x279: {  	[sflag:s12] =	ssyncset.done $0x0  }
0x27a: {  	v0 =	vimm.s32 $0x0;
	[sflag:s12] =	ssyncadd.s32 $0xFFFFE700  }
0x27b: {  	s28 =	simm.s32 $0x190;
	[tilespmem:$0x1900] =	vst v0  }
0x27c: {  	v0 =	vld [tilespmem:s28+$0xC8]  }
0x27d: {  	v2 =	vld [tilespmem:s28+$0xFFFFFF38]  }
0x27e: {  	v3 =	vld [tilespmem:s28+$0xD8]  }
0x27f: {  	v35 =	vld [tilespmem:s28+$0x0]  }
0x280: {  	v62 =	vld [tilespmem:s28+$0xE8]  }
0x281: {  	v63 =	vld [tilespmem:s28+$0xFFFFFE70]  }
0x282: {  	v50 =	vld [tilespmem:s28+$0xF8]  }
0x283: {  	v51 =	vld [tilespmem:s28+$0x108]  }
0x284: {  	v52 =	vld [tilespmem:s28+$0x118]  }
0x285: {  	s29 =	simm.s32 $0x258;
	v53 =	vld [tilespmem:s28+$0x128]  }
0x286: {  	s20 =	sand.u32 $0x1FF8, s29;
	v54 =	vld [tilespmem:s28+$0x138]  }
0x287: {  	v55 =	vld [tilespmem:s20+$0x80]  }
0x288: {  	v56 =	vld [tilespmem:s28+$0x158]  }
0x289: {  	v57 =	vld [tilespmem:s28+$0x168]  }
0x28a: {  	v58 =	vld [tilespmem:s28+$0x178]  }
0x28b: {  	v59 =	vld [tilespmem:s28+$0x188]  }
0x28c: {  	v48 =	vld [tilespmem:s28+$0xFFFFFE80]  }
0x28d: {  	v60 =	vld [tilespmem:s28+$0xFFFFFF48]  }
0x28e: {  	v61 =	vld [tilespmem:s28+$0x10]  }
0x28f: {  	v0 =	vld.idx.msk [tilespmem:v0+s13+$0x0], $0xffff  }
0x290: {  	v3 =	vld.idx.msk [tilespmem:v3+s13+$0x0], $0xffff  }
0x291: {  	v36 =	vld.idx.msk [tilespmem:v62+s13+$0x0], $0xffff  }
0x292: {  	v38 =	vld.idx.msk [tilespmem:v50+s13+$0x0], $0xffff  }
0x293: {  	v39 =	vld.idx.msk [tilespmem:v51+s13+$0x0], $0xffff  }
0x294: {  	v40 =	vld.idx.msk [tilespmem:v52+s13+$0x0], $0xffff  }
0x295: {  	v41 =	vld.idx.msk [tilespmem:v53+s13+$0x0], $0xffff  }
0x296: {  	v42 =	vld.idx.msk [tilespmem:v54+s13+$0x0], $0xffff  }
0x297: {  	v43 =	vld.idx.msk [tilespmem:v55+s13+$0x0], $0xffff  }
0x298: {  	v44 =	vld.idx.msk [tilespmem:v56+s13+$0x0], $0xffff  }
0x299: {  	v45 =	vld.idx.msk [tilespmem:v57+s13+$0x0], $0xffff  }
0x29a: {  	v46 =	vld.idx.msk [tilespmem:v58+s13+$0x0], $0xffff  }
0x29b: {  	v47 =	vld.idx.msk [tilespmem:v59+s13+$0x0], $0xffff  }
0x29c: {  	v51 =	vld [tilespmem:s28+$0xFFFFFE90]  }
0x29d: {  	v52 =	vld [tilespmem:s28+$0xFFFFFF58]  }
0x29e: {  	v53 =	vld [tilespmem:s28+$0x20]  }
0x29f: {  	v37 =	vld.idx.msk [tilespmem:v63+s13+$0x0], $0xffff  }
0x2a0: {  	v2 =	vld.idx.msk [tilespmem:v2+s13+$0x0], $0xffff  }
0x2a1: {  	v56 =	vld.idx.msk [tilespmem:v35+s13+$0x0], $0xffff  }
0x2a2: {  	v55 =	vld [tilespmem:s28+$0xFFFFFF68];
	v62 =	vshll.u32 v0, $0x10;
	v0 =	vand.u32 $0xFFFF0000, v0  }
0x2a3: {  	v35 =	vld [tilespmem:s28+$0x30];
	v54 =	vadd.f32 $0.0e+00, v62;
	v0 =	vadd.f32 $0.0e+00, v0  }
0x2a4: {  	v48 =	vld.idx.msk [tilespmem:v48+s13+$0x0], $0xffff;
	v63 =	vshll.u32 v3, $0x10;
	v3 =	vand.u32 $0xFFFF0000, v3  }
0x2a5: {  	v49 =	vld.idx.msk [tilespmem:v60+s13+$0x0], $0xffff;
	v57 =	vadd.f32 v63, v54;
	v0 =	vadd.f32 v3, v0  }
0x2a6: {  	v50 =	vld [tilespmem:s28+$0xFFFFFF78];
	v3 =	vshll.u32 v36, $0x10;
	v36 =	vand.u32 $0xFFFF0000, v36  }
0x2a7: {  	v54 =	vld [tilespmem:s28+$0xFFFFFEA0];
	v3 =	vadd.f32 v3, v57;
	v0 =	vadd.f32 v36, v0  }
0x2a8: {  	v58 =	vshll.u32 v38, $0x10;
	v38 =	vand.u32 $0xFFFF0000, v38;
	v51 =	vld.idx.msk [tilespmem:v51+s13+$0x0], $0xffff  }
0x2a9: {  	v36 =	vld [tilespmem:s28+$0xFFFFFEB0];
	v3 =	vadd.f32 v58, v3;
	v0 =	vadd.f32 v38, v0  }
0x2aa: {  	v59 =	vshll.u32 v39, $0x10;
	v39 =	vand.u32 $0xFFFF0000, v39;
	v38 =	vld.idx.msk [tilespmem:v61+s13+$0x0], $0xffff  }
0x2ab: {  	v60 =	vshll.u32 v40, $0x10;
	v3 =	vadd.f32 v59, v3;
	v0 =	vadd.f32 v39, v0;
	v39 =	vld [tilespmem:s28+$0x40]  }
0x2ac: {  	v40 =	vand.u32 $0xFFFF0000, v40;
	v58 =	vshll.u32 v45, $0x10;
	v59 =	vand.u32 $0xFFFF0000, v45;
	v45 =	vld [tilespmem:s28+$0xFFFFFF98]  }
0x2ad: {  	v3 =	vadd.f32 v60, v3;
	v0 =	vadd.f32 v40, v0;
	v40 =	vld.idx.msk [tilespmem:v52+s13+$0x0], $0xffff  }
0x2ae: {  	v61 =	vshll.u32 v41, $0x10;
	v52 =	vld.idx.msk [tilespmem:v53+s13+$0x0], $0xffff  }
0x2af: {  	v41 =	vand.u32 $0xFFFF0000, v41;
	v53 =	vld [tilespmem:s28+$0xFFFFFF88];
	v3 =	vadd.f32 v61, v3  }
0x2b0: {  	v62 =	vshll.u32 v42, $0x10;
	v54 =	vld.idx.msk [tilespmem:v54+s13+$0x0], $0xffff;
	v0 =	vadd.f32 v41, v0  }
0x2b1: {  	v42 =	vand.u32 $0xFFFF0000, v42;
	v41 =	vld [tilespmem:s28+$0xFFFFFEC0];
	v3 =	vadd.f32 v62, v3  }
0x2b2: {  	v63 =	vshll.u32 v43, $0x10;
	v43 =	vand.u32 $0xFFFF0000, v43;
	v0 =	vadd.f32 v42, v0;
	v42 =	vld [tilespmem:s28+$0x50]  }
0x2b3: {  	v61 =	vshll.u32 v47, $0x10;
	v62 =	vand.u32 $0xFFFF0000, v47;
	v47 =	vld.idx.msk [tilespmem:v36+s13+$0x0], $0xffff;
	v3 =	vadd.f32 v63, v3  }
0x2b4: {  	v57 =	vshll.u32 v44, $0x10;
	v44 =	vand.u32 $0xFFFF0000, v44;
	v0 =	vadd.f32 v43, v0;
	v43 =	vld.idx.msk [tilespmem:v55+s13+$0x0], $0xffff  }
0x2b5: {  	v60 =	vshll.u32 v46, $0x10;
	v46 =	vand.u32 $0xFFFF0000, v46;
	v55 =	vld.idx.msk [tilespmem:v35+s13+$0x0], $0xffff;
	v3 =	vadd.f32 v57, v3  }
0x2b6: {  	v35 =	vnsel vm0, $0x0, v61;
	v63 =	vshll.u32 v49, $0x10;
	v45 =	vld.idx.msk [tilespmem:v45+s13+$0x0], $0xffff;
	v0 =	vadd.f32 v44, v0  }
0x2b7: {  	v49 =	vand.u32 $0xFFFF0000, v49;
	v61 =	vshll.u32 v38, $0x10;
	v44 =	vld [tilespmem:s28+$0xFFFFFED0];
	v3 =	vadd.f32 v58, v3  }
0x2b8: {  	v38 =	vand.u32 $0xFFFF0000, v38;
	v57 =	vld [tilespmem:s28+$0x60];
	v0 =	vadd.f32 v59, v0;
	v58 =	vshll.u32 v56, $0x10  }
0x2b9: {  	v53 =	vld.idx.msk [tilespmem:v53+s13+$0x0], $0xffff;
	v59 =	vshll.u32 v48, $0x10;
	v56 =	vand.u32 $0xFFFF0000, v56;
	v3 =	vadd.f32 v60, v3  }
0x2ba: {  	v48 =	vand.u32 $0xFFFF0000, v48;
	v41 =	vld.idx.msk [tilespmem:v41+s13+$0x0], $0xffff;
	v56 =	vadd.f32 $0.0e+00, v56;
	v0 =	vadd.f32 v46, v0  }
0x2bb: {  	v58 =	vadd.f32 $0.0e+00, v58;
	v46 =	vld.idx.msk [tilespmem:v50+s13+$0x0], $0xffff;
	v36 =	vadd.f32 v35, v3;
	v3 =	vnsel vm0, $0x0, v62  }
0x2bc: {  	v50 =	vld [tilespmem:s28+$0xFFFFFEE0];
	v38 =	vadd.f32 v38, v56;
	v35 =	vadd.f32 v3, v0;
	v0 =	vshll.u32 v37, $0x10  }
0x2bd: {  	v3 =	vand.u32 $0xFFFF0000, v37;
	v37 =	vld.idx.msk [tilespmem:v39+s13+$0x0], $0xffff;
	v39 =	vshll.u32 v2, $0x10;
	v0 =	vadd.f32 $0.0e+00, v0  }
0x2be: {  	v60 =	vld [tilespmem:s28+$0xFFFFFFA8];
	v2 =	vand.u32 $0xFFFF0000, v2;
	v3 =	vadd.f32 $0.0e+00, v3;
	v39 =	vadd.f32 $0.0e+00, v39  }
0x2bf: {  	v42 =	vld.idx.msk [tilespmem:v42+s13+$0x0], $0xffff;
	v62 =	vshll.u32 v51, $0x10;
	v2 =	vadd.f32 $0.0e+00, v2;
	v0 =	vadd.f32 v59, v0  }
0x2c0: {  	v56 =	vld [tilespmem:s28+$0xFFFFFF00];
	v51 =	vand.u32 $0xFFFF0000, v51;
	v3 =	vadd.f32 v48, v3;
	v39 =	vadd.f32 v63, v39  }
0x2c1: {  	s30 =	simm.s32 $0xC8;
	v44 =	vld.idx.msk [tilespmem:v44+s13+$0x0], $0xffff;
	v2 =	vadd.f32 v49, v2;
	v48 =	vadd.f32 v61, v58;
	v63 =	vshll.u32 v40, $0x10  }
0x2c2: {  	s21 =	simm.s32 $0x190;
	s20 =	sand.u32 $0x1FE8, s30;
	v59 =	vld [tilespmem:s28+$0x70];
	v40 =	vand.u32 $0xFFFF0000, v40;
	v0 =	vadd.f32 v62, v0;
	v3 =	vadd.f32 v51, v3  }
0x2c3: {  	s21 =	sand.u32 $0x1FF0, s21;
	v49 =	vld [tilespmem:s20+$0x80];
	v61 =	vshll.u32 v52, $0x10;
	v39 =	vadd.f32 v63, v39;
	v2 =	vadd.f32 v40, v2  }
0x2c4: {  	v58 =	vld [tilespmem:s21+$0x80];
	v62 =	vand.u32 $0xFFFF0000, v52;
	v48 =	vadd.f32 v61, v48;
	v63 =	vshll.u32 v54, $0x10  }
0x2c5: {  	s31 =	sand.u32 $0x1FE0, s18;
	v61 =	vand.u32 $0xFFFF0000, v54;
	v54 =	vld.idx.msk [tilespmem:v57+s13+$0x0], $0xffff;
	v57 =	vand.u32 $0xFFFF0000, v55;
	v38 =	vadd.f32 v62, v38  }
0x2c6: {  	v51 =	vld [tilespmem:s31+$0x80];
	v62 =	vshll.u32 v43, $0x10;
	v43 =	vand.u32 $0xFFFF0000, v43;
	v0 =	vadd.f32 v63, v0  }
0x2c7: {  	v40 =	vld [tilespmem:s28+$0xFFFFFFC8];
	v3 =	vadd.f32 v61, v3;
	v63 =	vshll.u32 v55, $0x10;
	v39 =	vadd.f32 v62, v39  }
0x2c8: {  	v52 =	vld [tilespmem:s28+$0x90];
	v2 =	vadd.f32 v43, v2;
	v61 =	vshll.u32 v47, $0x10;
	v47 =	vand.u32 $0xFFFF0000, v47  }
0x2c9: {  	v50 =	vld.idx.msk [tilespmem:v50+s13+$0x0], $0xffff;
	v62 =	vshll.u32 v46, $0x10;
	v46 =	vand.u32 $0xFFFF0000, v46;
	v48 =	vadd.f32 v63, v48  }
0x2ca: {  	v38 =	vadd.f32 v57, v38;
	v63 =	vshll.u32 v37, $0x10;
	v3 =	vadd.f32 v47, v3;
	v47 =	vld.idx.msk [tilespmem:v60+s13+$0x0], $0xffff  }
0x2cb: {  	v37 =	vand.u32 $0xFFFF0000, v37;
	v57 =	vshll.u32 v41, $0x10;
	v2 =	vadd.f32 v46, v2;
	v46 =	vld [tilespmem:s28+$0xFFFFFF10]  }
0x2cc: {  	v41 =	vand.u32 $0xFFFF0000, v41;
	v0 =	vadd.f32 v61, v0;
	v43 =	vadd.f32 v63, v48;
	v48 =	vld [tilespmem:s28+$0xFFFFFFD8]  }
0x2cd: {  	v39 =	vadd.f32 v62, v39;
	v60 =	vshll.u32 v42, $0x10;
	v42 =	vand.u32 $0xFFFF0000, v42;
	v55 =	vld.idx.msk [tilespmem:v59+s13+$0x0], $0xffff  }
0x2ce: {  	v61 =	vshll.u32 v44, $0x10;
	v44 =	vand.u32 $0xFFFF0000, v44;
	v3 =	vadd.f32 v41, v3;
	v41 =	vld [tilespmem:s28+$0xA0]  }
0x2cf: {  	v62 =	vshll.u32 v45, $0x10;
	v45 =	vand.u32 $0xFFFF0000, v45;
	v37 =	vadd.f32 v37, v38;
	v49 =	vld.idx.msk [tilespmem:v49+s13+$0x0], $0xffff  }
0x2d0: {  	v63 =	vshll.u32 v54, $0x10;
	v0 =	vadd.f32 v57, v0;
	v59 =	vshll.u32 v53, $0x10;
	v57 =	vld [tilespmem:s28+$0xFFFFFFE8]  }
0x2d1: {  	v53 =	vand.u32 $0xFFFF0000, v53;
	v38 =	vadd.f32 v59, v39;
	v39 =	vadd.f32 v60, v43;
	v43 =	vld.idx.msk [tilespmem:v58+s13+$0x0], $0xffff  }
0x2d2: {  	v2 =	vadd.f32 v53, v2;
	v37 =	vadd.f32 v42, v37;
	v53 =	vld [tilespmem:s28+$0xFFFFFF20];
	v58 =	vshll.u32 v50, $0x10  }
0x2d3: {  	v59 =	vand.u32 $0xFFFF0000, v50;
	v50 =	vld.idx.msk [tilespmem:v56+s13+$0x0], $0xffff;
	v0 =	vadd.f32 v61, v0;
	v3 =	vadd.f32 v44, v3  }
0x2d4: {  	v54 =	vand.u32 $0xFFFF0000, v54;
	v51 =	vld.idx.msk [tilespmem:v51+s13+$0x0], $0xffff;
	v38 =	vadd.f32 v62, v38;
	v2 =	vadd.f32 v45, v2  }
0x2d5: {  	v40 =	vld.idx.msk [tilespmem:v40+s13+$0x0], $0xffff;
	v39 =	vadd.f32 v63, v39;
	v37 =	vadd.f32 v54, v37  }
0x2d6: {  	v45 =	vld [tilespmem:s28+$0xB0];
	v60 =	vshll.u32 v47, $0x10;
	v61 =	vand.u32 $0xFFFF0000, v47;
	v0 =	vadd.f32 v58, v0  }
0x2d7: {  	v47 =	vld.idx.msk [tilespmem:v52+s13+$0x0], $0xffff;
	v3 =	vadd.f32 v59, v3;
	v38 =	vadd.f32 v60, v38;
	v62 =	vshll.u32 v55, $0x10  }
0x2d8: {  	v54 =	vld [tilespmem:s28+$0xFFFFFF30];
	v63 =	vand.u32 $0xFFFF0000, v55;
	v2 =	vadd.f32 v61, v2;
	v56 =	vshll.u32 v49, $0x10  }
0x2d9: {  	v52 =	vld [tilespmem:s28+$0xFFFFFFF8];
	v58 =	vand.u32 $0xFFFF0000, v49;
	v39 =	vadd.f32 v62, v39;
	v37 =	vadd.f32 v63, v37  }
0x2da: {  	v60 =	vshll.u32 v43, $0x10;
	v49 =	vld.idx.msk [tilespmem:v46+s13+$0x0], $0xffff;
	v62 =	vand.u32 $0xFFFF0000, v43;
	v46 =	vshll.u32 v50, $0x10  }
0x2db: {  	v55 =	vld [tilespmem:s28+$0xC0];
	v50 =	vand.u32 $0xFFFF0000, v50;
	v38 =	vadd.f32 v56, v38;
	v59 =	vshll.u32 v51, $0x10  }
0x2dc: {  	v2 =	vadd.f32 v58, v2;
	v61 =	vand.u32 $0xFFFF0000, v51;
	v48 =	vld.idx.msk [tilespmem:v48+s13+$0x0], $0xffff;
	v0 =	vadd.f32 v59, v0  }
0x2dd: {  	v3 =	vadd.f32 v61, v3;
	v39 =	vadd.f32 v60, v39;
	v56 =	vld.idx.msk [tilespmem:v41+s13+$0x0], $0xffff;
	v60 =	vshll.u32 v40, $0x10  }
0x2de: {  	v63 =	vadd.f32 v62, v37;
	v40 =	vand.u32 $0xFFFF0000, v40;
	v41 =	vld.idx.msk [tilespmem:v57+s13+$0x0], $0xffff;
	v43 =	vadd.f32 v60, v38  }
0x2df: {  	v61 =	vshll.u32 v47, $0x10;
	v42 =	vld.idx.msk [tilespmem:v53+s13+$0x0], $0xffff;
	v0 =	vadd.f32 v46, v0;
	v3 =	vadd.f32 v50, v3  }
0x2e0: {  	v62 =	vand.u32 $0xFFFF0000, v47;
	v46 =	vadd.f32 v40, v2;
	v44 =	vadd.f32 v61, v39;
	v37 =	vld.idx.msk [tilespmem:v45+s13+$0x0], $0xffff  }
0x2e1: {  	s19 =	simm.s32 $0x1A0A0;
	v45 =	vadd.f32 v62, v63;
	v2 =	vshll.u32 v49, $0x10;
	v63 =	vand.u32 $0xFFFF0000, v49;
	v40 =	vld.idx.msk [tilespmem:v54+s13+$0x0], $0xffff  }
0x2e2: {  	[tilespmem:s19+$0x10] =	vst v36;
	s20 =	simm.s32 $0x1A2A0;
	v39 =	vld.idx.msk [tilespmem:v52+s13+$0x0], $0xffff;
	v47 =	vadd.f32 v2, v0;
	v36 =	vshll.u32 v48, $0x10;
	v49 =	vand.u32 $0xFFFF0000, v48  }
0x2e3: {  	s22 =	simm.s32 $0x4B0;
	s21 =	simm.s32 $0x0;
	[tilespmem:s20+$0x10] =	vst v35;
	v48 =	vadd.f32 v63, v3;
	v50 =	vshll.u32 v56, $0x10;
	v51 =	vand.u32 $0xFFFF0000, v56;
	v38 =	vld.idx.msk [tilespmem:v55+s13+$0x0], $0xffff  }
.LBB2_6:
0x2e4: {  	v0 =	vld [tilespmem:s22+$0xC8];
	v2 =	vshll.u32 v42, $0x10;
	v3 =	vadd.f32 v36, v43;
	v43 =	vadd.f32 v49, v46  }
0x2e5: {  	s21 =	sadd.s32 $0x4, s21;
	v42 =	vand.u32 $0xFFFF0000, v42;
	v44 =	vadd.f32 v50, v44;
	v45 =	vadd.f32 v51, v45;
	v35 =	vld [tilespmem:s22+$0xFFFFFF38]  }
0x2e6: {  	v49 =	vshll.u32 v41, $0x10;
	v41 =	vand.u32 $0xFFFF0000, v41;
	p0 =	slt.u32 s21, $0x1C;
	v50 =	vshll.u32 v37, $0x10;
	v46 =	vld [tilespmem:s22+$0xD8]  }
0x2e7: {  	v2 =	vadd.f32 v2, v47;
	v42 =	vadd.f32 v42, v48;
	v47 =	vand.u32 $0xFFFF0000, v37;
	v36 =	vld [tilespmem:s22+$0x0]  }
0x2e8: {  	v51 =	vshll.u32 v40, $0x10;
	v3 =	vadd.f32 v49, v3;
	v41 =	vadd.f32 v41, v43;
	v48 =	vld [tilespmem:s22+$0xE8]  }
0x2e9: {  	v40 =	vand.u32 $0xFFFF0000, v40;
	v43 =	vadd.f32 v50, v44;
	v44 =	vadd.f32 v47, v45;
	v37 =	vld [tilespmem:s22+$0xFFFFFE70]  }
0x2ea: {  	v47 =	vshll.u32 v39, $0x10;
	v39 =	vand.u32 $0xFFFF0000, v39;
	v49 =	vshll.u32 v38, $0x10;
	v45 =	vld [tilespmem:s22+$0xF8]  }
0x2eb: {  	v51 =	vnsel vm0, $0x0, v51;
	v40 =	vnsel vm0, $0x0, v40;
	v38 =	vand.u32 $0xFFFF0000, v38;
	v50 =	vld [tilespmem:s22+$0x108]  }
0x2ec: {  	v47 =	vnsel vm0, $0x0, v47;
	v39 =	vnsel vm0, $0x0, v39;
	v49 =	vnsel vm0, $0x0, v49;
	v0 =	vld.idx.msk [tilespmem:v0+s13+$0x0], $0xffff  }
0x2ed: {  	v2 =	vadd.f32 v51, v2;
	v40 =	vadd.f32 v40, v42;
	v38 =	vnsel vm0, $0x0, v38;
	v52 =	vld [tilespmem:s22+$0x118]  }
0x2ee: {  	v3 =	vadd.f32 v47, v3;
	v39 =	vadd.f32 v39, v41;
	v42 =	vld.idx.msk [tilespmem:v46+s13+$0x0], $0xffff  }
0x2ef: {  	v38 =	vadd.f32 v38, v44;
	v41 =	vld [tilespmem:s22+$0x128];
	[tilespmem:s19+$0xFFFFFFE0] =	vst v2;
	v2 =	vadd.f32 v49, v43  }
0x2f0: {  	s18 =	sadd.s32 $0x320, s18;
	v43 =	vld.idx.msk [tilespmem:v48+s13+$0x0], $0xffff;
	[tilespmem:s20+$0xFFFFFFE0] =	vst v40  }
0x2f1: {  	s23 =	sadd.s32 $0xC8, s18;
	s25 =	sadd.s32 $0x190, s18;
	s26 =	sadd.s32 $0x258, s18;
	v40 =	vld [tilespmem:s22+$0x138];
	[tilespmem:s19+$0xFFFFFFF0] =	vst v3  }
0x2f2: {  	s24 =	sand.u32 $0x1FE8, s23;
	s23 =	sand.u32 $0x1FF0, s25;
	s26 =	sand.u32 $0x1FF8, s26;
	v3 =	vshll.u32 v0, $0x10;
	v44 =	vld.idx.msk [tilespmem:v45+s13+$0x0], $0xffff;
	[tilespmem:s20+$0xFFFFFFF0] =	vst v39  }
0x2f3: {  	s25 =	sand.u32 $0x1FE0, s18;
	v0 =	vand.u32 $0xFFFF0000, v0;
	v3 =	vadd.f32 $0.0e+00, v3;
	v39 =	vld [tilespmem:s26+$0x80];
	[tilespmem:s19+$0x0] =	vst v2  }
0x2f4: {  	v0 =	vadd.f32 $0.0e+00, v0;
	v2 =	vshll.u32 v42, $0x10;
	v45 =	vld.idx.msk [tilespmem:v50+s13+$0x0], $0xffff;
	[tilespmem:s20+$0x0] =	vst v38  }
0x2f5: {  	v38 =	vand.u32 $0xFFFF0000, v42;
	v2 =	vadd.f32 v2, v3;
	v3 =	vld [tilespmem:s22+$0x158]  }
0x2f6: {  	v0 =	vadd.f32 v38, v0;
	v38 =	vshll.u32 v43, $0x10;
	v42 =	vld.idx.msk [tilespmem:v52+s13+$0x0], $0xffff  }
0x2f7: {  	v43 =	vand.u32 $0xFFFF0000, v43;
	v2 =	vadd.f32 v38, v2;
	v38 =	vld [tilespmem:s22+$0x168]  }
0x2f8: {  	v0 =	vadd.f32 v43, v0;
	v43 =	vshll.u32 v44, $0x10;
	v41 =	vld.idx.msk [tilespmem:v41+s13+$0x0], $0xffff  }
0x2f9: {  	v44 =	vand.u32 $0xFFFF0000, v44;
	v2 =	vadd.f32 v43, v2;
	v43 =	vld [tilespmem:s22+$0x178]  }
0x2fa: {  	v0 =	vadd.f32 v44, v0;
	v44 =	vshll.u32 v45, $0x10;
	v40 =	vld.idx.msk [tilespmem:v40+s13+$0x0], $0xffff  }
0x2fb: {  	v45 =	vand.u32 $0xFFFF0000, v45;
	v2 =	vadd.f32 v44, v2;
	v44 =	vld [tilespmem:s22+$0x188]  }
0x2fc: {  	v0 =	vadd.f32 v45, v0;
	v45 =	vshll.u32 v42, $0x10;
	v39 =	vld.idx.msk [tilespmem:v39+s13+$0x0], $0xffff  }
0x2fd: {  	v42 =	vand.u32 $0xFFFF0000, v42;
	v2 =	vadd.f32 v45, v2;
	v46 =	vld [tilespmem:s22+$0xFFFFFE80]  }
0x2fe: {  	v0 =	vadd.f32 v42, v0;
	v42 =	vshll.u32 v41, $0x10;
	v3 =	vld.idx.msk [tilespmem:v3+s13+$0x0], $0xffff  }
0x2ff: {  	v41 =	vand.u32 $0xFFFF0000, v41;
	v2 =	vadd.f32 v42, v2;
	v45 =	vld [tilespmem:s22+$0xFFFFFF48]  }
0x300: {  	v0 =	vadd.f32 v41, v0;
	v41 =	vshll.u32 v40, $0x10;
	v38 =	vld.idx.msk [tilespmem:v38+s13+$0x0], $0xffff  }
0x301: {  	v40 =	vand.u32 $0xFFFF0000, v40;
	v2 =	vadd.f32 v41, v2;
	v42 =	vld [tilespmem:s22+$0x10]  }
0x302: {  	v0 =	vadd.f32 v40, v0;
	v40 =	vshll.u32 v39, $0x10;
	v41 =	vld.idx.msk [tilespmem:v43+s13+$0x0], $0xffff  }
0x303: {  	v39 =	vand.u32 $0xFFFF0000, v39;
	v2 =	vadd.f32 v40, v2;
	v40 =	vld.idx.msk [tilespmem:v44+s13+$0x0], $0xffff  }
0x304: {  	v0 =	vadd.f32 v39, v0;
	v39 =	vshll.u32 v3, $0x10;
	v43 =	vld [tilespmem:s22+$0xFFFFFE90]  }
0x305: {  	v3 =	vand.u32 $0xFFFF0000, v3;
	v2 =	vadd.f32 v39, v2;
	v44 =	vld [tilespmem:s22+$0xFFFFFF58]  }
0x306: {  	v0 =	vadd.f32 v3, v0;
	v3 =	vshll.u32 v38, $0x10;
	v39 =	vld [tilespmem:s22+$0x20]  }
0x307: {  	v38 =	vand.u32 $0xFFFF0000, v38;
	v2 =	vadd.f32 v3, v2;
	v37 =	vld.idx.msk [tilespmem:v37+s13+$0x0], $0xffff  }
0x308: {  	v0 =	vadd.f32 v38, v0;
	v3 =	vld.idx.msk [tilespmem:v35+s13+$0x0], $0xffff;
	v35 =	vshll.u32 v41, $0x10  }
0x309: {  	v38 =	vand.u32 $0xFFFF0000, v41;
	v36 =	vld.idx.msk [tilespmem:v36+s13+$0x0], $0xffff;
	v2 =	vadd.f32 v35, v2;
	v35 =	vshll.u32 v40, $0x10  }
0x30a: {  	v0 =	vadd.f32 v38, v0;
	v38 =	vand.u32 $0xFFFF0000, v40;
	v41 =	vld [tilespmem:s22+$0xFFFFFEA0];
	v35 =	vnsel vm0, $0x0, v35  }
0x30b: {  	v40 =	vld [tilespmem:s22+$0xFFFFFF68];
	v2 =	vadd.f32 v35, v2;
	v35 =	vnsel vm0, $0x0, v38  }
0x30c: {  	s19 =	sadd.s32 $0x40, s19;
	v38 =	vld [tilespmem:s22+$0x30];
	v0 =	vadd.f32 v35, v0  }
0x30d: {  	s20 =	sadd.s32 $0x40, s20;
	v35 =	vshll.u32 v37, $0x10;
	v37 =	vand.u32 $0xFFFF0000, v37;
	v46 =	vld.idx.msk [tilespmem:v46+s13+$0x0], $0xffff;
	[tilespmem:s19+$0x10] =	vst v2  }
0x30e: {  	v2 =	vadd.f32 $0.0e+00, v35;
	v35 =	vshll.u32 v3, $0x10;
	v3 =	vand.u32 $0xFFFF0000, v3;
	v45 =	vld.idx.msk [tilespmem:v45+s13+$0x0], $0xffff;
	[tilespmem:s20+$0x10] =	vst v0  }
0x30f: {  	v0 =	vadd.f32 $0.0e+00, v37;
	v37 =	vshll.u32 v36, $0x10;
	v36 =	vand.u32 $0xFFFF0000, v36;
	v42 =	vld.idx.msk [tilespmem:v42+s13+$0x0], $0xffff  }
0x310: {  	v35 =	vadd.f32 $0.0e+00, v35;
	v3 =	vadd.f32 $0.0e+00, v3;
	v47 =	vld [tilespmem:s22+$0xFFFFFEB0]  }
0x311: {  	v37 =	vadd.f32 $0.0e+00, v37;
	v36 =	vadd.f32 $0.0e+00, v36;
	v48 =	vld [tilespmem:s22+$0xFFFFFF78]  }
0x312: {  	v49 =	vld [tilespmem:s22+$0x40]  }
0x313: {  	v50 =	vshll.u32 v46, $0x10;
	v46 =	vand.u32 $0xFFFF0000, v46;
	v43 =	vld.idx.msk [tilespmem:v43+s13+$0x0], $0xffff  }
0x314: {  	v2 =	vadd.f32 v50, v2;
	v50 =	vshll.u32 v45, $0x10;
	v45 =	vand.u32 $0xFFFF0000, v45;
	v44 =	vld.idx.msk [tilespmem:v44+s13+$0x0], $0xffff  }
0x315: {  	v0 =	vadd.f32 v46, v0;
	v46 =	vshll.u32 v42, $0x10;
	v42 =	vand.u32 $0xFFFF0000, v42;
	v39 =	vld.idx.msk [tilespmem:v39+s13+$0x0], $0xffff  }
0x316: {  	v35 =	vadd.f32 v50, v35;
	v3 =	vadd.f32 v45, v3;
	v51 =	vld [tilespmem:s22+$0xFFFFFEC0]  }
0x317: {  	v37 =	vadd.f32 v46, v37;
	v36 =	vadd.f32 v42, v36;
	v45 =	vld [tilespmem:s22+$0xFFFFFF88]  }
0x318: {  	v42 =	vld [tilespmem:s22+$0x50]  }
0x319: {  	v46 =	vshll.u32 v43, $0x10;
	v43 =	vand.u32 $0xFFFF0000, v43;
	v41 =	vld.idx.msk [tilespmem:v41+s13+$0x0], $0xffff  }
0x31a: {  	v2 =	vadd.f32 v46, v2;
	v46 =	vshll.u32 v44, $0x10;
	v44 =	vand.u32 $0xFFFF0000, v44;
	v40 =	vld.idx.msk [tilespmem:v40+s13+$0x0], $0xffff  }
0x31b: {  	v0 =	vadd.f32 v43, v0;
	v43 =	vshll.u32 v39, $0x10;
	v39 =	vand.u32 $0xFFFF0000, v39;
	v38 =	vld.idx.msk [tilespmem:v38+s13+$0x0], $0xffff  }
0x31c: {  	v35 =	vadd.f32 v46, v35;
	v3 =	vadd.f32 v44, v3;
	v50 =	vld [tilespmem:s22+$0xFFFFFED0]  }
0x31d: {  	v37 =	vadd.f32 v43, v37;
	v36 =	vadd.f32 v39, v36;
	v44 =	vld [tilespmem:s22+$0xFFFFFF98]  }
0x31e: {  	v39 =	vld [tilespmem:s22+$0x60]  }
0x31f: {  	v43 =	vshll.u32 v41, $0x10;
	v41 =	vand.u32 $0xFFFF0000, v41;
	v46 =	vld.idx.msk [tilespmem:v47+s13+$0x0], $0xffff  }
0x320: {  	v2 =	vadd.f32 v43, v2;
	v43 =	vshll.u32 v40, $0x10;
	v40 =	vand.u32 $0xFFFF0000, v40;
	v47 =	vld.idx.msk [tilespmem:v48+s13+$0x0], $0xffff  }
0x321: {  	v0 =	vadd.f32 v41, v0;
	v41 =	vshll.u32 v38, $0x10;
	v38 =	vand.u32 $0xFFFF0000, v38;
	v48 =	vld.idx.msk [tilespmem:v49+s13+$0x0], $0xffff  }
0x322: {  	v35 =	vadd.f32 v43, v35;
	v3 =	vadd.f32 v40, v3;
	v49 =	vld [tilespmem:s22+$0xFFFFFEE0]  }
0x323: {  	v37 =	vadd.f32 v41, v37;
	v36 =	vadd.f32 v38, v36;
	v40 =	vld [tilespmem:s22+$0xFFFFFFA8]  }
0x324: {  	v38 =	vld [tilespmem:s22+$0x70]  }
0x325: {  	v41 =	vshll.u32 v46, $0x10;
	v43 =	vand.u32 $0xFFFF0000, v46;
	v46 =	vld.idx.msk [tilespmem:v51+s13+$0x0], $0xffff  }
0x326: {  	v2 =	vadd.f32 v41, v2;
	v41 =	vshll.u32 v47, $0x10;
	v47 =	vand.u32 $0xFFFF0000, v47;
	v45 =	vld.idx.msk [tilespmem:v45+s13+$0x0], $0xffff  }
0x327: {  	v0 =	vadd.f32 v43, v0;
	v43 =	vshll.u32 v48, $0x10;
	v48 =	vand.u32 $0xFFFF0000, v48;
	v42 =	vld.idx.msk [tilespmem:v42+s13+$0x0], $0xffff  }
0x328: {  	v35 =	vadd.f32 v41, v35;
	v3 =	vadd.f32 v47, v3;
	v41 =	vld [tilespmem:s24+$0x80]  }
0x329: {  	v37 =	vadd.f32 v43, v37;
	v36 =	vadd.f32 v48, v36;
	v43 =	vld [tilespmem:s23+$0x80]  }
0x32a: {  	v47 =	vld [tilespmem:s25+$0x80]  }
0x32b: {  	v48 =	vshll.u32 v46, $0x10;
	v46 =	vand.u32 $0xFFFF0000, v46;
	v50 =	vld.idx.msk [tilespmem:v50+s13+$0x0], $0xffff  }
0x32c: {  	v2 =	vadd.f32 v48, v2;
	v48 =	vshll.u32 v45, $0x10;
	v45 =	vand.u32 $0xFFFF0000, v45;
	v44 =	vld.idx.msk [tilespmem:v44+s13+$0x0], $0xffff  }
0x32d: {  	v0 =	vadd.f32 v46, v0;
	v46 =	vshll.u32 v42, $0x10;
	v42 =	vand.u32 $0xFFFF0000, v42;
	v39 =	vld.idx.msk [tilespmem:v39+s13+$0x0], $0xffff  }
0x32e: {  	v35 =	vadd.f32 v48, v35;
	v3 =	vadd.f32 v45, v3;
	v51 =	vld [tilespmem:s22+$0xFFFFFF00]  }
0x32f: {  	v37 =	vadd.f32 v46, v37;
	v36 =	vadd.f32 v42, v36;
	v45 =	vld [tilespmem:s22+$0xFFFFFFC8]  }
0x330: {  	v42 =	vld [tilespmem:s22+$0x90]  }
0x331: {  	v46 =	vshll.u32 v50, $0x10;
	v48 =	vand.u32 $0xFFFF0000, v50;
	v49 =	vld.idx.msk [tilespmem:v49+s13+$0x0], $0xffff  }
0x332: {  	v2 =	vadd.f32 v46, v2;
	v46 =	vshll.u32 v44, $0x10;
	v44 =	vand.u32 $0xFFFF0000, v44;
	v40 =	vld.idx.msk [tilespmem:v40+s13+$0x0], $0xffff  }
0x333: {  	v0 =	vadd.f32 v48, v0;
	v48 =	vshll.u32 v39, $0x10;
	v39 =	vand.u32 $0xFFFF0000, v39;
	v38 =	vld.idx.msk [tilespmem:v38+s13+$0x0], $0xffff  }
0x334: {  	v35 =	vadd.f32 v46, v35;
	v3 =	vadd.f32 v44, v3;
	v50 =	vld [tilespmem:s22+$0xFFFFFF10]  }
0x335: {  	v37 =	vadd.f32 v48, v37;
	v36 =	vadd.f32 v39, v36;
	v44 =	vld [tilespmem:s22+$0xFFFFFFD8]  }
0x336: {  	v39 =	vld [tilespmem:s22+$0xA0]  }
0x337: {  	v46 =	vshll.u32 v49, $0x10;
	v48 =	vand.u32 $0xFFFF0000, v49;
	v41 =	vld.idx.msk [tilespmem:v41+s13+$0x0], $0xffff  }
0x338: {  	v2 =	vadd.f32 v46, v2;
	v46 =	vshll.u32 v40, $0x10;
	v40 =	vand.u32 $0xFFFF0000, v40;
	v43 =	vld.idx.msk [tilespmem:v43+s13+$0x0], $0xffff  }
0x339: {  	v0 =	vadd.f32 v48, v0;
	v48 =	vshll.u32 v38, $0x10;
	v38 =	vand.u32 $0xFFFF0000, v38;
	v47 =	vld.idx.msk [tilespmem:v47+s13+$0x0], $0xffff  }
0x33a: {  	v35 =	vadd.f32 v46, v35;
	v3 =	vadd.f32 v40, v3;
	v49 =	vld [tilespmem:s22+$0xFFFFFF20]  }
0x33b: {  	v37 =	vadd.f32 v48, v37;
	v36 =	vadd.f32 v38, v36;
	v40 =	vld [tilespmem:s22+$0xFFFFFFE8]  }
0x33c: {  	v38 =	vld [tilespmem:s22+$0xB0]  }
0x33d: {  	v48 =	vshll.u32 v41, $0x10;
	v41 =	vand.u32 $0xFFFF0000, v41;
	v46 =	vld.idx.msk [tilespmem:v51+s13+$0x0], $0xffff  }
0x33e: {  	v35 =	vadd.f32 v48, v35;
	v48 =	vshll.u32 v43, $0x10;
	v43 =	vand.u32 $0xFFFF0000, v43;
	v45 =	vld.idx.msk [tilespmem:v45+s13+$0x0], $0xffff  }
0x33f: {  	v3 =	vadd.f32 v41, v3;
	v51 =	vshll.u32 v47, $0x10;
	v47 =	vand.u32 $0xFFFF0000, v47;
	v41 =	vld.idx.msk [tilespmem:v42+s13+$0x0], $0xffff  }
0x340: {  	v2 =	vadd.f32 v51, v2;
	v0 =	vadd.f32 v47, v0;
	v47 =	vld [tilespmem:s22+$0xFFFFFF30]  }
0x341: {  	v37 =	vadd.f32 v48, v37;
	v36 =	vadd.f32 v43, v36;
	v51 =	vld [tilespmem:s22+$0xFFFFFFF8]  }
0x342: {  	v52 =	vld [tilespmem:s22+$0xC0]  }
0x343: {  	v42 =	vshll.u32 v46, $0x10;
	v43 =	vand.u32 $0xFFFF0000, v46;
	v48 =	vld.idx.msk [tilespmem:v50+s13+$0x0], $0xffff  }
0x344: {  	v2 =	vadd.f32 v42, v2;
	v46 =	vshll.u32 v45, $0x10;
	v45 =	vand.u32 $0xFFFF0000, v45;
	v50 =	vld.idx.msk [tilespmem:v44+s13+$0x0], $0xffff  }
0x345: {  	v0 =	vadd.f32 v43, v0;
	v44 =	vshll.u32 v41, $0x10;
	v53 =	vand.u32 $0xFFFF0000, v41;
	v54 =	vld.idx.msk [tilespmem:v39+s13+$0x0], $0xffff  }
0x346: {  	v43 =	vadd.f32 v46, v35;
	v46 =	vadd.f32 v45, v3;
	v42 =	vld.idx.msk [tilespmem:v49+s13+$0x0], $0xffff  }
.Ltmp2:
0x347: {  	v44 =	vadd.f32 v44, v37;
	v45 =	vadd.f32 v53, v36;
	v41 =	vld.idx.msk [tilespmem:v40+s13+$0x0], $0xffff;
	(pc) =	sbr.rel @p0 .LBB2_6-.Ltmp2, $4  }
0x348: {  	v37 =	vld.idx.msk [tilespmem:v38+s13+$0x0], $0xffff  }
0x349: {  	v3 =	vshll.u32 v48, $0x10;
	v35 =	vand.u32 $0xFFFF0000, v48;
	v40 =	vld.idx.msk [tilespmem:v47+s13+$0x0], $0xffff  }
0x34a: {  	v47 =	vadd.f32 v3, v2;
	v36 =	vshll.u32 v50, $0x10;
	v49 =	vand.u32 $0xFFFF0000, v50;
	v39 =	vld.idx.msk [tilespmem:v51+s13+$0x0], $0xffff  }
0x34b: {  	s22 =	sadd.s32 $0x320, s22;
	v48 =	vadd.f32 v35, v0;
	v50 =	vshll.u32 v54, $0x10;
	v51 =	vand.u32 $0xFFFF0000, v54;
	v38 =	vld.idx.msk [tilespmem:v52+s13+$0x0], $0xffff  }
0x34c: {  	v0 =	vshll.u32 v42, $0x10  }
0x34d: {  	v2 =	vadd.f32 v36, v43;
	v3 =	vadd.f32 v49, v46;
	v35 =	vand.u32 $0xFFFF0000, v42  }
0x34e: {  	v62 =	vadd.f32 v50, v44;
	v63 =	vadd.f32 v51, v45;
	v49 =	vshll.u32 v41, $0x10  }
0x34f: {  	v50 =	vand.u32 $0xFFFF0000, v41;
	v51 =	vshll.u32 v37, $0x10;
	v0 =	vadd.f32 v0, v47  }
0x350: {  	v35 =	vadd.f32 v35, v48;
	v52 =	vand.u32 $0xFFFF0000, v37;
	v53 =	vshll.u32 v40, $0x10  }
0x351: {  	v2 =	vadd.f32 v49, v2;
	v3 =	vadd.f32 v50, v3;
	v54 =	vand.u32 $0xFFFF0000, v40  }
0x352: {  	v36 =	vadd.f32 v51, v62;
	v37 =	vadd.f32 v52, v63;
	v55 =	vnsel vm0, $0x0, v53  }
0x353: {  	v56 =	vshll.u32 v39, $0x10;
	v40 =	vnsel vm0, $0x0, v54;
	v0 =	vadd.f32 v55, v0  }
0x354: {  	v57 =	vand.u32 $0xFFFF0000, v39;
	v58 =	vnsel vm0, $0x0, v56;
	v35 =	vadd.f32 v40, v35  }
0x355: {  	v59 =	vshll.u32 v38, $0x10;
	v39 =	vnsel vm0, $0x0, v57;
	v2 =	vadd.f32 v58, v2;
	[tilespmem:s19+$0xFFFFFFE0] =	vst v0  }
0x356: {  	v60 =	vnsel vm0, $0x0, v59;
	v3 =	vadd.f32 v39, v3;
	v0 =	vand.u32 $0xFFFF0000, v38;
	[tilespmem:s20+$0xFFFFFFE0] =	vst v35  }
0x357: {  	v61 =	vadd.f32 v60, v36;
	v0 =	vnsel vm0, $0x0, v0;
	[tilespmem:s19+$0xFFFFFFF0] =	vst v2  }
0x358: {  	v0 =	vadd.f32 v0, v37;
	[tilespmem:s20+$0xFFFFFFF0] =	vst v3  }
0x359: {  	[tilespmem:s19+$0x0] =	vst v61  }
0x35a: {  	[tilespmem:s20+$0x0] =	vst v0  }
0x35b: {  	v0 =	vld.idx.msk [tilespmem:v1+s14+$0x0], $0xffff  }
0x35c: {  	v2 =	vld.idx.msk [tilespmem:v1+s15+$0x0], $0xffff  }
0x35d: {  	v35 =	vld [tilespmem:$0x1FFF0]  }
0x35e: {  	v36 =	vld.idx.msk [tilespmem:v4+s14+$0x0], $0xffff  }
0x35f: {  	v37 =	vld.idx.msk [tilespmem:v4+s15+$0x0], $0xffff  }
0x360: {  	v38 =	vld.idx.msk [tilespmem:v5+s14+$0x0], $0xffff  }
0x361: {  	v39 =	vld.idx.msk [tilespmem:v5+s15+$0x0], $0xffff  }
0x362: {  	v40 =	vld.idx.msk [tilespmem:v6+s14+$0x0], $0xffff  }
0x363: {  	v41 =	vld.idx.msk [tilespmem:v6+s15+$0x0], $0xffff  }
0x364: {  	v42 =	vld.idx.msk [tilespmem:v7+s14+$0x0], $0xffff  }
0x365: {  	v43 =	vld.idx.msk [tilespmem:v7+s15+$0x0], $0xffff  }
0x366: {  	v44 =	vld.idx.msk [tilespmem:v8+s14+$0x0], $0xffff  }
0x367: {  	v45 =	vld.idx.msk [tilespmem:v8+s15+$0x0], $0xffff  }
0x368: {  	v46 =	vld.idx.msk [tilespmem:v9+s14+$0x0], $0xffff  }
0x369: {  	v47 =	vld.idx.msk [tilespmem:v9+s15+$0x0], $0xffff  }
0x36a: {  	v48 =	vld.idx.msk [tilespmem:v10+s14+$0x0], $0xffff  }
0x36b: {  	v49 =	vld.idx.msk [tilespmem:v10+s15+$0x0], $0xffff  }
0x36c: {  	v50 =	vld.idx.msk [tilespmem:v11+s14+$0x0], $0xffff  }
0x36d: {  	v51 =	vld.idx.msk [tilespmem:v11+s15+$0x0], $0xffff  }
0x36e: {  	v52 =	vld.idx.msk [tilespmem:v12+s14+$0x0], $0xffff  }
0x36f: {  	v53 =	vld.idx.msk [tilespmem:v12+s15+$0x0], $0xffff  }
0x370: {  	v54 =	vld.idx.msk [tilespmem:v33+s14+$0x0], $0xffff  }
0x371: {  	v55 =	vld.idx.msk [tilespmem:v33+s15+$0x0], $0xffff  }
0x372: {  	v56 =	vld.idx.msk [tilespmem:v34+s14+$0x0], $0xffff  }
0x373: {  	v57 =	vld.idx.msk [tilespmem:v34+s15+$0x0], $0xffff  }
0x374: {  	v58 =	vld.idx.msk [tilespmem:v29+s14+$0x0], $0xffff  }
0x375: {  	v59 =	vld.idx.msk [tilespmem:v15+s14+$0x0], $0xffff  }
0x376: {  	v60 =	vld.idx.msk [tilespmem:v30+s14+$0x0], $0xffff  }
0x377: {  	v3 =	vld.idx.msk [tilespmem:v35+s14+$0x0], $0xffff  }
0x378: {  	v61 =	vld.idx.msk [tilespmem:v14+s14+$0x0], $0xffff  }
0x379: {  	v62 =	vld.idx.msk [tilespmem:v31+s14+$0x0], $0xffff;
	v58 =	vadd.f32 $0.0e+00, v58  }
0x37a: {  	v63 =	vld.idx.msk [tilespmem:v13+s14+$0x0], $0xffff;
	v0 =	vadd.f32 $0.0e+00, v0  }
0x37b: {  	v58 =	vadd.f32 v60, v58;
	v60 =	vld.idx.msk [tilespmem:v29+s15+$0x0], $0xffff  }
0x37c: {  	v0 =	vadd.f32 v3, v0;
	v3 =	vld.idx.msk [tilespmem:v28+s14+$0x0], $0xffff  }
0x37d: {  	v35 =	vld.idx.msk [tilespmem:v35+s15+$0x0], $0xffff  }
0x37e: {  	v0 =	vadd.f32 v36, v0;
	v36 =	vld.idx.msk [tilespmem:v26+s14+$0x0], $0xffff  }
0x37f: {  	v58 =	vadd.f32 v62, v58;
	v62 =	vld.idx.msk [tilespmem:v30+s15+$0x0], $0xffff  }
0x380: {  	v0 =	vadd.f32 v38, v0;
	v38 =	vld.idx.msk [tilespmem:v24+s14+$0x0], $0xffff  }
0x381: {  	v2 =	vadd.f32 $0.0e+00, v2;
	v3 =	vadd.f32 v3, v58;
	v58 =	vld.idx.msk [tilespmem:v31+s15+$0x0], $0xffff  }
0x382: {  	v60 =	vadd.f32 $0.0e+00, v60;
	v0 =	vadd.f32 v40, v0;
	v40 =	vld.idx.msk [tilespmem:v18+s14+$0x0], $0xffff  }
0x383: {  	v2 =	vadd.f32 v35, v2;
	v35 =	vld.idx.msk [tilespmem:v19+s14+$0x0], $0xffff;
	v3 =	vadd.f32 v36, v3  }
0x384: {  	v62 =	vadd.f32 v62, v60;
	v36 =	vld.idx.msk [tilespmem:v28+s15+$0x0], $0xffff;
	v0 =	vadd.f32 v42, v0  }
0x385: {  	v2 =	vadd.f32 v37, v2;
	v37 =	vld.idx.msk [tilespmem:v16+s14+$0x0], $0xffff;
	v3 =	vadd.f32 v38, v3  }
0x386: {  	v38 =	vld.idx.msk [tilespmem:v26+s15+$0x0], $0xffff;
	v0 =	vadd.f32 v44, v0  }
0x387: {  	v42 =	vadd.f32 v58, v62;
	v44 =	vld.idx.msk [tilespmem:v24+s15+$0x0], $0xffff;
	v3 =	vadd.f32 v40, v3  }
0x388: {  	v2 =	vadd.f32 v39, v2;
	v58 =	vld.idx.msk [tilespmem:v20+s14+$0x0], $0xffff;
	v0 =	vadd.f32 v46, v0  }
0x389: {  	v60 =	vld.idx.msk [tilespmem:v18+s15+$0x0], $0xffff;
	v36 =	vadd.f32 v36, v42;
	v3 =	vadd.f32 v35, v3  }
0x38a: {  	v2 =	vadd.f32 v41, v2;
	v62 =	vld.idx.msk [tilespmem:v25+s14+$0x0], $0xffff;
	v0 =	vadd.f32 v48, v0  }
0x38b: {  	v46 =	vld.idx.msk [tilespmem:v19+s15+$0x0], $0xffff;
	v36 =	vadd.f32 v38, v36;
	v3 =	vadd.f32 v37, v3  }
0x38c: {  	v2 =	vadd.f32 v43, v2;
	v48 =	vld.idx.msk [tilespmem:v27+s14+$0x0], $0xffff;
	v0 =	vadd.f32 v50, v0  }
0x38d: {  	v36 =	vadd.f32 v44, v36;
	v50 =	vld.idx.msk [tilespmem:v16+s15+$0x0], $0xffff;
	v3 =	vadd.f32 v58, v3  }
0x38e: {  	v2 =	vadd.f32 v45, v2;
	v58 =	vld.idx.msk [tilespmem:v17+s14+$0x0], $0xffff;
	v0 =	vadd.f32 v52, v0  }
0x38f: {  	v36 =	vadd.f32 v60, v36;
	v60 =	vld.idx.msk [tilespmem:v20+s15+$0x0], $0xffff;
	v3 =	vadd.f32 v62, v3  }
0x390: {  	v2 =	vadd.f32 v47, v2;
	v62 =	vld.idx.msk [tilespmem:v21+s14+$0x0], $0xffff;
	v0 =	vadd.f32 v54, v0  }
0x391: {  	v45 =	vld.idx.msk [tilespmem:v25+s15+$0x0], $0xffff;
	v36 =	vadd.f32 v46, v36;
	v3 =	vadd.f32 v48, v3  }
0x392: {  	v2 =	vadd.f32 v49, v2;
	v46 =	vld.idx.msk [tilespmem:v22+s14+$0x0], $0xffff;
	v0 =	vadd.f32 v56, v0  }
0x393: {  	v47 =	vld.idx.msk [tilespmem:v27+s15+$0x0], $0xffff;
	v36 =	vadd.f32 v50, v36;
	v3 =	vadd.f32 v58, v3  }
0x394: {  	v2 =	vadd.f32 v51, v2;
	v48 =	vld.idx.msk [tilespmem:v23+s14+$0x0], $0xffff;
	v0 =	vadd.f32 v59, v0  }
0x395: {  	v49 =	vld.idx.msk [tilespmem:v15+s15+$0x0], $0xffff;
	v36 =	vadd.f32 v60, v36;
	v3 =	vadd.f32 v62, v3  }
0x396: {  	v2 =	vadd.f32 v53, v2;
	v50 =	vld.idx.msk [tilespmem:v17+s15+$0x0], $0xffff;
	v0 =	vadd.f32 v61, v0  }
0x397: {  	v51 =	vld [tilespmem:$0x1E480];
	v36 =	vadd.f32 v45, v36;
	v3 =	vadd.f32 v46, v3  }
0x398: {  	v52 =	vld.idx.msk [tilespmem:v21+s15+$0x0], $0xffff;
	v2 =	vadd.f32 v55, v2;
	v0 =	vadd.f32 v63, v0  }
0x399: {  	v53 =	vld.idx.msk [tilespmem:v14+s15+$0x0], $0xffff;
	v54 =	vor.u32 $0x2000, v32;
	v36 =	vadd.f32 v47, v36;
	v3 =	vadd.f32 v48, v3  }
0x39a: {  	v55 =	vld.idx.msk [tilespmem:v22+s15+$0x0], $0xffff;
	v2 =	vadd.f32 v57, v2;
	v56 =	vor.u32 $0x2800, v32;
	v0 =	vmul.f32 $4.999999890e-03, v0  }
0x39b: {  	v57 =	vld.idx.msk [tilespmem:v13+s15+$0x0], $0xffff;
	v35 =	vadd.f32 v50, v36;
	v3 =	vmul.f32 $4.999999890e-03, v3  }
0x39c: {  	v58 =	vld.idx.msk [tilespmem:v23+s15+$0x0], $0xffff;
	v2 =	vadd.f32 v49, v2;
	v0 =	vadd.f32 v51, v0  }
0x39d: {  	v35 =	vadd.f32 v52, v35;
	v3 =	vadd.f32 v3, v51  }
0x39e: {  	v2 =	vadd.f32 v53, v2;
	[tilespmem:v54+s16+$0x0] =	vst.idx.msk $0xffff, v0  }
0x39f: {  	v35 =	vadd.f32 v55, v35;
	v0 =	vld [tilespmem:$0x1E490];
	[tilespmem:v56+s16+$0x0] =	vst.idx.msk $0xffff, v3  }
0x3a0: {  	v2 =	vadd.f32 v57, v2;
	v3 =	vld [tilespmem:$0x1E490]  }
0x3a1: {  	v59 =	vor.u32 $0x2001, v32;
	v35 =	vadd.f32 v58, v35  }
0x3a2: {  	v60 =	vor.u32 $0x2801, v32;
	v2 =	vmul.f32 $4.999999890e-03, v2  }
0x3a3: {  	v35 =	vmul.f32 $4.999999890e-03, v35  }
0x3a4: {  	v0 =	vadd.f32 v0, v2  }
0x3a5: {  	v2 =	vadd.f32 v3, v35  }
0x3a6: {  	[tilespmem:v59+s16+$0x0] =	vst.idx.msk $0xffff, v0  }
0x3a7: {  	s18 =	simm.s32 $0x0;
	[tilespmem:v60+s16+$0x0] =	vst.idx.msk $0xffff, v2  }
0x3a8: {  	[tilespmem:s18], [sflag:$0x1] =	stream.linear.gather [hbm4b:s8+s18], $0x1900, $0x38;
	[tilespmem:$0x1E500] =	vst v63  }
0x3a9: {  	_ =	swait.ge [sflag:s12], $0x1900  }
0x3aa: {  	[sflag:s12] =	ssyncset.done $0x0  }
0x3ab: {  	v62 =	vimm.s32 $0x0;
	[sflag:s12] =	ssyncadd.s32 $0xFFFFE700  }
0x3ac: {  	s28 =	simm.s32 $0x190;
	[tilespmem:$0x1900] =	vst v62  }
0x3ad: {  	v0 =	vld [tilespmem:s28+$0xC8]  }
0x3ae: {  	v2 =	vld [tilespmem:s28+$0xFFFFFF38]  }
0x3af: {  	v3 =	vld [tilespmem:s28+$0xD8]  }
0x3b0: {  	v35 =	vld [tilespmem:s28+$0x0]  }
0x3b1: {  	v61 =	vld [tilespmem:s28+$0xE8]  }
0x3b2: {  	v63 =	vld [tilespmem:s28+$0xFFFFFE70]  }
0x3b3: {  	v49 =	vld [tilespmem:s28+$0xF8]  }
0x3b4: {  	v50 =	vld [tilespmem:s28+$0x108]  }
0x3b5: {  	v51 =	vld [tilespmem:s28+$0x118]  }
0x3b6: {  	s29 =	simm.s32 $0x258;
	v52 =	vld [tilespmem:s28+$0x128]  }
0x3b7: {  	s20 =	sand.u32 $0x1FF8, s29;
	v53 =	vld [tilespmem:s28+$0x138]  }
0x3b8: {  	v54 =	vld [tilespmem:s20+$0x80]  }
0x3b9: {  	v55 =	vld [tilespmem:s28+$0x158]  }
0x3ba: {  	v56 =	vld [tilespmem:s28+$0x168]  }
0x3bb: {  	v57 =	vld [tilespmem:s28+$0x178]  }
0x3bc: {  	v58 =	vld [tilespmem:s28+$0x188]  }
0x3bd: {  	v48 =	vld [tilespmem:s28+$0xFFFFFE80]  }
0x3be: {  	v0 =	vld.idx.msk [tilespmem:v0+s13+$0x0], $0xffff  }
0x3bf: {  	v3 =	vld.idx.msk [tilespmem:v3+s13+$0x0], $0xffff  }
0x3c0: {  	v36 =	vld.idx.msk [tilespmem:v61+s13+$0x0], $0xffff  }
0x3c1: {  	v38 =	vld.idx.msk [tilespmem:v49+s13+$0x0], $0xffff  }
0x3c2: {  	v39 =	vld.idx.msk [tilespmem:v50+s13+$0x0], $0xffff  }
0x3c3: {  	v40 =	vld.idx.msk [tilespmem:v51+s13+$0x0], $0xffff  }
0x3c4: {  	v41 =	vld.idx.msk [tilespmem:v52+s13+$0x0], $0xffff  }
0x3c5: {  	v42 =	vld.idx.msk [tilespmem:v53+s13+$0x0], $0xffff  }
0x3c6: {  	v43 =	vld.idx.msk [tilespmem:v54+s13+$0x0], $0xffff  }
0x3c7: {  	v44 =	vld.idx.msk [tilespmem:v55+s13+$0x0], $0xffff  }
0x3c8: {  	v49 =	vld [tilespmem:s28+$0xFFFFFF48]  }
0x3c9: {  	v45 =	vld.idx.msk [tilespmem:v56+s13+$0x0], $0xffff  }
0x3ca: {  	v50 =	vld [tilespmem:s28+$0x10]  }
0x3cb: {  	v46 =	vld.idx.msk [tilespmem:v57+s13+$0x0], $0xffff  }
0x3cc: {  	v47 =	vld.idx.msk [tilespmem:v58+s13+$0x0], $0xffff  }
0x3cd: {  	v51 =	vld [tilespmem:s28+$0xFFFFFE90]  }
0x3ce: {  	v52 =	vld [tilespmem:s28+$0xFFFFFF58]  }
0x3cf: {  	v53 =	vld [tilespmem:s28+$0x20]  }
0x3d0: {  	v37 =	vld.idx.msk [tilespmem:v63+s13+$0x0], $0xffff  }
0x3d1: {  	v2 =	vld.idx.msk [tilespmem:v2+s13+$0x0], $0xffff  }
0x3d2: {  	v56 =	vld.idx.msk [tilespmem:v35+s13+$0x0], $0xffff;
	v59 =	vshll.u32 v0, $0x10;
	v0 =	vand.u32 $0xFFFF0000, v0  }
0x3d3: {  	v55 =	vld [tilespmem:s28+$0xFFFFFF68];
	v54 =	vadd.f32 $0.0e+00, v59;
	v0 =	vadd.f32 $0.0e+00, v0  }
0x3d4: {  	v35 =	vld [tilespmem:s28+$0x30];
	v60 =	vshll.u32 v3, $0x10;
	v3 =	vand.u32 $0xFFFF0000, v3  }
0x3d5: {  	v48 =	vld.idx.msk [tilespmem:v48+s13+$0x0], $0xffff;
	v61 =	vadd.f32 v60, v54;
	v0 =	vadd.f32 v3, v0  }
0x3d6: {  	v54 =	vld [tilespmem:s28+$0xFFFFFEA0];
	v3 =	vshll.u32 v36, $0x10;
	v36 =	vand.u32 $0xFFFF0000, v36  }
0x3d7: {  	v49 =	vld.idx.msk [tilespmem:v49+s13+$0x0], $0xffff;
	v3 =	vadd.f32 v3, v61;
	v0 =	vadd.f32 v36, v0  }
0x3d8: {  	v63 =	vshll.u32 v38, $0x10;
	v38 =	vand.u32 $0xFFFF0000, v38;
	v51 =	vld.idx.msk [tilespmem:v51+s13+$0x0], $0xffff  }
0x3d9: {  	v36 =	vld [tilespmem:s28+$0xFFFFFEB0];
	v3 =	vadd.f32 v63, v3;
	v0 =	vadd.f32 v38, v0  }
0x3da: {  	v57 =	vshll.u32 v39, $0x10;
	v39 =	vand.u32 $0xFFFF0000, v39;
	v38 =	vld.idx.msk [tilespmem:v50+s13+$0x0], $0xffff  }
0x3db: {  	v50 =	vld [tilespmem:s28+$0xFFFFFF78];
	v3 =	vadd.f32 v57, v3;
	v0 =	vadd.f32 v39, v0  }
0x3dc: {  	v58 =	vshll.u32 v40, $0x10;
	v40 =	vand.u32 $0xFFFF0000, v40;
	v39 =	vld [tilespmem:s28+$0x40]  }
0x3dd: {  	v3 =	vadd.f32 v58, v3;
	v0 =	vadd.f32 v40, v0;
	v40 =	vld.idx.msk [tilespmem:v52+s13+$0x0], $0xffff  }
0x3de: {  	v59 =	vshll.u32 v41, $0x10;
	v52 =	vld.idx.msk [tilespmem:v53+s13+$0x0], $0xffff  }
0x3df: {  	v41 =	vand.u32 $0xFFFF0000, v41;
	v53 =	vld [tilespmem:s28+$0xFFFFFF88];
	v3 =	vadd.f32 v59, v3  }
0x3e0: {  	v60 =	vshll.u32 v42, $0x10;
	v42 =	vand.u32 $0xFFFF0000, v42;
	v54 =	vld.idx.msk [tilespmem:v54+s13+$0x0], $0xffff;
	v0 =	vadd.f32 v41, v0  }
0x3e1: {  	v57 =	vshll.u32 v45, $0x10;
	v58 =	vand.u32 $0xFFFF0000, v45;
	v45 =	vld [tilespmem:s28+$0xFFFFFF98];
	v3 =	vadd.f32 v60, v3  }
0x3e2: {  	v61 =	vshll.u32 v43, $0x10;
	v41 =	vld [tilespmem:s28+$0xFFFFFEC0];
	v0 =	vadd.f32 v42, v0  }
0x3e3: {  	v43 =	vand.u32 $0xFFFF0000, v43;
	v42 =	vld [tilespmem:s28+$0x50];
	v3 =	vadd.f32 v61, v3  }
0x3e4: {  	v63 =	vshll.u32 v44, $0x10;
	v0 =	vadd.f32 v43, v0;
	v43 =	vld.idx.msk [tilespmem:v55+s13+$0x0], $0xffff  }
0x3e5: {  	v44 =	vand.u32 $0xFFFF0000, v44;
	v59 =	vshll.u32 v46, $0x10;
	v55 =	vld.idx.msk [tilespmem:v35+s13+$0x0], $0xffff;
	v3 =	vadd.f32 v63, v3  }
0x3e6: {  	v60 =	vshll.u32 v47, $0x10;
	v61 =	vand.u32 $0xFFFF0000, v47;
	v47 =	vld.idx.msk [tilespmem:v36+s13+$0x0], $0xffff;
	v0 =	vadd.f32 v44, v0  }
0x3e7: {  	v46 =	vand.u32 $0xFFFF0000, v46;
	v35 =	vnsel vm0, $0x0, v60;
	v60 =	vld [tilespmem:s28+$0xFFFFFFA8];
	v3 =	vadd.f32 v57, v3  }
0x3e8: {  	v44 =	vld [tilespmem:s28+$0xFFFFFED0];
	v63 =	vshll.u32 v49, $0x10;
	v0 =	vadd.f32 v58, v0;
	v58 =	vshll.u32 v56, $0x10  }
0x3e9: {  	v53 =	vld.idx.msk [tilespmem:v53+s13+$0x0], $0xffff;
	v56 =	vand.u32 $0xFFFF0000, v56;
	v58 =	vadd.f32 $0.0e+00, v58;
	v3 =	vadd.f32 v59, v3  }
0x3ea: {  	v45 =	vld.idx.msk [tilespmem:v45+s13+$0x0], $0xffff;
	v56 =	vadd.f32 $0.0e+00, v56;
	v0 =	vadd.f32 v46, v0;
	v59 =	vshll.u32 v48, $0x10  }
0x3eb: {  	v57 =	vld [tilespmem:s28+$0x60];
	v36 =	vadd.f32 v35, v3;
	v3 =	vnsel vm0, $0x0, v61;
	v61 =	vshll.u32 v38, $0x10  }
0x3ec: {  	v41 =	vld.idx.msk [tilespmem:v41+s13+$0x0], $0xffff;
	v38 =	vand.u32 $0xFFFF0000, v38;
	v35 =	vadd.f32 v3, v0;
	v0 =	vshll.u32 v37, $0x10  }
0x3ed: {  	v3 =	vand.u32 $0xFFFF0000, v37;
	v37 =	vld.idx.msk [tilespmem:v39+s13+$0x0], $0xffff;
	v39 =	vshll.u32 v2, $0x10;
	v38 =	vadd.f32 v38, v56  }
0x3ee: {  	v46 =	vld.idx.msk [tilespmem:v50+s13+$0x0], $0xffff;
	v2 =	vand.u32 $0xFFFF0000, v2;
	v0 =	vadd.f32 $0.0e+00, v0;
	v3 =	vadd.f32 $0.0e+00, v3  }
0x3ef: {  	v50 =	vld [tilespmem:s28+$0xFFFFFEE0];
	v48 =	vand.u32 $0xFFFF0000, v48;
	v39 =	vadd.f32 $0.0e+00, v39;
	v2 =	vadd.f32 $0.0e+00, v2  }
0x3f0: {  	v49 =	vand.u32 $0xFFFF0000, v49;
	v42 =	vld.idx.msk [tilespmem:v42+s13+$0x0], $0xffff;
	v0 =	vadd.f32 v59, v0;
	v3 =	vadd.f32 v48, v3  }
0x3f1: {  	v56 =	vld [tilespmem:s28+$0xFFFFFF00];
	v39 =	vadd.f32 v63, v39;
	v2 =	vadd.f32 v49, v2  }
0x3f2: {  	s30 =	simm.s32 $0xC8;
	v44 =	vld.idx.msk [tilespmem:v44+s13+$0x0], $0xffff;
	v48 =	vadd.f32 v61, v58;
	v63 =	vshll.u32 v51, $0x10;
	v51 =	vand.u32 $0xFFFF0000, v51  }
0x3f3: {  	s21 =	simm.s32 $0x190;
	s20 =	sand.u32 $0x1FE8, s30;
	v59 =	vld [tilespmem:s28+$0x70];
	v61 =	vshll.u32 v40, $0x10;
	v40 =	vand.u32 $0xFFFF0000, v40;
	v0 =	vadd.f32 v63, v0  }
0x3f4: {  	s21 =	sand.u32 $0x1FF0, s21;
	v49 =	vld [tilespmem:s20+$0x80];
	v3 =	vadd.f32 v51, v3;
	v39 =	vadd.f32 v61, v39;
	v63 =	vshll.u32 v52, $0x10  }
0x3f5: {  	s31 =	sand.u32 $0x1FE0, s18;
	v58 =	vld [tilespmem:s21+$0x80];
	v2 =	vadd.f32 v40, v2;
	v61 =	vand.u32 $0xFFFF0000, v52;
	v48 =	vadd.f32 v63, v48  }
0x3f6: {  	v51 =	vld [tilespmem:s31+$0x80];
	v38 =	vadd.f32 v61, v38;
	v63 =	vshll.u32 v54, $0x10;
	v61 =	vand.u32 $0xFFFF0000, v54  }
0x3f7: {  	v54 =	vld.idx.msk [tilespmem:v57+s13+$0x0], $0xffff;
	v57 =	vshll.u32 v46, $0x10;
	v46 =	vand.u32 $0xFFFF0000, v46;
	v0 =	vadd.f32 v63, v0  }
0x3f8: {  	v40 =	vld [tilespmem:s28+$0xFFFFFFC8];
	v63 =	vshll.u32 v43, $0x10;
	v43 =	vand.u32 $0xFFFF0000, v43;
	v3 =	vadd.f32 v61, v3  }
0x3f9: {  	v52 =	vld [tilespmem:s28+$0x90];
	v61 =	vshll.u32 v55, $0x10;
	v39 =	vadd.f32 v63, v39;
	v2 =	vadd.f32 v43, v2  }
0x3fa: {  	v50 =	vld.idx.msk [tilespmem:v50+s13+$0x0], $0xffff;
	v63 =	vand.u32 $0xFFFF0000, v55;
	v55 =	vshll.u32 v47, $0x10;
	v47 =	vand.u32 $0xFFFF0000, v47  }
0x3fb: {  	v48 =	vadd.f32 v61, v48;
	v61 =	vshll.u32 v41, $0x10;
	v3 =	vadd.f32 v47, v3;
	v47 =	vld.idx.msk [tilespmem:v60+s13+$0x0], $0xffff  }
0x3fc: {  	v38 =	vadd.f32 v63, v38;
	v60 =	vshll.u32 v37, $0x10;
	v2 =	vadd.f32 v46, v2;
	v46 =	vld [tilespmem:s28+$0xFFFFFF10]  }
0x3fd: {  	v41 =	vand.u32 $0xFFFF0000, v41;
	v0 =	vadd.f32 v55, v0;
	v43 =	vadd.f32 v60, v48;
	v48 =	vld [tilespmem:s28+$0xFFFFFFD8]  }
0x3fe: {  	v37 =	vand.u32 $0xFFFF0000, v37;
	v63 =	vshll.u32 v53, $0x10;
	v53 =	vand.u32 $0xFFFF0000, v53;
	v55 =	vld.idx.msk [tilespmem:v59+s13+$0x0], $0xffff  }
0x3ff: {  	v39 =	vadd.f32 v57, v39;
	v57 =	vshll.u32 v42, $0x10;
	v3 =	vadd.f32 v41, v3;
	v41 =	vld [tilespmem:s28+$0xA0]  }
0x400: {  	v42 =	vand.u32 $0xFFFF0000, v42;
	v37 =	vadd.f32 v37, v38;
	v0 =	vadd.f32 v61, v0;
	v49 =	vld.idx.msk [tilespmem:v49+s13+$0x0], $0xffff  }
0x401: {  	v59 =	vshll.u32 v45, $0x10;
	v38 =	vadd.f32 v63, v39;
	v39 =	vadd.f32 v57, v43;
	v43 =	vld.idx.msk [tilespmem:v58+s13+$0x0], $0xffff  }
0x402: {  	v60 =	vshll.u32 v54, $0x10;
	v61 =	vand.u32 $0xFFFF0000, v54;
	v2 =	vadd.f32 v53, v2;
	v53 =	vld [tilespmem:s28+$0xFFFFFF20]  }
0x403: {  	v54 =	vand.u32 $0xFFFF0000, v50;
	v58 =	vshll.u32 v44, $0x10;
	v44 =	vand.u32 $0xFFFF0000, v44;
	v57 =	vld [tilespmem:s28+$0xFFFFFFE8]  }
0x404: {  	v63 =	vshll.u32 v50, $0x10;
	v50 =	vld.idx.msk [tilespmem:v56+s13+$0x0], $0xffff;
	v37 =	vadd.f32 v42, v37;
	v0 =	vadd.f32 v58, v0  }
0x405: {  	v45 =	vand.u32 $0xFFFF0000, v45;
	v51 =	vld.idx.msk [tilespmem:v51+s13+$0x0], $0xffff;
	v3 =	vadd.f32 v44, v3;
	v38 =	vadd.f32 v59, v38  }
0x406: {  	v40 =	vld.idx.msk [tilespmem:v40+s13+$0x0], $0xffff;
	v2 =	vadd.f32 v45, v2;
	v39 =	vadd.f32 v60, v39;
	v58 =	vshll.u32 v47, $0x10  }
0x407: {  	v45 =	vld [tilespmem:s28+$0xB0];
	v59 =	vand.u32 $0xFFFF0000, v47;
	v37 =	vadd.f32 v61, v37;
	v0 =	vadd.f32 v63, v0  }
0x408: {  	v47 =	vld.idx.msk [tilespmem:v52+s13+$0x0], $0xffff;
	v3 =	vadd.f32 v54, v3;
	v38 =	vadd.f32 v58, v38;
	v60 =	vshll.u32 v55, $0x10  }
0x409: {  	v52 =	vld [tilespmem:s28+$0xFFFFFFF8];
	v61 =	vand.u32 $0xFFFF0000, v55;
	v2 =	vadd.f32 v59, v2;
	v63 =	vshll.u32 v49, $0x10  }
0x40a: {  	v54 =	vld [tilespmem:s28+$0xFFFFFF30];
	v56 =	vand.u32 $0xFFFF0000, v49;
	v39 =	vadd.f32 v60, v39;
	v37 =	vadd.f32 v61, v37  }
0x40b: {  	v55 =	vld [tilespmem:s28+$0xC0];
	v59 =	vshll.u32 v43, $0x10;
	v61 =	vand.u32 $0xFFFF0000, v43;
	v38 =	vadd.f32 v63, v38  }
0x40c: {  	v58 =	vshll.u32 v51, $0x10;
	v2 =	vadd.f32 v56, v2;
	v60 =	vand.u32 $0xFFFF0000, v51;
	v49 =	vld.idx.msk [tilespmem:v46+s13+$0x0], $0xffff  }
0x40d: {  	v48 =	vld.idx.msk [tilespmem:v48+s13+$0x0], $0xffff;
	v46 =	vshll.u32 v50, $0x10;
	v50 =	vand.u32 $0xFFFF0000, v50;
	v0 =	vadd.f32 v58, v0  }
0x40e: {  	v3 =	vadd.f32 v60, v3;
	v39 =	vadd.f32 v59, v39;
	v56 =	vld.idx.msk [tilespmem:v41+s13+$0x0], $0xffff;
	v59 =	vshll.u32 v40, $0x10  }
0x40f: {  	v63 =	vadd.f32 v61, v37;
	v40 =	vand.u32 $0xFFFF0000, v40;
	v42 =	vld.idx.msk [tilespmem:v53+s13+$0x0], $0xffff;
	v43 =	vadd.f32 v59, v38  }
0x410: {  	v60 =	vshll.u32 v47, $0x10;
	v41 =	vld.idx.msk [tilespmem:v57+s13+$0x0], $0xffff;
	v0 =	vadd.f32 v46, v0;
	v3 =	vadd.f32 v50, v3  }
0x411: {  	v61 =	vand.u32 $0xFFFF0000, v47;
	v46 =	vadd.f32 v40, v2;
	v44 =	vadd.f32 v60, v39;
	v37 =	vld.idx.msk [tilespmem:v45+s13+$0x0], $0xffff  }
0x412: {  	s19 =	simm.s32 $0x1A0A0;
	v45 =	vadd.f32 v61, v63;
	v39 =	vld.idx.msk [tilespmem:v52+s13+$0x0], $0xffff;
	v2 =	vshll.u32 v49, $0x10;
	v63 =	vand.u32 $0xFFFF0000, v49  }
0x413: {  	[tilespmem:s19+$0x10] =	vst v36;
	s20 =	simm.s32 $0x1A2A0;
	v40 =	vld.idx.msk [tilespmem:v54+s13+$0x0], $0xffff;
	v36 =	vshll.u32 v48, $0x10;
	v49 =	vand.u32 $0xFFFF0000, v48;
	v47 =	vadd.f32 v2, v0  }
0x414: {  	s22 =	simm.s32 $0x4B0;
	s21 =	simm.s32 $0x0;
	[tilespmem:s20+$0x10] =	vst v35;
	v48 =	vadd.f32 v63, v3;
	v50 =	vshll.u32 v56, $0x10;
	v51 =	vand.u32 $0xFFFF0000, v56;
	v38 =	vld.idx.msk [tilespmem:v55+s13+$0x0], $0xffff  }
.LBB2_8:
0x415: {  	v0 =	vld [tilespmem:s22+$0xC8];
	v2 =	vshll.u32 v42, $0x10;
	v3 =	vadd.f32 v36, v43;
	v43 =	vadd.f32 v49, v46  }
0x416: {  	s21 =	sadd.s32 $0x4, s21;
	v42 =	vand.u32 $0xFFFF0000, v42;
	v44 =	vadd.f32 v50, v44;
	v45 =	vadd.f32 v51, v45;
	v35 =	vld [tilespmem:s22+$0xFFFFFF38]  }
0x417: {  	v49 =	vshll.u32 v41, $0x10;
	v41 =	vand.u32 $0xFFFF0000, v41;
	p0 =	slt.u32 s21, $0x1C;
	v50 =	vshll.u32 v37, $0x10;
	v46 =	vld [tilespmem:s22+$0xD8]  }
0x418: {  	v2 =	vadd.f32 v2, v47;
	v42 =	vadd.f32 v42, v48;
	v47 =	vand.u32 $0xFFFF0000, v37;
	v36 =	vld [tilespmem:s22+$0x0]  }
0x419: {  	v51 =	vshll.u32 v40, $0x10;
	v3 =	vadd.f32 v49, v3;
	v41 =	vadd.f32 v41, v43;
	v48 =	vld [tilespmem:s22+$0xE8]  }
0x41a: {  	v40 =	vand.u32 $0xFFFF0000, v40;
	v43 =	vadd.f32 v50, v44;
	v44 =	vadd.f32 v47, v45;
	v37 =	vld [tilespmem:s22+$0xFFFFFE70]  }
0x41b: {  	v47 =	vshll.u32 v39, $0x10;
	v39 =	vand.u32 $0xFFFF0000, v39;
	v49 =	vshll.u32 v38, $0x10;
	v45 =	vld [tilespmem:s22+$0xF8]  }
0x41c: {  	v51 =	vnsel vm0, $0x0, v51;
	v40 =	vnsel vm0, $0x0, v40;
	v38 =	vand.u32 $0xFFFF0000, v38;
	v50 =	vld [tilespmem:s22+$0x108]  }
0x41d: {  	v47 =	vnsel vm0, $0x0, v47;
	v39 =	vnsel vm0, $0x0, v39;
	v49 =	vnsel vm0, $0x0, v49;
	v0 =	vld.idx.msk [tilespmem:v0+s13+$0x0], $0xffff  }
0x41e: {  	v2 =	vadd.f32 v51, v2;
	v40 =	vadd.f32 v40, v42;
	v38 =	vnsel vm0, $0x0, v38;
	v52 =	vld [tilespmem:s22+$0x118]  }
0x41f: {  	v3 =	vadd.f32 v47, v3;
	v39 =	vadd.f32 v39, v41;
	v42 =	vld.idx.msk [tilespmem:v46+s13+$0x0], $0xffff  }
0x420: {  	v38 =	vadd.f32 v38, v44;
	v41 =	vld [tilespmem:s22+$0x128];
	[tilespmem:s19+$0xFFFFFFE0] =	vst v2;
	v2 =	vadd.f32 v49, v43  }
0x421: {  	s18 =	sadd.s32 $0x320, s18;
	v43 =	vld.idx.msk [tilespmem:v48+s13+$0x0], $0xffff;
	[tilespmem:s20+$0xFFFFFFE0] =	vst v40  }
0x422: {  	s23 =	sadd.s32 $0xC8, s18;
	s25 =	sadd.s32 $0x190, s18;
	s26 =	sadd.s32 $0x258, s18;
	v40 =	vld [tilespmem:s22+$0x138];
	[tilespmem:s19+$0xFFFFFFF0] =	vst v3  }
0x423: {  	s24 =	sand.u32 $0x1FE8, s23;
	s23 =	sand.u32 $0x1FF0, s25;
	s26 =	sand.u32 $0x1FF8, s26;
	v3 =	vshll.u32 v0, $0x10;
	v44 =	vld.idx.msk [tilespmem:v45+s13+$0x0], $0xffff;
	[tilespmem:s20+$0xFFFFFFF0] =	vst v39  }
0x424: {  	s25 =	sand.u32 $0x1FE0, s18;
	v0 =	vand.u32 $0xFFFF0000, v0;
	v3 =	vadd.f32 $0.0e+00, v3;
	v39 =	vld [tilespmem:s26+$0x80];
	[tilespmem:s19+$0x0] =	vst v2  }
0x425: {  	v0 =	vadd.f32 $0.0e+00, v0;
	v2 =	vshll.u32 v42, $0x10;
	v45 =	vld.idx.msk [tilespmem:v50+s13+$0x0], $0xffff;
	[tilespmem:s20+$0x0] =	vst v38  }
0x426: {  	v38 =	vand.u32 $0xFFFF0000, v42;
	v2 =	vadd.f32 v2, v3;
	v3 =	vld [tilespmem:s22+$0x158]  }
0x427: {  	v0 =	vadd.f32 v38, v0;
	v38 =	vshll.u32 v43, $0x10;
	v42 =	vld.idx.msk [tilespmem:v52+s13+$0x0], $0xffff  }
0x428: {  	v43 =	vand.u32 $0xFFFF0000, v43;
	v2 =	vadd.f32 v38, v2;
	v38 =	vld [tilespmem:s22+$0x168]  }
0x429: {  	v0 =	vadd.f32 v43, v0;
	v43 =	vshll.u32 v44, $0x10;
	v41 =	vld.idx.msk [tilespmem:v41+s13+$0x0], $0xffff  }
0x42a: {  	v44 =	vand.u32 $0xFFFF0000, v44;
	v2 =	vadd.f32 v43, v2;
	v43 =	vld [tilespmem:s22+$0x178]  }
0x42b: {  	v0 =	vadd.f32 v44, v0;
	v44 =	vshll.u32 v45, $0x10;
	v40 =	vld.idx.msk [tilespmem:v40+s13+$0x0], $0xffff  }
0x42c: {  	v45 =	vand.u32 $0xFFFF0000, v45;
	v2 =	vadd.f32 v44, v2;
	v44 =	vld [tilespmem:s22+$0x188]  }
0x42d: {  	v0 =	vadd.f32 v45, v0;
	v45 =	vshll.u32 v42, $0x10;
	v39 =	vld.idx.msk [tilespmem:v39+s13+$0x0], $0xffff  }
0x42e: {  	v42 =	vand.u32 $0xFFFF0000, v42;
	v2 =	vadd.f32 v45, v2;
	v46 =	vld [tilespmem:s22+$0xFFFFFE80]  }
0x42f: {  	v0 =	vadd.f32 v42, v0;
	v42 =	vshll.u32 v41, $0x10;
	v3 =	vld.idx.msk [tilespmem:v3+s13+$0x0], $0xffff  }
0x430: {  	v41 =	vand.u32 $0xFFFF0000, v41;
	v2 =	vadd.f32 v42, v2;
	v45 =	vld [tilespmem:s22+$0xFFFFFF48]  }
0x431: {  	v0 =	vadd.f32 v41, v0;
	v41 =	vshll.u32 v40, $0x10;
	v38 =	vld.idx.msk [tilespmem:v38+s13+$0x0], $0xffff  }
0x432: {  	v40 =	vand.u32 $0xFFFF0000, v40;
	v2 =	vadd.f32 v41, v2;
	v42 =	vld [tilespmem:s22+$0x10]  }
0x433: {  	v0 =	vadd.f32 v40, v0;
	v40 =	vshll.u32 v39, $0x10;
	v41 =	vld.idx.msk [tilespmem:v43+s13+$0x0], $0xffff  }
0x434: {  	v39 =	vand.u32 $0xFFFF0000, v39;
	v2 =	vadd.f32 v40, v2;
	v40 =	vld.idx.msk [tilespmem:v44+s13+$0x0], $0xffff  }
0x435: {  	v0 =	vadd.f32 v39, v0;
	v39 =	vshll.u32 v3, $0x10;
	v43 =	vld [tilespmem:s22+$0xFFFFFE90]  }
0x436: {  	v3 =	vand.u32 $0xFFFF0000, v3;
	v2 =	vadd.f32 v39, v2;
	v44 =	vld [tilespmem:s22+$0xFFFFFF58]  }
0x437: {  	v0 =	vadd.f32 v3, v0;
	v3 =	vshll.u32 v38, $0x10;
	v39 =	vld [tilespmem:s22+$0x20]  }
0x438: {  	v38 =	vand.u32 $0xFFFF0000, v38;
	v2 =	vadd.f32 v3, v2;
	v37 =	vld.idx.msk [tilespmem:v37+s13+$0x0], $0xffff  }
0x439: {  	v0 =	vadd.f32 v38, v0;
	v3 =	vld.idx.msk [tilespmem:v35+s13+$0x0], $0xffff;
	v35 =	vshll.u32 v41, $0x10  }
0x43a: {  	v38 =	vand.u32 $0xFFFF0000, v41;
	v36 =	vld.idx.msk [tilespmem:v36+s13+$0x0], $0xffff;
	v2 =	vadd.f32 v35, v2;
	v35 =	vshll.u32 v40, $0x10  }
0x43b: {  	v0 =	vadd.f32 v38, v0;
	v38 =	vand.u32 $0xFFFF0000, v40;
	v41 =	vld [tilespmem:s22+$0xFFFFFEA0];
	v35 =	vnsel vm0, $0x0, v35  }
0x43c: {  	v40 =	vld [tilespmem:s22+$0xFFFFFF68];
	v2 =	vadd.f32 v35, v2;
	v35 =	vnsel vm0, $0x0, v38  }
0x43d: {  	s19 =	sadd.s32 $0x40, s19;
	v38 =	vld [tilespmem:s22+$0x30];
	v0 =	vadd.f32 v35, v0  }
0x43e: {  	s20 =	sadd.s32 $0x40, s20;
	v35 =	vshll.u32 v37, $0x10;
	v37 =	vand.u32 $0xFFFF0000, v37;
	v46 =	vld.idx.msk [tilespmem:v46+s13+$0x0], $0xffff;
	[tilespmem:s19+$0x10] =	vst v2  }
0x43f: {  	v2 =	vadd.f32 $0.0e+00, v35;
	v35 =	vshll.u32 v3, $0x10;
	v3 =	vand.u32 $0xFFFF0000, v3;
	v45 =	vld.idx.msk [tilespmem:v45+s13+$0x0], $0xffff;
	[tilespmem:s20+$0x10] =	vst v0  }
0x440: {  	v0 =	vadd.f32 $0.0e+00, v37;
	v37 =	vshll.u32 v36, $0x10;
	v36 =	vand.u32 $0xFFFF0000, v36;
	v42 =	vld.idx.msk [tilespmem:v42+s13+$0x0], $0xffff  }
0x441: {  	v35 =	vadd.f32 $0.0e+00, v35;
	v3 =	vadd.f32 $0.0e+00, v3;
	v47 =	vld [tilespmem:s22+$0xFFFFFEB0]  }
0x442: {  	v37 =	vadd.f32 $0.0e+00, v37;
	v36 =	vadd.f32 $0.0e+00, v36;
	v48 =	vld [tilespmem:s22+$0xFFFFFF78]  }
0x443: {  	v49 =	vld [tilespmem:s22+$0x40]  }
0x444: {  	v50 =	vshll.u32 v46, $0x10;
	v46 =	vand.u32 $0xFFFF0000, v46;
	v43 =	vld.idx.msk [tilespmem:v43+s13+$0x0], $0xffff  }
0x445: {  	v2 =	vadd.f32 v50, v2;
	v50 =	vshll.u32 v45, $0x10;
	v45 =	vand.u32 $0xFFFF0000, v45;
	v44 =	vld.idx.msk [tilespmem:v44+s13+$0x0], $0xffff  }
0x446: {  	v0 =	vadd.f32 v46, v0;
	v46 =	vshll.u32 v42, $0x10;
	v42 =	vand.u32 $0xFFFF0000, v42;
	v39 =	vld.idx.msk [tilespmem:v39+s13+$0x0], $0xffff  }
0x447: {  	v35 =	vadd.f32 v50, v35;
	v3 =	vadd.f32 v45, v3;
	v51 =	vld [tilespmem:s22+$0xFFFFFEC0]  }
0x448: {  	v37 =	vadd.f32 v46, v37;
	v36 =	vadd.f32 v42, v36;
	v45 =	vld [tilespmem:s22+$0xFFFFFF88]  }
0x449: {  	v42 =	vld [tilespmem:s22+$0x50]  }
0x44a: {  	v46 =	vshll.u32 v43, $0x10;
	v43 =	vand.u32 $0xFFFF0000, v43;
	v41 =	vld.idx.msk [tilespmem:v41+s13+$0x0], $0xffff  }
0x44b: {  	v2 =	vadd.f32 v46, v2;
	v46 =	vshll.u32 v44, $0x10;
	v44 =	vand.u32 $0xFFFF0000, v44;
	v40 =	vld.idx.msk [tilespmem:v40+s13+$0x0], $0xffff  }
0x44c: {  	v0 =	vadd.f32 v43, v0;
	v43 =	vshll.u32 v39, $0x10;
	v39 =	vand.u32 $0xFFFF0000, v39;
	v38 =	vld.idx.msk [tilespmem:v38+s13+$0x0], $0xffff  }
0x44d: {  	v35 =	vadd.f32 v46, v35;
	v3 =	vadd.f32 v44, v3;
	v50 =	vld [tilespmem:s22+$0xFFFFFED0]  }
0x44e: {  	v37 =	vadd.f32 v43, v37;
	v36 =	vadd.f32 v39, v36;
	v44 =	vld [tilespmem:s22+$0xFFFFFF98]  }
0x44f: {  	v39 =	vld [tilespmem:s22+$0x60]  }
0x450: {  	v43 =	vshll.u32 v41, $0x10;
	v41 =	vand.u32 $0xFFFF0000, v41;
	v46 =	vld.idx.msk [tilespmem:v47+s13+$0x0], $0xffff  }
0x451: {  	v2 =	vadd.f32 v43, v2;
	v43 =	vshll.u32 v40, $0x10;
	v40 =	vand.u32 $0xFFFF0000, v40;
	v47 =	vld.idx.msk [tilespmem:v48+s13+$0x0], $0xffff  }
0x452: {  	v0 =	vadd.f32 v41, v0;
	v41 =	vshll.u32 v38, $0x10;
	v38 =	vand.u32 $0xFFFF0000, v38;
	v48 =	vld.idx.msk [tilespmem:v49+s13+$0x0], $0xffff  }
0x453: {  	v35 =	vadd.f32 v43, v35;
	v3 =	vadd.f32 v40, v3;
	v49 =	vld [tilespmem:s22+$0xFFFFFEE0]  }
0x454: {  	v37 =	vadd.f32 v41, v37;
	v36 =	vadd.f32 v38, v36;
	v40 =	vld [tilespmem:s22+$0xFFFFFFA8]  }
0x455: {  	v38 =	vld [tilespmem:s22+$0x70]  }
0x456: {  	v41 =	vshll.u32 v46, $0x10;
	v43 =	vand.u32 $0xFFFF0000, v46;
	v46 =	vld.idx.msk [tilespmem:v51+s13+$0x0], $0xffff  }
0x457: {  	v2 =	vadd.f32 v41, v2;
	v41 =	vshll.u32 v47, $0x10;
	v47 =	vand.u32 $0xFFFF0000, v47;
	v45 =	vld.idx.msk [tilespmem:v45+s13+$0x0], $0xffff  }
0x458: {  	v0 =	vadd.f32 v43, v0;
	v43 =	vshll.u32 v48, $0x10;
	v48 =	vand.u32 $0xFFFF0000, v48;
	v42 =	vld.idx.msk [tilespmem:v42+s13+$0x0], $0xffff  }
0x459: {  	v35 =	vadd.f32 v41, v35;
	v3 =	vadd.f32 v47, v3;
	v41 =	vld [tilespmem:s24+$0x80]  }
0x45a: {  	v37 =	vadd.f32 v43, v37;
	v36 =	vadd.f32 v48, v36;
	v43 =	vld [tilespmem:s23+$0x80]  }
0x45b: {  	v47 =	vld [tilespmem:s25+$0x80]  }
0x45c: {  	v48 =	vshll.u32 v46, $0x10;
	v46 =	vand.u32 $0xFFFF0000, v46;
	v50 =	vld.idx.msk [tilespmem:v50+s13+$0x0], $0xffff  }
0x45d: {  	v2 =	vadd.f32 v48, v2;
	v48 =	vshll.u32 v45, $0x10;
	v45 =	vand.u32 $0xFFFF0000, v45;
	v44 =	vld.idx.msk [tilespmem:v44+s13+$0x0], $0xffff  }
0x45e: {  	v0 =	vadd.f32 v46, v0;
	v46 =	vshll.u32 v42, $0x10;
	v42 =	vand.u32 $0xFFFF0000, v42;
	v39 =	vld.idx.msk [tilespmem:v39+s13+$0x0], $0xffff  }
0x45f: {  	v35 =	vadd.f32 v48, v35;
	v3 =	vadd.f32 v45, v3;
	v51 =	vld [tilespmem:s22+$0xFFFFFF00]  }
0x460: {  	v37 =	vadd.f32 v46, v37;
	v36 =	vadd.f32 v42, v36;
	v45 =	vld [tilespmem:s22+$0xFFFFFFC8]  }
0x461: {  	v42 =	vld [tilespmem:s22+$0x90]  }
0x462: {  	v46 =	vshll.u32 v50, $0x10;
	v48 =	vand.u32 $0xFFFF0000, v50;
	v49 =	vld.idx.msk [tilespmem:v49+s13+$0x0], $0xffff  }
0x463: {  	v2 =	vadd.f32 v46, v2;
	v46 =	vshll.u32 v44, $0x10;
	v44 =	vand.u32 $0xFFFF0000, v44;
	v40 =	vld.idx.msk [tilespmem:v40+s13+$0x0], $0xffff  }
0x464: {  	v0 =	vadd.f32 v48, v0;
	v48 =	vshll.u32 v39, $0x10;
	v39 =	vand.u32 $0xFFFF0000, v39;
	v38 =	vld.idx.msk [tilespmem:v38+s13+$0x0], $0xffff  }
0x465: {  	v35 =	vadd.f32 v46, v35;
	v3 =	vadd.f32 v44, v3;
	v50 =	vld [tilespmem:s22+$0xFFFFFF10]  }
0x466: {  	v37 =	vadd.f32 v48, v37;
	v36 =	vadd.f32 v39, v36;
	v44 =	vld [tilespmem:s22+$0xFFFFFFD8]  }
0x467: {  	v39 =	vld [tilespmem:s22+$0xA0]  }
0x468: {  	v46 =	vshll.u32 v49, $0x10;
	v48 =	vand.u32 $0xFFFF0000, v49;
	v41 =	vld.idx.msk [tilespmem:v41+s13+$0x0], $0xffff  }
0x469: {  	v2 =	vadd.f32 v46, v2;
	v46 =	vshll.u32 v40, $0x10;
	v40 =	vand.u32 $0xFFFF0000, v40;
	v43 =	vld.idx.msk [tilespmem:v43+s13+$0x0], $0xffff  }
0x46a: {  	v0 =	vadd.f32 v48, v0;
	v48 =	vshll.u32 v38, $0x10;
	v38 =	vand.u32 $0xFFFF0000, v38;
	v47 =	vld.idx.msk [tilespmem:v47+s13+$0x0], $0xffff  }
0x46b: {  	v35 =	vadd.f32 v46, v35;
	v3 =	vadd.f32 v40, v3;
	v49 =	vld [tilespmem:s22+$0xFFFFFF20]  }
0x46c: {  	v37 =	vadd.f32 v48, v37;
	v36 =	vadd.f32 v38, v36;
	v40 =	vld [tilespmem:s22+$0xFFFFFFE8]  }
0x46d: {  	v38 =	vld [tilespmem:s22+$0xB0]  }
0x46e: {  	v48 =	vshll.u32 v41, $0x10;
	v41 =	vand.u32 $0xFFFF0000, v41;
	v46 =	vld.idx.msk [tilespmem:v51+s13+$0x0], $0xffff  }
0x46f: {  	v35 =	vadd.f32 v48, v35;
	v48 =	vshll.u32 v43, $0x10;
	v43 =	vand.u32 $0xFFFF0000, v43;
	v45 =	vld.idx.msk [tilespmem:v45+s13+$0x0], $0xffff  }
0x470: {  	v3 =	vadd.f32 v41, v3;
	v51 =	vshll.u32 v47, $0x10;
	v47 =	vand.u32 $0xFFFF0000, v47;
	v41 =	vld.idx.msk [tilespmem:v42+s13+$0x0], $0xffff  }
0x471: {  	v2 =	vadd.f32 v51, v2;
	v0 =	vadd.f32 v47, v0;
	v47 =	vld [tilespmem:s22+$0xFFFFFF30]  }
0x472: {  	v37 =	vadd.f32 v48, v37;
	v36 =	vadd.f32 v43, v36;
	v51 =	vld [tilespmem:s22+$0xFFFFFFF8]  }
0x473: {  	v52 =	vld [tilespmem:s22+$0xC0]  }
0x474: {  	v42 =	vshll.u32 v46, $0x10;
	v43 =	vand.u32 $0xFFFF0000, v46;
	v48 =	vld.idx.msk [tilespmem:v50+s13+$0x0], $0xffff  }
0x475: {  	v2 =	vadd.f32 v42, v2;
	v46 =	vshll.u32 v45, $0x10;
	v45 =	vand.u32 $0xFFFF0000, v45;
	v50 =	vld.idx.msk [tilespmem:v44+s13+$0x0], $0xffff  }
0x476: {  	v0 =	vadd.f32 v43, v0;
	v44 =	vshll.u32 v41, $0x10;
	v53 =	vand.u32 $0xFFFF0000, v41;
	v54 =	vld.idx.msk [tilespmem:v39+s13+$0x0], $0xffff  }
0x477: {  	v43 =	vadd.f32 v46, v35;
	v46 =	vadd.f32 v45, v3;
	v42 =	vld.idx.msk [tilespmem:v49+s13+$0x0], $0xffff  }
.Ltmp3:
0x478: {  	v44 =	vadd.f32 v44, v37;
	v45 =	vadd.f32 v53, v36;
	v41 =	vld.idx.msk [tilespmem:v40+s13+$0x0], $0xffff;
	(pc) =	sbr.rel @p0 .LBB2_8-.Ltmp3, $4  }
0x479: {  	v37 =	vld.idx.msk [tilespmem:v38+s13+$0x0], $0xffff  }
0x47a: {  	v3 =	vshll.u32 v48, $0x10;
	v35 =	vand.u32 $0xFFFF0000, v48;
	v40 =	vld.idx.msk [tilespmem:v47+s13+$0x0], $0xffff  }
0x47b: {  	v47 =	vadd.f32 v3, v2;
	v36 =	vshll.u32 v50, $0x10;
	v49 =	vand.u32 $0xFFFF0000, v50;
	v39 =	vld.idx.msk [tilespmem:v51+s13+$0x0], $0xffff  }
0x47c: {  	s22 =	sadd.s32 $0x320, s22;
	v48 =	vadd.f32 v35, v0;
	v50 =	vshll.u32 v54, $0x10;
	v51 =	vand.u32 $0xFFFF0000, v54;
	v38 =	vld.idx.msk [tilespmem:v52+s13+$0x0], $0xffff  }
0x47d: {  	v0 =	vshll.u32 v42, $0x10  }
0x47e: {  	v2 =	vadd.f32 v36, v43;
	v3 =	vadd.f32 v49, v46;
	v35 =	vand.u32 $0xFFFF0000, v42  }
0x47f: {  	v61 =	vadd.f32 v50, v44;
	v63 =	vadd.f32 v51, v45;
	v49 =	vshll.u32 v41, $0x10  }
0x480: {  	v50 =	vand.u32 $0xFFFF0000, v41;
	v51 =	vshll.u32 v37, $0x10;
	v0 =	vadd.f32 v0, v47  }
0x481: {  	v35 =	vadd.f32 v35, v48;
	v52 =	vand.u32 $0xFFFF0000, v37;
	v53 =	vshll.u32 v40, $0x10  }
0x482: {  	v2 =	vadd.f32 v49, v2;
	v3 =	vadd.f32 v50, v3;
	v54 =	vand.u32 $0xFFFF0000, v40  }
0x483: {  	v36 =	vadd.f32 v51, v61;
	v37 =	vadd.f32 v52, v63;
	v55 =	vnsel vm0, $0x0, v53  }
0x484: {  	v56 =	vshll.u32 v39, $0x10;
	v40 =	vnsel vm0, $0x0, v54;
	v0 =	vadd.f32 v55, v0  }
0x485: {  	v57 =	vand.u32 $0xFFFF0000, v39;
	v58 =	vnsel vm0, $0x0, v56;
	v35 =	vadd.f32 v40, v35  }
0x486: {  	v59 =	vshll.u32 v38, $0x10;
	v39 =	vnsel vm0, $0x0, v57;
	v2 =	vadd.f32 v58, v2;
	[tilespmem:s19+$0xFFFFFFE0] =	vst v0  }
0x487: {  	v60 =	vnsel vm0, $0x0, v59;
	v3 =	vadd.f32 v39, v3;
	v0 =	vand.u32 $0xFFFF0000, v38;
	[tilespmem:s20+$0xFFFFFFE0] =	vst v35  }
0x488: {  	v61 =	vadd.f32 v60, v36;
	v0 =	vnsel vm0, $0x0, v0;
	[tilespmem:s19+$0xFFFFFFF0] =	vst v2  }
0x489: {  	v0 =	vadd.f32 v0, v37;
	[tilespmem:s20+$0xFFFFFFF0] =	vst v3  }
0x48a: {  	[tilespmem:s19+$0x0] =	vst v61  }
0x48b: {  	[tilespmem:s20+$0x0] =	vst v0  }
0x48c: {  	v0 =	vld.idx.msk [tilespmem:v1+s14+$0x0], $0xffff  }
0x48d: {  	v2 =	vld.idx.msk [tilespmem:v1+s15+$0x0], $0xffff  }
0x48e: {  	v35 =	vld [tilespmem:$0x1FFF0]  }
0x48f: {  	v36 =	vld.idx.msk [tilespmem:v4+s14+$0x0], $0xffff  }
0x490: {  	v37 =	vld.idx.msk [tilespmem:v4+s15+$0x0], $0xffff  }
0x491: {  	v38 =	vld.idx.msk [tilespmem:v5+s14+$0x0], $0xffff  }
0x492: {  	v39 =	vld.idx.msk [tilespmem:v5+s15+$0x0], $0xffff  }
0x493: {  	v40 =	vld.idx.msk [tilespmem:v6+s14+$0x0], $0xffff  }
0x494: {  	v41 =	vld.idx.msk [tilespmem:v6+s15+$0x0], $0xffff  }
0x495: {  	v42 =	vld.idx.msk [tilespmem:v7+s14+$0x0], $0xffff  }
0x496: {  	v43 =	vld.idx.msk [tilespmem:v7+s15+$0x0], $0xffff  }
0x497: {  	v44 =	vld.idx.msk [tilespmem:v8+s14+$0x0], $0xffff  }
0x498: {  	v45 =	vld.idx.msk [tilespmem:v8+s15+$0x0], $0xffff  }
0x499: {  	v46 =	vld.idx.msk [tilespmem:v9+s14+$0x0], $0xffff  }
0x49a: {  	v47 =	vld.idx.msk [tilespmem:v9+s15+$0x0], $0xffff  }
0x49b: {  	v48 =	vld.idx.msk [tilespmem:v10+s14+$0x0], $0xffff  }
0x49c: {  	v49 =	vld.idx.msk [tilespmem:v10+s15+$0x0], $0xffff  }
0x49d: {  	v50 =	vld.idx.msk [tilespmem:v11+s14+$0x0], $0xffff  }
0x49e: {  	v51 =	vld.idx.msk [tilespmem:v11+s15+$0x0], $0xffff  }
0x49f: {  	v52 =	vld.idx.msk [tilespmem:v12+s14+$0x0], $0xffff  }
0x4a0: {  	v53 =	vld.idx.msk [tilespmem:v12+s15+$0x0], $0xffff  }
0x4a1: {  	v54 =	vld.idx.msk [tilespmem:v33+s14+$0x0], $0xffff  }
0x4a2: {  	v33 =	vld.idx.msk [tilespmem:v33+s15+$0x0], $0xffff  }
0x4a3: {  	v55 =	vld.idx.msk [tilespmem:v34+s14+$0x0], $0xffff  }
0x4a4: {  	v34 =	vld.idx.msk [tilespmem:v34+s15+$0x0], $0xffff  }
0x4a5: {  	v56 =	vld.idx.msk [tilespmem:v29+s14+$0x0], $0xffff  }
0x4a6: {  	v57 =	vld.idx.msk [tilespmem:v15+s14+$0x0], $0xffff  }
0x4a7: {  	v58 =	vld.idx.msk [tilespmem:v30+s14+$0x0], $0xffff  }
0x4a8: {  	v3 =	vld.idx.msk [tilespmem:v35+s14+$0x0], $0xffff  }
0x4a9: {  	v59 =	vld.idx.msk [tilespmem:v14+s14+$0x0], $0xffff  }
0x4aa: {  	v60 =	vld.idx.msk [tilespmem:v31+s14+$0x0], $0xffff  }
0x4ab: {  	v61 =	vld.idx.msk [tilespmem:v13+s14+$0x0], $0xffff;
	v0 =	vadd.f32 $0.0e+00, v0  }
0x4ac: {  	v29 =	vld.idx.msk [tilespmem:v29+s15+$0x0], $0xffff;
	v56 =	vadd.f32 $0.0e+00, v56  }
0x4ad: {  	v0 =	vadd.f32 v3, v0;
	v3 =	vld.idx.msk [tilespmem:v28+s14+$0x0], $0xffff  }
0x4ae: {  	v56 =	vadd.f32 v58, v56;
	v35 =	vld.idx.msk [tilespmem:v35+s15+$0x0], $0xffff  }
0x4af: {  	v63 =	vld.idx.msk [tilespmem:v26+s14+$0x0], $0xffff;
	v0 =	vadd.f32 v36, v0  }
0x4b0: {  	v30 =	vld.idx.msk [tilespmem:v30+s15+$0x0], $0xffff;
	v56 =	vadd.f32 v60, v56  }
0x4b1: {  	v2 =	vadd.f32 $0.0e+00, v2;
	v0 =	vadd.f32 v38, v0;
	v38 =	vld.idx.msk [tilespmem:v24+s14+$0x0], $0xffff  }
0x4b2: {  	v58 =	vld.idx.msk [tilespmem:v18+s14+$0x0], $0xffff;
	v3 =	vadd.f32 v3, v56  }
0x4b3: {  	v2 =	vadd.f32 v35, v2;
	v56 =	vld.idx.msk [tilespmem:v31+s15+$0x0], $0xffff;
	v0 =	vadd.f32 v40, v0  }
0x4b4: {  	v29 =	vadd.f32 $0.0e+00, v29;
	v60 =	vld.idx.msk [tilespmem:v28+s15+$0x0], $0xffff;
	v3 =	vadd.f32 v63, v3  }
0x4b5: {  	v2 =	vadd.f32 v37, v2;
	v63 =	vld.idx.msk [tilespmem:v19+s14+$0x0], $0xffff;
	v0 =	vadd.f32 v42, v0  }
0x4b6: {  	v29 =	vadd.f32 v30, v29;
	v36 =	vld.idx.msk [tilespmem:v26+s15+$0x0], $0xffff;
	v3 =	vadd.f32 v38, v3  }
0x4b7: {  	v37 =	vld.idx.msk [tilespmem:v16+s14+$0x0], $0xffff;
	v2 =	vadd.f32 v39, v2;
	v0 =	vadd.f32 v44, v0  }
0x4b8: {  	v39 =	vld.idx.msk [tilespmem:v20+s14+$0x0], $0xffff;
	v29 =	vadd.f32 v56, v29;
	v3 =	vadd.f32 v58, v3  }
0x4b9: {  	v38 =	vld.idx.msk [tilespmem:v24+s15+$0x0], $0xffff;
	v0 =	vadd.f32 v46, v0  }
0x4ba: {  	v40 =	vld.idx.msk [tilespmem:v18+s15+$0x0], $0xffff;
	v28 =	vadd.f32 v60, v29;
	v3 =	vadd.f32 v63, v3  }
0x4bb: {  	v2 =	vadd.f32 v41, v2;
	v41 =	vld.idx.msk [tilespmem:v25+s14+$0x0], $0xffff;
	v0 =	vadd.f32 v48, v0  }
0x4bc: {  	v42 =	vld.idx.msk [tilespmem:v19+s15+$0x0], $0xffff;
	v26 =	vadd.f32 v36, v28;
	v3 =	vadd.f32 v37, v3  }
0x4bd: {  	v2 =	vadd.f32 v43, v2;
	v43 =	vld.idx.msk [tilespmem:v27+s14+$0x0], $0xffff;
	v0 =	vadd.f32 v50, v0  }
0x4be: {  	v44 =	vld.idx.msk [tilespmem:v16+s15+$0x0], $0xffff;
	v24 =	vadd.f32 v38, v26;
	v3 =	vadd.f32 v39, v3  }
0x4bf: {  	v2 =	vadd.f32 v45, v2;
	v46 =	vld.idx.msk [tilespmem:v17+s14+$0x0], $0xffff;
	v0 =	vadd.f32 v52, v0  }
0x4c0: {  	v48 =	vld.idx.msk [tilespmem:v20+s15+$0x0], $0xffff;
	v18 =	vadd.f32 v40, v24;
	v3 =	vadd.f32 v41, v3  }
0x4c1: {  	v2 =	vadd.f32 v47, v2;
	v50 =	vld.idx.msk [tilespmem:v21+s14+$0x0], $0xffff;
	v0 =	vadd.f32 v54, v0  }
0x4c2: {  	v52 =	vld.idx.msk [tilespmem:v25+s15+$0x0], $0xffff;
	v18 =	vadd.f32 v42, v18;
	v3 =	vadd.f32 v43, v3  }
0x4c3: {  	v2 =	vadd.f32 v49, v2;
	v54 =	vld.idx.msk [tilespmem:v22+s14+$0x0], $0xffff;
	v0 =	vadd.f32 v55, v0  }
0x4c4: {  	v56 =	vld.idx.msk [tilespmem:v23+s14+$0x0], $0xffff;
	v16 =	vadd.f32 v44, v18;
	v3 =	vadd.f32 v46, v3  }
0x4c5: {  	v2 =	vadd.f32 v51, v2;
	v55 =	vld.idx.msk [tilespmem:v27+s15+$0x0], $0xffff;
	v0 =	vadd.f32 v57, v0  }
0x4c6: {  	v15 =	vld.idx.msk [tilespmem:v15+s15+$0x0], $0xffff;
	v16 =	vadd.f32 v48, v16;
	v3 =	vadd.f32 v50, v3  }
0x4c7: {  	v2 =	vadd.f32 v53, v2;
	v57 =	vld.idx.msk [tilespmem:v17+s15+$0x0], $0xffff;
	v0 =	vadd.f32 v59, v0  }
0x4c8: {  	v58 =	vld [tilespmem:$0x1E480];
	v16 =	vadd.f32 v52, v16;
	v3 =	vadd.f32 v54, v3  }
0x4c9: {  	v2 =	vadd.f32 v33, v2;
	v59 =	vld.idx.msk [tilespmem:v21+s15+$0x0], $0xffff;
	v0 =	vadd.f32 v61, v0  }
0x4ca: {  	v14 =	vld.idx.msk [tilespmem:v14+s15+$0x0], $0xffff;
	v60 =	vor.u32 $0x3000, v32;
	v16 =	vadd.f32 v55, v16;
	v3 =	vadd.f32 v56, v3  }
0x4cb: {  	v63 =	vor.u32 $0x3800, v32;
	v2 =	vadd.f32 v34, v2;
	v61 =	vld.idx.msk [tilespmem:v22+s15+$0x0], $0xffff;
	v0 =	vmul.f32 $4.999999890e-03, v0  }
0x4cc: {  	v13 =	vld.idx.msk [tilespmem:v13+s15+$0x0], $0xffff;
	v16 =	vadd.f32 v57, v16;
	v3 =	vmul.f32 $4.999999890e-03, v3  }
0x4cd: {  	v2 =	vadd.f32 v15, v2;
	v15 =	vld.idx.msk [tilespmem:v23+s15+$0x0], $0xffff;
	v0 =	vadd.f32 v58, v0  }
0x4ce: {  	v16 =	vadd.f32 v59, v16;
	v3 =	vadd.f32 v3, v58  }
0x4cf: {  	v2 =	vadd.f32 v14, v2;
	[tilespmem:v60+s16+$0x0] =	vst.idx.msk $0xffff, v0  }
0x4d0: {  	v14 =	vadd.f32 v61, v16;
	v0 =	vld [tilespmem:$0x1E490];
	[tilespmem:v63+s16+$0x0] =	vst.idx.msk $0xffff, v3  }
0x4d1: {  	v2 =	vadd.f32 v13, v2;
	v3 =	vld [tilespmem:$0x1E490]  }
0x4d2: {  	v13 =	vor.u32 $0x3001, v32;
	v14 =	vadd.f32 v15, v14  }
0x4d3: {  	v2 =	vmul.f32 $4.999999890e-03, v2;
	v15 =	vor.u32 $0x3801, v32  }
0x4d4: {  	v14 =	vmul.f32 $4.999999890e-03, v14  }
0x4d5: {  	v0 =	vadd.f32 v0, v2  }
0x4d6: {  	s17 =	sadd.s32 $0x1, s17;
	v2 =	vadd.f32 v3, v14  }
0x4d7: {  	p0 =	sne.s32 s17, s10;
	[tilespmem:v13+s16+$0x0] =	vst.idx.msk $0xffff, v0  }
.Ltmp4:
0x4d8: {  	[tilespmem:v15+s16+$0x0] =	vst.idx.msk $0xffff, v2;
	(pc) =	sbr.rel @p0 .LBB2_1-.Ltmp4, $4  }
0x4d9: {  	[hbm4b:s9+s2] =	stream.linear.scatter [tilespmem:s16], [sflag:$0x1], $0x4000, $0x38;
	[tilespmem:$0x1E500] =	vst v63  }
0x4da: {  	_ =	swait.ge [sflag:s12], $0x4000  }
0x4db: {  	[sflag:s12] =	ssyncset.done $0x0  }
0x4dc: {  	[sflag:s12] =	ssyncadd.s32 $0xFFFFC000  }
0x4dd: {  	_ =	sfence.sel $0x180000  }
0x4de: {  	[bflag:$0x0] =	sbarrier.arrive $0xFFFF  }
0x4df: {  	p0 =	sne.s32 s0, $0x0;
	_ =	strace $0x9000004A  }
0x4e0: {  	s0 =	sadd.s32 @!p0 $0x100000, s1;
	[bflag:$0x2] =	sbarrier.arrive $0xFFFF  }
0x4e1: {  	[sflag:s0] =	ssyncadd.tile.s32 @!p0 $0x1;
	_ =	shalt  }
.Lfunc_end2:
_tile_overlayer_lowered:
.L_overlay_start_2:
0x4e2: {  	(tag) =	ssettag $0x2  }
0x4e3: {  	s0 =	rddreg [dreg:$0x0];
	s2 =	stileid.u32  }
0x4e4: {  	s1 =	rddreg [dreg:$0x1];
	p0 =	sne.s32 s2, $0x0  }
0x4e5: {  	s3 =	rddreg [dreg:$0x2];
	[bflag:$0x3] =	sbarrier.arrive $0xFFFF;
	s2 =	simm.s32 @!p0 $0x1C01  }
0x4e6: {  	[timem:s3], [sflag:s2] =	dma.local @!p0 [hbm:s0], s1  }
0x4e7: {  	s0 =	simm.s32 @!p0 $0x1  }
0x4e8: {  	_ =	swait.ge @!p0 [sflag:s0], s1  }
0x4e9: {  	s1 =	ssub.s32 @!p0 $0x0, s1;
	[sflag:s0] =	ssyncset.done @!p0 $0x0  }
0x4ea: {  	[sflag:s0] =	ssyncadd.s32 @!p0 s1  }
0x4eb: {  	[bflag:$0x3] =	sbarrier.arrive $0xFFFF  }
0x4ec: {  	_ =	shalt  }

</sc_bundles>
